<compile_context>
chip_gen: v7x
topology: tpu7x:2x2x1
jax: 0.10.2.dev20260603
libtpu: 0.0.44.dev20260713+nightly
codegen_flags: <defaults>
</compile_context>

<pallas_src>
import functools

import jax
import jax.numpy as jnp
from jax import lax
from jax.experimental import pallas as pl
from jax.experimental.pallas import tpu as pltpu
from jax.experimental.pallas import tpu_sc as plsc

NC = 2
NS = 16
L = 16
NW = NC * NS

B = 16384
D = 16
BPW = B // NW
NGRP = BPW // L
RING = 8


def _rot(x, k, lanes):
    return jnp.take_along_axis(x, (lanes + k) & (L - 1), axis=0)


def _butterfly_sum(vecs, lanes):
    s = 0
    while len(vecs) > 1:
        mask = ((lanes >> s) & 1) == 0
        nxt = []
        for p in range(0, len(vecs), 2):
            a, b = vecs[p], vecs[p + 1]
            c = (jnp.where(mask, a, _rot(b, -(1 << s), lanes))
                 + jnp.where(mask, _rot(a, 1 << s, lanes), b))
            nxt.append(c)
        vecs = nxt
        s += 1
    return vecs[0]


def _sc_dot(user_idx, item_idx, ut_t, it_t):
    mesh = plsc.VectorSubcoreMesh(core_axis_name="c", subcore_axis_name="s")

    @functools.partial(
        pl.kernel,
        out_type=jax.ShapeDtypeStruct((NW, BPW), jnp.float32),
        mesh=mesh,
        scratch_types=[
            pltpu.VMEM((BPW,), jnp.int32),
            pltpu.VMEM((BPW,), jnp.int32),
            pltpu.VMEM((RING, D, 128), jnp.float32),
            pltpu.VMEM((RING, D, 128), jnp.float32),
            pltpu.VMEM((BPW,), jnp.float32),
            pltpu.SemaphoreType.DMA((RING,)),
        ],
        compiler_params=pltpu.CompilerParams(needs_layout_passes=False),
    )
    def k(uidx_hbm, iidx_hbm, ut_hbm, it_hbm, out_hbm,
          uidx_v, iidx_v, ubuf, vbuf, out_v, sem):
        wid = lax.axis_index("s") * NC + lax.axis_index("c")
        pltpu.sync_copy(uidx_hbm.at[wid], uidx_v)
        pltpu.sync_copy(iidx_hbm.at[wid], iidx_v)

        def enqueue(r_u, r_i, slot):
            cu = pl.multiple_of((r_u >> 7) * 128, 128)
            ci = pl.multiple_of((r_i >> 7) * 128, 128)
            pltpu.async_copy(ut_hbm.at[:, pl.ds(cu, 128)], ubuf.at[slot],
                             sem.at[slot])
            pltpu.async_copy(it_hbm.at[:, pl.ds(ci, 128)], vbuf.at[slot],
                             sem.at[slot])

        lanes = lax.iota(jnp.int32, L)
        uc0 = uidx_v[pl.ds(0, L)]
        ic0 = iidx_v[pl.ds(0, L)]
        for j in range(RING):
            enqueue(uc0[j], ic0[j], j)

        def group(g, carry):
            base = g * L
            ucur = uidx_v[pl.ds(base, L)]
            icur = iidx_v[pl.ds(base, L)]
            nbase = jnp.minimum(base + L, BPW - L)
            unxt = uidx_v[pl.ds(nbase, L)]
            inxt = iidx_v[pl.ds(nbase, L)]
            ws = []
            for j in range(L):
                slot = j % RING
                pltpu.make_async_copy(
                    ut_hbm.at[:, pl.ds(0, 128)], ubuf.at[slot],
                    sem.at[slot]).wait()
                pltpu.make_async_copy(
                    it_hbm.at[:, pl.ds(0, 128)], vbuf.at[slot],
                    sem.at[slot]).wait()
                cu = ucur[j] & 127
                ci = icur[j] & 127
                u = plsc.load_gather(
                    ubuf.at[slot], [lanes, jnp.full((L,), cu, jnp.int32)])
                v = plsc.load_gather(
                    vbuf.at[slot], [lanes, jnp.full((L,), ci, jnp.int32)])
                ws.append(u * v)

                @pl.when(base + j + RING < BPW)
                def _():
                    if j + RING < L:
                        enqueue(ucur[j + RING], icur[j + RING], slot)
                    else:
                        enqueue(unxt[j + RING - L], inxt[j + RING - L], slot)

            out_v[pl.ds(base, L)] = _butterfly_sum(ws, lanes)
            return carry

        lax.fori_loop(0, NGRP, group, 0)
        pltpu.sync_copy(out_v, out_hbm.at[wid])

    return k(user_idx, item_idx, ut_t, it_t)


def kernel(user, item, user_table, item_table):
    u2 = user.reshape(NW, BPW)
    i2 = item.reshape(NW, BPW)
    out = _sc_dot(u2, i2, user_table.T, item_table.T)
    return out.reshape(B)

# --- scband reference (transcript-rebuilt; emitter-appended) ---
"""Pipeline reference for scband-matrix-factorization-62715112456828 (READ-ONLY COPY).

The authoritative reference and input builder live on the scoring server;
editing this copy changes nothing except your own understanding.
"""

import jax, jax.numpy as jnp
import numpy as np

NUM_USERS = 1000000
NUM_ITEMS = 1000000
EMBED_DIM = 16
BATCH = 16384


def setup_inputs(seed: int = 0) -> dict:
    key = jax.random.key(seed)
    k_user, k_item, k_ut, k_it = jax.random.split(key, 4)
    user = jax.random.randint(k_user, (BATCH,), 0, NUM_USERS, dtype=jnp.int64 if jax.config.jax_enable_x64 else jnp.int32).astype(jnp.int32)
    item = jax.random.randint(k_item, (BATCH,), 0, NUM_ITEMS, dtype=jnp.int64 if jax.config.jax_enable_x64 else jnp.int32).astype(jnp.int32)
    user_table = jax.random.normal(k_ut, (NUM_USERS, EMBED_DIM), dtype=jnp.float32)
    item_table = jax.random.normal(k_it, (NUM_ITEMS, EMBED_DIM), dtype=jnp.float32)
    return {"user": user, "item": item, "user_table": user_table, "item_table": item_table}


def reference(user, item, user_table, item_table):
    user_emb = jnp.take(user_table, user, axis=0)
    item_emb = jnp.take(item_table, item, axis=0)
    return (user_emb * item_emb).sum(axis=1)

if __name__ == "__main__":
    import jax
    _d = setup_inputs()
    print(jax.jit(kernel)(*tuple(_d.values())))

</pallas_src>

<mosaic_0001>
#map = affine_map<(d0, d1) -> (0, 0)>
module attributes {stable_mosaic.version = 14 : i64} {
  func.func @k(%arg0: i32, %arg1: i32, %arg2: memref<32x512xi32, #tpu.memory_space<hbm>>, %arg3: memref<32x512xi32, #tpu.memory_space<hbm>>, %arg4: memref<16x1000000xf32, #tpu.memory_space<hbm>>, %arg5: memref<16x1000000xf32, #tpu.memory_space<hbm>>, %arg6: memref<32x512xf32, #tpu.memory_space<hbm>>, %arg7: memref<512xi32, #tpu.memory_space<vmem>>, %arg8: memref<512xi32, #tpu.memory_space<vmem>>, %arg9: memref<8x16x128xf32, #tpu.memory_space<vmem>>, %arg10: memref<8x16x128xf32, #tpu.memory_space<vmem>>, %arg11: memref<512xf32, #tpu.memory_space<vmem>>, %arg12: memref<8x!tpu.dma_semaphore, #tpu.memory_space<semaphore_mem>>) attributes {dimension_semantics = [#tpu.dimension_semantics<core_parallel>, #tpu.dimension_semantics<subcore_parallel>], iteration_bounds = array<i64: 2, 16>, scalar_prefetch = 0 : i64, scratch_operands = 6 : i64, tpu.core_type = #tpu.core_type<sc_vector_subcore>, window_params = [{transform_indices = #map}, {transform_indices = #map}, {transform_indices = #map}, {transform_indices = #map}, {transform_indices = #map}]} {
    %mul3A = arith.constant 2 : i32
    %mul3A_0 = arith.muli %arg1, %mul3A : i32
    %add3A = arith.addi %mul3A_0, %arg0 : i32
    "tpu.region"() ({
      %run_scoped3A = tpu.sem_alloc : memref<!tpu.dma_semaphore, #tpu.memory_space<semaphore_mem>>
      %dma_start3A_372 = arith.constant 0 : i32
      %dma_start3A_373 = tpu.memref_slice %arg2[%add3A, %dma_start3A_372] : memref<32x512xi32, #tpu.memory_space<hbm>> -> memref<1x512xi32, #tpu.memory_space<hbm>>
      %dma_start3A_374 = tpu.memref_squeeze %dma_start3A_373 : memref<1x512xi32, #tpu.memory_space<hbm>> -> memref<512xi32, #tpu.memory_space<hbm>>
      %dma_start3A_375 = arith.constant 0 : i32
      %dma_start3A_376 = tpu.memref_slice %arg2[%add3A, %dma_start3A_375] : memref<32x512xi32, #tpu.memory_space<hbm>> -> memref<1x512xi32, #tpu.memory_space<hbm>>
      %dma_start3A_377 = tpu.memref_squeeze %dma_start3A_376 : memref<1x512xi32, #tpu.memory_space<hbm>> -> memref<512xi32, #tpu.memory_space<hbm>>
      tpu.enqueue_dma source(%dma_start3A_377 : memref<512xi32, #tpu.memory_space<hbm>>) target(%arg7 : memref<512xi32, #tpu.memory_space<vmem>>) target_semaphore(%run_scoped3A : memref<!tpu.dma_semaphore, #tpu.memory_space<semaphore_mem>>)
      %dma_wait3A = arith.constant 0 : i32
      %dma_wait3A_378 = tpu.memref_slice %arg2[%add3A, %dma_wait3A] : memref<32x512xi32, #tpu.memory_space<hbm>> -> memref<1x512xi32, #tpu.memory_space<hbm>>
      %dma_wait3A_379 = tpu.memref_squeeze %dma_wait3A_378 : memref<1x512xi32, #tpu.memory_space<hbm>> -> memref<512xi32, #tpu.memory_space<hbm>>
      %dma_wait3A_380 = arith.constant 0 : i32
      %dma_wait3A_381 = tpu.memref_slice %arg2[%add3A, %dma_wait3A_380] : memref<32x512xi32, #tpu.memory_space<hbm>> -> memref<1x512xi32, #tpu.memory_space<hbm>>
      %dma_wait3A_382 = tpu.memref_squeeze %dma_wait3A_381 : memref<1x512xi32, #tpu.memory_space<hbm>> -> memref<512xi32, #tpu.memory_space<hbm>>
      tpu.wait_dma2 semaphore(%run_scoped3A : memref<!tpu.dma_semaphore, #tpu.memory_space<semaphore_mem>>) src(%dma_wait3A_382 : memref<512xi32, #tpu.memory_space<hbm>>) dst(%arg7 : memref<512xi32, #tpu.memory_space<vmem>>)
      tpu.yield
    }) : () -> ()
    "tpu.region"() ({
      %run_scoped3A = tpu.sem_alloc : memref<!tpu.dma_semaphore, #tpu.memory_space<semaphore_mem>>
      %dma_start3A_372 = arith.constant 0 : i32
      %dma_start3A_373 = tpu.memref_slice %arg3[%add3A, %dma_start3A_372] : memref<32x512xi32, #tpu.memory_space<hbm>> -> memref<1x512xi32, #tpu.memory_space<hbm>>
      %dma_start3A_374 = tpu.memref_squeeze %dma_start3A_373 : memref<1x512xi32, #tpu.memory_space<hbm>> -> memref<512xi32, #tpu.memory_space<hbm>>
      %dma_start3A_375 = arith.constant 0 : i32
      %dma_start3A_376 = tpu.memref_slice %arg3[%add3A, %dma_start3A_375] : memref<32x512xi32, #tpu.memory_space<hbm>> -> memref<1x512xi32, #tpu.memory_space<hbm>>
      %dma_start3A_377 = tpu.memref_squeeze %dma_start3A_376 : memref<1x512xi32, #tpu.memory_space<hbm>> -> memref<512xi32, #tpu.memory_space<hbm>>
      tpu.enqueue_dma source(%dma_start3A_377 : memref<512xi32, #tpu.memory_space<hbm>>) target(%arg8 : memref<512xi32, #tpu.memory_space<vmem>>) target_semaphore(%run_scoped3A : memref<!tpu.dma_semaphore, #tpu.memory_space<semaphore_mem>>)
      %dma_wait3A = arith.constant 0 : i32
      %dma_wait3A_378 = tpu.memref_slice %arg3[%add3A, %dma_wait3A] : memref<32x512xi32, #tpu.memory_space<hbm>> -> memref<1x512xi32, #tpu.memory_space<hbm>>
      %dma_wait3A_379 = tpu.memref_squeeze %dma_wait3A_378 : memref<1x512xi32, #tpu.memory_space<hbm>> -> memref<512xi32, #tpu.memory_space<hbm>>
      %dma_wait3A_380 = arith.constant 0 : i32
      %dma_wait3A_381 = tpu.memref_slice %arg3[%add3A, %dma_wait3A_380] : memref<32x512xi32, #tpu.memory_space<hbm>> -> memref<1x512xi32, #tpu.memory_space<hbm>>
      %dma_wait3A_382 = tpu.memref_squeeze %dma_wait3A_381 : memref<1x512xi32, #tpu.memory_space<hbm>> -> memref<512xi32, #tpu.memory_space<hbm>>
      tpu.wait_dma2 semaphore(%run_scoped3A : memref<!tpu.dma_semaphore, #tpu.memory_space<semaphore_mem>>) src(%dma_wait3A_382 : memref<512xi32, #tpu.memory_space<hbm>>) dst(%arg8 : memref<512xi32, #tpu.memory_space<vmem>>)
      tpu.yield
    }) : () -> ()
    %iota3A = tpu.iota {dimensions = array<i32: 0>} : vector<16xi32>
    %get3A = arith.constant 0 : index
    %get3A_1 = tpu.vector_load %arg7[%get3A] {strides = array<i32>} : memref<512xi32, #tpu.memory_space<vmem>>, vector<16xi32>,
    %get3A_2 = arith.constant 0 : index
    %get3A_3 = tpu.vector_load %arg8[%get3A_2] {strides = array<i32>} : memref<512xi32, #tpu.memory_space<vmem>>, vector<16xi32>,
    %slice3A = vector.extract_strided_slice %get3A_1 {offsets = [0], sizes = [1], strides = [1]} : vector<16xi32> to vector<1xi32>
    %squeeze3A = vector.extract %slice3A[0] : i32 from vector<1xi32>
    %slice3A_4 = vector.extract_strided_slice %get3A_3 {offsets = [0], sizes = [1], strides = [1]} : vector<16xi32> to vector<1xi32>
    %squeeze3A_5 = vector.extract %slice3A_4[0] : i32 from vector<1xi32>
    %shift_right_arithmetic3A = arith.constant 7 : i32
    %shift_right_arithmetic3A_6 = arith.shrsi %squeeze3A, %shift_right_arithmetic3A : i32
    %mul3A_7 = arith.constant 128 : i32
    %mul3A_8 = arith.muli %shift_right_arithmetic3A_6, %mul3A_7 : i32
    %multiple_of3A = tpu.assume_multiple %mul3A_8, 128 : i32
    %shift_right_arithmetic3A_9 = arith.constant 7 : i32
    %shift_right_arithmetic3A_10 = arith.shrsi %squeeze3A_5, %shift_right_arithmetic3A_9 : i32
    %mul3A_11 = arith.constant 128 : i32
    %mul3A_12 = arith.muli %shift_right_arithmetic3A_10, %mul3A_11 : i32
    %multiple_of3A_13 = tpu.assume_multiple %mul3A_12, 128 : i32
    %dma_start3A = arith.constant 0 : i32
    %dma_start3A_14 = arith.constant 0 : i32
    %dma_start3A_15 = arith.constant 0 : i32
    %dma_start3A_16 = arith.constant 0 : i32
    %dma_start3A_17 = tpu.memref_slice %arg9[%dma_start3A, %dma_start3A_15, %dma_start3A_16] : memref<8x16x128xf32, #tpu.memory_space<vmem>> -> memref<1x16x128xf32, #tpu.memory_space<vmem>>
    %dma_start3A_18 = tpu.memref_squeeze %dma_start3A_17 : memref<1x16x128xf32, #tpu.memory_space<vmem>> -> memref<16x128xf32, #tpu.memory_space<vmem>>
    %dma_start3A_19 = arith.constant 0 : i32
    %dma_start3A_20 = tpu.memref_slice %arg4[%dma_start3A_19, %multiple_of3A] : memref<16x1000000xf32, #tpu.memory_space<hbm>> -> memref<16x128xf32, #tpu.memory_space<hbm>>
    %dma_start3A_21 = tpu.memref_slice %arg12[%dma_start3A_14] : memref<8x!tpu.dma_semaphore, #tpu.memory_space<semaphore_mem>> -> memref<1x!tpu.dma_semaphore, #tpu.memory_space<semaphore_mem>>
    %dma_start3A_22 = tpu.memref_squeeze %dma_start3A_21 : memref<1x!tpu.dma_semaphore, #tpu.memory_space<semaphore_mem>> -> memref<!tpu.dma_semaphore, #tpu.memory_space<semaphore_mem>>
    %dma_start3A_23 = arith.constant 0 : i32
    %dma_start3A_24 = arith.constant 0 : i32
    %dma_start3A_25 = tpu.memref_slice %arg9[%dma_start3A, %dma_start3A_23, %dma_start3A_24] : memref<8x16x128xf32, #tpu.memory_space<vmem>> -> memref<1x16x128xf32, #tpu.memory_space<vmem>>
    %dma_start3A_26 = tpu.memref_squeeze %dma_start3A_25 : memref<1x16x128xf32, #tpu.memory_space<vmem>> -> memref<16x128xf32, #tpu.memory_space<vmem>>
    %dma_start3A_27 = arith.constant 0 : i32
    %dma_start3A_28 = tpu.memref_slice %arg4[%dma_start3A_27, %multiple_of3A] : memref<16x1000000xf32, #tpu.memory_space<hbm>> -> memref<16x128xf32, #tpu.memory_space<hbm>>
    tpu.enqueue_dma source(%dma_start3A_28 : memref<16x128xf32, #tpu.memory_space<hbm>>) target(%dma_start3A_26 : memref<16x128xf32, #tpu.memory_space<vmem>>) target_semaphore(%dma_start3A_22 : memref<!tpu.dma_semaphore, #tpu.memory_space<semaphore_mem>>)
    %dma_start3A_29 = arith.constant 0 : i32
    %dma_start3A_30 = arith.constant 0 : i32
    %dma_start3A_31 = arith.constant 0 : i32
    %dma_start3A_32 = arith.constant 0 : i32
    %dma_start3A_33 = tpu.memref_slice %arg10[%dma_start3A_29, %dma_start3A_31, %dma_start3A_32] : memref<8x16x128xf32, #tpu.memory_space<vmem>> -> memref<1x16x128xf32, #tpu.memory_space<vmem>>
    %dma_start3A_34 = tpu.memref_squeeze %dma_start3A_33 : memref<1x16x128xf32, #tpu.memory_space<vmem>> -> memref<16x128xf32, #tpu.memory_space<vmem>>
    %dma_start3A_35 = arith.constant 0 : i32
    %dma_start3A_36 = tpu.memref_slice %arg5[%dma_start3A_35, %multiple_of3A_13] : memref<16x1000000xf32, #tpu.memory_space<hbm>> -> memref<16x128xf32, #tpu.memory_space<hbm>>
    %dma_start3A_37 = tpu.memref_slice %arg12[%dma_start3A_30] : memref<8x!tpu.dma_semaphore, #tpu.memory_space<semaphore_mem>> -> memref<1x!tpu.dma_semaphore, #tpu.memory_space<semaphore_mem>>
    %dma_start3A_38 = tpu.memref_squeeze %dma_start3A_37 : memref<1x!tpu.dma_semaphore, #tpu.memory_space<semaphore_mem>> -> memref<!tpu.dma_semaphore, #tpu.memory_space<semaphore_mem>>
    %dma_start3A_39 = arith.constant 0 : i32
    %dma_start3A_40 = arith.constant 0 : i32
    %dma_start3A_41 = tpu.memref_slice %arg10[%dma_start3A_29, %dma_start3A_39, %dma_start3A_40] : memref<8x16x128xf32, #tpu.memory_space<vmem>> -> memref<1x16x128xf32, #tpu.memory_space<vmem>>
    %dma_start3A_42 = tpu.memref_squeeze %dma_start3A_41 : memref<1x16x128xf32, #tpu.memory_space<vmem>> -> memref<16x128xf32, #tpu.memory_space<vmem>>
    %dma_start3A_43 = arith.constant 0 : i32
    %dma_start3A_44 = tpu.memref_slice %arg5[%dma_start3A_43, %multiple_of3A_13] : memref<16x1000000xf32, #tpu.memory_space<hbm>> -> memref<16x128xf32, #tpu.memory_space<hbm>>
    tpu.enqueue_dma source(%dma_start3A_44 : memref<16x128xf32, #tpu.memory_space<hbm>>) target(%dma_start3A_42 : memref<16x128xf32, #tpu.memory_space<vmem>>) target_semaphore(%dma_start3A_38 : memref<!tpu.dma_semaphore, #tpu.memory_space<semaphore_mem>>)
    %slice3A_45 = vector.extract_strided_slice %get3A_1 {offsets = [1], sizes = [1], strides = [1]} : vector<16xi32> to vector<1xi32>
    %squeeze3A_46 = vector.extract %slice3A_45[0] : i32 from vector<1xi32>
    %slice3A_47 = vector.extract_strided_slice %get3A_3 {offsets = [1], sizes = [1], strides = [1]} : vector<16xi32> to vector<1xi32>
    %squeeze3A_48 = vector.extract %slice3A_47[0] : i32 from vector<1xi32>
    %shift_right_arithmetic3A_49 = arith.constant 7 : i32
    %shift_right_arithmetic3A_50 = arith.shrsi %squeeze3A_46, %shift_right_arithmetic3A_49 : i32
    %mul3A_51 = arith.constant 128 : i32
    %mul3A_52 = arith.muli %shift_right_arithmetic3A_50, %mul3A_51 : i32
    %multiple_of3A_53 = tpu.assume_multiple %mul3A_52, 128 : i32
    %shift_right_arithmetic3A_54 = arith.constant 7 : i32
    %shift_right_arithmetic3A_55 = arith.shrsi %squeeze3A_48, %shift_right_arithmetic3A_54 : i32
    %mul3A_56 = arith.constant 128 : i32
    %mul3A_57 = arith.muli %shift_right_arithmetic3A_55, %mul3A_56 : i32
    %multiple_of3A_58 = tpu.assume_multiple %mul3A_57, 128 : i32
    %dma_start3A_59 = arith.constant 1 : i32
    %dma_start3A_60 = arith.constant 1 : i32
    %dma_start3A_61 = arith.constant 0 : i32
    %dma_start3A_62 = arith.constant 0 : i32
    %dma_start3A_63 = tpu.memref_slice %arg9[%dma_start3A_59, %dma_start3A_61, %dma_start3A_62] : memref<8x16x128xf32, #tpu.memory_space<vmem>> -> memref<1x16x128xf32, #tpu.memory_space<vmem>>
    %dma_start3A_64 = tpu.memref_squeeze %dma_start3A_63 : memref<1x16x128xf32, #tpu.memory_space<vmem>> -> memref<16x128xf32, #tpu.memory_space<vmem>>
    %dma_start3A_65 = arith.constant 0 : i32
    %dma_start3A_66 = tpu.memref_slice %arg4[%dma_start3A_65, %multiple_of3A_53] : memref<16x1000000xf32, #tpu.memory_space<hbm>> -> memref<16x128xf32, #tpu.memory_space<hbm>>
    %dma_start3A_67 = tpu.memref_slice %arg12[%dma_start3A_60] : memref<8x!tpu.dma_semaphore, #tpu.memory_space<semaphore_mem>> -> memref<1x!tpu.dma_semaphore, #tpu.memory_space<semaphore_mem>>
    %dma_start3A_68 = tpu.memref_squeeze %dma_start3A_67 : memref<1x!tpu.dma_semaphore, #tpu.memory_space<semaphore_mem>> -> memref<!tpu.dma_semaphore, #tpu.memory_space<semaphore_mem>>
    %dma_start3A_69 = arith.constant 0 : i32
    %dma_start3A_70 = arith.constant 0 : i32
    %dma_start3A_71 = tpu.memref_slice %arg9[%dma_start3A_59, %dma_start3A_69, %dma_start3A_70] : memref<8x16x128xf32, #tpu.memory_space<vmem>> -> memref<1x16x128xf32, #tpu.memory_space<vmem>>
    %dma_start3A_72 = tpu.memref_squeeze %dma_start3A_71 : memref<1x16x128xf32, #tpu.memory_space<vmem>> -> memref<16x128xf32, #tpu.memory_space<vmem>>
    %dma_start3A_73 = arith.constant 0 : i32
    %dma_start3A_74 = tpu.memref_slice %arg4[%dma_start3A_73, %multiple_of3A_53] : memref<16x1000000xf32, #tpu.memory_space<hbm>> -> memref<16x128xf32, #tpu.memory_space<hbm>>
    tpu.enqueue_dma source(%dma_start3A_74 : memref<16x128xf32, #tpu.memory_space<hbm>>) target(%dma_start3A_72 : memref<16x128xf32, #tpu.memory_space<vmem>>) target_semaphore(%dma_start3A_68 : memref<!tpu.dma_semaphore, #tpu.memory_space<semaphore_mem>>)
    %dma_start3A_75 = arith.constant 1 : i32
    %dma_start3A_76 = arith.constant 1 : i32
    %dma_start3A_77 = arith.constant 0 : i32
    %dma_start3A_78 = arith.constant 0 : i32
    %dma_start3A_79 = tpu.memref_slice %arg10[%dma_start3A_75, %dma_start3A_77, %dma_start3A_78] : memref<8x16x128xf32, #tpu.memory_space<vmem>> -> memref<1x16x128xf32, #tpu.memory_space<vmem>>
    %dma_start3A_80 = tpu.memref_squeeze %dma_start3A_79 : memref<1x16x128xf32, #tpu.memory_space<vmem>> -> memref<16x128xf32, #tpu.memory_space<vmem>>
    %dma_start3A_81 = arith.constant 0 : i32
    %dma_start3A_82 = tpu.memref_slice %arg5[%dma_start3A_81, %multiple_of3A_58] : memref<16x1000000xf32, #tpu.memory_space<hbm>> -> memref<16x128xf32, #tpu.memory_space<hbm>>
    %dma_start3A_83 = tpu.memref_slice %arg12[%dma_start3A_76] : memref<8x!tpu.dma_semaphore, #tpu.memory_space<semaphore_mem>> -> memref<1x!tpu.dma_semaphore, #tpu.memory_space<semaphore_mem>>
    %dma_start3A_84 = tpu.memref_squeeze %dma_start3A_83 : memref<1x!tpu.dma_semaphore, #tpu.memory_space<semaphore_mem>> -> memref<!tpu.dma_semaphore, #tpu.memory_space<semaphore_mem>>
    %dma_start3A_85 = arith.constant 0 : i32
    %dma_start3A_86 = arith.constant 0 : i32
    %dma_start3A_87 = tpu.memref_slice %arg10[%dma_start3A_75, %dma_start3A_85, %dma_start3A_86] : memref<8x16x128xf32, #tpu.memory_space<vmem>> -> memref<1x16x128xf32, #tpu.memory_space<vmem>>
    %dma_start3A_88 = tpu.memref_squeeze %dma_start3A_87 : memref<1x16x128xf32, #tpu.memory_space<vmem>> -> memref<16x128xf32, #tpu.memory_space<vmem>>
    %dma_start3A_89 = arith.constant 0 : i32
    %dma_start3A_90 = tpu.memref_slice %arg5[%dma_start3A_89, %multiple_of3A_58] : memref<16x1000000xf32, #tpu.memory_space<hbm>> -> memref<16x128xf32, #tpu.memory_space<hbm>>
    tpu.enqueue_dma source(%dma_start3A_90 : memref<16x128xf32, #tpu.memory_space<hbm>>) target(%dma_start3A_88 : memref<16x128xf32, #tpu.memory_space<vmem>>) target_semaphore(%dma_start3A_84 : memref<!tpu.dma_semaphore, #tpu.memory_space<semaphore_mem>>)
    %slice3A_91 = vector.extract_strided_slice %get3A_1 {offsets = [2], sizes = [1], strides = [1]} : vector<16xi32> to vector<1xi32>
    %squeeze3A_92 = vector.extract %slice3A_91[0] : i32 from vector<1xi32>
    %slice3A_93 = vector.extract_strided_slice %get3A_3 {offsets = [2], sizes = [1], strides = [1]} : vector<16xi32> to vector<1xi32>
    %squeeze3A_94 = vector.extract %slice3A_93[0] : i32 from vector<1xi32>
    %shift_right_arithmetic3A_95 = arith.constant 7 : i32
    %shift_right_arithmetic3A_96 = arith.shrsi %squeeze3A_92, %shift_right_arithmetic3A_95 : i32
    %mul3A_97 = arith.constant 128 : i32
    %mul3A_98 = arith.muli %shift_right_arithmetic3A_96, %mul3A_97 : i32
    %multiple_of3A_99 = tpu.assume_multiple %mul3A_98, 128 : i32
    %shift_right_arithmetic3A_100 = arith.constant 7 : i32
    %shift_right_arithmetic3A_101 = arith.shrsi %squeeze3A_94, %shift_right_arithmetic3A_100 : i32
    %mul3A_102 = arith.constant 128 : i32
    %mul3A_103 = arith.muli %shift_right_arithmetic3A_101, %mul3A_102 : i32
    %multiple_of3A_104 = tpu.assume_multiple %mul3A_103, 128 : i32
    %dma_start3A_105 = arith.constant 2 : i32
    %dma_start3A_106 = arith.constant 2 : i32
    %dma_start3A_107 = arith.constant 0 : i32
    %dma_start3A_108 = arith.constant 0 : i32
    %dma_start3A_109 = tpu.memref_slice %arg9[%dma_start3A_105, %dma_start3A_107, %dma_start3A_108] : memref<8x16x128xf32, #tpu.memory_space<vmem>> -> memref<1x16x128xf32, #tpu.memory_space<vmem>>
    %dma_start3A_110 = tpu.memref_squeeze %dma_start3A_109 : memref<1x16x128xf32, #tpu.memory_space<vmem>> -> memref<16x128xf32, #tpu.memory_space<vmem>>
    %dma_start3A_111 = arith.constant 0 : i32
    %dma_start3A_112 = tpu.memref_slice %arg4[%dma_start3A_111, %multiple_of3A_99] : memref<16x1000000xf32, #tpu.memory_space<hbm>> -> memref<16x128xf32, #tpu.memory_space<hbm>>
    %dma_start3A_113 = tpu.memref_slice %arg12[%dma_start3A_106] : memref<8x!tpu.dma_semaphore, #tpu.memory_space<semaphore_mem>> -> memref<1x!tpu.dma_semaphore, #tpu.memory_space<semaphore_mem>>
    %dma_start3A_114 = tpu.memref_squeeze %dma_start3A_113 : memref<1x!tpu.dma_semaphore, #tpu.memory_space<semaphore_mem>> -> memref<!tpu.dma_semaphore, #tpu.memory_space<semaphore_mem>>
    %dma_start3A_115 = arith.constant 0 : i32
    %dma_start3A_116 = arith.constant 0 : i32
    %dma_start3A_117 = tpu.memref_slice %arg9[%dma_start3A_105, %dma_start3A_115, %dma_start3A_116] : memref<8x16x128xf32, #tpu.memory_space<vmem>> -> memref<1x16x128xf32, #tpu.memory_space<vmem>>
    %dma_start3A_118 = tpu.memref_squeeze %dma_start3A_117 : memref<1x16x128xf32, #tpu.memory_space<vmem>> -> memref<16x128xf32, #tpu.memory_space<vmem>>
    %dma_start3A_119 = arith.constant 0 : i32
    %dma_start3A_120 = tpu.memref_slice %arg4[%dma_start3A_119, %multiple_of3A_99] : memref<16x1000000xf32, #tpu.memory_space<hbm>> -> memref<16x128xf32, #tpu.memory_space<hbm>>
    tpu.enqueue_dma source(%dma_start3A_120 : memref<16x128xf32, #tpu.memory_space<hbm>>) target(%dma_start3A_118 : memref<16x128xf32, #tpu.memory_space<vmem>>) target_semaphore(%dma_start3A_114 : memref<!tpu.dma_semaphore, #tpu.memory_space<semaphore_mem>>)
    %dma_start3A_121 = arith.constant 2 : i32
    %dma_start3A_122 = arith.constant 2 : i32
    %dma_start3A_123 = arith.constant 0 : i32
    %dma_start3A_124 = arith.constant 0 : i32
    %dma_start3A_125 = tpu.memref_slice %arg10[%dma_start3A_121, %dma_start3A_123, %dma_start3A_124] : memref<8x16x128xf32, #tpu.memory_space<vmem>> -> memref<1x16x128xf32, #tpu.memory_space<vmem>>
    %dma_start3A_126 = tpu.memref_squeeze %dma_start3A_125 : memref<1x16x128xf32, #tpu.memory_space<vmem>> -> memref<16x128xf32, #tpu.memory_space<vmem>>
    %dma_start3A_127 = arith.constant 0 : i32
    %dma_start3A_128 = tpu.memref_slice %arg5[%dma_start3A_127, %multiple_of3A_104] : memref<16x1000000xf32, #tpu.memory_space<hbm>> -> memref<16x128xf32, #tpu.memory_space<hbm>>
    %dma_start3A_129 = tpu.memref_slice %arg12[%dma_start3A_122] : memref<8x!tpu.dma_semaphore, #tpu.memory_space<semaphore_mem>> -> memref<1x!tpu.dma_semaphore, #tpu.memory_space<semaphore_mem>>
    %dma_start3A_130 = tpu.memref_squeeze %dma_start3A_129 : memref<1x!tpu.dma_semaphore, #tpu.memory_space<semaphore_mem>> -> memref<!tpu.dma_semaphore, #tpu.memory_space<semaphore_mem>>
    %dma_start3A_131 = arith.constant 0 : i32
    %dma_start3A_132 = arith.constant 0 : i32
    %dma_start3A_133 = tpu.memref_slice %arg10[%dma_start3A_121, %dma_start3A_131, %dma_start3A_132] : memref<8x16x128xf32, #tpu.memory_space<vmem>> -> memref<1x16x128xf32, #tpu.memory_space<vmem>>
    %dma_start3A_134 = tpu.memref_squeeze %dma_start3A_133 : memref<1x16x128xf32, #tpu.memory_space<vmem>> -> memref<16x128xf32, #tpu.memory_space<vmem>>
    %dma_start3A_135 = arith.constant 0 : i32
    %dma_start3A_136 = tpu.memref_slice %arg5[%dma_start3A_135, %multiple_of3A_104] : memref<16x1000000xf32, #tpu.memory_space<hbm>> -> memref<16x128xf32, #tpu.memory_space<hbm>>
    tpu.enqueue_dma source(%dma_start3A_136 : memref<16x128xf32, #tpu.memory_space<hbm>>) target(%dma_start3A_134 : memref<16x128xf32, #tpu.memory_space<vmem>>) target_semaphore(%dma_start3A_130 : memref<!tpu.dma_semaphore, #tpu.memory_space<semaphore_mem>>)
    %slice3A_137 = vector.extract_strided_slice %get3A_1 {offsets = [3], sizes = [1], strides = [1]} : vector<16xi32> to vector<1xi32>
    %squeeze3A_138 = vector.extract %slice3A_137[0] : i32 from vector<1xi32>
    %slice3A_139 = vector.extract_strided_slice %get3A_3 {offsets = [3], sizes = [1], strides = [1]} : vector<16xi32> to vector<1xi32>
    %squeeze3A_140 = vector.extract %slice3A_139[0] : i32 from vector<1xi32>
    %shift_right_arithmetic3A_141 = arith.constant 7 : i32
    %shift_right_arithmetic3A_142 = arith.shrsi %squeeze3A_138, %shift_right_arithmetic3A_141 : i32
    %mul3A_143 = arith.constant 128 : i32
    %mul3A_144 = arith.muli %shift_right_arithmetic3A_142, %mul3A_143 : i32
    %multiple_of3A_145 = tpu.assume_multiple %mul3A_144, 128 : i32
    %shift_right_arithmetic3A_146 = arith.constant 7 : i32
    %shift_right_arithmetic3A_147 = arith.shrsi %squeeze3A_140, %shift_right_arithmetic3A_146 : i32
    %mul3A_148 = arith.constant 128 : i32
    %mul3A_149 = arith.muli %shift_right_arithmetic3A_147, %mul3A_148 : i32
    %multiple_of3A_150 = tpu.assume_multiple %mul3A_149, 128 : i32
    %dma_start3A_151 = arith.constant 3 : i32
    %dma_start3A_152 = arith.constant 3 : i32
    %dma_start3A_153 = arith.constant 0 : i32
    %dma_start3A_154 = arith.constant 0 : i32
    %dma_start3A_155 = tpu.memref_slice %arg9[%dma_start3A_151, %dma_start3A_153, %dma_start3A_154] : memref<8x16x128xf32, #tpu.memory_space<vmem>> -> memref<1x16x128xf32, #tpu.memory_space<vmem>>
    %dma_start3A_156 = tpu.memref_squeeze %dma_start3A_155 : memref<1x16x128xf32, #tpu.memory_space<vmem>> -> memref<16x128xf32, #tpu.memory_space<vmem>>
    %dma_start3A_157 = arith.constant 0 : i32
    %dma_start3A_158 = tpu.memref_slice %arg4[%dma_start3A_157, %multiple_of3A_145] : memref<16x1000000xf32, #tpu.memory_space<hbm>> -> memref<16x128xf32, #tpu.memory_space<hbm>>
    %dma_start3A_159 = tpu.memref_slice %arg12[%dma_start3A_152] : memref<8x!tpu.dma_semaphore, #tpu.memory_space<semaphore_mem>> -> memref<1x!tpu.dma_semaphore, #tpu.memory_space<semaphore_mem>>
    %dma_start3A_160 = tpu.memref_squeeze %dma_start3A_159 : memref<1x!tpu.dma_semaphore, #tpu.memory_space<semaphore_mem>> -> memref<!tpu.dma_semaphore, #tpu.memory_space<semaphore_mem>>
    %dma_start3A_161 = arith.constant 0 : i32
    %dma_start3A_162 = arith.constant 0 : i32
    %dma_start3A_163 = tpu.memref_slice %arg9[%dma_start3A_151, %dma_start3A_161, %dma_start3A_162] : memref<8x16x128xf32, #tpu.memory_space<vmem>> -> memref<1x16x128xf32, #tpu.memory_space<vmem>>
    %dma_start3A_164 = tpu.memref_squeeze %dma_start3A_163 : memref<1x16x128xf32, #tpu.memory_space<vmem>> -> memref<16x128xf32, #tpu.memory_space<vmem>>
    %dma_start3A_165 = arith.constant 0 : i32
    %dma_start3A_166 = tpu.memref_slice %arg4[%dma_start3A_165, %multiple_of3A_145] : memref<16x1000000xf32, #tpu.memory_space<hbm>> -> memref<16x128xf32, #tpu.memory_space<hbm>>
    tpu.enqueue_dma source(%dma_start3A_166 : memref<16x128xf32, #tpu.memory_space<hbm>>) target(%dma_start3A_164 : memref<16x128xf32, #tpu.memory_space<vmem>>) target_semaphore(%dma_start3A_160 : memref<!tpu.dma_semaphore, #tpu.memory_space<semaphore_mem>>)
    %dma_start3A_167 = arith.constant 3 : i32
    %dma_start3A_168 = arith.constant 3 : i32
    %dma_start3A_169 = arith.constant 0 : i32
    %dma_start3A_170 = arith.constant 0 : i32
    %dma_start3A_171 = tpu.memref_slice %arg10[%dma_start3A_167, %dma_start3A_169, %dma_start3A_170] : memref<8x16x128xf32, #tpu.memory_space<vmem>> -> memref<1x16x128xf32, #tpu.memory_space<vmem>>
    %dma_start3A_172 = tpu.memref_squeeze %dma_start3A_171 : memref<1x16x128xf32, #tpu.memory_space<vmem>> -> memref<16x128xf32, #tpu.memory_space<vmem>>
    %dma_start3A_173 = arith.constant 0 : i32
    %dma_start3A_174 = tpu.memref_slice %arg5[%dma_start3A_173, %multiple_of3A_150] : memref<16x1000000xf32, #tpu.memory_space<hbm>> -> memref<16x128xf32, #tpu.memory_space<hbm>>
    %dma_start3A_175 = tpu.memref_slice %arg12[%dma_start3A_168] : memref<8x!tpu.dma_semaphore, #tpu.memory_space<semaphore_mem>> -> memref<1x!tpu.dma_semaphore, #tpu.memory_space<semaphore_mem>>
    %dma_start3A_176 = tpu.memref_squeeze %dma_start3A_175 : memref<1x!tpu.dma_semaphore, #tpu.memory_space<semaphore_mem>> -> memref<!tpu.dma_semaphore, #tpu.memory_space<semaphore_mem>>
    %dma_start3A_177 = arith.constant 0 : i32
    %dma_start3A_178 = arith.constant 0 : i32
    %dma_start3A_179 = tpu.memref_slice %arg10[%dma_start3A_167, %dma_start3A_177, %dma_start3A_178] : memref<8x16x128xf32, #tpu.memory_space<vmem>> -> memref<1x16x128xf32, #tpu.memory_space<vmem>>
    %dma_start3A_180 = tpu.memref_squeeze %dma_start3A_179 : memref<1x16x128xf32, #tpu.memory_space<vmem>> -> memref<16x128xf32, #tpu.memory_space<vmem>>
    %dma_start3A_181 = arith.constant 0 : i32
    %dma_start3A_182 = tpu.memref_slice %arg5[%dma_start3A_181, %multiple_of3A_150] : memref<16x1000000xf32, #tpu.memory_space<hbm>> -> memref<16x128xf32, #tpu.memory_space<hbm>>
    tpu.enqueue_dma source(%dma_start3A_182 : memref<16x128xf32, #tpu.memory_space<hbm>>) target(%dma_start3A_180 : memref<16x128xf32, #tpu.memory_space<vmem>>) target_semaphore(%dma_start3A_176 : memref<!tpu.dma_semaphore, #tpu.memory_space<semaphore_mem>>)
    %slice3A_183 = vector.extract_strided_slice %get3A_1 {offsets = [4], sizes = [1], strides = [1]} : vector<16xi32> to vector<1xi32>
    %squeeze3A_184 = vector.extract %slice3A_183[0] : i32 from vector<1xi32>
    %slice3A_185 = vector.extract_strided_slice %get3A_3 {offsets = [4], sizes = [1], strides = [1]} : vector<16xi32> to vector<1xi32>
    %squeeze3A_186 = vector.extract %slice3A_185[0] : i32 from vector<1xi32>
    %shift_right_arithmetic3A_187 = arith.constant 7 : i32
    %shift_right_arithmetic3A_188 = arith.shrsi %squeeze3A_184, %shift_right_arithmetic3A_187 : i32
    %mul3A_189 = arith.constant 128 : i32
    %mul3A_190 = arith.muli %shift_right_arithmetic3A_188, %mul3A_189 : i32
    %multiple_of3A_191 = tpu.assume_multiple %mul3A_190, 128 : i32
    %shift_right_arithmetic3A_192 = arith.constant 7 : i32
    %shift_right_arithmetic3A_193 = arith.shrsi %squeeze3A_186, %shift_right_arithmetic3A_192 : i32
    %mul3A_194 = arith.constant 128 : i32
    %mul3A_195 = arith.muli %shift_right_arithmetic3A_193, %mul3A_194 : i32
    %multiple_of3A_196 = tpu.assume_multiple %mul3A_195, 128 : i32
    %dma_start3A_197 = arith.constant 4 : i32
    %dma_start3A_198 = arith.constant 4 : i32
    %dma_start3A_199 = arith.constant 0 : i32
    %dma_start3A_200 = arith.constant 0 : i32
    %dma_start3A_201 = tpu.memref_slice %arg9[%dma_start3A_197, %dma_start3A_199, %dma_start3A_200] : memref<8x16x128xf32, #tpu.memory_space<vmem>> -> memref<1x16x128xf32, #tpu.memory_space<vmem>>
    %dma_start3A_202 = tpu.memref_squeeze %dma_start3A_201 : memref<1x16x128xf32, #tpu.memory_space<vmem>> -> memref<16x128xf32, #tpu.memory_space<vmem>>
    %dma_start3A_203 = arith.constant 0 : i32
    %dma_start3A_204 = tpu.memref_slice %arg4[%dma_start3A_203, %multiple_of3A_191] : memref<16x1000000xf32, #tpu.memory_space<hbm>> -> memref<16x128xf32, #tpu.memory_space<hbm>>
    %dma_start3A_205 = tpu.memref_slice %arg12[%dma_start3A_198] : memref<8x!tpu.dma_semaphore, #tpu.memory_space<semaphore_mem>> -> memref<1x!tpu.dma_semaphore, #tpu.memory_space<semaphore_mem>>
    %dma_start3A_206 = tpu.memref_squeeze %dma_start3A_205 : memref<1x!tpu.dma_semaphore, #tpu.memory_space<semaphore_mem>> -> memref<!tpu.dma_semaphore, #tpu.memory_space<semaphore_mem>>
    %dma_start3A_207 = arith.constant 0 : i32
    %dma_start3A_208 = arith.constant 0 : i32
    %dma_start3A_209 = tpu.memref_slice %arg9[%dma_start3A_197, %dma_start3A_207, %dma_start3A_208] : memref<8x16x128xf32, #tpu.memory_space<vmem>> -> memref<1x16x128xf32, #tpu.memory_space<vmem>>
    %dma_start3A_210 = tpu.memref_squeeze %dma_start3A_209 : memref<1x16x128xf32, #tpu.memory_space<vmem>> -> memref<16x128xf32, #tpu.memory_space<vmem>>
    %dma_start3A_211 = arith.constant 0 : i32
    %dma_start3A_212 = tpu.memref_slice %arg4[%dma_start3A_211, %multiple_of3A_191] : memref<16x1000000xf32, #tpu.memory_space<hbm>> -> memref<16x128xf32, #tpu.memory_space<hbm>>
    tpu.enqueue_dma source(%dma_start3A_212 : memref<16x128xf32, #tpu.memory_space<hbm>>) target(%dma_start3A_210 : memref<16x128xf32, #tpu.memory_space<vmem>>) target_semaphore(%dma_start3A_206 : memref<!tpu.dma_semaphore, #tpu.memory_space<semaphore_mem>>)
    %dma_start3A_213 = arith.constant 4 : i32
    %dma_start3A_214 = arith.constant 4 : i32
    %dma_start3A_215 = arith.constant 0 : i32
    %dma_start3A_216 = arith.constant 0 : i32
    %dma_start3A_217 = tpu.memref_slice %arg10[%dma_start3A_213, %dma_start3A_215, %dma_start3A_216] : memref<8x16x128xf32, #tpu.memory_space<vmem>> -> memref<1x16x128xf32, #tpu.memory_space<vmem>>
    %dma_start3A_218 = tpu.memref_squeeze %dma_start3A_217 : memref<1x16x128xf32, #tpu.memory_space<vmem>> -> memref<16x128xf32, #tpu.memory_space<vmem>>
    %dma_start3A_219 = arith.constant 0 : i32
    %dma_start3A_220 = tpu.memref_slice %arg5[%dma_start3A_219, %multiple_of3A_196] : memref<16x1000000xf32, #tpu.memory_space<hbm>> -> memref<16x128xf32, #tpu.memory_space<hbm>>
    %dma_start3A_221 = tpu.memref_slice %arg12[%dma_start3A_214] : memref<8x!tpu.dma_semaphore, #tpu.memory_space<semaphore_mem>> -> memref<1x!tpu.dma_semaphore, #tpu.memory_space<semaphore_mem>>
    %dma_start3A_222 = tpu.memref_squeeze %dma_start3A_221 : memref<1x!tpu.dma_semaphore, #tpu.memory_space<semaphore_mem>> -> memref<!tpu.dma_semaphore, #tpu.memory_space<semaphore_mem>>
    %dma_start3A_223 = arith.constant 0 : i32
    %dma_start3A_224 = arith.constant 0 : i32
    %dma_start3A_225 = tpu.memref_slice %arg10[%dma_start3A_213, %dma_start3A_223, %dma_start3A_224] : memref<8x16x128xf32, #tpu.memory_space<vmem>> -> memref<1x16x128xf32, #tpu.memory_space<vmem>>
    %dma_start3A_226 = tpu.memref_squeeze %dma_start3A_225 : memref<1x16x128xf32, #tpu.memory_space<vmem>> -> memref<16x128xf32, #tpu.memory_space<vmem>>
    %dma_start3A_227 = arith.constant 0 : i32
    %dma_start3A_228 = tpu.memref_slice %arg5[%dma_start3A_227, %multiple_of3A_196] : memref<16x1000000xf32, #tpu.memory_space<hbm>> -> memref<16x128xf32, #tpu.memory_space<hbm>>
    tpu.enqueue_dma source(%dma_start3A_228 : memref<16x128xf32, #tpu.memory_space<hbm>>) target(%dma_start3A_226 : memref<16x128xf32, #tpu.memory_space<vmem>>) target_semaphore(%dma_start3A_222 : memref<!tpu.dma_semaphore, #tpu.memory_space<semaphore_mem>>)
    %slice3A_229 = vector.extract_strided_slice %get3A_1 {offsets = [5], sizes = [1], strides = [1]} : vector<16xi32> to vector<1xi32>
    %squeeze3A_230 = vector.extract %slice3A_229[0] : i32 from vector<1xi32>
    %slice3A_231 = vector.extract_strided_slice %get3A_3 {offsets = [5], sizes = [1], strides = [1]} : vector<16xi32> to vector<1xi32>
    %squeeze3A_232 = vector.extract %slice3A_231[0] : i32 from vector<1xi32>
    %shift_right_arithmetic3A_233 = arith.constant 7 : i32
    %shift_right_arithmetic3A_234 = arith.shrsi %squeeze3A_230, %shift_right_arithmetic3A_233 : i32
    %mul3A_235 = arith.constant 128 : i32
    %mul3A_236 = arith.muli %shift_right_arithmetic3A_234, %mul3A_235 : i32
    %multiple_of3A_237 = tpu.assume_multiple %mul3A_236, 128 : i32
    %shift_right_arithmetic3A_238 = arith.constant 7 : i32
    %shift_right_arithmetic3A_239 = arith.shrsi %squeeze3A_232, %shift_right_arithmetic3A_238 : i32
    %mul3A_240 = arith.constant 128 : i32
    %mul3A_241 = arith.muli %shift_right_arithmetic3A_239, %mul3A_240 : i32
    %multiple_of3A_242 = tpu.assume_multiple %mul3A_241, 128 : i32
    %dma_start3A_243 = arith.constant 5 : i32
    %dma_start3A_244 = arith.constant 5 : i32
    %dma_start3A_245 = arith.constant 0 : i32
    %dma_start3A_246 = arith.constant 0 : i32
    %dma_start3A_247 = tpu.memref_slice %arg9[%dma_start3A_243, %dma_start3A_245, %dma_start3A_246] : memref<8x16x128xf32, #tpu.memory_space<vmem>> -> memref<1x16x128xf32, #tpu.memory_space<vmem>>
    %dma_start3A_248 = tpu.memref_squeeze %dma_start3A_247 : memref<1x16x128xf32, #tpu.memory_space<vmem>> -> memref<16x128xf32, #tpu.memory_space<vmem>>
    %dma_start3A_249 = arith.constant 0 : i32
    %dma_start3A_250 = tpu.memref_slice %arg4[%dma_start3A_249, %multiple_of3A_237] : memref<16x1000000xf32, #tpu.memory_space<hbm>> -> memref<16x128xf32, #tpu.memory_space<hbm>>
    %dma_start3A_251 = tpu.memref_slice %arg12[%dma_start3A_244] : memref<8x!tpu.dma_semaphore, #tpu.memory_space<semaphore_mem>> -> memref<1x!tpu.dma_semaphore, #tpu.memory_space<semaphore_mem>>
    %dma_start3A_252 = tpu.memref_squeeze %dma_start3A_251 : memref<1x!tpu.dma_semaphore, #tpu.memory_space<semaphore_mem>> -> memref<!tpu.dma_semaphore, #tpu.memory_space<semaphore_mem>>
    %dma_start3A_253 = arith.constant 0 : i32
    %dma_start3A_254 = arith.constant 0 : i32
    %dma_start3A_255 = tpu.memref_slice %arg9[%dma_start3A_243, %dma_start3A_253, %dma_start3A_254] : memref<8x16x128xf32, #tpu.memory_space<vmem>> -> memref<1x16x128xf32, #tpu.memory_space<vmem>>
    %dma_start3A_256 = tpu.memref_squeeze %dma_start3A_255 : memref<1x16x128xf32, #tpu.memory_space<vmem>> -> memref<16x128xf32, #tpu.memory_space<vmem>>
    %dma_start3A_257 = arith.constant 0 : i32
    %dma_start3A_258 = tpu.memref_slice %arg4[%dma_start3A_257, %multiple_of3A_237] : memref<16x1000000xf32, #tpu.memory_space<hbm>> -> memref<16x128xf32, #tpu.memory_space<hbm>>
    tpu.enqueue_dma source(%dma_start3A_258 : memref<16x128xf32, #tpu.memory_space<hbm>>) target(%dma_start3A_256 : memref<16x128xf32, #tpu.memory_space<vmem>>) target_semaphore(%dma_start3A_252 : memref<!tpu.dma_semaphore, #tpu.memory_space<semaphore_mem>>)
    %dma_start3A_259 = arith.constant 5 : i32
    %dma_start3A_260 = arith.constant 5 : i32
    %dma_start3A_261 = arith.constant 0 : i32
    %dma_start3A_262 = arith.constant 0 : i32
    %dma_start3A_263 = tpu.memref_slice %arg10[%dma_start3A_259, %dma_start3A_261, %dma_start3A_262] : memref<8x16x128xf32, #tpu.memory_space<vmem>> -> memref<1x16x128xf32, #tpu.memory_space<vmem>>
    %dma_start3A_264 = tpu.memref_squeeze %dma_start3A_263 : memref<1x16x128xf32, #tpu.memory_space<vmem>> -> memref<16x128xf32, #tpu.memory_space<vmem>>
    %dma_start3A_265 = arith.constant 0 : i32
    %dma_start3A_266 = tpu.memref_slice %arg5[%dma_start3A_265, %multiple_of3A_242] : memref<16x1000000xf32, #tpu.memory_space<hbm>> -> memref<16x128xf32, #tpu.memory_space<hbm>>
    %dma_start3A_267 = tpu.memref_slice %arg12[%dma_start3A_260] : memref<8x!tpu.dma_semaphore, #tpu.memory_space<semaphore_mem>> -> memref<1x!tpu.dma_semaphore, #tpu.memory_space<semaphore_mem>>
    %dma_start3A_268 = tpu.memref_squeeze %dma_start3A_267 : memref<1x!tpu.dma_semaphore, #tpu.memory_space<semaphore_mem>> -> memref<!tpu.dma_semaphore, #tpu.memory_space<semaphore_mem>>
    %dma_start3A_269 = arith.constant 0 : i32
    %dma_start3A_270 = arith.constant 0 : i32
    %dma_start3A_271 = tpu.memref_slice %arg10[%dma_start3A_259, %dma_start3A_269, %dma_start3A_270] : memref<8x16x128xf32, #tpu.memory_space<vmem>> -> memref<1x16x128xf32, #tpu.memory_space<vmem>>
    %dma_start3A_272 = tpu.memref_squeeze %dma_start3A_271 : memref<1x16x128xf32, #tpu.memory_space<vmem>> -> memref<16x128xf32, #tpu.memory_space<vmem>>
    %dma_start3A_273 = arith.constant 0 : i32
    %dma_start3A_274 = tpu.memref_slice %arg5[%dma_start3A_273, %multiple_of3A_242] : memref<16x1000000xf32, #tpu.memory_space<hbm>> -> memref<16x128xf32, #tpu.memory_space<hbm>>
    tpu.enqueue_dma source(%dma_start3A_274 : memref<16x128xf32, #tpu.memory_space<hbm>>) target(%dma_start3A_272 : memref<16x128xf32, #tpu.memory_space<vmem>>) target_semaphore(%dma_start3A_268 : memref<!tpu.dma_semaphore, #tpu.memory_space<semaphore_mem>>)
    %slice3A_275 = vector.extract_strided_slice %get3A_1 {offsets = [6], sizes = [1], strides = [1]} : vector<16xi32> to vector<1xi32>
    %squeeze3A_276 = vector.extract %slice3A_275[0] : i32 from vector<1xi32>
    %slice3A_277 = vector.extract_strided_slice %get3A_3 {offsets = [6], sizes = [1], strides = [1]} : vector<16xi32> to vector<1xi32>
    %squeeze3A_278 = vector.extract %slice3A_277[0] : i32 from vector<1xi32>
    %shift_right_arithmetic3A_279 = arith.constant 7 : i32
    %shift_right_arithmetic3A_280 = arith.shrsi %squeeze3A_276, %shift_right_arithmetic3A_279 : i32
    %mul3A_281 = arith.constant 128 : i32
    %mul3A_282 = arith.muli %shift_right_arithmetic3A_280, %mul3A_281 : i32
    %multiple_of3A_283 = tpu.assume_multiple %mul3A_282, 128 : i32
    %shift_right_arithmetic3A_284 = arith.constant 7 : i32
    %shift_right_arithmetic3A_285 = arith.shrsi %squeeze3A_278, %shift_right_arithmetic3A_284 : i32
    %mul3A_286 = arith.constant 128 : i32
    %mul3A_287 = arith.muli %shift_right_arithmetic3A_285, %mul3A_286 : i32
    %multiple_of3A_288 = tpu.assume_multiple %mul3A_287, 128 : i32
    %dma_start3A_289 = arith.constant 6 : i32
    %dma_start3A_290 = arith.constant 6 : i32
    %dma_start3A_291 = arith.constant 0 : i32
    %dma_start3A_292 = arith.constant 0 : i32
    %dma_start3A_293 = tpu.memref_slice %arg9[%dma_start3A_289, %dma_start3A_291, %dma_start3A_292] : memref<8x16x128xf32, #tpu.memory_space<vmem>> -> memref<1x16x128xf32, #tpu.memory_space<vmem>>
    %dma_start3A_294 = tpu.memref_squeeze %dma_start3A_293 : memref<1x16x128xf32, #tpu.memory_space<vmem>> -> memref<16x128xf32, #tpu.memory_space<vmem>>
    %dma_start3A_295 = arith.constant 0 : i32
    %dma_start3A_296 = tpu.memref_slice %arg4[%dma_start3A_295, %multiple_of3A_283] : memref<16x1000000xf32, #tpu.memory_space<hbm>> -> memref<16x128xf32, #tpu.memory_space<hbm>>
    %dma_start3A_297 = tpu.memref_slice %arg12[%dma_start3A_290] : memref<8x!tpu.dma_semaphore, #tpu.memory_space<semaphore_mem>> -> memref<1x!tpu.dma_semaphore, #tpu.memory_space<semaphore_mem>>
    %dma_start3A_298 = tpu.memref_squeeze %dma_start3A_297 : memref<1x!tpu.dma_semaphore, #tpu.memory_space<semaphore_mem>> -> memref<!tpu.dma_semaphore, #tpu.memory_space<semaphore_mem>>
    %dma_start3A_299 = arith.constant 0 : i32
    %dma_start3A_300 = arith.constant 0 : i32
    %dma_start3A_301 = tpu.memref_slice %arg9[%dma_start3A_289, %dma_start3A_299, %dma_start3A_300] : memref<8x16x128xf32, #tpu.memory_space<vmem>> -> memref<1x16x128xf32, #tpu.memory_space<vmem>>
    %dma_start3A_302 = tpu.memref_squeeze %dma_start3A_301 : memref<1x16x128xf32, #tpu.memory_space<vmem>> -> memref<16x128xf32, #tpu.memory_space<vmem>>
    %dma_start3A_303 = arith.constant 0 : i32
    %dma_start3A_304 = tpu.memref_slice %arg4[%dma_start3A_303, %multiple_of3A_283] : memref<16x1000000xf32, #tpu.memory_space<hbm>> -> memref<16x128xf32, #tpu.memory_space<hbm>>
    tpu.enqueue_dma source(%dma_start3A_304 : memref<16x128xf32, #tpu.memory_space<hbm>>) target(%dma_start3A_302 : memref<16x128xf32, #tpu.memory_space<vmem>>) target_semaphore(%dma_start3A_298 : memref<!tpu.dma_semaphore, #tpu.memory_space<semaphore_mem>>)
    %dma_start3A_305 = arith.constant 6 : i32
    %dma_start3A_306 = arith.constant 6 : i32
    %dma_start3A_307 = arith.constant 0 : i32
    %dma_start3A_308 = arith.constant 0 : i32
    %dma_start3A_309 = tpu.memref_slice %arg10[%dma_start3A_305, %dma_start3A_307, %dma_start3A_308] : memref<8x16x128xf32, #tpu.memory_space<vmem>> -> memref<1x16x128xf32, #tpu.memory_space<vmem>>
    %dma_start3A_310 = tpu.memref_squeeze %dma_start3A_309 : memref<1x16x128xf32, #tpu.memory_space<vmem>> -> memref<16x128xf32, #tpu.memory_space<vmem>>
    %dma_start3A_311 = arith.constant 0 : i32
    %dma_start3A_312 = tpu.memref_slice %arg5[%dma_start3A_311, %multiple_of3A_288] : memref<16x1000000xf32, #tpu.memory_space<hbm>> -> memref<16x128xf32, #tpu.memory_space<hbm>>
    %dma_start3A_313 = tpu.memref_slice %arg12[%dma_start3A_306] : memref<8x!tpu.dma_semaphore, #tpu.memory_space<semaphore_mem>> -> memref<1x!tpu.dma_semaphore, #tpu.memory_space<semaphore_mem>>
    %dma_start3A_314 = tpu.memref_squeeze %dma_start3A_313 : memref<1x!tpu.dma_semaphore, #tpu.memory_space<semaphore_mem>> -> memref<!tpu.dma_semaphore, #tpu.memory_space<semaphore_mem>>
    %dma_start3A_315 = arith.constant 0 : i32
    %dma_start3A_316 = arith.constant 0 : i32
    %dma_start3A_317 = tpu.memref_slice %arg10[%dma_start3A_305, %dma_start3A_315, %dma_start3A_316] : memref<8x16x128xf32, #tpu.memory_space<vmem>> -> memref<1x16x128xf32, #tpu.memory_space<vmem>>
    %dma_start3A_318 = tpu.memref_squeeze %dma_start3A_317 : memref<1x16x128xf32, #tpu.memory_space<vmem>> -> memref<16x128xf32, #tpu.memory_space<vmem>>
    %dma_start3A_319 = arith.constant 0 : i32
    %dma_start3A_320 = tpu.memref_slice %arg5[%dma_start3A_319, %multiple_of3A_288] : memref<16x1000000xf32, #tpu.memory_space<hbm>> -> memref<16x128xf32, #tpu.memory_space<hbm>>
    tpu.enqueue_dma source(%dma_start3A_320 : memref<16x128xf32, #tpu.memory_space<hbm>>) target(%dma_start3A_318 : memref<16x128xf32, #tpu.memory_space<vmem>>) target_semaphore(%dma_start3A_314 : memref<!tpu.dma_semaphore, #tpu.memory_space<semaphore_mem>>)
    %slice3A_321 = vector.extract_strided_slice %get3A_1 {offsets = [7], sizes = [1], strides = [1]} : vector<16xi32> to vector<1xi32>
    %squeeze3A_322 = vector.extract %slice3A_321[0] : i32 from vector<1xi32>
    %slice3A_323 = vector.extract_strided_slice %get3A_3 {offsets = [7], sizes = [1], strides = [1]} : vector<16xi32> to vector<1xi32>
    %squeeze3A_324 = vector.extract %slice3A_323[0] : i32 from vector<1xi32>
    %shift_right_arithmetic3A_325 = arith.constant 7 : i32
    %shift_right_arithmetic3A_326 = arith.shrsi %squeeze3A_322, %shift_right_arithmetic3A_325 : i32
    %mul3A_327 = arith.constant 128 : i32
    %mul3A_328 = arith.muli %shift_right_arithmetic3A_326, %mul3A_327 : i32
    %multiple_of3A_329 = tpu.assume_multiple %mul3A_328, 128 : i32
    %shift_right_arithmetic3A_330 = arith.constant 7 : i32
    %shift_right_arithmetic3A_331 = arith.shrsi %squeeze3A_324, %shift_right_arithmetic3A_330 : i32
    %mul3A_332 = arith.constant 128 : i32
    %mul3A_333 = arith.muli %shift_right_arithmetic3A_331, %mul3A_332 : i32
    %multiple_of3A_334 = tpu.assume_multiple %mul3A_333, 128 : i32
    %dma_start3A_335 = arith.constant 7 : i32
    %dma_start3A_336 = arith.constant 7 : i32
    %dma_start3A_337 = arith.constant 0 : i32
    %dma_start3A_338 = arith.constant 0 : i32
    %dma_start3A_339 = tpu.memref_slice %arg9[%dma_start3A_335, %dma_start3A_337, %dma_start3A_338] : memref<8x16x128xf32, #tpu.memory_space<vmem>> -> memref<1x16x128xf32, #tpu.memory_space<vmem>>
    %dma_start3A_340 = tpu.memref_squeeze %dma_start3A_339 : memref<1x16x128xf32, #tpu.memory_space<vmem>> -> memref<16x128xf32, #tpu.memory_space<vmem>>
    %dma_start3A_341 = arith.constant 0 : i32
    %dma_start3A_342 = tpu.memref_slice %arg4[%dma_start3A_341, %multiple_of3A_329] : memref<16x1000000xf32, #tpu.memory_space<hbm>> -> memref<16x128xf32, #tpu.memory_space<hbm>>
    %dma_start3A_343 = tpu.memref_slice %arg12[%dma_start3A_336] : memref<8x!tpu.dma_semaphore, #tpu.memory_space<semaphore_mem>> -> memref<1x!tpu.dma_semaphore, #tpu.memory_space<semaphore_mem>>
    %dma_start3A_344 = tpu.memref_squeeze %dma_start3A_343 : memref<1x!tpu.dma_semaphore, #tpu.memory_space<semaphore_mem>> -> memref<!tpu.dma_semaphore, #tpu.memory_space<semaphore_mem>>
    %dma_start3A_345 = arith.constant 0 : i32
    %dma_start3A_346 = arith.constant 0 : i32
    %dma_start3A_347 = tpu.memref_slice %arg9[%dma_start3A_335, %dma_start3A_345, %dma_start3A_346] : memref<8x16x128xf32, #tpu.memory_space<vmem>> -> memref<1x16x128xf32, #tpu.memory_space<vmem>>
    %dma_start3A_348 = tpu.memref_squeeze %dma_start3A_347 : memref<1x16x128xf32, #tpu.memory_space<vmem>> -> memref<16x128xf32, #tpu.memory_space<vmem>>
    %dma_start3A_349 = arith.constant 0 : i32
    %dma_start3A_350 = tpu.memref_slice %arg4[%dma_start3A_349, %multiple_of3A_329] : memref<16x1000000xf32, #tpu.memory_space<hbm>> -> memref<16x128xf32, #tpu.memory_space<hbm>>
    tpu.enqueue_dma source(%dma_start3A_350 : memref<16x128xf32, #tpu.memory_space<hbm>>) target(%dma_start3A_348 : memref<16x128xf32, #tpu.memory_space<vmem>>) target_semaphore(%dma_start3A_344 : memref<!tpu.dma_semaphore, #tpu.memory_space<semaphore_mem>>)
    %dma_start3A_351 = arith.constant 7 : i32
    %dma_start3A_352 = arith.constant 7 : i32
    %dma_start3A_353 = arith.constant 0 : i32
    %dma_start3A_354 = arith.constant 0 : i32
    %dma_start3A_355 = tpu.memref_slice %arg10[%dma_start3A_351, %dma_start3A_353, %dma_start3A_354] : memref<8x16x128xf32, #tpu.memory_space<vmem>> -> memref<1x16x128xf32, #tpu.memory_space<vmem>>
    %dma_start3A_356 = tpu.memref_squeeze %dma_start3A_355 : memref<1x16x128xf32, #tpu.memory_space<vmem>> -> memref<16x128xf32, #tpu.memory_space<vmem>>
    %dma_start3A_357 = arith.constant 0 : i32
    %dma_start3A_358 = tpu.memref_slice %arg5[%dma_start3A_357, %multiple_of3A_334] : memref<16x1000000xf32, #tpu.memory_space<hbm>> -> memref<16x128xf32, #tpu.memory_space<hbm>>
    %dma_start3A_359 = tpu.memref_slice %arg12[%dma_start3A_352] : memref<8x!tpu.dma_semaphore, #tpu.memory_space<semaphore_mem>> -> memref<1x!tpu.dma_semaphore, #tpu.memory_space<semaphore_mem>>
    %dma_start3A_360 = tpu.memref_squeeze %dma_start3A_359 : memref<1x!tpu.dma_semaphore, #tpu.memory_space<semaphore_mem>> -> memref<!tpu.dma_semaphore, #tpu.memory_space<semaphore_mem>>
    %dma_start3A_361 = arith.constant 0 : i32
    %dma_start3A_362 = arith.constant 0 : i32
    %dma_start3A_363 = tpu.memref_slice %arg10[%dma_start3A_351, %dma_start3A_361, %dma_start3A_362] : memref<8x16x128xf32, #tpu.memory_space<vmem>> -> memref<1x16x128xf32, #tpu.memory_space<vmem>>
    %dma_start3A_364 = tpu.memref_squeeze %dma_start3A_363 : memref<1x16x128xf32, #tpu.memory_space<vmem>> -> memref<16x128xf32, #tpu.memory_space<vmem>>
    %dma_start3A_365 = arith.constant 0 : i32
    %dma_start3A_366 = tpu.memref_slice %arg5[%dma_start3A_365, %multiple_of3A_334] : memref<16x1000000xf32, #tpu.memory_space<hbm>> -> memref<16x128xf32, #tpu.memory_space<hbm>>
    tpu.enqueue_dma source(%dma_start3A_366 : memref<16x128xf32, #tpu.memory_space<hbm>>) target(%dma_start3A_364 : memref<16x128xf32, #tpu.memory_space<vmem>>) target_semaphore(%dma_start3A_360 : memref<!tpu.dma_semaphore, #tpu.memory_space<semaphore_mem>>)
    %scan3A = arith.constant 0 : i32
    %scan3A_367 = arith.constant 0 : i32
    %scan3A_368 = arith.constant 32 : i32
    %scan3A_369 = arith.addi %scan3A_367, %scan3A_368 : i32
    %scan3A_370 = arith.constant 1 : i32
    scf.for %scan3A_372 = %scan3A_367 to %scan3A_369 step %scan3A_370  : i32 {
      %mul3A_373 = arith.constant 16 : i32
      %mul3A_374 = arith.muli %scan3A_372, %mul3A_373 : i32
      %get3A_375 = arith.index_cast %mul3A_374 : i32 to index
      %get3A_376 = tpu.vector_load %arg7[%get3A_375] {strides = array<i32>} : memref<512xi32, #tpu.memory_space<vmem>>, vector<16xi32>,
      %get3A_377 = arith.index_cast %mul3A_374 : i32 to index
      %get3A_378 = tpu.vector_load %arg8[%get3A_377] {strides = array<i32>} : memref<512xi32, #tpu.memory_space<vmem>>, vector<16xi32>,
      %add3A_379 = arith.constant 16 : i32
      %add3A_380 = arith.addi %mul3A_374, %add3A_379 : i32
      %min3A = arith.constant 496 : i32
      %min3A_381 = arith.minsi %add3A_380, %min3A : i32
      %get3A_382 = arith.index_cast %min3A_381 : i32 to index
      %get3A_383 = tpu.vector_load %arg7[%get3A_382] {strides = array<i32>} : memref<512xi32, #tpu.memory_space<vmem>>, vector<16xi32>,
      %get3A_384 = arith.index_cast %min3A_381 : i32 to index
      %get3A_385 = tpu.vector_load %arg8[%get3A_384] {strides = array<i32>} : memref<512xi32, #tpu.memory_space<vmem>>, vector<16xi32>,
      %dma_wait3A = arith.constant 0 : i32
      %dma_wait3A_386 = arith.constant 0 : i32
      %dma_wait3A_387 = arith.constant 0 : i32
      %dma_wait3A_388 = arith.constant 0 : i32
      %dma_wait3A_389 = tpu.memref_slice %arg9[%dma_wait3A, %dma_wait3A_387, %dma_wait3A_388] : memref<8x16x128xf32, #tpu.memory_space<vmem>> -> memref<1x16x128xf32, #tpu.memory_space<vmem>>
      %dma_wait3A_390 = tpu.memref_squeeze %dma_wait3A_389 : memref<1x16x128xf32, #tpu.memory_space<vmem>> -> memref<16x128xf32, #tpu.memory_space<vmem>>
      %dma_wait3A_391 = arith.constant 0 : i32
      %dma_wait3A_392 = arith.constant 0 : i32
      %dma_wait3A_393 = tpu.memref_slice %arg4[%dma_wait3A_391, %dma_wait3A_392] : memref<16x1000000xf32, #tpu.memory_space<hbm>> -> memref<16x128xf32, #tpu.memory_space<hbm>>
      %dma_wait3A_394 = tpu.memref_slice %arg12[%dma_wait3A_386] : memref<8x!tpu.dma_semaphore, #tpu.memory_space<semaphore_mem>> -> memref<1x!tpu.dma_semaphore, #tpu.memory_space<semaphore_mem>>
      %dma_wait3A_395 = tpu.memref_squeeze %dma_wait3A_394 : memref<1x!tpu.dma_semaphore, #tpu.memory_space<semaphore_mem>> -> memref<!tpu.dma_semaphore, #tpu.memory_space<semaphore_mem>>
      %dma_wait3A_396 = arith.constant 0 : i32
      %dma_wait3A_397 = arith.constant 0 : i32
      %dma_wait3A_398 = tpu.memref_slice %arg9[%dma_wait3A, %dma_wait3A_396, %dma_wait3A_397] : memref<8x16x128xf32, #tpu.memory_space<vmem>> -> memref<1x16x128xf32, #tpu.memory_space<vmem>>
      %dma_wait3A_399 = tpu.memref_squeeze %dma_wait3A_398 : memref<1x16x128xf32, #tpu.memory_space<vmem>> -> memref<16x128xf32, #tpu.memory_space<vmem>>
      %dma_wait3A_400 = arith.constant 0 : i32
      %dma_wait3A_401 = arith.constant 0 : i32
      %dma_wait3A_402 = tpu.memref_slice %arg4[%dma_wait3A_400, %dma_wait3A_401] : memref<16x1000000xf32, #tpu.memory_space<hbm>> -> memref<16x128xf32, #tpu.memory_space<hbm>>
      tpu.wait_dma2 semaphore(%dma_wait3A_395 : memref<!tpu.dma_semaphore, #tpu.memory_space<semaphore_mem>>) src(%dma_wait3A_402 : memref<16x128xf32, #tpu.memory_space<hbm>>) dst(%dma_wait3A_399 : memref<16x128xf32, #tpu.memory_space<vmem>>)
      %dma_wait3A_403 = arith.constant 0 : i32
      %dma_wait3A_404 = arith.constant 0 : i32
      %dma_wait3A_405 = arith.constant 0 : i32
      %dma_wait3A_406 = arith.constant 0 : i32
      %dma_wait3A_407 = tpu.memref_slice %arg10[%dma_wait3A_403, %dma_wait3A_405, %dma_wait3A_406] : memref<8x16x128xf32, #tpu.memory_space<vmem>> -> memref<1x16x128xf32, #tpu.memory_space<vmem>>
      %dma_wait3A_408 = tpu.memref_squeeze %dma_wait3A_407 : memref<1x16x128xf32, #tpu.memory_space<vmem>> -> memref<16x128xf32, #tpu.memory_space<vmem>>
      %dma_wait3A_409 = arith.constant 0 : i32
      %dma_wait3A_410 = arith.constant 0 : i32
      %dma_wait3A_411 = tpu.memref_slice %arg5[%dma_wait3A_409, %dma_wait3A_410] : memref<16x1000000xf32, #tpu.memory_space<hbm>> -> memref<16x128xf32, #tpu.memory_space<hbm>>
      %dma_wait3A_412 = tpu.memref_slice %arg12[%dma_wait3A_404] : memref<8x!tpu.dma_semaphore, #tpu.memory_space<semaphore_mem>> -> memref<1x!tpu.dma_semaphore, #tpu.memory_space<semaphore_mem>>
      %dma_wait3A_413 = tpu.memref_squeeze %dma_wait3A_412 : memref<1x!tpu.dma_semaphore, #tpu.memory_space<semaphore_mem>> -> memref<!tpu.dma_semaphore, #tpu.memory_space<semaphore_mem>>
      %dma_wait3A_414 = arith.constant 0 : i32
      %dma_wait3A_415 = arith.constant 0 : i32
      %dma_wait3A_416 = tpu.memref_slice %arg10[%dma_wait3A_403, %dma_wait3A_414, %dma_wait3A_415] : memref<8x16x128xf32, #tpu.memory_space<vmem>> -> memref<1x16x128xf32, #tpu.memory_space<vmem>>
      %dma_wait3A_417 = tpu.memref_squeeze %dma_wait3A_416 : memref<1x16x128xf32, #tpu.memory_space<vmem>> -> memref<16x128xf32, #tpu.memory_space<vmem>>
      %dma_wait3A_418 = arith.constant 0 : i32
      %dma_wait3A_419 = arith.constant 0 : i32
      %dma_wait3A_420 = tpu.memref_slice %arg5[%dma_wait3A_418, %dma_wait3A_419] : memref<16x1000000xf32, #tpu.memory_space<hbm>> -> memref<16x128xf32, #tpu.memory_space<hbm>>
      tpu.wait_dma2 semaphore(%dma_wait3A_413 : memref<!tpu.dma_semaphore, #tpu.memory_space<semaphore_mem>>) src(%dma_wait3A_420 : memref<16x128xf32, #tpu.memory_space<hbm>>) dst(%dma_wait3A_417 : memref<16x128xf32, #tpu.memory_space<vmem>>)
      %slice3A_421 = vector.extract_strided_slice %get3A_376 {offsets = [0], sizes = [1], strides = [1]} : vector<16xi32> to vector<1xi32>
      %squeeze3A_422 = vector.extract %slice3A_421[0] : i32 from vector<1xi32>
      %and3A = arith.constant 127 : i32
      %and3A_423 = arith.andi %squeeze3A_422, %and3A : i32
      %slice3A_424 = vector.extract_strided_slice %get3A_378 {offsets = [0], sizes = [1], strides = [1]} : vector<16xi32> to vector<1xi32>
      %squeeze3A_425 = vector.extract %slice3A_424[0] : i32 from vector<1xi32>
      %and3A_426 = arith.constant 127 : i32
      %and3A_427 = arith.andi %squeeze3A_425, %and3A_426 : i32
      %broadcast_in_dim3A = vector.broadcast %and3A_423 : i32 to vector<16xi32>
      %gather3A = arith.constant 0 : i32
      %gather3A_428 = arith.constant 0 : i32
      %gather3A_429 = arith.constant 0 : i32
      %gather3A_430 = tpu.memref_slice %arg9[%gather3A, %gather3A_428, %gather3A_429] : memref<8x16x128xf32, #tpu.memory_space<vmem>> -> memref<1x16x128xf32, #tpu.memory_space<vmem>>
      %gather3A_431 = tpu.memref_squeeze %gather3A_430 : memref<1x16x128xf32, #tpu.memory_space<vmem>> -> memref<16x128xf32, #tpu.memory_space<vmem>>
      %gather3A_432 = tpu.vector_load_idx %gather3A_431[%iota3A, %broadcast_in_dim3A] : memref<16x128xf32, #tpu.memory_space<vmem>>[vector<16xi32>, vector<16xi32>], vector<16xf32>,
      %broadcast_in_dim3A_433 = vector.broadcast %and3A_427 : i32 to vector<16xi32>
      %gather3A_434 = arith.constant 0 : i32
      %gather3A_435 = arith.constant 0 : i32
      %gather3A_436 = arith.constant 0 : i32
      %gather3A_437 = tpu.memref_slice %arg10[%gather3A_434, %gather3A_435, %gather3A_436] : memref<8x16x128xf32, #tpu.memory_space<vmem>> -> memref<1x16x128xf32, #tpu.memory_space<vmem>>
      %gather3A_438 = tpu.memref_squeeze %gather3A_437 : memref<1x16x128xf32, #tpu.memory_space<vmem>> -> memref<16x128xf32, #tpu.memory_space<vmem>>
      %gather3A_439 = tpu.vector_load_idx %gather3A_438[%iota3A, %broadcast_in_dim3A_433] : memref<16x128xf32, #tpu.memory_space<vmem>>[vector<16xi32>, vector<16xi32>], vector<16xf32>,
      %mul3A_440 = arith.mulf %gather3A_432, %gather3A_439 : vector<16xf32>
      %add3A_441 = arith.constant 0 : i32
      %add3A_442 = arith.addi %mul3A_374, %add3A_441 : i32
      %add3A_443 = arith.constant 8 : i32
      %add3A_444 = arith.addi %add3A_442, %add3A_443 : i32
      %lt3A = arith.constant 512 : i32
      %lt3A_445 = arith.cmpi slt, %add3A_444, %lt3A : i32
      %convert_element_type3A = arith.extui %lt3A_445 : i1 to i32
      %cond3A = arith.constant 0 : i32
      %cond3A_446 = arith.cmpi ne, %convert_element_type3A, %cond3A : i32
      scf.if %cond3A_446 {
        %slice3A_2026 = vector.extract_strided_slice %get3A_376 {offsets = [8], sizes = [1], strides = [1]} : vector<16xi32> to vector<1xi32>
        %squeeze3A_2027 = vector.extract %slice3A_2026[0] : i32 from vector<1xi32>
        %slice3A_2028 = vector.extract_strided_slice %get3A_378 {offsets = [8], sizes = [1], strides = [1]} : vector<16xi32> to vector<1xi32>
        %squeeze3A_2029 = vector.extract %slice3A_2028[0] : i32 from vector<1xi32>
        %shift_right_arithmetic3A_2030 = arith.constant 7 : i32
        %shift_right_arithmetic3A_2031 = arith.shrsi %squeeze3A_2027, %shift_right_arithmetic3A_2030 : i32
        %mul3A_2032 = arith.constant 128 : i32
        %mul3A_2033 = arith.muli %shift_right_arithmetic3A_2031, %mul3A_2032 : i32
        %multiple_of3A_2034 = tpu.assume_multiple %mul3A_2033, 128 : i32
        %shift_right_arithmetic3A_2035 = arith.constant 7 : i32
        %shift_right_arithmetic3A_2036 = arith.shrsi %squeeze3A_2029, %shift_right_arithmetic3A_2035 : i32
        %mul3A_2037 = arith.constant 128 : i32
        %mul3A_2038 = arith.muli %shift_right_arithmetic3A_2036, %mul3A_2037 : i32
        %multiple_of3A_2039 = tpu.assume_multiple %mul3A_2038, 128 : i32
        %dma_start3A_2040 = arith.constant 0 : i32
        %dma_start3A_2041 = arith.constant 0 : i32
        %dma_start3A_2042 = arith.constant 0 : i32
        %dma_start3A_2043 = arith.constant 0 : i32
        %dma_start3A_2044 = tpu.memref_slice %arg9[%dma_start3A_2040, %dma_start3A_2042, %dma_start3A_2043] : memref<8x16x128xf32, #tpu.memory_space<vmem>> -> memref<1x16x128xf32, #tpu.memory_space<vmem>>
        %dma_start3A_2045 = tpu.memref_squeeze %dma_start3A_2044 : memref<1x16x128xf32, #tpu.memory_space<vmem>> -> memref<16x128xf32, #tpu.memory_space<vmem>>
        %dma_start3A_2046 = arith.constant 0 : i32
        %dma_start3A_2047 = tpu.memref_slice %arg4[%dma_start3A_2046, %multiple_of3A_2034] : memref<16x1000000xf32, #tpu.memory_space<hbm>> -> memref<16x128xf32, #tpu.memory_space<hbm>>
        %dma_start3A_2048 = tpu.memref_slice %arg12[%dma_start3A_2041] : memref<8x!tpu.dma_semaphore, #tpu.memory_space<semaphore_mem>> -> memref<1x!tpu.dma_semaphore, #tpu.memory_space<semaphore_mem>>
        %dma_start3A_2049 = tpu.memref_squeeze %dma_start3A_2048 : memref<1x!tpu.dma_semaphore, #tpu.memory_space<semaphore_mem>> -> memref<!tpu.dma_semaphore, #tpu.memory_space<semaphore_mem>>
        %dma_start3A_2050 = arith.constant 0 : i32
        %dma_start3A_2051 = arith.constant 0 : i32
        %dma_start3A_2052 = tpu.memref_slice %arg9[%dma_start3A_2040, %dma_start3A_2050, %dma_start3A_2051] : memref<8x16x128xf32, #tpu.memory_space<vmem>> -> memref<1x16x128xf32, #tpu.memory_space<vmem>>
        %dma_start3A_2053 = tpu.memref_squeeze %dma_start3A_2052 : memref<1x16x128xf32, #tpu.memory_space<vmem>> -> memref<16x128xf32, #tpu.memory_space<vmem>>
        %dma_start3A_2054 = arith.constant 0 : i32
        %dma_start3A_2055 = tpu.memref_slice %arg4[%dma_start3A_2054, %multiple_of3A_2034] : memref<16x1000000xf32, #tpu.memory_space<hbm>> -> memref<16x128xf32, #tpu.memory_space<hbm>>
        tpu.enqueue_dma source(%dma_start3A_2055 : memref<16x128xf32, #tpu.memory_space<hbm>>) target(%dma_start3A_2053 : memref<16x128xf32, #tpu.memory_space<vmem>>) target_semaphore(%dma_start3A_2049 : memref<!tpu.dma_semaphore, #tpu.memory_space<semaphore_mem>>)
        %dma_start3A_2056 = arith.constant 0 : i32
        %dma_start3A_2057 = arith.constant 0 : i32
        %dma_start3A_2058 = arith.constant 0 : i32
        %dma_start3A_2059 = arith.constant 0 : i32
        %dma_start3A_2060 = tpu.memref_slice %arg10[%dma_start3A_2056, %dma_start3A_2058, %dma_start3A_2059] : memref<8x16x128xf32, #tpu.memory_space<vmem>> -> memref<1x16x128xf32, #tpu.memory_space<vmem>>
        %dma_start3A_2061 = tpu.memref_squeeze %dma_start3A_2060 : memref<1x16x128xf32, #tpu.memory_space<vmem>> -> memref<16x128xf32, #tpu.memory_space<vmem>>
        %dma_start3A_2062 = arith.constant 0 : i32
        %dma_start3A_2063 = tpu.memref_slice %arg5[%dma_start3A_2062, %multiple_of3A_2039] : memref<16x1000000xf32, #tpu.memory_space<hbm>> -> memref<16x128xf32, #tpu.memory_space<hbm>>
        %dma_start3A_2064 = tpu.memref_slice %arg12[%dma_start3A_2057] : memref<8x!tpu.dma_semaphore, #tpu.memory_space<semaphore_mem>> -> memref<1x!tpu.dma_semaphore, #tpu.memory_space<semaphore_mem>>
        %dma_start3A_2065 = tpu.memref_squeeze %dma_start3A_2064 : memref<1x!tpu.dma_semaphore, #tpu.memory_space<semaphore_mem>> -> memref<!tpu.dma_semaphore, #tpu.memory_space<semaphore_mem>>
        %dma_start3A_2066 = arith.constant 0 : i32
        %dma_start3A_2067 = arith.constant 0 : i32
        %dma_start3A_2068 = tpu.memref_slice %arg10[%dma_start3A_2056, %dma_start3A_2066, %dma_start3A_2067] : memref<8x16x128xf32, #tpu.memory_space<vmem>> -> memref<1x16x128xf32, #tpu.memory_space<vmem>>
        %dma_start3A_2069 = tpu.memref_squeeze %dma_start3A_2068 : memref<1x16x128xf32, #tpu.memory_space<vmem>> -> memref<16x128xf32, #tpu.memory_space<vmem>>
        %dma_start3A_2070 = arith.constant 0 : i32
        %dma_start3A_2071 = tpu.memref_slice %arg5[%dma_start3A_2070, %multiple_of3A_2039] : memref<16x1000000xf32, #tpu.memory_space<hbm>> -> memref<16x128xf32, #tpu.memory_space<hbm>>
        tpu.enqueue_dma source(%dma_start3A_2071 : memref<16x128xf32, #tpu.memory_space<hbm>>) target(%dma_start3A_2069 : memref<16x128xf32, #tpu.memory_space<vmem>>) target_semaphore(%dma_start3A_2065 : memref<!tpu.dma_semaphore, #tpu.memory_space<semaphore_mem>>)
      } else {
      }
      %dma_wait3A_447 = arith.constant 1 : i32
      %dma_wait3A_448 = arith.constant 1 : i32
      %dma_wait3A_449 = arith.constant 0 : i32
      %dma_wait3A_450 = arith.constant 0 : i32
      %dma_wait3A_451 = tpu.memref_slice %arg9[%dma_wait3A_447, %dma_wait3A_449, %dma_wait3A_450] : memref<8x16x128xf32, #tpu.memory_space<vmem>> -> memref<1x16x128xf32, #tpu.memory_space<vmem>>
      %dma_wait3A_452 = tpu.memref_squeeze %dma_wait3A_451 : memref<1x16x128xf32, #tpu.memory_space<vmem>> -> memref<16x128xf32, #tpu.memory_space<vmem>>
      %dma_wait3A_453 = arith.constant 0 : i32
      %dma_wait3A_454 = arith.constant 0 : i32
      %dma_wait3A_455 = tpu.memref_slice %arg4[%dma_wait3A_453, %dma_wait3A_454] : memref<16x1000000xf32, #tpu.memory_space<hbm>> -> memref<16x128xf32, #tpu.memory_space<hbm>>
      %dma_wait3A_456 = tpu.memref_slice %arg12[%dma_wait3A_448] : memref<8x!tpu.dma_semaphore, #tpu.memory_space<semaphore_mem>> -> memref<1x!tpu.dma_semaphore, #tpu.memory_space<semaphore_mem>>
      %dma_wait3A_457 = tpu.memref_squeeze %dma_wait3A_456 : memref<1x!tpu.dma_semaphore, #tpu.memory_space<semaphore_mem>> -> memref<!tpu.dma_semaphore, #tpu.memory_space<semaphore_mem>>
      %dma_wait3A_458 = arith.constant 0 : i32
      %dma_wait3A_459 = arith.constant 0 : i32
      %dma_wait3A_460 = tpu.memref_slice %arg9[%dma_wait3A_447, %dma_wait3A_458, %dma_wait3A_459] : memref<8x16x128xf32, #tpu.memory_space<vmem>> -> memref<1x16x128xf32, #tpu.memory_space<vmem>>
      %dma_wait3A_461 = tpu.memref_squeeze %dma_wait3A_460 : memref<1x16x128xf32, #tpu.memory_space<vmem>> -> memref<16x128xf32, #tpu.memory_space<vmem>>
      %dma_wait3A_462 = arith.constant 0 : i32
      %dma_wait3A_463 = arith.constant 0 : i32
      %dma_wait3A_464 = tpu.memref_slice %arg4[%dma_wait3A_462, %dma_wait3A_463] : memref<16x1000000xf32, #tpu.memory_space<hbm>> -> memref<16x128xf32, #tpu.memory_space<hbm>>
      tpu.wait_dma2 semaphore(%dma_wait3A_457 : memref<!tpu.dma_semaphore, #tpu.memory_space<semaphore_mem>>) src(%dma_wait3A_464 : memref<16x128xf32, #tpu.memory_space<hbm>>) dst(%dma_wait3A_461 : memref<16x128xf32, #tpu.memory_space<vmem>>)
      %dma_wait3A_465 = arith.constant 1 : i32
      %dma_wait3A_466 = arith.constant 1 : i32
      %dma_wait3A_467 = arith.constant 0 : i32
      %dma_wait3A_468 = arith.constant 0 : i32
      %dma_wait3A_469 = tpu.memref_slice %arg10[%dma_wait3A_465, %dma_wait3A_467, %dma_wait3A_468] : memref<8x16x128xf32, #tpu.memory_space<vmem>> -> memref<1x16x128xf32, #tpu.memory_space<vmem>>
      %dma_wait3A_470 = tpu.memref_squeeze %dma_wait3A_469 : memref<1x16x128xf32, #tpu.memory_space<vmem>> -> memref<16x128xf32, #tpu.memory_space<vmem>>
      %dma_wait3A_471 = arith.constant 0 : i32
      %dma_wait3A_472 = arith.constant 0 : i32
      %dma_wait3A_473 = tpu.memref_slice %arg5[%dma_wait3A_471, %dma_wait3A_472] : memref<16x1000000xf32, #tpu.memory_space<hbm>> -> memref<16x128xf32, #tpu.memory_space<hbm>>
      %dma_wait3A_474 = tpu.memref_slice %arg12[%dma_wait3A_466] : memref<8x!tpu.dma_semaphore, #tpu.memory_space<semaphore_mem>> -> memref<1x!tpu.dma_semaphore, #tpu.memory_space<semaphore_mem>>
      %dma_wait3A_475 = tpu.memref_squeeze %dma_wait3A_474 : memref<1x!tpu.dma_semaphore, #tpu.memory_space<semaphore_mem>> -> memref<!tpu.dma_semaphore, #tpu.memory_space<semaphore_mem>>
      %dma_wait3A_476 = arith.constant 0 : i32
      %dma_wait3A_477 = arith.constant 0 : i32
      %dma_wait3A_478 = tpu.memref_slice %arg10[%dma_wait3A_465, %dma_wait3A_476, %dma_wait3A_477] : memref<8x16x128xf32, #tpu.memory_space<vmem>> -> memref<1x16x128xf32, #tpu.memory_space<vmem>>
      %dma_wait3A_479 = tpu.memref_squeeze %dma_wait3A_478 : memref<1x16x128xf32, #tpu.memory_space<vmem>> -> memref<16x128xf32, #tpu.memory_space<vmem>>
      %dma_wait3A_480 = arith.constant 0 : i32
      %dma_wait3A_481 = arith.constant 0 : i32
      %dma_wait3A_482 = tpu.memref_slice %arg5[%dma_wait3A_480, %dma_wait3A_481] : memref<16x1000000xf32, #tpu.memory_space<hbm>> -> memref<16x128xf32, #tpu.memory_space<hbm>>
      tpu.wait_dma2 semaphore(%dma_wait3A_475 : memref<!tpu.dma_semaphore, #tpu.memory_space<semaphore_mem>>) src(%dma_wait3A_482 : memref<16x128xf32, #tpu.memory_space<hbm>>) dst(%dma_wait3A_479 : memref<16x128xf32, #tpu.memory_space<vmem>>)
      %slice3A_483 = vector.extract_strided_slice %get3A_376 {offsets = [1], sizes = [1], strides = [1]} : vector<16xi32> to vector<1xi32>
      %squeeze3A_484 = vector.extract %slice3A_483[0] : i32 from vector<1xi32>
      %and3A_485 = arith.constant 127 : i32
      %and3A_486 = arith.andi %squeeze3A_484, %and3A_485 : i32
      %slice3A_487 = vector.extract_strided_slice %get3A_378 {offsets = [1], sizes = [1], strides = [1]} : vector<16xi32> to vector<1xi32>
      %squeeze3A_488 = vector.extract %slice3A_487[0] : i32 from vector<1xi32>
      %and3A_489 = arith.constant 127 : i32
      %and3A_490 = arith.andi %squeeze3A_488, %and3A_489 : i32
      %broadcast_in_dim3A_491 = vector.broadcast %and3A_486 : i32 to vector<16xi32>
      %gather3A_492 = arith.constant 1 : i32
      %gather3A_493 = arith.constant 0 : i32
      %gather3A_494 = arith.constant 0 : i32
      %gather3A_495 = tpu.memref_slice %arg9[%gather3A_492, %gather3A_493, %gather3A_494] : memref<8x16x128xf32, #tpu.memory_space<vmem>> -> memref<1x16x128xf32, #tpu.memory_space<vmem>>
      %gather3A_496 = tpu.memref_squeeze %gather3A_495 : memref<1x16x128xf32, #tpu.memory_space<vmem>> -> memref<16x128xf32, #tpu.memory_space<vmem>>
      %gather3A_497 = tpu.vector_load_idx %gather3A_496[%iota3A, %broadcast_in_dim3A_491] : memref<16x128xf32, #tpu.memory_space<vmem>>[vector<16xi32>, vector<16xi32>], vector<16xf32>,
      %broadcast_in_dim3A_498 = vector.broadcast %and3A_490 : i32 to vector<16xi32>
      %gather3A_499 = arith.constant 1 : i32
      %gather3A_500 = arith.constant 0 : i32
      %gather3A_501 = arith.constant 0 : i32
      %gather3A_502 = tpu.memref_slice %arg10[%gather3A_499, %gather3A_500, %gather3A_501] : memref<8x16x128xf32, #tpu.memory_space<vmem>> -> memref<1x16x128xf32, #tpu.memory_space<vmem>>
      %gather3A_503 = tpu.memref_squeeze %gather3A_502 : memref<1x16x128xf32, #tpu.memory_space<vmem>> -> memref<16x128xf32, #tpu.memory_space<vmem>>
      %gather3A_504 = tpu.vector_load_idx %gather3A_503[%iota3A, %broadcast_in_dim3A_498] : memref<16x128xf32, #tpu.memory_space<vmem>>[vector<16xi32>, vector<16xi32>], vector<16xf32>,
      %mul3A_505 = arith.mulf %gather3A_497, %gather3A_504 : vector<16xf32>
      %add3A_506 = arith.constant 1 : i32
      %add3A_507 = arith.addi %mul3A_374, %add3A_506 : i32
      %add3A_508 = arith.constant 8 : i32
      %add3A_509 = arith.addi %add3A_507, %add3A_508 : i32
      %lt3A_510 = arith.constant 512 : i32
      %lt3A_511 = arith.cmpi slt, %add3A_509, %lt3A_510 : i32
      %convert_element_type3A_512 = arith.extui %lt3A_511 : i1 to i32
      %cond3A_513 = arith.constant 0 : i32
      %cond3A_514 = arith.cmpi ne, %convert_element_type3A_512, %cond3A_513 : i32
      scf.if %cond3A_514 {
        %slice3A_2026 = vector.extract_strided_slice %get3A_376 {offsets = [9], sizes = [1], strides = [1]} : vector<16xi32> to vector<1xi32>
        %squeeze3A_2027 = vector.extract %slice3A_2026[0] : i32 from vector<1xi32>
        %slice3A_2028 = vector.extract_strided_slice %get3A_378 {offsets = [9], sizes = [1], strides = [1]} : vector<16xi32> to vector<1xi32>
        %squeeze3A_2029 = vector.extract %slice3A_2028[0] : i32 from vector<1xi32>
        %shift_right_arithmetic3A_2030 = arith.constant 7 : i32
        %shift_right_arithmetic3A_2031 = arith.shrsi %squeeze3A_2027, %shift_right_arithmetic3A_2030 : i32
        %mul3A_2032 = arith.constant 128 : i32
        %mul3A_2033 = arith.muli %shift_right_arithmetic3A_2031, %mul3A_2032 : i32
        %multiple_of3A_2034 = tpu.assume_multiple %mul3A_2033, 128 : i32
        %shift_right_arithmetic3A_2035 = arith.constant 7 : i32
        %shift_right_arithmetic3A_2036 = arith.shrsi %squeeze3A_2029, %shift_right_arithmetic3A_2035 : i32
        %mul3A_2037 = arith.constant 128 : i32
        %mul3A_2038 = arith.muli %shift_right_arithmetic3A_2036, %mul3A_2037 : i32
        %multiple_of3A_2039 = tpu.assume_multiple %mul3A_2038, 128 : i32
        %dma_start3A_2040 = arith.constant 1 : i32
        %dma_start3A_2041 = arith.constant 1 : i32
        %dma_start3A_2042 = arith.constant 0 : i32
        %dma_start3A_2043 = arith.constant 0 : i32
        %dma_start3A_2044 = tpu.memref_slice %arg9[%dma_start3A_2040, %dma_start3A_2042, %dma_start3A_2043] : memref<8x16x128xf32, #tpu.memory_space<vmem>> -> memref<1x16x128xf32, #tpu.memory_space<vmem>>
        %dma_start3A_2045 = tpu.memref_squeeze %dma_start3A_2044 : memref<1x16x128xf32, #tpu.memory_space<vmem>> -> memref<16x128xf32, #tpu.memory_space<vmem>>
        %dma_start3A_2046 = arith.constant 0 : i32
        %dma_start3A_2047 = tpu.memref_slice %arg4[%dma_start3A_2046, %multiple_of3A_2034] : memref<16x1000000xf32, #tpu.memory_space<hbm>> -> memref<16x128xf32, #tpu.memory_space<hbm>>
        %dma_start3A_2048 = tpu.memref_slice %arg12[%dma_start3A_2041] : memref<8x!tpu.dma_semaphore, #tpu.memory_space<semaphore_mem>> -> memref<1x!tpu.dma_semaphore, #tpu.memory_space<semaphore_mem>>
        %dma_start3A_2049 = tpu.memref_squeeze %dma_start3A_2048 : memref<1x!tpu.dma_semaphore, #tpu.memory_space<semaphore_mem>> -> memref<!tpu.dma_semaphore, #tpu.memory_space<semaphore_mem>>
        %dma_start3A_2050 = arith.constant 0 : i32
        %dma_start3A_2051 = arith.constant 0 : i32
        %dma_start3A_2052 = tpu.memref_slice %arg9[%dma_start3A_2040, %dma_start3A_2050, %dma_start3A_2051] : memref<8x16x128xf32, #tpu.memory_space<vmem>> -> memref<1x16x128xf32, #tpu.memory_space<vmem>>
        %dma_start3A_2053 = tpu.memref_squeeze %dma_start3A_2052 : memref<1x16x128xf32, #tpu.memory_space<vmem>> -> memref<16x128xf32, #tpu.memory_space<vmem>>
        %dma_start3A_2054 = arith.constant 0 : i32
        %dma_start3A_2055 = tpu.memref_slice %arg4[%dma_start3A_2054, %multiple_of3A_2034] : memref<16x1000000xf32, #tpu.memory_space<hbm>> -> memref<16x128xf32, #tpu.memory_space<hbm>>
        tpu.enqueue_dma source(%dma_start3A_2055 : memref<16x128xf32, #tpu.memory_space<hbm>>) target(%dma_start3A_2053 : memref<16x128xf32, #tpu.memory_space<vmem>>) target_semaphore(%dma_start3A_2049 : memref<!tpu.dma_semaphore, #tpu.memory_space<semaphore_mem>>)
        %dma_start3A_2056 = arith.constant 1 : i32
        %dma_start3A_2057 = arith.constant 1 : i32
        %dma_start3A_2058 = arith.constant 0 : i32
        %dma_start3A_2059 = arith.constant 0 : i32
        %dma_start3A_2060 = tpu.memref_slice %arg10[%dma_start3A_2056, %dma_start3A_2058, %dma_start3A_2059] : memref<8x16x128xf32, #tpu.memory_space<vmem>> -> memref<1x16x128xf32, #tpu.memory_space<vmem>>
        %dma_start3A_2061 = tpu.memref_squeeze %dma_start3A_2060 : memref<1x16x128xf32, #tpu.memory_space<vmem>> -> memref<16x128xf32, #tpu.memory_space<vmem>>
        %dma_start3A_2062 = arith.constant 0 : i32
        %dma_start3A_2063 = tpu.memref_slice %arg5[%dma_start3A_2062, %multiple_of3A_2039] : memref<16x1000000xf32, #tpu.memory_space<hbm>> -> memref<16x128xf32, #tpu.memory_space<hbm>>
        %dma_start3A_2064 = tpu.memref_slice %arg12[%dma_start3A_2057] : memref<8x!tpu.dma_semaphore, #tpu.memory_space<semaphore_mem>> -> memref<1x!tpu.dma_semaphore, #tpu.memory_space<semaphore_mem>>
        %dma_start3A_2065 = tpu.memref_squeeze %dma_start3A_2064 : memref<1x!tpu.dma_semaphore, #tpu.memory_space<semaphore_mem>> -> memref<!tpu.dma_semaphore, #tpu.memory_space<semaphore_mem>>
        %dma_start3A_2066 = arith.constant 0 : i32
        %dma_start3A_2067 = arith.constant 0 : i32
        %dma_start3A_2068 = tpu.memref_slice %arg10[%dma_start3A_2056, %dma_start3A_2066, %dma_start3A_2067] : memref<8x16x128xf32, #tpu.memory_space<vmem>> -> memref<1x16x128xf32, #tpu.memory_space<vmem>>
        %dma_start3A_2069 = tpu.memref_squeeze %dma_start3A_2068 : memref<1x16x128xf32, #tpu.memory_space<vmem>> -> memref<16x128xf32, #tpu.memory_space<vmem>>
        %dma_start3A_2070 = arith.constant 0 : i32
        %dma_start3A_2071 = tpu.memref_slice %arg5[%dma_start3A_2070, %multiple_of3A_2039] : memref<16x1000000xf32, #tpu.memory_space<hbm>> -> memref<16x128xf32, #tpu.memory_space<hbm>>
        tpu.enqueue_dma source(%dma_start3A_2071 : memref<16x128xf32, #tpu.memory_space<hbm>>) target(%dma_start3A_2069 : memref<16x128xf32, #tpu.memory_space<vmem>>) target_semaphore(%dma_start3A_2065 : memref<!tpu.dma_semaphore, #tpu.memory_space<semaphore_mem>>)
      } else {
      }
      %dma_wait3A_515 = arith.constant 2 : i32
      %dma_wait3A_516 = arith.constant 2 : i32
      %dma_wait3A_517 = arith.constant 0 : i32
      %dma_wait3A_518 = arith.constant 0 : i32
      %dma_wait3A_519 = tpu.memref_slice %arg9[%dma_wait3A_515, %dma_wait3A_517, %dma_wait3A_518] : memref<8x16x128xf32, #tpu.memory_space<vmem>> -> memref<1x16x128xf32, #tpu.memory_space<vmem>>
      %dma_wait3A_520 = tpu.memref_squeeze %dma_wait3A_519 : memref<1x16x128xf32, #tpu.memory_space<vmem>> -> memref<16x128xf32, #tpu.memory_space<vmem>>
      %dma_wait3A_521 = arith.constant 0 : i32
      %dma_wait3A_522 = arith.constant 0 : i32
      %dma_wait3A_523 = tpu.memref_slice %arg4[%dma_wait3A_521, %dma_wait3A_522] : memref<16x1000000xf32, #tpu.memory_space<hbm>> -> memref<16x128xf32, #tpu.memory_space<hbm>>
      %dma_wait3A_524 = tpu.memref_slice %arg12[%dma_wait3A_516] : memref<8x!tpu.dma_semaphore, #tpu.memory_space<semaphore_mem>> -> memref<1x!tpu.dma_semaphore, #tpu.memory_space<semaphore_mem>>
      %dma_wait3A_525 = tpu.memref_squeeze %dma_wait3A_524 : memref<1x!tpu.dma_semaphore, #tpu.memory_space<semaphore_mem>> -> memref<!tpu.dma_semaphore, #tpu.memory_space<semaphore_mem>>
      %dma_wait3A_526 = arith.constant 0 : i32
      %dma_wait3A_527 = arith.constant 0 : i32
      %dma_wait3A_528 = tpu.memref_slice %arg9[%dma_wait3A_515, %dma_wait3A_526, %dma_wait3A_527] : memref<8x16x128xf32, #tpu.memory_space<vmem>> -> memref<1x16x128xf32, #tpu.memory_space<vmem>>
      %dma_wait3A_529 = tpu.memref_squeeze %dma_wait3A_528 : memref<1x16x128xf32, #tpu.memory_space<vmem>> -> memref<16x128xf32, #tpu.memory_space<vmem>>
      %dma_wait3A_530 = arith.constant 0 : i32
      %dma_wait3A_531 = arith.constant 0 : i32
      %dma_wait3A_532 = tpu.memref_slice %arg4[%dma_wait3A_530, %dma_wait3A_531] : memref<16x1000000xf32, #tpu.memory_space<hbm>> -> memref<16x128xf32, #tpu.memory_space<hbm>>
      tpu.wait_dma2 semaphore(%dma_wait3A_525 : memref<!tpu.dma_semaphore, #tpu.memory_space<semaphore_mem>>) src(%dma_wait3A_532 : memref<16x128xf32, #tpu.memory_space<hbm>>) dst(%dma_wait3A_529 : memref<16x128xf32, #tpu.memory_space<vmem>>)
      %dma_wait3A_533 = arith.constant 2 : i32
      %dma_wait3A_534 = arith.constant 2 : i32
      %dma_wait3A_535 = arith.constant 0 : i32
      %dma_wait3A_536 = arith.constant 0 : i32
      %dma_wait3A_537 = tpu.memref_slice %arg10[%dma_wait3A_533, %dma_wait3A_535, %dma_wait3A_536] : memref<8x16x128xf32, #tpu.memory_space<vmem>> -> memref<1x16x128xf32, #tpu.memory_space<vmem>>
      %dma_wait3A_538 = tpu.memref_squeeze %dma_wait3A_537 : memref<1x16x128xf32, #tpu.memory_space<vmem>> -> memref<16x128xf32, #tpu.memory_space<vmem>>
      %dma_wait3A_539 = arith.constant 0 : i32
      %dma_wait3A_540 = arith.constant 0 : i32
      %dma_wait3A_541 = tpu.memref_slice %arg5[%dma_wait3A_539, %dma_wait3A_540] : memref<16x1000000xf32, #tpu.memory_space<hbm>> -> memref<16x128xf32, #tpu.memory_space<hbm>>
      %dma_wait3A_542 = tpu.memref_slice %arg12[%dma_wait3A_534] : memref<8x!tpu.dma_semaphore, #tpu.memory_space<semaphore_mem>> -> memref<1x!tpu.dma_semaphore, #tpu.memory_space<semaphore_mem>>
      %dma_wait3A_543 = tpu.memref_squeeze %dma_wait3A_542 : memref<1x!tpu.dma_semaphore, #tpu.memory_space<semaphore_mem>> -> memref<!tpu.dma_semaphore, #tpu.memory_space<semaphore_mem>>
      %dma_wait3A_544 = arith.constant 0 : i32
      %dma_wait3A_545 = arith.constant 0 : i32
      %dma_wait3A_546 = tpu.memref_slice %arg10[%dma_wait3A_533, %dma_wait3A_544, %dma_wait3A_545] : memref<8x16x128xf32, #tpu.memory_space<vmem>> -> memref<1x16x128xf32, #tpu.memory_space<vmem>>
      %dma_wait3A_547 = tpu.memref_squeeze %dma_wait3A_546 : memref<1x16x128xf32, #tpu.memory_space<vmem>> -> memref<16x128xf32, #tpu.memory_space<vmem>>
      %dma_wait3A_548 = arith.constant 0 : i32
      %dma_wait3A_549 = arith.constant 0 : i32
      %dma_wait3A_550 = tpu.memref_slice %arg5[%dma_wait3A_548, %dma_wait3A_549] : memref<16x1000000xf32, #tpu.memory_space<hbm>> -> memref<16x128xf32, #tpu.memory_space<hbm>>
      tpu.wait_dma2 semaphore(%dma_wait3A_543 : memref<!tpu.dma_semaphore, #tpu.memory_space<semaphore_mem>>) src(%dma_wait3A_550 : memref<16x128xf32, #tpu.memory_space<hbm>>) dst(%dma_wait3A_547 : memref<16x128xf32, #tpu.memory_space<vmem>>)
      %slice3A_551 = vector.extract_strided_slice %get3A_376 {offsets = [2], sizes = [1], strides = [1]} : vector<16xi32> to vector<1xi32>
      %squeeze3A_552 = vector.extract %slice3A_551[0] : i32 from vector<1xi32>
      %and3A_553 = arith.constant 127 : i32
      %and3A_554 = arith.andi %squeeze3A_552, %and3A_553 : i32
      %slice3A_555 = vector.extract_strided_slice %get3A_378 {offsets = [2], sizes = [1], strides = [1]} : vector<16xi32> to vector<1xi32>
      %squeeze3A_556 = vector.extract %slice3A_555[0] : i32 from vector<1xi32>
      %and3A_557 = arith.constant 127 : i32
      %and3A_558 = arith.andi %squeeze3A_556, %and3A_557 : i32
      %broadcast_in_dim3A_559 = vector.broadcast %and3A_554 : i32 to vector<16xi32>
      %gather3A_560 = arith.constant 2 : i32
      %gather3A_561 = arith.constant 0 : i32
      %gather3A_562 = arith.constant 0 : i32
      %gather3A_563 = tpu.memref_slice %arg9[%gather3A_560, %gather3A_561, %gather3A_562] : memref<8x16x128xf32, #tpu.memory_space<vmem>> -> memref<1x16x128xf32, #tpu.memory_space<vmem>>
      %gather3A_564 = tpu.memref_squeeze %gather3A_563 : memref<1x16x128xf32, #tpu.memory_space<vmem>> -> memref<16x128xf32, #tpu.memory_space<vmem>>
      %gather3A_565 = tpu.vector_load_idx %gather3A_564[%iota3A, %broadcast_in_dim3A_559] : memref<16x128xf32, #tpu.memory_space<vmem>>[vector<16xi32>, vector<16xi32>], vector<16xf32>,
      %broadcast_in_dim3A_566 = vector.broadcast %and3A_558 : i32 to vector<16xi32>
      %gather3A_567 = arith.constant 2 : i32
      %gather3A_568 = arith.constant 0 : i32
      %gather3A_569 = arith.constant 0 : i32
      %gather3A_570 = tpu.memref_slice %arg10[%gather3A_567, %gather3A_568, %gather3A_569] : memref<8x16x128xf32, #tpu.memory_space<vmem>> -> memref<1x16x128xf32, #tpu.memory_space<vmem>>
      %gather3A_571 = tpu.memref_squeeze %gather3A_570 : memref<1x16x128xf32, #tpu.memory_space<vmem>> -> memref<16x128xf32, #tpu.memory_space<vmem>>
      %gather3A_572 = tpu.vector_load_idx %gather3A_571[%iota3A, %broadcast_in_dim3A_566] : memref<16x128xf32, #tpu.memory_space<vmem>>[vector<16xi32>, vector<16xi32>], vector<16xf32>,
      %mul3A_573 = arith.mulf %gather3A_565, %gather3A_572 : vector<16xf32>
      %add3A_574 = arith.constant 2 : i32
      %add3A_575 = arith.addi %mul3A_374, %add3A_574 : i32
      %add3A_576 = arith.constant 8 : i32
      %add3A_577 = arith.addi %add3A_575, %add3A_576 : i32
      %lt3A_578 = arith.constant 512 : i32
      %lt3A_579 = arith.cmpi slt, %add3A_577, %lt3A_578 : i32
      %convert_element_type3A_580 = arith.extui %lt3A_579 : i1 to i32
      %cond3A_581 = arith.constant 0 : i32
      %cond3A_582 = arith.cmpi ne, %convert_element_type3A_580, %cond3A_581 : i32
      scf.if %cond3A_582 {
        %slice3A_2026 = vector.extract_strided_slice %get3A_376 {offsets = [10], sizes = [1], strides = [1]} : vector<16xi32> to vector<1xi32>
        %squeeze3A_2027 = vector.extract %slice3A_2026[0] : i32 from vector<1xi32>
        %slice3A_2028 = vector.extract_strided_slice %get3A_378 {offsets = [10], sizes = [1], strides = [1]} : vector<16xi32> to vector<1xi32>
        %squeeze3A_2029 = vector.extract %slice3A_2028[0] : i32 from vector<1xi32>
        %shift_right_arithmetic3A_2030 = arith.constant 7 : i32
        %shift_right_arithmetic3A_2031 = arith.shrsi %squeeze3A_2027, %shift_right_arithmetic3A_2030 : i32
        %mul3A_2032 = arith.constant 128 : i32
        %mul3A_2033 = arith.muli %shift_right_arithmetic3A_2031, %mul3A_2032 : i32
        %multiple_of3A_2034 = tpu.assume_multiple %mul3A_2033, 128 : i32
        %shift_right_arithmetic3A_2035 = arith.constant 7 : i32
        %shift_right_arithmetic3A_2036 = arith.shrsi %squeeze3A_2029, %shift_right_arithmetic3A_2035 : i32
        %mul3A_2037 = arith.constant 128 : i32
        %mul3A_2038 = arith.muli %shift_right_arithmetic3A_2036, %mul3A_2037 : i32
        %multiple_of3A_2039 = tpu.assume_multiple %mul3A_2038, 128 : i32
        %dma_start3A_2040 = arith.constant 2 : i32
        %dma_start3A_2041 = arith.constant 2 : i32
        %dma_start3A_2042 = arith.constant 0 : i32
        %dma_start3A_2043 = arith.constant 0 : i32
        %dma_start3A_2044 = tpu.memref_slice %arg9[%dma_start3A_2040, %dma_start3A_2042, %dma_start3A_2043] : memref<8x16x128xf32, #tpu.memory_space<vmem>> -> memref<1x16x128xf32, #tpu.memory_space<vmem>>
        %dma_start3A_2045 = tpu.memref_squeeze %dma_start3A_2044 : memref<1x16x128xf32, #tpu.memory_space<vmem>> -> memref<16x128xf32, #tpu.memory_space<vmem>>
        %dma_start3A_2046 = arith.constant 0 : i32
        %dma_start3A_2047 = tpu.memref_slice %arg4[%dma_start3A_2046, %multiple_of3A_2034] : memref<16x1000000xf32, #tpu.memory_space<hbm>> -> memref<16x128xf32, #tpu.memory_space<hbm>>
        %dma_start3A_2048 = tpu.memref_slice %arg12[%dma_start3A_2041] : memref<8x!tpu.dma_semaphore, #tpu.memory_space<semaphore_mem>> -> memref<1x!tpu.dma_semaphore, #tpu.memory_space<semaphore_mem>>
        %dma_start3A_2049 = tpu.memref_squeeze %dma_start3A_2048 : memref<1x!tpu.dma_semaphore, #tpu.memory_space<semaphore_mem>> -> memref<!tpu.dma_semaphore, #tpu.memory_space<semaphore_mem>>
        %dma_start3A_2050 = arith.constant 0 : i32
        %dma_start3A_2051 = arith.constant 0 : i32
        %dma_start3A_2052 = tpu.memref_slice %arg9[%dma_start3A_2040, %dma_start3A_2050, %dma_start3A_2051] : memref<8x16x128xf32, #tpu.memory_space<vmem>> -> memref<1x16x128xf32, #tpu.memory_space<vmem>>
        %dma_start3A_2053 = tpu.memref_squeeze %dma_start3A_2052 : memref<1x16x128xf32, #tpu.memory_space<vmem>> -> memref<16x128xf32, #tpu.memory_space<vmem>>
        %dma_start3A_2054 = arith.constant 0 : i32
        %dma_start3A_2055 = tpu.memref_slice %arg4[%dma_start3A_2054, %multiple_of3A_2034] : memref<16x1000000xf32, #tpu.memory_space<hbm>> -> memref<16x128xf32, #tpu.memory_space<hbm>>
        tpu.enqueue_dma source(%dma_start3A_2055 : memref<16x128xf32, #tpu.memory_space<hbm>>) target(%dma_start3A_2053 : memref<16x128xf32, #tpu.memory_space<vmem>>) target_semaphore(%dma_start3A_2049 : memref<!tpu.dma_semaphore, #tpu.memory_space<semaphore_mem>>)
        %dma_start3A_2056 = arith.constant 2 : i32
        %dma_start3A_2057 = arith.constant 2 : i32
        %dma_start3A_2058 = arith.constant 0 : i32
        %dma_start3A_2059 = arith.constant 0 : i32
        %dma_start3A_2060 = tpu.memref_slice %arg10[%dma_start3A_2056, %dma_start3A_2058, %dma_start3A_2059] : memref<8x16x128xf32, #tpu.memory_space<vmem>> -> memref<1x16x128xf32, #tpu.memory_space<vmem>>
        %dma_start3A_2061 = tpu.memref_squeeze %dma_start3A_2060 : memref<1x16x128xf32, #tpu.memory_space<vmem>> -> memref<16x128xf32, #tpu.memory_space<vmem>>
        %dma_start3A_2062 = arith.constant 0 : i32
        %dma_start3A_2063 = tpu.memref_slice %arg5[%dma_start3A_2062, %multiple_of3A_2039] : memref<16x1000000xf32, #tpu.memory_space<hbm>> -> memref<16x128xf32, #tpu.memory_space<hbm>>
        %dma_start3A_2064 = tpu.memref_slice %arg12[%dma_start3A_2057] : memref<8x!tpu.dma_semaphore, #tpu.memory_space<semaphore_mem>> -> memref<1x!tpu.dma_semaphore, #tpu.memory_space<semaphore_mem>>
        %dma_start3A_2065 = tpu.memref_squeeze %dma_start3A_2064 : memref<1x!tpu.dma_semaphore, #tpu.memory_space<semaphore_mem>> -> memref<!tpu.dma_semaphore, #tpu.memory_space<semaphore_mem>>
        %dma_start3A_2066 = arith.constant 0 : i32
        %dma_start3A_2067 = arith.constant 0 : i32
        %dma_start3A_2068 = tpu.memref_slice %arg10[%dma_start3A_2056, %dma_start3A_2066, %dma_start3A_2067] : memref<8x16x128xf32, #tpu.memory_space<vmem>> -> memref<1x16x128xf32, #tpu.memory_space<vmem>>
        %dma_start3A_2069 = tpu.memref_squeeze %dma_start3A_2068 : memref<1x16x128xf32, #tpu.memory_space<vmem>> -> memref<16x128xf32, #tpu.memory_space<vmem>>
        %dma_start3A_2070 = arith.constant 0 : i32
        %dma_start3A_2071 = tpu.memref_slice %arg5[%dma_start3A_2070, %multiple_of3A_2039] : memref<16x1000000xf32, #tpu.memory_space<hbm>> -> memref<16x128xf32, #tpu.memory_space<hbm>>
        tpu.enqueue_dma source(%dma_start3A_2071 : memref<16x128xf32, #tpu.memory_space<hbm>>) target(%dma_start3A_2069 : memref<16x128xf32, #tpu.memory_space<vmem>>) target_semaphore(%dma_start3A_2065 : memref<!tpu.dma_semaphore, #tpu.memory_space<semaphore_mem>>)
      } else {
      }
      %dma_wait3A_583 = arith.constant 3 : i32
      %dma_wait3A_584 = arith.constant 3 : i32
      %dma_wait3A_585 = arith.constant 0 : i32
      %dma_wait3A_586 = arith.constant 0 : i32
      %dma_wait3A_587 = tpu.memref_slice %arg9[%dma_wait3A_583, %dma_wait3A_585, %dma_wait3A_586] : memref<8x16x128xf32, #tpu.memory_space<vmem>> -> memref<1x16x128xf32, #tpu.memory_space<vmem>>
      %dma_wait3A_588 = tpu.memref_squeeze %dma_wait3A_587 : memref<1x16x128xf32, #tpu.memory_space<vmem>> -> memref<16x128xf32, #tpu.memory_space<vmem>>
      %dma_wait3A_589 = arith.constant 0 : i32
      %dma_wait3A_590 = arith.constant 0 : i32
      %dma_wait3A_591 = tpu.memref_slice %arg4[%dma_wait3A_589, %dma_wait3A_590] : memref<16x1000000xf32, #tpu.memory_space<hbm>> -> memref<16x128xf32, #tpu.memory_space<hbm>>
      %dma_wait3A_592 = tpu.memref_slice %arg12[%dma_wait3A_584] : memref<8x!tpu.dma_semaphore, #tpu.memory_space<semaphore_mem>> -> memref<1x!tpu.dma_semaphore, #tpu.memory_space<semaphore_mem>>
      %dma_wait3A_593 = tpu.memref_squeeze %dma_wait3A_592 : memref<1x!tpu.dma_semaphore, #tpu.memory_space<semaphore_mem>> -> memref<!tpu.dma_semaphore, #tpu.memory_space<semaphore_mem>>
      %dma_wait3A_594 = arith.constant 0 : i32
      %dma_wait3A_595 = arith.constant 0 : i32
      %dma_wait3A_596 = tpu.memref_slice %arg9[%dma_wait3A_583, %dma_wait3A_594, %dma_wait3A_595] : memref<8x16x128xf32, #tpu.memory_space<vmem>> -> memref<1x16x128xf32, #tpu.memory_space<vmem>>
      %dma_wait3A_597 = tpu.memref_squeeze %dma_wait3A_596 : memref<1x16x128xf32, #tpu.memory_space<vmem>> -> memref<16x128xf32, #tpu.memory_space<vmem>>
      %dma_wait3A_598 = arith.constant 0 : i32
      %dma_wait3A_599 = arith.constant 0 : i32
      %dma_wait3A_600 = tpu.memref_slice %arg4[%dma_wait3A_598, %dma_wait3A_599] : memref<16x1000000xf32, #tpu.memory_space<hbm>> -> memref<16x128xf32, #tpu.memory_space<hbm>>
      tpu.wait_dma2 semaphore(%dma_wait3A_593 : memref<!tpu.dma_semaphore, #tpu.memory_space<semaphore_mem>>) src(%dma_wait3A_600 : memref<16x128xf32, #tpu.memory_space<hbm>>) dst(%dma_wait3A_597 : memref<16x128xf32, #tpu.memory_space<vmem>>)
      %dma_wait3A_601 = arith.constant 3 : i32
      %dma_wait3A_602 = arith.constant 3 : i32
      %dma_wait3A_603 = arith.constant 0 : i32
      %dma_wait3A_604 = arith.constant 0 : i32
      %dma_wait3A_605 = tpu.memref_slice %arg10[%dma_wait3A_601, %dma_wait3A_603, %dma_wait3A_604] : memref<8x16x128xf32, #tpu.memory_space<vmem>> -> memref<1x16x128xf32, #tpu.memory_space<vmem>>
      %dma_wait3A_606 = tpu.memref_squeeze %dma_wait3A_605 : memref<1x16x128xf32, #tpu.memory_space<vmem>> -> memref<16x128xf32, #tpu.memory_space<vmem>>
      %dma_wait3A_607 = arith.constant 0 : i32
      %dma_wait3A_608 = arith.constant 0 : i32
      %dma_wait3A_609 = tpu.memref_slice %arg5[%dma_wait3A_607, %dma_wait3A_608] : memref<16x1000000xf32, #tpu.memory_space<hbm>> -> memref<16x128xf32, #tpu.memory_space<hbm>>
      %dma_wait3A_610 = tpu.memref_slice %arg12[%dma_wait3A_602] : memref<8x!tpu.dma_semaphore, #tpu.memory_space<semaphore_mem>> -> memref<1x!tpu.dma_semaphore, #tpu.memory_space<semaphore_mem>>
      %dma_wait3A_611 = tpu.memref_squeeze %dma_wait3A_610 : memref<1x!tpu.dma_semaphore, #tpu.memory_space<semaphore_mem>> -> memref<!tpu.dma_semaphore, #tpu.memory_space<semaphore_mem>>
      %dma_wait3A_612 = arith.constant 0 : i32
      %dma_wait3A_613 = arith.constant 0 : i32
      %dma_wait3A_614 = tpu.memref_slice %arg10[%dma_wait3A_601, %dma_wait3A_612, %dma_wait3A_613] : memref<8x16x128xf32, #tpu.memory_space<vmem>> -> memref<1x16x128xf32, #tpu.memory_space<vmem>>
      %dma_wait3A_615 = tpu.memref_squeeze %dma_wait3A_614 : memref<1x16x128xf32, #tpu.memory_space<vmem>> -> memref<16x128xf32, #tpu.memory_space<vmem>>
      %dma_wait3A_616 = arith.constant 0 : i32
      %dma_wait3A_617 = arith.constant 0 : i32
      %dma_wait3A_618 = tpu.memref_slice %arg5[%dma_wait3A_616, %dma_wait3A_617] : memref<16x1000000xf32, #tpu.memory_space<hbm>> -> memref<16x128xf32, #tpu.memory_space<hbm>>
      tpu.wait_dma2 semaphore(%dma_wait3A_611 : memref<!tpu.dma_semaphore, #tpu.memory_space<semaphore_mem>>) src(%dma_wait3A_618 : memref<16x128xf32, #tpu.memory_space<hbm>>) dst(%dma_wait3A_615 : memref<16x128xf32, #tpu.memory_space<vmem>>)
      %slice3A_619 = vector.extract_strided_slice %get3A_376 {offsets = [3], sizes = [1], strides = [1]} : vector<16xi32> to vector<1xi32>
      %squeeze3A_620 = vector.extract %slice3A_619[0] : i32 from vector<1xi32>
      %and3A_621 = arith.constant 127 : i32
      %and3A_622 = arith.andi %squeeze3A_620, %and3A_621 : i32
      %slice3A_623 = vector.extract_strided_slice %get3A_378 {offsets = [3], sizes = [1], strides = [1]} : vector<16xi32> to vector<1xi32>
      %squeeze3A_624 = vector.extract %slice3A_623[0] : i32 from vector<1xi32>
      %and3A_625 = arith.constant 127 : i32
      %and3A_626 = arith.andi %squeeze3A_624, %and3A_625 : i32
      %broadcast_in_dim3A_627 = vector.broadcast %and3A_622 : i32 to vector<16xi32>
      %gather3A_628 = arith.constant 3 : i32
      %gather3A_629 = arith.constant 0 : i32
      %gather3A_630 = arith.constant 0 : i32
      %gather3A_631 = tpu.memref_slice %arg9[%gather3A_628, %gather3A_629, %gather3A_630] : memref<8x16x128xf32, #tpu.memory_space<vmem>> -> memref<1x16x128xf32, #tpu.memory_space<vmem>>
      %gather3A_632 = tpu.memref_squeeze %gather3A_631 : memref<1x16x128xf32, #tpu.memory_space<vmem>> -> memref<16x128xf32, #tpu.memory_space<vmem>>
      %gather3A_633 = tpu.vector_load_idx %gather3A_632[%iota3A, %broadcast_in_dim3A_627] : memref<16x128xf32, #tpu.memory_space<vmem>>[vector<16xi32>, vector<16xi32>], vector<16xf32>,
      %broadcast_in_dim3A_634 = vector.broadcast %and3A_626 : i32 to vector<16xi32>
      %gather3A_635 = arith.constant 3 : i32
      %gather3A_636 = arith.constant 0 : i32
      %gather3A_637 = arith.constant 0 : i32
      %gather3A_638 = tpu.memref_slice %arg10[%gather3A_635, %gather3A_636, %gather3A_637] : memref<8x16x128xf32, #tpu.memory_space<vmem>> -> memref<1x16x128xf32, #tpu.memory_space<vmem>>
      %gather3A_639 = tpu.memref_squeeze %gather3A_638 : memref<1x16x128xf32, #tpu.memory_space<vmem>> -> memref<16x128xf32, #tpu.memory_space<vmem>>
      %gather3A_640 = tpu.vector_load_idx %gather3A_639[%iota3A, %broadcast_in_dim3A_634] : memref<16x128xf32, #tpu.memory_space<vmem>>[vector<16xi32>, vector<16xi32>], vector<16xf32>,
      %mul3A_641 = arith.mulf %gather3A_633, %gather3A_640 : vector<16xf32>
      %add3A_642 = arith.constant 3 : i32
      %add3A_643 = arith.addi %mul3A_374, %add3A_642 : i32
      %add3A_644 = arith.constant 8 : i32
      %add3A_645 = arith.addi %add3A_643, %add3A_644 : i32
      %lt3A_646 = arith.constant 512 : i32
      %lt3A_647 = arith.cmpi slt, %add3A_645, %lt3A_646 : i32
      %convert_element_type3A_648 = arith.extui %lt3A_647 : i1 to i32
      %cond3A_649 = arith.constant 0 : i32
      %cond3A_650 = arith.cmpi ne, %convert_element_type3A_648, %cond3A_649 : i32
      scf.if %cond3A_650 {
        %slice3A_2026 = vector.extract_strided_slice %get3A_376 {offsets = [11], sizes = [1], strides = [1]} : vector<16xi32> to vector<1xi32>
        %squeeze3A_2027 = vector.extract %slice3A_2026[0] : i32 from vector<1xi32>
        %slice3A_2028 = vector.extract_strided_slice %get3A_378 {offsets = [11], sizes = [1], strides = [1]} : vector<16xi32> to vector<1xi32>
        %squeeze3A_2029 = vector.extract %slice3A_2028[0] : i32 from vector<1xi32>
        %shift_right_arithmetic3A_2030 = arith.constant 7 : i32
        %shift_right_arithmetic3A_2031 = arith.shrsi %squeeze3A_2027, %shift_right_arithmetic3A_2030 : i32
        %mul3A_2032 = arith.constant 128 : i32
        %mul3A_2033 = arith.muli %shift_right_arithmetic3A_2031, %mul3A_2032 : i32
        %multiple_of3A_2034 = tpu.assume_multiple %mul3A_2033, 128 : i32
        %shift_right_arithmetic3A_2035 = arith.constant 7 : i32
        %shift_right_arithmetic3A_2036 = arith.shrsi %squeeze3A_2029, %shift_right_arithmetic3A_2035 : i32
        %mul3A_2037 = arith.constant 128 : i32
        %mul3A_2038 = arith.muli %shift_right_arithmetic3A_2036, %mul3A_2037 : i32
        %multiple_of3A_2039 = tpu.assume_multiple %mul3A_2038, 128 : i32
        %dma_start3A_2040 = arith.constant 3 : i32
        %dma_start3A_2041 = arith.constant 3 : i32
        %dma_start3A_2042 = arith.constant 0 : i32
        %dma_start3A_2043 = arith.constant 0 : i32
        %dma_start3A_2044 = tpu.memref_slice %arg9[%dma_start3A_2040, %dma_start3A_2042, %dma_start3A_2043] : memref<8x16x128xf32, #tpu.memory_space<vmem>> -> memref<1x16x128xf32, #tpu.memory_space<vmem>>
        %dma_start3A_2045 = tpu.memref_squeeze %dma_start3A_2044 : memref<1x16x128xf32, #tpu.memory_space<vmem>> -> memref<16x128xf32, #tpu.memory_space<vmem>>
        %dma_start3A_2046 = arith.constant 0 : i32
        %dma_start3A_2047 = tpu.memref_slice %arg4[%dma_start3A_2046, %multiple_of3A_2034] : memref<16x1000000xf32, #tpu.memory_space<hbm>> -> memref<16x128xf32, #tpu.memory_space<hbm>>
        %dma_start3A_2048 = tpu.memref_slice %arg12[%dma_start3A_2041] : memref<8x!tpu.dma_semaphore, #tpu.memory_space<semaphore_mem>> -> memref<1x!tpu.dma_semaphore, #tpu.memory_space<semaphore_mem>>
        %dma_start3A_2049 = tpu.memref_squeeze %dma_start3A_2048 : memref<1x!tpu.dma_semaphore, #tpu.memory_space<semaphore_mem>> -> memref<!tpu.dma_semaphore, #tpu.memory_space<semaphore_mem>>
        %dma_start3A_2050 = arith.constant 0 : i32
        %dma_start3A_2051 = arith.constant 0 : i32
        %dma_start3A_2052 = tpu.memref_slice %arg9[%dma_start3A_2040, %dma_start3A_2050, %dma_start3A_2051] : memref<8x16x128xf32, #tpu.memory_space<vmem>> -> memref<1x16x128xf32, #tpu.memory_space<vmem>>
        %dma_start3A_2053 = tpu.memref_squeeze %dma_start3A_2052 : memref<1x16x128xf32, #tpu.memory_space<vmem>> -> memref<16x128xf32, #tpu.memory_space<vmem>>
        %dma_start3A_2054 = arith.constant 0 : i32
        %dma_start3A_2055 = tpu.memref_slice %arg4[%dma_start3A_2054, %multiple_of3A_2034] : memref<16x1000000xf32, #tpu.memory_space<hbm>> -> memref<16x128xf32, #tpu.memory_space<hbm>>
        tpu.enqueue_dma source(%dma_start3A_2055 : memref<16x128xf32, #tpu.memory_space<hbm>>) target(%dma_start3A_2053 : memref<16x128xf32, #tpu.memory_space<vmem>>) target_semaphore(%dma_start3A_2049 : memref<!tpu.dma_semaphore, #tpu.memory_space<semaphore_mem>>)
        %dma_start3A_2056 = arith.constant 3 : i32
        %dma_start3A_2057 = arith.constant 3 : i32
        %dma_start3A_2058 = arith.constant 0 : i32
        %dma_start3A_2059 = arith.constant 0 : i32
        %dma_start3A_2060 = tpu.memref_slice %arg10[%dma_start3A_2056, %dma_start3A_2058, %dma_start3A_2059] : memref<8x16x128xf32, #tpu.memory_space<vmem>> -> memref<1x16x128xf32, #tpu.memory_space<vmem>>
        %dma_start3A_2061 = tpu.memref_squeeze %dma_start3A_2060 : memref<1x16x128xf32, #tpu.memory_space<vmem>> -> memref<16x128xf32, #tpu.memory_space<vmem>>
        %dma_start3A_2062 = arith.constant 0 : i32
        %dma_start3A_2063 = tpu.memref_slice %arg5[%dma_start3A_2062, %multiple_of3A_2039] : memref<16x1000000xf32, #tpu.memory_space<hbm>> -> memref<16x128xf32, #tpu.memory_space<hbm>>
        %dma_start3A_2064 = tpu.memref_slice %arg12[%dma_start3A_2057] : memref<8x!tpu.dma_semaphore, #tpu.memory_space<semaphore_mem>> -> memref<1x!tpu.dma_semaphore, #tpu.memory_space<semaphore_mem>>
        %dma_start3A_2065 = tpu.memref_squeeze %dma_start3A_2064 : memref<1x!tpu.dma_semaphore, #tpu.memory_space<semaphore_mem>> -> memref<!tpu.dma_semaphore, #tpu.memory_space<semaphore_mem>>
        %dma_start3A_2066 = arith.constant 0 : i32
        %dma_start3A_2067 = arith.constant 0 : i32
        %dma_start3A_2068 = tpu.memref_slice %arg10[%dma_start3A_2056, %dma_start3A_2066, %dma_start3A_2067] : memref<8x16x128xf32, #tpu.memory_space<vmem>> -> memref<1x16x128xf32, #tpu.memory_space<vmem>>
        %dma_start3A_2069 = tpu.memref_squeeze %dma_start3A_2068 : memref<1x16x128xf32, #tpu.memory_space<vmem>> -> memref<16x128xf32, #tpu.memory_space<vmem>>
        %dma_start3A_2070 = arith.constant 0 : i32
        %dma_start3A_2071 = tpu.memref_slice %arg5[%dma_start3A_2070, %multiple_of3A_2039] : memref<16x1000000xf32, #tpu.memory_space<hbm>> -> memref<16x128xf32, #tpu.memory_space<hbm>>
        tpu.enqueue_dma source(%dma_start3A_2071 : memref<16x128xf32, #tpu.memory_space<hbm>>) target(%dma_start3A_2069 : memref<16x128xf32, #tpu.memory_space<vmem>>) target_semaphore(%dma_start3A_2065 : memref<!tpu.dma_semaphore, #tpu.memory_space<semaphore_mem>>)
      } else {
      }
      %dma_wait3A_651 = arith.constant 4 : i32
      %dma_wait3A_652 = arith.constant 4 : i32
      %dma_wait3A_653 = arith.constant 0 : i32
      %dma_wait3A_654 = arith.constant 0 : i32
      %dma_wait3A_655 = tpu.memref_slice %arg9[%dma_wait3A_651, %dma_wait3A_653, %dma_wait3A_654] : memref<8x16x128xf32, #tpu.memory_space<vmem>> -> memref<1x16x128xf32, #tpu.memory_space<vmem>>
      %dma_wait3A_656 = tpu.memref_squeeze %dma_wait3A_655 : memref<1x16x128xf32, #tpu.memory_space<vmem>> -> memref<16x128xf32, #tpu.memory_space<vmem>>
      %dma_wait3A_657 = arith.constant 0 : i32
      %dma_wait3A_658 = arith.constant 0 : i32
      %dma_wait3A_659 = tpu.memref_slice %arg4[%dma_wait3A_657, %dma_wait3A_658] : memref<16x1000000xf32, #tpu.memory_space<hbm>> -> memref<16x128xf32, #tpu.memory_space<hbm>>
      %dma_wait3A_660 = tpu.memref_slice %arg12[%dma_wait3A_652] : memref<8x!tpu.dma_semaphore, #tpu.memory_space<semaphore_mem>> -> memref<1x!tpu.dma_semaphore, #tpu.memory_space<semaphore_mem>>
      %dma_wait3A_661 = tpu.memref_squeeze %dma_wait3A_660 : memref<1x!tpu.dma_semaphore, #tpu.memory_space<semaphore_mem>> -> memref<!tpu.dma_semaphore, #tpu.memory_space<semaphore_mem>>
      %dma_wait3A_662 = arith.constant 0 : i32
      %dma_wait3A_663 = arith.constant 0 : i32
      %dma_wait3A_664 = tpu.memref_slice %arg9[%dma_wait3A_651, %dma_wait3A_662, %dma_wait3A_663] : memref<8x16x128xf32, #tpu.memory_space<vmem>> -> memref<1x16x128xf32, #tpu.memory_space<vmem>>
      %dma_wait3A_665 = tpu.memref_squeeze %dma_wait3A_664 : memref<1x16x128xf32, #tpu.memory_space<vmem>> -> memref<16x128xf32, #tpu.memory_space<vmem>>
      %dma_wait3A_666 = arith.constant 0 : i32
      %dma_wait3A_667 = arith.constant 0 : i32
      %dma_wait3A_668 = tpu.memref_slice %arg4[%dma_wait3A_666, %dma_wait3A_667] : memref<16x1000000xf32, #tpu.memory_space<hbm>> -> memref<16x128xf32, #tpu.memory_space<hbm>>
      tpu.wait_dma2 semaphore(%dma_wait3A_661 : memref<!tpu.dma_semaphore, #tpu.memory_space<semaphore_mem>>) src(%dma_wait3A_668 : memref<16x128xf32, #tpu.memory_space<hbm>>) dst(%dma_wait3A_665 : memref<16x128xf32, #tpu.memory_space<vmem>>)
      %dma_wait3A_669 = arith.constant 4 : i32
      %dma_wait3A_670 = arith.constant 4 : i32
      %dma_wait3A_671 = arith.constant 0 : i32
      %dma_wait3A_672 = arith.constant 0 : i32
      %dma_wait3A_673 = tpu.memref_slice %arg10[%dma_wait3A_669, %dma_wait3A_671, %dma_wait3A_672] : memref<8x16x128xf32, #tpu.memory_space<vmem>> -> memref<1x16x128xf32, #tpu.memory_space<vmem>>
      %dma_wait3A_674 = tpu.memref_squeeze %dma_wait3A_673 : memref<1x16x128xf32, #tpu.memory_space<vmem>> -> memref<16x128xf32, #tpu.memory_space<vmem>>
      %dma_wait3A_675 = arith.constant 0 : i32
      %dma_wait3A_676 = arith.constant 0 : i32
      %dma_wait3A_677 = tpu.memref_slice %arg5[%dma_wait3A_675, %dma_wait3A_676] : memref<16x1000000xf32, #tpu.memory_space<hbm>> -> memref<16x128xf32, #tpu.memory_space<hbm>>
      %dma_wait3A_678 = tpu.memref_slice %arg12[%dma_wait3A_670] : memref<8x!tpu.dma_semaphore, #tpu.memory_space<semaphore_mem>> -> memref<1x!tpu.dma_semaphore, #tpu.memory_space<semaphore_mem>>
      %dma_wait3A_679 = tpu.memref_squeeze %dma_wait3A_678 : memref<1x!tpu.dma_semaphore, #tpu.memory_space<semaphore_mem>> -> memref<!tpu.dma_semaphore, #tpu.memory_space<semaphore_mem>>
      %dma_wait3A_680 = arith.constant 0 : i32
      %dma_wait3A_681 = arith.constant 0 : i32
      %dma_wait3A_682 = tpu.memref_slice %arg10[%dma_wait3A_669, %dma_wait3A_680, %dma_wait3A_681] : memref<8x16x128xf32, #tpu.memory_space<vmem>> -> memref<1x16x128xf32, #tpu.memory_space<vmem>>
      %dma_wait3A_683 = tpu.memref_squeeze %dma_wait3A_682 : memref<1x16x128xf32, #tpu.memory_space<vmem>> -> memref<16x128xf32, #tpu.memory_space<vmem>>
      %dma_wait3A_684 = arith.constant 0 : i32
      %dma_wait3A_685 = arith.constant 0 : i32
      %dma_wait3A_686 = tpu.memref_slice %arg5[%dma_wait3A_684, %dma_wait3A_685] : memref<16x1000000xf32, #tpu.memory_space<hbm>> -> memref<16x128xf32, #tpu.memory_space<hbm>>
      tpu.wait_dma2 semaphore(%dma_wait3A_679 : memref<!tpu.dma_semaphore, #tpu.memory_space<semaphore_mem>>) src(%dma_wait3A_686 : memref<16x128xf32, #tpu.memory_space<hbm>>) dst(%dma_wait3A_683 : memref<16x128xf32, #tpu.memory_space<vmem>>)
      %slice3A_687 = vector.extract_strided_slice %get3A_376 {offsets = [4], sizes = [1], strides = [1]} : vector<16xi32> to vector<1xi32>
      %squeeze3A_688 = vector.extract %slice3A_687[0] : i32 from vector<1xi32>
      %and3A_689 = arith.constant 127 : i32
      %and3A_690 = arith.andi %squeeze3A_688, %and3A_689 : i32
      %slice3A_691 = vector.extract_strided_slice %get3A_378 {offsets = [4], sizes = [1], strides = [1]} : vector<16xi32> to vector<1xi32>
      %squeeze3A_692 = vector.extract %slice3A_691[0] : i32 from vector<1xi32>
      %and3A_693 = arith.constant 127 : i32
      %and3A_694 = arith.andi %squeeze3A_692, %and3A_693 : i32
      %broadcast_in_dim3A_695 = vector.broadcast %and3A_690 : i32 to vector<16xi32>
      %gather3A_696 = arith.constant 4 : i32
      %gather3A_697 = arith.constant 0 : i32
      %gather3A_698 = arith.constant 0 : i32
      %gather3A_699 = tpu.memref_slice %arg9[%gather3A_696, %gather3A_697, %gather3A_698] : memref<8x16x128xf32, #tpu.memory_space<vmem>> -> memref<1x16x128xf32, #tpu.memory_space<vmem>>
      %gather3A_700 = tpu.memref_squeeze %gather3A_699 : memref<1x16x128xf32, #tpu.memory_space<vmem>> -> memref<16x128xf32, #tpu.memory_space<vmem>>
      %gather3A_701 = tpu.vector_load_idx %gather3A_700[%iota3A, %broadcast_in_dim3A_695] : memref<16x128xf32, #tpu.memory_space<vmem>>[vector<16xi32>, vector<16xi32>], vector<16xf32>,
      %broadcast_in_dim3A_702 = vector.broadcast %and3A_694 : i32 to vector<16xi32>
      %gather3A_703 = arith.constant 4 : i32
      %gather3A_704 = arith.constant 0 : i32
      %gather3A_705 = arith.constant 0 : i32
      %gather3A_706 = tpu.memref_slice %arg10[%gather3A_703, %gather3A_704, %gather3A_705] : memref<8x16x128xf32, #tpu.memory_space<vmem>> -> memref<1x16x128xf32, #tpu.memory_space<vmem>>
      %gather3A_707 = tpu.memref_squeeze %gather3A_706 : memref<1x16x128xf32, #tpu.memory_space<vmem>> -> memref<16x128xf32, #tpu.memory_space<vmem>>
      %gather3A_708 = tpu.vector_load_idx %gather3A_707[%iota3A, %broadcast_in_dim3A_702] : memref<16x128xf32, #tpu.memory_space<vmem>>[vector<16xi32>, vector<16xi32>], vector<16xf32>,
      %mul3A_709 = arith.mulf %gather3A_701, %gather3A_708 : vector<16xf32>
      %add3A_710 = arith.constant 4 : i32
      %add3A_711 = arith.addi %mul3A_374, %add3A_710 : i32
      %add3A_712 = arith.constant 8 : i32
      %add3A_713 = arith.addi %add3A_711, %add3A_712 : i32
      %lt3A_714 = arith.constant 512 : i32
      %lt3A_715 = arith.cmpi slt, %add3A_713, %lt3A_714 : i32
      %convert_element_type3A_716 = arith.extui %lt3A_715 : i1 to i32
      %cond3A_717 = arith.constant 0 : i32
      %cond3A_718 = arith.cmpi ne, %convert_element_type3A_716, %cond3A_717 : i32
      scf.if %cond3A_718 {
        %slice3A_2026 = vector.extract_strided_slice %get3A_376 {offsets = [12], sizes = [1], strides = [1]} : vector<16xi32> to vector<1xi32>
        %squeeze3A_2027 = vector.extract %slice3A_2026[0] : i32 from vector<1xi32>
        %slice3A_2028 = vector.extract_strided_slice %get3A_378 {offsets = [12], sizes = [1], strides = [1]} : vector<16xi32> to vector<1xi32>
        %squeeze3A_2029 = vector.extract %slice3A_2028[0] : i32 from vector<1xi32>
        %shift_right_arithmetic3A_2030 = arith.constant 7 : i32
        %shift_right_arithmetic3A_2031 = arith.shrsi %squeeze3A_2027, %shift_right_arithmetic3A_2030 : i32
        %mul3A_2032 = arith.constant 128 : i32
        %mul3A_2033 = arith.muli %shift_right_arithmetic3A_2031, %mul3A_2032 : i32
        %multiple_of3A_2034 = tpu.assume_multiple %mul3A_2033, 128 : i32
        %shift_right_arithmetic3A_2035 = arith.constant 7 : i32
        %shift_right_arithmetic3A_2036 = arith.shrsi %squeeze3A_2029, %shift_right_arithmetic3A_2035 : i32
        %mul3A_2037 = arith.constant 128 : i32
        %mul3A_2038 = arith.muli %shift_right_arithmetic3A_2036, %mul3A_2037 : i32
        %multiple_of3A_2039 = tpu.assume_multiple %mul3A_2038, 128 : i32
        %dma_start3A_2040 = arith.constant 4 : i32
        %dma_start3A_2041 = arith.constant 4 : i32
        %dma_start3A_2042 = arith.constant 0 : i32
        %dma_start3A_2043 = arith.constant 0 : i32
        %dma_start3A_2044 = tpu.memref_slice %arg9[%dma_start3A_2040, %dma_start3A_2042, %dma_start3A_2043] : memref<8x16x128xf32, #tpu.memory_space<vmem>> -> memref<1x16x128xf32, #tpu.memory_space<vmem>>
        %dma_start3A_2045 = tpu.memref_squeeze %dma_start3A_2044 : memref<1x16x128xf32, #tpu.memory_space<vmem>> -> memref<16x128xf32, #tpu.memory_space<vmem>>
        %dma_start3A_2046 = arith.constant 0 : i32
        %dma_start3A_2047 = tpu.memref_slice %arg4[%dma_start3A_2046, %multiple_of3A_2034] : memref<16x1000000xf32, #tpu.memory_space<hbm>> -> memref<16x128xf32, #tpu.memory_space<hbm>>
        %dma_start3A_2048 = tpu.memref_slice %arg12[%dma_start3A_2041] : memref<8x!tpu.dma_semaphore, #tpu.memory_space<semaphore_mem>> -> memref<1x!tpu.dma_semaphore, #tpu.memory_space<semaphore_mem>>
        %dma_start3A_2049 = tpu.memref_squeeze %dma_start3A_2048 : memref<1x!tpu.dma_semaphore, #tpu.memory_space<semaphore_mem>> -> memref<!tpu.dma_semaphore, #tpu.memory_space<semaphore_mem>>
        %dma_start3A_2050 = arith.constant 0 : i32
        %dma_start3A_2051 = arith.constant 0 : i32
        %dma_start3A_2052 = tpu.memref_slice %arg9[%dma_start3A_2040, %dma_start3A_2050, %dma_start3A_2051] : memref<8x16x128xf32, #tpu.memory_space<vmem>> -> memref<1x16x128xf32, #tpu.memory_space<vmem>>
        %dma_start3A_2053 = tpu.memref_squeeze %dma_start3A_2052 : memref<1x16x128xf32, #tpu.memory_space<vmem>> -> memref<16x128xf32, #tpu.memory_space<vmem>>
        %dma_start3A_2054 = arith.constant 0 : i32
        %dma_start3A_2055 = tpu.memref_slice %arg4[%dma_start3A_2054, %multiple_of3A_2034] : memref<16x1000000xf32, #tpu.memory_space<hbm>> -> memref<16x128xf32, #tpu.memory_space<hbm>>
        tpu.enqueue_dma source(%dma_start3A_2055 : memref<16x128xf32, #tpu.memory_space<hbm>>) target(%dma_start3A_2053 : memref<16x128xf32, #tpu.memory_space<vmem>>) target_semaphore(%dma_start3A_2049 : memref<!tpu.dma_semaphore, #tpu.memory_space<semaphore_mem>>)
        %dma_start3A_2056 = arith.constant 4 : i32
        %dma_start3A_2057 = arith.constant 4 : i32
        %dma_start3A_2058 = arith.constant 0 : i32
        %dma_start3A_2059 = arith.constant 0 : i32
        %dma_start3A_2060 = tpu.memref_slice %arg10[%dma_start3A_2056, %dma_start3A_2058, %dma_start3A_2059] : memref<8x16x128xf32, #tpu.memory_space<vmem>> -> memref<1x16x128xf32, #tpu.memory_space<vmem>>
        %dma_start3A_2061 = tpu.memref_squeeze %dma_start3A_2060 : memref<1x16x128xf32, #tpu.memory_space<vmem>> -> memref<16x128xf32, #tpu.memory_space<vmem>>
        %dma_start3A_2062 = arith.constant 0 : i32
        %dma_start3A_2063 = tpu.memref_slice %arg5[%dma_start3A_2062, %multiple_of3A_2039] : memref<16x1000000xf32, #tpu.memory_space<hbm>> -> memref<16x128xf32, #tpu.memory_space<hbm>>
        %dma_start3A_2064 = tpu.memref_slice %arg12[%dma_start3A_2057] : memref<8x!tpu.dma_semaphore, #tpu.memory_space<semaphore_mem>> -> memref<1x!tpu.dma_semaphore, #tpu.memory_space<semaphore_mem>>
        %dma_start3A_2065 = tpu.memref_squeeze %dma_start3A_2064 : memref<1x!tpu.dma_semaphore, #tpu.memory_space<semaphore_mem>> -> memref<!tpu.dma_semaphore, #tpu.memory_space<semaphore_mem>>
        %dma_start3A_2066 = arith.constant 0 : i32
        %dma_start3A_2067 = arith.constant 0 : i32
        %dma_start3A_2068 = tpu.memref_slice %arg10[%dma_start3A_2056, %dma_start3A_2066, %dma_start3A_2067] : memref<8x16x128xf32, #tpu.memory_space<vmem>> -> memref<1x16x128xf32, #tpu.memory_space<vmem>>
        %dma_start3A_2069 = tpu.memref_squeeze %dma_start3A_2068 : memref<1x16x128xf32, #tpu.memory_space<vmem>> -> memref<16x128xf32, #tpu.memory_space<vmem>>
        %dma_start3A_2070 = arith.constant 0 : i32
        %dma_start3A_2071 = tpu.memref_slice %arg5[%dma_start3A_2070, %multiple_of3A_2039] : memref<16x1000000xf32, #tpu.memory_space<hbm>> -> memref<16x128xf32, #tpu.memory_space<hbm>>
        tpu.enqueue_dma source(%dma_start3A_2071 : memref<16x128xf32, #tpu.memory_space<hbm>>) target(%dma_start3A_2069 : memref<16x128xf32, #tpu.memory_space<vmem>>) target_semaphore(%dma_start3A_2065 : memref<!tpu.dma_semaphore, #tpu.memory_space<semaphore_mem>>)
      } else {
      }
      %dma_wait3A_719 = arith.constant 5 : i32
      %dma_wait3A_720 = arith.constant 5 : i32
      %dma_wait3A_721 = arith.constant 0 : i32
      %dma_wait3A_722 = arith.constant 0 : i32
      %dma_wait3A_723 = tpu.memref_slice %arg9[%dma_wait3A_719, %dma_wait3A_721, %dma_wait3A_722] : memref<8x16x128xf32, #tpu.memory_space<vmem>> -> memref<1x16x128xf32, #tpu.memory_space<vmem>>
      %dma_wait3A_724 = tpu.memref_squeeze %dma_wait3A_723 : memref<1x16x128xf32, #tpu.memory_space<vmem>> -> memref<16x128xf32, #tpu.memory_space<vmem>>
      %dma_wait3A_725 = arith.constant 0 : i32
      %dma_wait3A_726 = arith.constant 0 : i32
      %dma_wait3A_727 = tpu.memref_slice %arg4[%dma_wait3A_725, %dma_wait3A_726] : memref<16x1000000xf32, #tpu.memory_space<hbm>> -> memref<16x128xf32, #tpu.memory_space<hbm>>
      %dma_wait3A_728 = tpu.memref_slice %arg12[%dma_wait3A_720] : memref<8x!tpu.dma_semaphore, #tpu.memory_space<semaphore_mem>> -> memref<1x!tpu.dma_semaphore, #tpu.memory_space<semaphore_mem>>
      %dma_wait3A_729 = tpu.memref_squeeze %dma_wait3A_728 : memref<1x!tpu.dma_semaphore, #tpu.memory_space<semaphore_mem>> -> memref<!tpu.dma_semaphore, #tpu.memory_space<semaphore_mem>>
      %dma_wait3A_730 = arith.constant 0 : i32
      %dma_wait3A_731 = arith.constant 0 : i32
      %dma_wait3A_732 = tpu.memref_slice %arg9[%dma_wait3A_719, %dma_wait3A_730, %dma_wait3A_731] : memref<8x16x128xf32, #tpu.memory_space<vmem>> -> memref<1x16x128xf32, #tpu.memory_space<vmem>>
      %dma_wait3A_733 = tpu.memref_squeeze %dma_wait3A_732 : memref<1x16x128xf32, #tpu.memory_space<vmem>> -> memref<16x128xf32, #tpu.memory_space<vmem>>
      %dma_wait3A_734 = arith.constant 0 : i32
      %dma_wait3A_735 = arith.constant 0 : i32
      %dma_wait3A_736 = tpu.memref_slice %arg4[%dma_wait3A_734, %dma_wait3A_735] : memref<16x1000000xf32, #tpu.memory_space<hbm>> -> memref<16x128xf32, #tpu.memory_space<hbm>>
      tpu.wait_dma2 semaphore(%dma_wait3A_729 : memref<!tpu.dma_semaphore, #tpu.memory_space<semaphore_mem>>) src(%dma_wait3A_736 : memref<16x128xf32, #tpu.memory_space<hbm>>) dst(%dma_wait3A_733 : memref<16x128xf32, #tpu.memory_space<vmem>>)
      %dma_wait3A_737 = arith.constant 5 : i32
      %dma_wait3A_738 = arith.constant 5 : i32
      %dma_wait3A_739 = arith.constant 0 : i32
      %dma_wait3A_740 = arith.constant 0 : i32
      %dma_wait3A_741 = tpu.memref_slice %arg10[%dma_wait3A_737, %dma_wait3A_739, %dma_wait3A_740] : memref<8x16x128xf32, #tpu.memory_space<vmem>> -> memref<1x16x128xf32, #tpu.memory_space<vmem>>
      %dma_wait3A_742 = tpu.memref_squeeze %dma_wait3A_741 : memref<1x16x128xf32, #tpu.memory_space<vmem>> -> memref<16x128xf32, #tpu.memory_space<vmem>>
      %dma_wait3A_743 = arith.constant 0 : i32
      %dma_wait3A_744 = arith.constant 0 : i32
      %dma_wait3A_745 = tpu.memref_slice %arg5[%dma_wait3A_743, %dma_wait3A_744] : memref<16x1000000xf32, #tpu.memory_space<hbm>> -> memref<16x128xf32, #tpu.memory_space<hbm>>
      %dma_wait3A_746 = tpu.memref_slice %arg12[%dma_wait3A_738] : memref<8x!tpu.dma_semaphore, #tpu.memory_space<semaphore_mem>> -> memref<1x!tpu.dma_semaphore, #tpu.memory_space<semaphore_mem>>
      %dma_wait3A_747 = tpu.memref_squeeze %dma_wait3A_746 : memref<1x!tpu.dma_semaphore, #tpu.memory_space<semaphore_mem>> -> memref<!tpu.dma_semaphore, #tpu.memory_space<semaphore_mem>>
      %dma_wait3A_748 = arith.constant 0 : i32
      %dma_wait3A_749 = arith.constant 0 : i32
      %dma_wait3A_750 = tpu.memref_slice %arg10[%dma_wait3A_737, %dma_wait3A_748, %dma_wait3A_749] : memref<8x16x128xf32, #tpu.memory_space<vmem>> -> memref<1x16x128xf32, #tpu.memory_space<vmem>>
      %dma_wait3A_751 = tpu.memref_squeeze %dma_wait3A_750 : memref<1x16x128xf32, #tpu.memory_space<vmem>> -> memref<16x128xf32, #tpu.memory_space<vmem>>
      %dma_wait3A_752 = arith.constant 0 : i32
      %dma_wait3A_753 = arith.constant 0 : i32
      %dma_wait3A_754 = tpu.memref_slice %arg5[%dma_wait3A_752, %dma_wait3A_753] : memref<16x1000000xf32, #tpu.memory_space<hbm>> -> memref<16x128xf32, #tpu.memory_space<hbm>>
      tpu.wait_dma2 semaphore(%dma_wait3A_747 : memref<!tpu.dma_semaphore, #tpu.memory_space<semaphore_mem>>) src(%dma_wait3A_754 : memref<16x128xf32, #tpu.memory_space<hbm>>) dst(%dma_wait3A_751 : memref<16x128xf32, #tpu.memory_space<vmem>>)
      %slice3A_755 = vector.extract_strided_slice %get3A_376 {offsets = [5], sizes = [1], strides = [1]} : vector<16xi32> to vector<1xi32>
      %squeeze3A_756 = vector.extract %slice3A_755[0] : i32 from vector<1xi32>
      %and3A_757 = arith.constant 127 : i32
      %and3A_758 = arith.andi %squeeze3A_756, %and3A_757 : i32
      %slice3A_759 = vector.extract_strided_slice %get3A_378 {offsets = [5], sizes = [1], strides = [1]} : vector<16xi32> to vector<1xi32>
      %squeeze3A_760 = vector.extract %slice3A_759[0] : i32 from vector<1xi32>
      %and3A_761 = arith.constant 127 : i32
      %and3A_762 = arith.andi %squeeze3A_760, %and3A_761 : i32
      %broadcast_in_dim3A_763 = vector.broadcast %and3A_758 : i32 to vector<16xi32>
      %gather3A_764 = arith.constant 5 : i32
      %gather3A_765 = arith.constant 0 : i32
      %gather3A_766 = arith.constant 0 : i32
      %gather3A_767 = tpu.memref_slice %arg9[%gather3A_764, %gather3A_765, %gather3A_766] : memref<8x16x128xf32, #tpu.memory_space<vmem>> -> memref<1x16x128xf32, #tpu.memory_space<vmem>>
      %gather3A_768 = tpu.memref_squeeze %gather3A_767 : memref<1x16x128xf32, #tpu.memory_space<vmem>> -> memref<16x128xf32, #tpu.memory_space<vmem>>
      %gather3A_769 = tpu.vector_load_idx %gather3A_768[%iota3A, %broadcast_in_dim3A_763] : memref<16x128xf32, #tpu.memory_space<vmem>>[vector<16xi32>, vector<16xi32>], vector<16xf32>,
      %broadcast_in_dim3A_770 = vector.broadcast %and3A_762 : i32 to vector<16xi32>
      %gather3A_771 = arith.constant 5 : i32
      %gather3A_772 = arith.constant 0 : i32
      %gather3A_773 = arith.constant 0 : i32
      %gather3A_774 = tpu.memref_slice %arg10[%gather3A_771, %gather3A_772, %gather3A_773] : memref<8x16x128xf32, #tpu.memory_space<vmem>> -> memref<1x16x128xf32, #tpu.memory_space<vmem>>
      %gather3A_775 = tpu.memref_squeeze %gather3A_774 : memref<1x16x128xf32, #tpu.memory_space<vmem>> -> memref<16x128xf32, #tpu.memory_space<vmem>>
      %gather3A_776 = tpu.vector_load_idx %gather3A_775[%iota3A, %broadcast_in_dim3A_770] : memref<16x128xf32, #tpu.memory_space<vmem>>[vector<16xi32>, vector<16xi32>], vector<16xf32>,
      %mul3A_777 = arith.mulf %gather3A_769, %gather3A_776 : vector<16xf32>
      %add3A_778 = arith.constant 5 : i32
      %add3A_779 = arith.addi %mul3A_374, %add3A_778 : i32
      %add3A_780 = arith.constant 8 : i32
      %add3A_781 = arith.addi %add3A_779, %add3A_780 : i32
      %lt3A_782 = arith.constant 512 : i32
      %lt3A_783 = arith.cmpi slt, %add3A_781, %lt3A_782 : i32
      %convert_element_type3A_784 = arith.extui %lt3A_783 : i1 to i32
      %cond3A_785 = arith.constant 0 : i32
      %cond3A_786 = arith.cmpi ne, %convert_element_type3A_784, %cond3A_785 : i32
      scf.if %cond3A_786 {
        %slice3A_2026 = vector.extract_strided_slice %get3A_376 {offsets = [13], sizes = [1], strides = [1]} : vector<16xi32> to vector<1xi32>
        %squeeze3A_2027 = vector.extract %slice3A_2026[0] : i32 from vector<1xi32>
        %slice3A_2028 = vector.extract_strided_slice %get3A_378 {offsets = [13], sizes = [1], strides = [1]} : vector<16xi32> to vector<1xi32>
        %squeeze3A_2029 = vector.extract %slice3A_2028[0] : i32 from vector<1xi32>
        %shift_right_arithmetic3A_2030 = arith.constant 7 : i32
        %shift_right_arithmetic3A_2031 = arith.shrsi %squeeze3A_2027, %shift_right_arithmetic3A_2030 : i32
        %mul3A_2032 = arith.constant 128 : i32
        %mul3A_2033 = arith.muli %shift_right_arithmetic3A_2031, %mul3A_2032 : i32
        %multiple_of3A_2034 = tpu.assume_multiple %mul3A_2033, 128 : i32
        %shift_right_arithmetic3A_2035 = arith.constant 7 : i32
        %shift_right_arithmetic3A_2036 = arith.shrsi %squeeze3A_2029, %shift_right_arithmetic3A_2035 : i32
        %mul3A_2037 = arith.constant 128 : i32
        %mul3A_2038 = arith.muli %shift_right_arithmetic3A_2036, %mul3A_2037 : i32
        %multiple_of3A_2039 = tpu.assume_multiple %mul3A_2038, 128 : i32
        %dma_start3A_2040 = arith.constant 5 : i32
        %dma_start3A_2041 = arith.constant 5 : i32
        %dma_start3A_2042 = arith.constant 0 : i32
        %dma_start3A_2043 = arith.constant 0 : i32
        %dma_start3A_2044 = tpu.memref_slice %arg9[%dma_start3A_2040, %dma_start3A_2042, %dma_start3A_2043] : memref<8x16x128xf32, #tpu.memory_space<vmem>> -> memref<1x16x128xf32, #tpu.memory_space<vmem>>
        %dma_start3A_2045 = tpu.memref_squeeze %dma_start3A_2044 : memref<1x16x128xf32, #tpu.memory_space<vmem>> -> memref<16x128xf32, #tpu.memory_space<vmem>>
        %dma_start3A_2046 = arith.constant 0 : i32
        %dma_start3A_2047 = tpu.memref_slice %arg4[%dma_start3A_2046, %multiple_of3A_2034] : memref<16x1000000xf32, #tpu.memory_space<hbm>> -> memref<16x128xf32, #tpu.memory_space<hbm>>
        %dma_start3A_2048 = tpu.memref_slice %arg12[%dma_start3A_2041] : memref<8x!tpu.dma_semaphore, #tpu.memory_space<semaphore_mem>> -> memref<1x!tpu.dma_semaphore, #tpu.memory_space<semaphore_mem>>
        %dma_start3A_2049 = tpu.memref_squeeze %dma_start3A_2048 : memref<1x!tpu.dma_semaphore, #tpu.memory_space<semaphore_mem>> -> memref<!tpu.dma_semaphore, #tpu.memory_space<semaphore_mem>>
        %dma_start3A_2050 = arith.constant 0 : i32
        %dma_start3A_2051 = arith.constant 0 : i32
        %dma_start3A_2052 = tpu.memref_slice %arg9[%dma_start3A_2040, %dma_start3A_2050, %dma_start3A_2051] : memref<8x16x128xf32, #tpu.memory_space<vmem>> -> memref<1x16x128xf32, #tpu.memory_space<vmem>>
        %dma_start3A_2053 = tpu.memref_squeeze %dma_start3A_2052 : memref<1x16x128xf32, #tpu.memory_space<vmem>> -> memref<16x128xf32, #tpu.memory_space<vmem>>
        %dma_start3A_2054 = arith.constant 0 : i32
        %dma_start3A_2055 = tpu.memref_slice %arg4[%dma_start3A_2054, %multiple_of3A_2034] : memref<16x1000000xf32, #tpu.memory_space<hbm>> -> memref<16x128xf32, #tpu.memory_space<hbm>>
        tpu.enqueue_dma source(%dma_start3A_2055 : memref<16x128xf32, #tpu.memory_space<hbm>>) target(%dma_start3A_2053 : memref<16x128xf32, #tpu.memory_space<vmem>>) target_semaphore(%dma_start3A_2049 : memref<!tpu.dma_semaphore, #tpu.memory_space<semaphore_mem>>)
        %dma_start3A_2056 = arith.constant 5 : i32
        %dma_start3A_2057 = arith.constant 5 : i32
        %dma_start3A_2058 = arith.constant 0 : i32
        %dma_start3A_2059 = arith.constant 0 : i32
        %dma_start3A_2060 = tpu.memref_slice %arg10[%dma_start3A_2056, %dma_start3A_2058, %dma_start3A_2059] : memref<8x16x128xf32, #tpu.memory_space<vmem>> -> memref<1x16x128xf32, #tpu.memory_space<vmem>>
        %dma_start3A_2061 = tpu.memref_squeeze %dma_start3A_2060 : memref<1x16x128xf32, #tpu.memory_space<vmem>> -> memref<16x128xf32, #tpu.memory_space<vmem>>
        %dma_start3A_2062 = arith.constant 0 : i32
        %dma_start3A_2063 = tpu.memref_slice %arg5[%dma_start3A_2062, %multiple_of3A_2039] : memref<16x1000000xf32, #tpu.memory_space<hbm>> -> memref<16x128xf32, #tpu.memory_space<hbm>>
        %dma_start3A_2064 = tpu.memref_slice %arg12[%dma_start3A_2057] : memref<8x!tpu.dma_semaphore, #tpu.memory_space<semaphore_mem>> -> memref<1x!tpu.dma_semaphore, #tpu.memory_space<semaphore_mem>>
        %dma_start3A_2065 = tpu.memref_squeeze %dma_start3A_2064 : memref<1x!tpu.dma_semaphore, #tpu.memory_space<semaphore_mem>> -> memref<!tpu.dma_semaphore, #tpu.memory_space<semaphore_mem>>
        %dma_start3A_2066 = arith.constant 0 : i32
        %dma_start3A_2067 = arith.constant 0 : i32
        %dma_start3A_2068 = tpu.memref_slice %arg10[%dma_start3A_2056, %dma_start3A_2066, %dma_start3A_2067] : memref<8x16x128xf32, #tpu.memory_space<vmem>> -> memref<1x16x128xf32, #tpu.memory_space<vmem>>
        %dma_start3A_2069 = tpu.memref_squeeze %dma_start3A_2068 : memref<1x16x128xf32, #tpu.memory_space<vmem>> -> memref<16x128xf32, #tpu.memory_space<vmem>>
        %dma_start3A_2070 = arith.constant 0 : i32
        %dma_start3A_2071 = tpu.memref_slice %arg5[%dma_start3A_2070, %multiple_of3A_2039] : memref<16x1000000xf32, #tpu.memory_space<hbm>> -> memref<16x128xf32, #tpu.memory_space<hbm>>
        tpu.enqueue_dma source(%dma_start3A_2071 : memref<16x128xf32, #tpu.memory_space<hbm>>) target(%dma_start3A_2069 : memref<16x128xf32, #tpu.memory_space<vmem>>) target_semaphore(%dma_start3A_2065 : memref<!tpu.dma_semaphore, #tpu.memory_space<semaphore_mem>>)
      } else {
      }
      %dma_wait3A_787 = arith.constant 6 : i32
      %dma_wait3A_788 = arith.constant 6 : i32
      %dma_wait3A_789 = arith.constant 0 : i32
      %dma_wait3A_790 = arith.constant 0 : i32
      %dma_wait3A_791 = tpu.memref_slice %arg9[%dma_wait3A_787, %dma_wait3A_789, %dma_wait3A_790] : memref<8x16x128xf32, #tpu.memory_space<vmem>> -> memref<1x16x128xf32, #tpu.memory_space<vmem>>
      %dma_wait3A_792 = tpu.memref_squeeze %dma_wait3A_791 : memref<1x16x128xf32, #tpu.memory_space<vmem>> -> memref<16x128xf32, #tpu.memory_space<vmem>>
      %dma_wait3A_793 = arith.constant 0 : i32
      %dma_wait3A_794 = arith.constant 0 : i32
      %dma_wait3A_795 = tpu.memref_slice %arg4[%dma_wait3A_793, %dma_wait3A_794] : memref<16x1000000xf32, #tpu.memory_space<hbm>> -> memref<16x128xf32, #tpu.memory_space<hbm>>
      %dma_wait3A_796 = tpu.memref_slice %arg12[%dma_wait3A_788] : memref<8x!tpu.dma_semaphore, #tpu.memory_space<semaphore_mem>> -> memref<1x!tpu.dma_semaphore, #tpu.memory_space<semaphore_mem>>
      %dma_wait3A_797 = tpu.memref_squeeze %dma_wait3A_796 : memref<1x!tpu.dma_semaphore, #tpu.memory_space<semaphore_mem>> -> memref<!tpu.dma_semaphore, #tpu.memory_space<semaphore_mem>>
      %dma_wait3A_798 = arith.constant 0 : i32
      %dma_wait3A_799 = arith.constant 0 : i32
      %dma_wait3A_800 = tpu.memref_slice %arg9[%dma_wait3A_787, %dma_wait3A_798, %dma_wait3A_799] : memref<8x16x128xf32, #tpu.memory_space<vmem>> -> memref<1x16x128xf32, #tpu.memory_space<vmem>>
      %dma_wait3A_801 = tpu.memref_squeeze %dma_wait3A_800 : memref<1x16x128xf32, #tpu.memory_space<vmem>> -> memref<16x128xf32, #tpu.memory_space<vmem>>
      %dma_wait3A_802 = arith.constant 0 : i32
      %dma_wait3A_803 = arith.constant 0 : i32
      %dma_wait3A_804 = tpu.memref_slice %arg4[%dma_wait3A_802, %dma_wait3A_803] : memref<16x1000000xf32, #tpu.memory_space<hbm>> -> memref<16x128xf32, #tpu.memory_space<hbm>>
      tpu.wait_dma2 semaphore(%dma_wait3A_797 : memref<!tpu.dma_semaphore, #tpu.memory_space<semaphore_mem>>) src(%dma_wait3A_804 : memref<16x128xf32, #tpu.memory_space<hbm>>) dst(%dma_wait3A_801 : memref<16x128xf32, #tpu.memory_space<vmem>>)
      %dma_wait3A_805 = arith.constant 6 : i32
      %dma_wait3A_806 = arith.constant 6 : i32
      %dma_wait3A_807 = arith.constant 0 : i32
      %dma_wait3A_808 = arith.constant 0 : i32
      %dma_wait3A_809 = tpu.memref_slice %arg10[%dma_wait3A_805, %dma_wait3A_807, %dma_wait3A_808] : memref<8x16x128xf32, #tpu.memory_space<vmem>> -> memref<1x16x128xf32, #tpu.memory_space<vmem>>
      %dma_wait3A_810 = tpu.memref_squeeze %dma_wait3A_809 : memref<1x16x128xf32, #tpu.memory_space<vmem>> -> memref<16x128xf32, #tpu.memory_space<vmem>>
      %dma_wait3A_811 = arith.constant 0 : i32
      %dma_wait3A_812 = arith.constant 0 : i32
      %dma_wait3A_813 = tpu.memref_slice %arg5[%dma_wait3A_811, %dma_wait3A_812] : memref<16x1000000xf32, #tpu.memory_space<hbm>> -> memref<16x128xf32, #tpu.memory_space<hbm>>
      %dma_wait3A_814 = tpu.memref_slice %arg12[%dma_wait3A_806] : memref<8x!tpu.dma_semaphore, #tpu.memory_space<semaphore_mem>> -> memref<1x!tpu.dma_semaphore, #tpu.memory_space<semaphore_mem>>
      %dma_wait3A_815 = tpu.memref_squeeze %dma_wait3A_814 : memref<1x!tpu.dma_semaphore, #tpu.memory_space<semaphore_mem>> -> memref<!tpu.dma_semaphore, #tpu.memory_space<semaphore_mem>>
      %dma_wait3A_816 = arith.constant 0 : i32
      %dma_wait3A_817 = arith.constant 0 : i32
      %dma_wait3A_818 = tpu.memref_slice %arg10[%dma_wait3A_805, %dma_wait3A_816, %dma_wait3A_817] : memref<8x16x128xf32, #tpu.memory_space<vmem>> -> memref<1x16x128xf32, #tpu.memory_space<vmem>>
      %dma_wait3A_819 = tpu.memref_squeeze %dma_wait3A_818 : memref<1x16x128xf32, #tpu.memory_space<vmem>> -> memref<16x128xf32, #tpu.memory_space<vmem>>
      %dma_wait3A_820 = arith.constant 0 : i32
      %dma_wait3A_821 = arith.constant 0 : i32
      %dma_wait3A_822 = tpu.memref_slice %arg5[%dma_wait3A_820, %dma_wait3A_821] : memref<16x1000000xf32, #tpu.memory_space<hbm>> -> memref<16x128xf32, #tpu.memory_space<hbm>>
      tpu.wait_dma2 semaphore(%dma_wait3A_815 : memref<!tpu.dma_semaphore, #tpu.memory_space<semaphore_mem>>) src(%dma_wait3A_822 : memref<16x128xf32, #tpu.memory_space<hbm>>) dst(%dma_wait3A_819 : memref<16x128xf32, #tpu.memory_space<vmem>>)
      %slice3A_823 = vector.extract_strided_slice %get3A_376 {offsets = [6], sizes = [1], strides = [1]} : vector<16xi32> to vector<1xi32>
      %squeeze3A_824 = vector.extract %slice3A_823[0] : i32 from vector<1xi32>
      %and3A_825 = arith.constant 127 : i32
      %and3A_826 = arith.andi %squeeze3A_824, %and3A_825 : i32
      %slice3A_827 = vector.extract_strided_slice %get3A_378 {offsets = [6], sizes = [1], strides = [1]} : vector<16xi32> to vector<1xi32>
      %squeeze3A_828 = vector.extract %slice3A_827[0] : i32 from vector<1xi32>
      %and3A_829 = arith.constant 127 : i32
      %and3A_830 = arith.andi %squeeze3A_828, %and3A_829 : i32
      %broadcast_in_dim3A_831 = vector.broadcast %and3A_826 : i32 to vector<16xi32>
      %gather3A_832 = arith.constant 6 : i32
      %gather3A_833 = arith.constant 0 : i32
      %gather3A_834 = arith.constant 0 : i32
      %gather3A_835 = tpu.memref_slice %arg9[%gather3A_832, %gather3A_833, %gather3A_834] : memref<8x16x128xf32, #tpu.memory_space<vmem>> -> memref<1x16x128xf32, #tpu.memory_space<vmem>>
      %gather3A_836 = tpu.memref_squeeze %gather3A_835 : memref<1x16x128xf32, #tpu.memory_space<vmem>> -> memref<16x128xf32, #tpu.memory_space<vmem>>
      %gather3A_837 = tpu.vector_load_idx %gather3A_836[%iota3A, %broadcast_in_dim3A_831] : memref<16x128xf32, #tpu.memory_space<vmem>>[vector<16xi32>, vector<16xi32>], vector<16xf32>,
      %broadcast_in_dim3A_838 = vector.broadcast %and3A_830 : i32 to vector<16xi32>
      %gather3A_839 = arith.constant 6 : i32
      %gather3A_840 = arith.constant 0 : i32
      %gather3A_841 = arith.constant 0 : i32
      %gather3A_842 = tpu.memref_slice %arg10[%gather3A_839, %gather3A_840, %gather3A_841] : memref<8x16x128xf32, #tpu.memory_space<vmem>> -> memref<1x16x128xf32, #tpu.memory_space<vmem>>
      %gather3A_843 = tpu.memref_squeeze %gather3A_842 : memref<1x16x128xf32, #tpu.memory_space<vmem>> -> memref<16x128xf32, #tpu.memory_space<vmem>>
      %gather3A_844 = tpu.vector_load_idx %gather3A_843[%iota3A, %broadcast_in_dim3A_838] : memref<16x128xf32, #tpu.memory_space<vmem>>[vector<16xi32>, vector<16xi32>], vector<16xf32>,
      %mul3A_845 = arith.mulf %gather3A_837, %gather3A_844 : vector<16xf32>
      %add3A_846 = arith.constant 6 : i32
      %add3A_847 = arith.addi %mul3A_374, %add3A_846 : i32
      %add3A_848 = arith.constant 8 : i32
      %add3A_849 = arith.addi %add3A_847, %add3A_848 : i32
      %lt3A_850 = arith.constant 512 : i32
      %lt3A_851 = arith.cmpi slt, %add3A_849, %lt3A_850 : i32
      %convert_element_type3A_852 = arith.extui %lt3A_851 : i1 to i32
      %cond3A_853 = arith.constant 0 : i32
      %cond3A_854 = arith.cmpi ne, %convert_element_type3A_852, %cond3A_853 : i32
      scf.if %cond3A_854 {
        %slice3A_2026 = vector.extract_strided_slice %get3A_376 {offsets = [14], sizes = [1], strides = [1]} : vector<16xi32> to vector<1xi32>
        %squeeze3A_2027 = vector.extract %slice3A_2026[0] : i32 from vector<1xi32>
        %slice3A_2028 = vector.extract_strided_slice %get3A_378 {offsets = [14], sizes = [1], strides = [1]} : vector<16xi32> to vector<1xi32>
        %squeeze3A_2029 = vector.extract %slice3A_2028[0] : i32 from vector<1xi32>
        %shift_right_arithmetic3A_2030 = arith.constant 7 : i32
        %shift_right_arithmetic3A_2031 = arith.shrsi %squeeze3A_2027, %shift_right_arithmetic3A_2030 : i32
        %mul3A_2032 = arith.constant 128 : i32
        %mul3A_2033 = arith.muli %shift_right_arithmetic3A_2031, %mul3A_2032 : i32
        %multiple_of3A_2034 = tpu.assume_multiple %mul3A_2033, 128 : i32
        %shift_right_arithmetic3A_2035 = arith.constant 7 : i32
        %shift_right_arithmetic3A_2036 = arith.shrsi %squeeze3A_2029, %shift_right_arithmetic3A_2035 : i32
        %mul3A_2037 = arith.constant 128 : i32
        %mul3A_2038 = arith.muli %shift_right_arithmetic3A_2036, %mul3A_2037 : i32
        %multiple_of3A_2039 = tpu.assume_multiple %mul3A_2038, 128 : i32
        %dma_start3A_2040 = arith.constant 6 : i32
        %dma_start3A_2041 = arith.constant 6 : i32
        %dma_start3A_2042 = arith.constant 0 : i32
        %dma_start3A_2043 = arith.constant 0 : i32
        %dma_start3A_2044 = tpu.memref_slice %arg9[%dma_start3A_2040, %dma_start3A_2042, %dma_start3A_2043] : memref<8x16x128xf32, #tpu.memory_space<vmem>> -> memref<1x16x128xf32, #tpu.memory_space<vmem>>
        %dma_start3A_2045 = tpu.memref_squeeze %dma_start3A_2044 : memref<1x16x128xf32, #tpu.memory_space<vmem>> -> memref<16x128xf32, #tpu.memory_space<vmem>>
        %dma_start3A_2046 = arith.constant 0 : i32
        %dma_start3A_2047 = tpu.memref_slice %arg4[%dma_start3A_2046, %multiple_of3A_2034] : memref<16x1000000xf32, #tpu.memory_space<hbm>> -> memref<16x128xf32, #tpu.memory_space<hbm>>
        %dma_start3A_2048 = tpu.memref_slice %arg12[%dma_start3A_2041] : memref<8x!tpu.dma_semaphore, #tpu.memory_space<semaphore_mem>> -> memref<1x!tpu.dma_semaphore, #tpu.memory_space<semaphore_mem>>
        %dma_start3A_2049 = tpu.memref_squeeze %dma_start3A_2048 : memref<1x!tpu.dma_semaphore, #tpu.memory_space<semaphore_mem>> -> memref<!tpu.dma_semaphore, #tpu.memory_space<semaphore_mem>>
        %dma_start3A_2050 = arith.constant 0 : i32
        %dma_start3A_2051 = arith.constant 0 : i32
        %dma_start3A_2052 = tpu.memref_slice %arg9[%dma_start3A_2040, %dma_start3A_2050, %dma_start3A_2051] : memref<8x16x128xf32, #tpu.memory_space<vmem>> -> memref<1x16x128xf32, #tpu.memory_space<vmem>>
        %dma_start3A_2053 = tpu.memref_squeeze %dma_start3A_2052 : memref<1x16x128xf32, #tpu.memory_space<vmem>> -> memref<16x128xf32, #tpu.memory_space<vmem>>
        %dma_start3A_2054 = arith.constant 0 : i32
        %dma_start3A_2055 = tpu.memref_slice %arg4[%dma_start3A_2054, %multiple_of3A_2034] : memref<16x1000000xf32, #tpu.memory_space<hbm>> -> memref<16x128xf32, #tpu.memory_space<hbm>>
        tpu.enqueue_dma source(%dma_start3A_2055 : memref<16x128xf32, #tpu.memory_space<hbm>>) target(%dma_start3A_2053 : memref<16x128xf32, #tpu.memory_space<vmem>>) target_semaphore(%dma_start3A_2049 : memref<!tpu.dma_semaphore, #tpu.memory_space<semaphore_mem>>)
        %dma_start3A_2056 = arith.constant 6 : i32
        %dma_start3A_2057 = arith.constant 6 : i32
        %dma_start3A_2058 = arith.constant 0 : i32
        %dma_start3A_2059 = arith.constant 0 : i32
        %dma_start3A_2060 = tpu.memref_slice %arg10[%dma_start3A_2056, %dma_start3A_2058, %dma_start3A_2059] : memref<8x16x128xf32, #tpu.memory_space<vmem>> -> memref<1x16x128xf32, #tpu.memory_space<vmem>>
        %dma_start3A_2061 = tpu.memref_squeeze %dma_start3A_2060 : memref<1x16x128xf32, #tpu.memory_space<vmem>> -> memref<16x128xf32, #tpu.memory_space<vmem>>
        %dma_start3A_2062 = arith.constant 0 : i32
        %dma_start3A_2063 = tpu.memref_slice %arg5[%dma_start3A_2062, %multiple_of3A_2039] : memref<16x1000000xf32, #tpu.memory_space<hbm>> -> memref<16x128xf32, #tpu.memory_space<hbm>>
        %dma_start3A_2064 = tpu.memref_slice %arg12[%dma_start3A_2057] : memref<8x!tpu.dma_semaphore, #tpu.memory_space<semaphore_mem>> -> memref<1x!tpu.dma_semaphore, #tpu.memory_space<semaphore_mem>>
        %dma_start3A_2065 = tpu.memref_squeeze %dma_start3A_2064 : memref<1x!tpu.dma_semaphore, #tpu.memory_space<semaphore_mem>> -> memref<!tpu.dma_semaphore, #tpu.memory_space<semaphore_mem>>
        %dma_start3A_2066 = arith.constant 0 : i32
        %dma_start3A_2067 = arith.constant 0 : i32
        %dma_start3A_2068 = tpu.memref_slice %arg10[%dma_start3A_2056, %dma_start3A_2066, %dma_start3A_2067] : memref<8x16x128xf32, #tpu.memory_space<vmem>> -> memref<1x16x128xf32, #tpu.memory_space<vmem>>
        %dma_start3A_2069 = tpu.memref_squeeze %dma_start3A_2068 : memref<1x16x128xf32, #tpu.memory_space<vmem>> -> memref<16x128xf32, #tpu.memory_space<vmem>>
        %dma_start3A_2070 = arith.constant 0 : i32
        %dma_start3A_2071 = tpu.memref_slice %arg5[%dma_start3A_2070, %multiple_of3A_2039] : memref<16x1000000xf32, #tpu.memory_space<hbm>> -> memref<16x128xf32, #tpu.memory_space<hbm>>
        tpu.enqueue_dma source(%dma_start3A_2071 : memref<16x128xf32, #tpu.memory_space<hbm>>) target(%dma_start3A_2069 : memref<16x128xf32, #tpu.memory_space<vmem>>) target_semaphore(%dma_start3A_2065 : memref<!tpu.dma_semaphore, #tpu.memory_space<semaphore_mem>>)
      } else {
      }
      %dma_wait3A_855 = arith.constant 7 : i32
      %dma_wait3A_856 = arith.constant 7 : i32
      %dma_wait3A_857 = arith.constant 0 : i32
      %dma_wait3A_858 = arith.constant 0 : i32
      %dma_wait3A_859 = tpu.memref_slice %arg9[%dma_wait3A_855, %dma_wait3A_857, %dma_wait3A_858] : memref<8x16x128xf32, #tpu.memory_space<vmem>> -> memref<1x16x128xf32, #tpu.memory_space<vmem>>
      %dma_wait3A_860 = tpu.memref_squeeze %dma_wait3A_859 : memref<1x16x128xf32, #tpu.memory_space<vmem>> -> memref<16x128xf32, #tpu.memory_space<vmem>>
      %dma_wait3A_861 = arith.constant 0 : i32
      %dma_wait3A_862 = arith.constant 0 : i32
      %dma_wait3A_863 = tpu.memref_slice %arg4[%dma_wait3A_861, %dma_wait3A_862] : memref<16x1000000xf32, #tpu.memory_space<hbm>> -> memref<16x128xf32, #tpu.memory_space<hbm>>
      %dma_wait3A_864 = tpu.memref_slice %arg12[%dma_wait3A_856] : memref<8x!tpu.dma_semaphore, #tpu.memory_space<semaphore_mem>> -> memref<1x!tpu.dma_semaphore, #tpu.memory_space<semaphore_mem>>
      %dma_wait3A_865 = tpu.memref_squeeze %dma_wait3A_864 : memref<1x!tpu.dma_semaphore, #tpu.memory_space<semaphore_mem>> -> memref<!tpu.dma_semaphore, #tpu.memory_space<semaphore_mem>>
      %dma_wait3A_866 = arith.constant 0 : i32
      %dma_wait3A_867 = arith.constant 0 : i32
      %dma_wait3A_868 = tpu.memref_slice %arg9[%dma_wait3A_855, %dma_wait3A_866, %dma_wait3A_867] : memref<8x16x128xf32, #tpu.memory_space<vmem>> -> memref<1x16x128xf32, #tpu.memory_space<vmem>>
      %dma_wait3A_869 = tpu.memref_squeeze %dma_wait3A_868 : memref<1x16x128xf32, #tpu.memory_space<vmem>> -> memref<16x128xf32, #tpu.memory_space<vmem>>
      %dma_wait3A_870 = arith.constant 0 : i32
      %dma_wait3A_871 = arith.constant 0 : i32
      %dma_wait3A_872 = tpu.memref_slice %arg4[%dma_wait3A_870, %dma_wait3A_871] : memref<16x1000000xf32, #tpu.memory_space<hbm>> -> memref<16x128xf32, #tpu.memory_space<hbm>>
      tpu.wait_dma2 semaphore(%dma_wait3A_865 : memref<!tpu.dma_semaphore, #tpu.memory_space<semaphore_mem>>) src(%dma_wait3A_872 : memref<16x128xf32, #tpu.memory_space<hbm>>) dst(%dma_wait3A_869 : memref<16x128xf32, #tpu.memory_space<vmem>>)
      %dma_wait3A_873 = arith.constant 7 : i32
      %dma_wait3A_874 = arith.constant 7 : i32
      %dma_wait3A_875 = arith.constant 0 : i32
      %dma_wait3A_876 = arith.constant 0 : i32
      %dma_wait3A_877 = tpu.memref_slice %arg10[%dma_wait3A_873, %dma_wait3A_875, %dma_wait3A_876] : memref<8x16x128xf32, #tpu.memory_space<vmem>> -> memref<1x16x128xf32, #tpu.memory_space<vmem>>
      %dma_wait3A_878 = tpu.memref_squeeze %dma_wait3A_877 : memref<1x16x128xf32, #tpu.memory_space<vmem>> -> memref<16x128xf32, #tpu.memory_space<vmem>>
      %dma_wait3A_879 = arith.constant 0 : i32
      %dma_wait3A_880 = arith.constant 0 : i32
      %dma_wait3A_881 = tpu.memref_slice %arg5[%dma_wait3A_879, %dma_wait3A_880] : memref<16x1000000xf32, #tpu.memory_space<hbm>> -> memref<16x128xf32, #tpu.memory_space<hbm>>
      %dma_wait3A_882 = tpu.memref_slice %arg12[%dma_wait3A_874] : memref<8x!tpu.dma_semaphore, #tpu.memory_space<semaphore_mem>> -> memref<1x!tpu.dma_semaphore, #tpu.memory_space<semaphore_mem>>
      %dma_wait3A_883 = tpu.memref_squeeze %dma_wait3A_882 : memref<1x!tpu.dma_semaphore, #tpu.memory_space<semaphore_mem>> -> memref<!tpu.dma_semaphore, #tpu.memory_space<semaphore_mem>>
      %dma_wait3A_884 = arith.constant 0 : i32
      %dma_wait3A_885 = arith.constant 0 : i32
      %dma_wait3A_886 = tpu.memref_slice %arg10[%dma_wait3A_873, %dma_wait3A_884, %dma_wait3A_885] : memref<8x16x128xf32, #tpu.memory_space<vmem>> -> memref<1x16x128xf32, #tpu.memory_space<vmem>>
      %dma_wait3A_887 = tpu.memref_squeeze %dma_wait3A_886 : memref<1x16x128xf32, #tpu.memory_space<vmem>> -> memref<16x128xf32, #tpu.memory_space<vmem>>
      %dma_wait3A_888 = arith.constant 0 : i32
      %dma_wait3A_889 = arith.constant 0 : i32
      %dma_wait3A_890 = tpu.memref_slice %arg5[%dma_wait3A_888, %dma_wait3A_889] : memref<16x1000000xf32, #tpu.memory_space<hbm>> -> memref<16x128xf32, #tpu.memory_space<hbm>>
      tpu.wait_dma2 semaphore(%dma_wait3A_883 : memref<!tpu.dma_semaphore, #tpu.memory_space<semaphore_mem>>) src(%dma_wait3A_890 : memref<16x128xf32, #tpu.memory_space<hbm>>) dst(%dma_wait3A_887 : memref<16x128xf32, #tpu.memory_space<vmem>>)
      %slice3A_891 = vector.extract_strided_slice %get3A_376 {offsets = [7], sizes = [1], strides = [1]} : vector<16xi32> to vector<1xi32>
      %squeeze3A_892 = vector.extract %slice3A_891[0] : i32 from vector<1xi32>
      %and3A_893 = arith.constant 127 : i32
      %and3A_894 = arith.andi %squeeze3A_892, %and3A_893 : i32
      %slice3A_895 = vector.extract_strided_slice %get3A_378 {offsets = [7], sizes = [1], strides = [1]} : vector<16xi32> to vector<1xi32>
      %squeeze3A_896 = vector.extract %slice3A_895[0] : i32 from vector<1xi32>
      %and3A_897 = arith.constant 127 : i32
      %and3A_898 = arith.andi %squeeze3A_896, %and3A_897 : i32
      %broadcast_in_dim3A_899 = vector.broadcast %and3A_894 : i32 to vector<16xi32>
      %gather3A_900 = arith.constant 7 : i32
      %gather3A_901 = arith.constant 0 : i32
      %gather3A_902 = arith.constant 0 : i32
      %gather3A_903 = tpu.memref_slice %arg9[%gather3A_900, %gather3A_901, %gather3A_902] : memref<8x16x128xf32, #tpu.memory_space<vmem>> -> memref<1x16x128xf32, #tpu.memory_space<vmem>>
      %gather3A_904 = tpu.memref_squeeze %gather3A_903 : memref<1x16x128xf32, #tpu.memory_space<vmem>> -> memref<16x128xf32, #tpu.memory_space<vmem>>
      %gather3A_905 = tpu.vector_load_idx %gather3A_904[%iota3A, %broadcast_in_dim3A_899] : memref<16x128xf32, #tpu.memory_space<vmem>>[vector<16xi32>, vector<16xi32>], vector<16xf32>,
      %broadcast_in_dim3A_906 = vector.broadcast %and3A_898 : i32 to vector<16xi32>
      %gather3A_907 = arith.constant 7 : i32
      %gather3A_908 = arith.constant 0 : i32
      %gather3A_909 = arith.constant 0 : i32
      %gather3A_910 = tpu.memref_slice %arg10[%gather3A_907, %gather3A_908, %gather3A_909] : memref<8x16x128xf32, #tpu.memory_space<vmem>> -> memref<1x16x128xf32, #tpu.memory_space<vmem>>
      %gather3A_911 = tpu.memref_squeeze %gather3A_910 : memref<1x16x128xf32, #tpu.memory_space<vmem>> -> memref<16x128xf32, #tpu.memory_space<vmem>>
      %gather3A_912 = tpu.vector_load_idx %gather3A_911[%iota3A, %broadcast_in_dim3A_906] : memref<16x128xf32, #tpu.memory_space<vmem>>[vector<16xi32>, vector<16xi32>], vector<16xf32>,
      %mul3A_913 = arith.mulf %gather3A_905, %gather3A_912 : vector<16xf32>
      %add3A_914 = arith.constant 7 : i32
      %add3A_915 = arith.addi %mul3A_374, %add3A_914 : i32
      %add3A_916 = arith.constant 8 : i32
      %add3A_917 = arith.addi %add3A_915, %add3A_916 : i32
      %lt3A_918 = arith.constant 512 : i32
      %lt3A_919 = arith.cmpi slt, %add3A_917, %lt3A_918 : i32
      %convert_element_type3A_920 = arith.extui %lt3A_919 : i1 to i32
      %cond3A_921 = arith.constant 0 : i32
      %cond3A_922 = arith.cmpi ne, %convert_element_type3A_920, %cond3A_921 : i32
      scf.if %cond3A_922 {
        %slice3A_2026 = vector.extract_strided_slice %get3A_376 {offsets = [15], sizes = [1], strides = [1]} : vector<16xi32> to vector<1xi32>
        %squeeze3A_2027 = vector.extract %slice3A_2026[0] : i32 from vector<1xi32>
        %slice3A_2028 = vector.extract_strided_slice %get3A_378 {offsets = [15], sizes = [1], strides = [1]} : vector<16xi32> to vector<1xi32>
        %squeeze3A_2029 = vector.extract %slice3A_2028[0] : i32 from vector<1xi32>
        %shift_right_arithmetic3A_2030 = arith.constant 7 : i32
        %shift_right_arithmetic3A_2031 = arith.shrsi %squeeze3A_2027, %shift_right_arithmetic3A_2030 : i32
        %mul3A_2032 = arith.constant 128 : i32
        %mul3A_2033 = arith.muli %shift_right_arithmetic3A_2031, %mul3A_2032 : i32
        %multiple_of3A_2034 = tpu.assume_multiple %mul3A_2033, 128 : i32
        %shift_right_arithmetic3A_2035 = arith.constant 7 : i32
        %shift_right_arithmetic3A_2036 = arith.shrsi %squeeze3A_2029, %shift_right_arithmetic3A_2035 : i32
        %mul3A_2037 = arith.constant 128 : i32
        %mul3A_2038 = arith.muli %shift_right_arithmetic3A_2036, %mul3A_2037 : i32
        %multiple_of3A_2039 = tpu.assume_multiple %mul3A_2038, 128 : i32
        %dma_start3A_2040 = arith.constant 7 : i32
        %dma_start3A_2041 = arith.constant 7 : i32
        %dma_start3A_2042 = arith.constant 0 : i32
        %dma_start3A_2043 = arith.constant 0 : i32
        %dma_start3A_2044 = tpu.memref_slice %arg9[%dma_start3A_2040, %dma_start3A_2042, %dma_start3A_2043] : memref<8x16x128xf32, #tpu.memory_space<vmem>> -> memref<1x16x128xf32, #tpu.memory_space<vmem>>
        %dma_start3A_2045 = tpu.memref_squeeze %dma_start3A_2044 : memref<1x16x128xf32, #tpu.memory_space<vmem>> -> memref<16x128xf32, #tpu.memory_space<vmem>>
        %dma_start3A_2046 = arith.constant 0 : i32
        %dma_start3A_2047 = tpu.memref_slice %arg4[%dma_start3A_2046, %multiple_of3A_2034] : memref<16x1000000xf32, #tpu.memory_space<hbm>> -> memref<16x128xf32, #tpu.memory_space<hbm>>
        %dma_start3A_2048 = tpu.memref_slice %arg12[%dma_start3A_2041] : memref<8x!tpu.dma_semaphore, #tpu.memory_space<semaphore_mem>> -> memref<1x!tpu.dma_semaphore, #tpu.memory_space<semaphore_mem>>
        %dma_start3A_2049 = tpu.memref_squeeze %dma_start3A_2048 : memref<1x!tpu.dma_semaphore, #tpu.memory_space<semaphore_mem>> -> memref<!tpu.dma_semaphore, #tpu.memory_space<semaphore_mem>>
        %dma_start3A_2050 = arith.constant 0 : i32
        %dma_start3A_2051 = arith.constant 0 : i32
        %dma_start3A_2052 = tpu.memref_slice %arg9[%dma_start3A_2040, %dma_start3A_2050, %dma_start3A_2051] : memref<8x16x128xf32, #tpu.memory_space<vmem>> -> memref<1x16x128xf32, #tpu.memory_space<vmem>>
        %dma_start3A_2053 = tpu.memref_squeeze %dma_start3A_2052 : memref<1x16x128xf32, #tpu.memory_space<vmem>> -> memref<16x128xf32, #tpu.memory_space<vmem>>
        %dma_start3A_2054 = arith.constant 0 : i32
        %dma_start3A_2055 = tpu.memref_slice %arg4[%dma_start3A_2054, %multiple_of3A_2034] : memref<16x1000000xf32, #tpu.memory_space<hbm>> -> memref<16x128xf32, #tpu.memory_space<hbm>>
        tpu.enqueue_dma source(%dma_start3A_2055 : memref<16x128xf32, #tpu.memory_space<hbm>>) target(%dma_start3A_2053 : memref<16x128xf32, #tpu.memory_space<vmem>>) target_semaphore(%dma_start3A_2049 : memref<!tpu.dma_semaphore, #tpu.memory_space<semaphore_mem>>)
        %dma_start3A_2056 = arith.constant 7 : i32
        %dma_start3A_2057 = arith.constant 7 : i32
        %dma_start3A_2058 = arith.constant 0 : i32
        %dma_start3A_2059 = arith.constant 0 : i32
        %dma_start3A_2060 = tpu.memref_slice %arg10[%dma_start3A_2056, %dma_start3A_2058, %dma_start3A_2059] : memref<8x16x128xf32, #tpu.memory_space<vmem>> -> memref<1x16x128xf32, #tpu.memory_space<vmem>>
        %dma_start3A_2061 = tpu.memref_squeeze %dma_start3A_2060 : memref<1x16x128xf32, #tpu.memory_space<vmem>> -> memref<16x128xf32, #tpu.memory_space<vmem>>
        %dma_start3A_2062 = arith.constant 0 : i32
        %dma_start3A_2063 = tpu.memref_slice %arg5[%dma_start3A_2062, %multiple_of3A_2039] : memref<16x1000000xf32, #tpu.memory_space<hbm>> -> memref<16x128xf32, #tpu.memory_space<hbm>>
        %dma_start3A_2064 = tpu.memref_slice %arg12[%dma_start3A_2057] : memref<8x!tpu.dma_semaphore, #tpu.memory_space<semaphore_mem>> -> memref<1x!tpu.dma_semaphore, #tpu.memory_space<semaphore_mem>>
        %dma_start3A_2065 = tpu.memref_squeeze %dma_start3A_2064 : memref<1x!tpu.dma_semaphore, #tpu.memory_space<semaphore_mem>> -> memref<!tpu.dma_semaphore, #tpu.memory_space<semaphore_mem>>
        %dma_start3A_2066 = arith.constant 0 : i32
        %dma_start3A_2067 = arith.constant 0 : i32
        %dma_start3A_2068 = tpu.memref_slice %arg10[%dma_start3A_2056, %dma_start3A_2066, %dma_start3A_2067] : memref<8x16x128xf32, #tpu.memory_space<vmem>> -> memref<1x16x128xf32, #tpu.memory_space<vmem>>
        %dma_start3A_2069 = tpu.memref_squeeze %dma_start3A_2068 : memref<1x16x128xf32, #tpu.memory_space<vmem>> -> memref<16x128xf32, #tpu.memory_space<vmem>>
        %dma_start3A_2070 = arith.constant 0 : i32
        %dma_start3A_2071 = tpu.memref_slice %arg5[%dma_start3A_2070, %multiple_of3A_2039] : memref<16x1000000xf32, #tpu.memory_space<hbm>> -> memref<16x128xf32, #tpu.memory_space<hbm>>
        tpu.enqueue_dma source(%dma_start3A_2071 : memref<16x128xf32, #tpu.memory_space<hbm>>) target(%dma_start3A_2069 : memref<16x128xf32, #tpu.memory_space<vmem>>) target_semaphore(%dma_start3A_2065 : memref<!tpu.dma_semaphore, #tpu.memory_space<semaphore_mem>>)
      } else {
      }
      %dma_wait3A_923 = arith.constant 0 : i32
      %dma_wait3A_924 = arith.constant 0 : i32
      %dma_wait3A_925 = arith.constant 0 : i32
      %dma_wait3A_926 = arith.constant 0 : i32
      %dma_wait3A_927 = tpu.memref_slice %arg9[%dma_wait3A_923, %dma_wait3A_925, %dma_wait3A_926] : memref<8x16x128xf32, #tpu.memory_space<vmem>> -> memref<1x16x128xf32, #tpu.memory_space<vmem>>
      %dma_wait3A_928 = tpu.memref_squeeze %dma_wait3A_927 : memref<1x16x128xf32, #tpu.memory_space<vmem>> -> memref<16x128xf32, #tpu.memory_space<vmem>>
      %dma_wait3A_929 = arith.constant 0 : i32
      %dma_wait3A_930 = arith.constant 0 : i32
      %dma_wait3A_931 = tpu.memref_slice %arg4[%dma_wait3A_929, %dma_wait3A_930] : memref<16x1000000xf32, #tpu.memory_space<hbm>> -> memref<16x128xf32, #tpu.memory_space<hbm>>
      %dma_wait3A_932 = tpu.memref_slice %arg12[%dma_wait3A_924] : memref<8x!tpu.dma_semaphore, #tpu.memory_space<semaphore_mem>> -> memref<1x!tpu.dma_semaphore, #tpu.memory_space<semaphore_mem>>
      %dma_wait3A_933 = tpu.memref_squeeze %dma_wait3A_932 : memref<1x!tpu.dma_semaphore, #tpu.memory_space<semaphore_mem>> -> memref<!tpu.dma_semaphore, #tpu.memory_space<semaphore_mem>>
      %dma_wait3A_934 = arith.constant 0 : i32
      %dma_wait3A_935 = arith.constant 0 : i32
      %dma_wait3A_936 = tpu.memref_slice %arg9[%dma_wait3A_923, %dma_wait3A_934, %dma_wait3A_935] : memref<8x16x128xf32, #tpu.memory_space<vmem>> -> memref<1x16x128xf32, #tpu.memory_space<vmem>>
      %dma_wait3A_937 = tpu.memref_squeeze %dma_wait3A_936 : memref<1x16x128xf32, #tpu.memory_space<vmem>> -> memref<16x128xf32, #tpu.memory_space<vmem>>
      %dma_wait3A_938 = arith.constant 0 : i32
      %dma_wait3A_939 = arith.constant 0 : i32
      %dma_wait3A_940 = tpu.memref_slice %arg4[%dma_wait3A_938, %dma_wait3A_939] : memref<16x1000000xf32, #tpu.memory_space<hbm>> -> memref<16x128xf32, #tpu.memory_space<hbm>>
      tpu.wait_dma2 semaphore(%dma_wait3A_933 : memref<!tpu.dma_semaphore, #tpu.memory_space<semaphore_mem>>) src(%dma_wait3A_940 : memref<16x128xf32, #tpu.memory_space<hbm>>) dst(%dma_wait3A_937 : memref<16x128xf32, #tpu.memory_space<vmem>>)
      %dma_wait3A_941 = arith.constant 0 : i32
      %dma_wait3A_942 = arith.constant 0 : i32
      %dma_wait3A_943 = arith.constant 0 : i32
      %dma_wait3A_944 = arith.constant 0 : i32
      %dma_wait3A_945 = tpu.memref_slice %arg10[%dma_wait3A_941, %dma_wait3A_943, %dma_wait3A_944] : memref<8x16x128xf32, #tpu.memory_space<vmem>> -> memref<1x16x128xf32, #tpu.memory_space<vmem>>
      %dma_wait3A_946 = tpu.memref_squeeze %dma_wait3A_945 : memref<1x16x128xf32, #tpu.memory_space<vmem>> -> memref<16x128xf32, #tpu.memory_space<vmem>>
      %dma_wait3A_947 = arith.constant 0 : i32
      %dma_wait3A_948 = arith.constant 0 : i32
      %dma_wait3A_949 = tpu.memref_slice %arg5[%dma_wait3A_947, %dma_wait3A_948] : memref<16x1000000xf32, #tpu.memory_space<hbm>> -> memref<16x128xf32, #tpu.memory_space<hbm>>
      %dma_wait3A_950 = tpu.memref_slice %arg12[%dma_wait3A_942] : memref<8x!tpu.dma_semaphore, #tpu.memory_space<semaphore_mem>> -> memref<1x!tpu.dma_semaphore, #tpu.memory_space<semaphore_mem>>
      %dma_wait3A_951 = tpu.memref_squeeze %dma_wait3A_950 : memref<1x!tpu.dma_semaphore, #tpu.memory_space<semaphore_mem>> -> memref<!tpu.dma_semaphore, #tpu.memory_space<semaphore_mem>>
      %dma_wait3A_952 = arith.constant 0 : i32
      %dma_wait3A_953 = arith.constant 0 : i32
      %dma_wait3A_954 = tpu.memref_slice %arg10[%dma_wait3A_941, %dma_wait3A_952, %dma_wait3A_953] : memref<8x16x128xf32, #tpu.memory_space<vmem>> -> memref<1x16x128xf32, #tpu.memory_space<vmem>>
      %dma_wait3A_955 = tpu.memref_squeeze %dma_wait3A_954 : memref<1x16x128xf32, #tpu.memory_space<vmem>> -> memref<16x128xf32, #tpu.memory_space<vmem>>
      %dma_wait3A_956 = arith.constant 0 : i32
      %dma_wait3A_957 = arith.constant 0 : i32
      %dma_wait3A_958 = tpu.memref_slice %arg5[%dma_wait3A_956, %dma_wait3A_957] : memref<16x1000000xf32, #tpu.memory_space<hbm>> -> memref<16x128xf32, #tpu.memory_space<hbm>>
      tpu.wait_dma2 semaphore(%dma_wait3A_951 : memref<!tpu.dma_semaphore, #tpu.memory_space<semaphore_mem>>) src(%dma_wait3A_958 : memref<16x128xf32, #tpu.memory_space<hbm>>) dst(%dma_wait3A_955 : memref<16x128xf32, #tpu.memory_space<vmem>>)
      %slice3A_959 = vector.extract_strided_slice %get3A_376 {offsets = [8], sizes = [1], strides = [1]} : vector<16xi32> to vector<1xi32>
      %squeeze3A_960 = vector.extract %slice3A_959[0] : i32 from vector<1xi32>
      %and3A_961 = arith.constant 127 : i32
      %and3A_962 = arith.andi %squeeze3A_960, %and3A_961 : i32
      %slice3A_963 = vector.extract_strided_slice %get3A_378 {offsets = [8], sizes = [1], strides = [1]} : vector<16xi32> to vector<1xi32>
      %squeeze3A_964 = vector.extract %slice3A_963[0] : i32 from vector<1xi32>
      %and3A_965 = arith.constant 127 : i32
      %and3A_966 = arith.andi %squeeze3A_964, %and3A_965 : i32
      %broadcast_in_dim3A_967 = vector.broadcast %and3A_962 : i32 to vector<16xi32>
      %gather3A_968 = arith.constant 0 : i32
      %gather3A_969 = arith.constant 0 : i32
      %gather3A_970 = arith.constant 0 : i32
      %gather3A_971 = tpu.memref_slice %arg9[%gather3A_968, %gather3A_969, %gather3A_970] : memref<8x16x128xf32, #tpu.memory_space<vmem>> -> memref<1x16x128xf32, #tpu.memory_space<vmem>>
      %gather3A_972 = tpu.memref_squeeze %gather3A_971 : memref<1x16x128xf32, #tpu.memory_space<vmem>> -> memref<16x128xf32, #tpu.memory_space<vmem>>
      %gather3A_973 = tpu.vector_load_idx %gather3A_972[%iota3A, %broadcast_in_dim3A_967] : memref<16x128xf32, #tpu.memory_space<vmem>>[vector<16xi32>, vector<16xi32>], vector<16xf32>,
      %broadcast_in_dim3A_974 = vector.broadcast %and3A_966 : i32 to vector<16xi32>
      %gather3A_975 = arith.constant 0 : i32
      %gather3A_976 = arith.constant 0 : i32
      %gather3A_977 = arith.constant 0 : i32
      %gather3A_978 = tpu.memref_slice %arg10[%gather3A_975, %gather3A_976, %gather3A_977] : memref<8x16x128xf32, #tpu.memory_space<vmem>> -> memref<1x16x128xf32, #tpu.memory_space<vmem>>
      %gather3A_979 = tpu.memref_squeeze %gather3A_978 : memref<1x16x128xf32, #tpu.memory_space<vmem>> -> memref<16x128xf32, #tpu.memory_space<vmem>>
      %gather3A_980 = tpu.vector_load_idx %gather3A_979[%iota3A, %broadcast_in_dim3A_974] : memref<16x128xf32, #tpu.memory_space<vmem>>[vector<16xi32>, vector<16xi32>], vector<16xf32>,
      %mul3A_981 = arith.mulf %gather3A_973, %gather3A_980 : vector<16xf32>
      %add3A_982 = arith.constant 8 : i32
      %add3A_983 = arith.addi %mul3A_374, %add3A_982 : i32
      %add3A_984 = arith.constant 8 : i32
      %add3A_985 = arith.addi %add3A_983, %add3A_984 : i32
      %lt3A_986 = arith.constant 512 : i32
      %lt3A_987 = arith.cmpi slt, %add3A_985, %lt3A_986 : i32
      %convert_element_type3A_988 = arith.extui %lt3A_987 : i1 to i32
      %cond3A_989 = arith.constant 0 : i32
      %cond3A_990 = arith.cmpi ne, %convert_element_type3A_988, %cond3A_989 : i32
      scf.if %cond3A_990 {
        %slice3A_2026 = vector.extract_strided_slice %get3A_383 {offsets = [0], sizes = [1], strides = [1]} : vector<16xi32> to vector<1xi32>
        %squeeze3A_2027 = vector.extract %slice3A_2026[0] : i32 from vector<1xi32>
        %slice3A_2028 = vector.extract_strided_slice %get3A_385 {offsets = [0], sizes = [1], strides = [1]} : vector<16xi32> to vector<1xi32>
        %squeeze3A_2029 = vector.extract %slice3A_2028[0] : i32 from vector<1xi32>
        %shift_right_arithmetic3A_2030 = arith.constant 7 : i32
        %shift_right_arithmetic3A_2031 = arith.shrsi %squeeze3A_2027, %shift_right_arithmetic3A_2030 : i32
        %mul3A_2032 = arith.constant 128 : i32
        %mul3A_2033 = arith.muli %shift_right_arithmetic3A_2031, %mul3A_2032 : i32
        %multiple_of3A_2034 = tpu.assume_multiple %mul3A_2033, 128 : i32
        %shift_right_arithmetic3A_2035 = arith.constant 7 : i32
        %shift_right_arithmetic3A_2036 = arith.shrsi %squeeze3A_2029, %shift_right_arithmetic3A_2035 : i32
        %mul3A_2037 = arith.constant 128 : i32
        %mul3A_2038 = arith.muli %shift_right_arithmetic3A_2036, %mul3A_2037 : i32
        %multiple_of3A_2039 = tpu.assume_multiple %mul3A_2038, 128 : i32
        %dma_start3A_2040 = arith.constant 0 : i32
        %dma_start3A_2041 = arith.constant 0 : i32
        %dma_start3A_2042 = arith.constant 0 : i32
        %dma_start3A_2043 = arith.constant 0 : i32
        %dma_start3A_2044 = tpu.memref_slice %arg9[%dma_start3A_2040, %dma_start3A_2042, %dma_start3A_2043] : memref<8x16x128xf32, #tpu.memory_space<vmem>> -> memref<1x16x128xf32, #tpu.memory_space<vmem>>
        %dma_start3A_2045 = tpu.memref_squeeze %dma_start3A_2044 : memref<1x16x128xf32, #tpu.memory_space<vmem>> -> memref<16x128xf32, #tpu.memory_space<vmem>>
        %dma_start3A_2046 = arith.constant 0 : i32
        %dma_start3A_2047 = tpu.memref_slice %arg4[%dma_start3A_2046, %multiple_of3A_2034] : memref<16x1000000xf32, #tpu.memory_space<hbm>> -> memref<16x128xf32, #tpu.memory_space<hbm>>
        %dma_start3A_2048 = tpu.memref_slice %arg12[%dma_start3A_2041] : memref<8x!tpu.dma_semaphore, #tpu.memory_space<semaphore_mem>> -> memref<1x!tpu.dma_semaphore, #tpu.memory_space<semaphore_mem>>
        %dma_start3A_2049 = tpu.memref_squeeze %dma_start3A_2048 : memref<1x!tpu.dma_semaphore, #tpu.memory_space<semaphore_mem>> -> memref<!tpu.dma_semaphore, #tpu.memory_space<semaphore_mem>>
        %dma_start3A_2050 = arith.constant 0 : i32
        %dma_start3A_2051 = arith.constant 0 : i32
        %dma_start3A_2052 = tpu.memref_slice %arg9[%dma_start3A_2040, %dma_start3A_2050, %dma_start3A_2051] : memref<8x16x128xf32, #tpu.memory_space<vmem>> -> memref<1x16x128xf32, #tpu.memory_space<vmem>>
        %dma_start3A_2053 = tpu.memref_squeeze %dma_start3A_2052 : memref<1x16x128xf32, #tpu.memory_space<vmem>> -> memref<16x128xf32, #tpu.memory_space<vmem>>
        %dma_start3A_2054 = arith.constant 0 : i32
        %dma_start3A_2055 = tpu.memref_slice %arg4[%dma_start3A_2054, %multiple_of3A_2034] : memref<16x1000000xf32, #tpu.memory_space<hbm>> -> memref<16x128xf32, #tpu.memory_space<hbm>>
        tpu.enqueue_dma source(%dma_start3A_2055 : memref<16x128xf32, #tpu.memory_space<hbm>>) target(%dma_start3A_2053 : memref<16x128xf32, #tpu.memory_space<vmem>>) target_semaphore(%dma_start3A_2049 : memref<!tpu.dma_semaphore, #tpu.memory_space<semaphore_mem>>)
        %dma_start3A_2056 = arith.constant 0 : i32
        %dma_start3A_2057 = arith.constant 0 : i32
        %dma_start3A_2058 = arith.constant 0 : i32
        %dma_start3A_2059 = arith.constant 0 : i32
        %dma_start3A_2060 = tpu.memref_slice %arg10[%dma_start3A_2056, %dma_start3A_2058, %dma_start3A_2059] : memref<8x16x128xf32, #tpu.memory_space<vmem>> -> memref<1x16x128xf32, #tpu.memory_space<vmem>>
        %dma_start3A_2061 = tpu.memref_squeeze %dma_start3A_2060 : memref<1x16x128xf32, #tpu.memory_space<vmem>> -> memref<16x128xf32, #tpu.memory_space<vmem>>
        %dma_start3A_2062 = arith.constant 0 : i32
        %dma_start3A_2063 = tpu.memref_slice %arg5[%dma_start3A_2062, %multiple_of3A_2039] : memref<16x1000000xf32, #tpu.memory_space<hbm>> -> memref<16x128xf32, #tpu.memory_space<hbm>>
        %dma_start3A_2064 = tpu.memref_slice %arg12[%dma_start3A_2057] : memref<8x!tpu.dma_semaphore, #tpu.memory_space<semaphore_mem>> -> memref<1x!tpu.dma_semaphore, #tpu.memory_space<semaphore_mem>>
        %dma_start3A_2065 = tpu.memref_squeeze %dma_start3A_2064 : memref<1x!tpu.dma_semaphore, #tpu.memory_space<semaphore_mem>> -> memref<!tpu.dma_semaphore, #tpu.memory_space<semaphore_mem>>
        %dma_start3A_2066 = arith.constant 0 : i32
        %dma_start3A_2067 = arith.constant 0 : i32
        %dma_start3A_2068 = tpu.memref_slice %arg10[%dma_start3A_2056, %dma_start3A_2066, %dma_start3A_2067] : memref<8x16x128xf32, #tpu.memory_space<vmem>> -> memref<1x16x128xf32, #tpu.memory_space<vmem>>
        %dma_start3A_2069 = tpu.memref_squeeze %dma_start3A_2068 : memref<1x16x128xf32, #tpu.memory_space<vmem>> -> memref<16x128xf32, #tpu.memory_space<vmem>>
        %dma_start3A_2070 = arith.constant 0 : i32
        %dma_start3A_2071 = tpu.memref_slice %arg5[%dma_start3A_2070, %multiple_of3A_2039] : memref<16x1000000xf32, #tpu.memory_space<hbm>> -> memref<16x128xf32, #tpu.memory_space<hbm>>
        tpu.enqueue_dma source(%dma_start3A_2071 : memref<16x128xf32, #tpu.memory_space<hbm>>) target(%dma_start3A_2069 : memref<16x128xf32, #tpu.memory_space<vmem>>) target_semaphore(%dma_start3A_2065 : memref<!tpu.dma_semaphore, #tpu.memory_space<semaphore_mem>>)
      } else {
      }
      %dma_wait3A_991 = arith.constant 1 : i32
      %dma_wait3A_992 = arith.constant 1 : i32
      %dma_wait3A_993 = arith.constant 0 : i32
      %dma_wait3A_994 = arith.constant 0 : i32
      %dma_wait3A_995 = tpu.memref_slice %arg9[%dma_wait3A_991, %dma_wait3A_993, %dma_wait3A_994] : memref<8x16x128xf32, #tpu.memory_space<vmem>> -> memref<1x16x128xf32, #tpu.memory_space<vmem>>
      %dma_wait3A_996 = tpu.memref_squeeze %dma_wait3A_995 : memref<1x16x128xf32, #tpu.memory_space<vmem>> -> memref<16x128xf32, #tpu.memory_space<vmem>>
      %dma_wait3A_997 = arith.constant 0 : i32
      %dma_wait3A_998 = arith.constant 0 : i32
      %dma_wait3A_999 = tpu.memref_slice %arg4[%dma_wait3A_997, %dma_wait3A_998] : memref<16x1000000xf32, #tpu.memory_space<hbm>> -> memref<16x128xf32, #tpu.memory_space<hbm>>
      %dma_wait3A_1000 = tpu.memref_slice %arg12[%dma_wait3A_992] : memref<8x!tpu.dma_semaphore, #tpu.memory_space<semaphore_mem>> -> memref<1x!tpu.dma_semaphore, #tpu.memory_space<semaphore_mem>>
      %dma_wait3A_1001 = tpu.memref_squeeze %dma_wait3A_1000 : memref<1x!tpu.dma_semaphore, #tpu.memory_space<semaphore_mem>> -> memref<!tpu.dma_semaphore, #tpu.memory_space<semaphore_mem>>
      %dma_wait3A_1002 = arith.constant 0 : i32
      %dma_wait3A_1003 = arith.constant 0 : i32
      %dma_wait3A_1004 = tpu.memref_slice %arg9[%dma_wait3A_991, %dma_wait3A_1002, %dma_wait3A_1003] : memref<8x16x128xf32, #tpu.memory_space<vmem>> -> memref<1x16x128xf32, #tpu.memory_space<vmem>>
      %dma_wait3A_1005 = tpu.memref_squeeze %dma_wait3A_1004 : memref<1x16x128xf32, #tpu.memory_space<vmem>> -> memref<16x128xf32, #tpu.memory_space<vmem>>
      %dma_wait3A_1006 = arith.constant 0 : i32
      %dma_wait3A_1007 = arith.constant 0 : i32
      %dma_wait3A_1008 = tpu.memref_slice %arg4[%dma_wait3A_1006, %dma_wait3A_1007] : memref<16x1000000xf32, #tpu.memory_space<hbm>> -> memref<16x128xf32, #tpu.memory_space<hbm>>
      tpu.wait_dma2 semaphore(%dma_wait3A_1001 : memref<!tpu.dma_semaphore, #tpu.memory_space<semaphore_mem>>) src(%dma_wait3A_1008 : memref<16x128xf32, #tpu.memory_space<hbm>>) dst(%dma_wait3A_1005 : memref<16x128xf32, #tpu.memory_space<vmem>>)
      %dma_wait3A_1009 = arith.constant 1 : i32
      %dma_wait3A_1010 = arith.constant 1 : i32
      %dma_wait3A_1011 = arith.constant 0 : i32
      %dma_wait3A_1012 = arith.constant 0 : i32
      %dma_wait3A_1013 = tpu.memref_slice %arg10[%dma_wait3A_1009, %dma_wait3A_1011, %dma_wait3A_1012] : memref<8x16x128xf32, #tpu.memory_space<vmem>> -> memref<1x16x128xf32, #tpu.memory_space<vmem>>
      %dma_wait3A_1014 = tpu.memref_squeeze %dma_wait3A_1013 : memref<1x16x128xf32, #tpu.memory_space<vmem>> -> memref<16x128xf32, #tpu.memory_space<vmem>>
      %dma_wait3A_1015 = arith.constant 0 : i32
      %dma_wait3A_1016 = arith.constant 0 : i32
      %dma_wait3A_1017 = tpu.memref_slice %arg5[%dma_wait3A_1015, %dma_wait3A_1016] : memref<16x1000000xf32, #tpu.memory_space<hbm>> -> memref<16x128xf32, #tpu.memory_space<hbm>>
      %dma_wait3A_1018 = tpu.memref_slice %arg12[%dma_wait3A_1010] : memref<8x!tpu.dma_semaphore, #tpu.memory_space<semaphore_mem>> -> memref<1x!tpu.dma_semaphore, #tpu.memory_space<semaphore_mem>>
      %dma_wait3A_1019 = tpu.memref_squeeze %dma_wait3A_1018 : memref<1x!tpu.dma_semaphore, #tpu.memory_space<semaphore_mem>> -> memref<!tpu.dma_semaphore, #tpu.memory_space<semaphore_mem>>
      %dma_wait3A_1020 = arith.constant 0 : i32
      %dma_wait3A_1021 = arith.constant 0 : i32
      %dma_wait3A_1022 = tpu.memref_slice %arg10[%dma_wait3A_1009, %dma_wait3A_1020, %dma_wait3A_1021] : memref<8x16x128xf32, #tpu.memory_space<vmem>> -> memref<1x16x128xf32, #tpu.memory_space<vmem>>
      %dma_wait3A_1023 = tpu.memref_squeeze %dma_wait3A_1022 : memref<1x16x128xf32, #tpu.memory_space<vmem>> -> memref<16x128xf32, #tpu.memory_space<vmem>>
      %dma_wait3A_1024 = arith.constant 0 : i32
      %dma_wait3A_1025 = arith.constant 0 : i32
      %dma_wait3A_1026 = tpu.memref_slice %arg5[%dma_wait3A_1024, %dma_wait3A_1025] : memref<16x1000000xf32, #tpu.memory_space<hbm>> -> memref<16x128xf32, #tpu.memory_space<hbm>>
      tpu.wait_dma2 semaphore(%dma_wait3A_1019 : memref<!tpu.dma_semaphore, #tpu.memory_space<semaphore_mem>>) src(%dma_wait3A_1026 : memref<16x128xf32, #tpu.memory_space<hbm>>) dst(%dma_wait3A_1023 : memref<16x128xf32, #tpu.memory_space<vmem>>)
      %slice3A_1027 = vector.extract_strided_slice %get3A_376 {offsets = [9], sizes = [1], strides = [1]} : vector<16xi32> to vector<1xi32>
      %squeeze3A_1028 = vector.extract %slice3A_1027[0] : i32 from vector<1xi32>
      %and3A_1029 = arith.constant 127 : i32
      %and3A_1030 = arith.andi %squeeze3A_1028, %and3A_1029 : i32
      %slice3A_1031 = vector.extract_strided_slice %get3A_378 {offsets = [9], sizes = [1], strides = [1]} : vector<16xi32> to vector<1xi32>
      %squeeze3A_1032 = vector.extract %slice3A_1031[0] : i32 from vector<1xi32>
      %and3A_1033 = arith.constant 127 : i32
      %and3A_1034 = arith.andi %squeeze3A_1032, %and3A_1033 : i32
      %broadcast_in_dim3A_1035 = vector.broadcast %and3A_1030 : i32 to vector<16xi32>
      %gather3A_1036 = arith.constant 1 : i32
      %gather3A_1037 = arith.constant 0 : i32
      %gather3A_1038 = arith.constant 0 : i32
      %gather3A_1039 = tpu.memref_slice %arg9[%gather3A_1036, %gather3A_1037, %gather3A_1038] : memref<8x16x128xf32, #tpu.memory_space<vmem>> -> memref<1x16x128xf32, #tpu.memory_space<vmem>>
      %gather3A_1040 = tpu.memref_squeeze %gather3A_1039 : memref<1x16x128xf32, #tpu.memory_space<vmem>> -> memref<16x128xf32, #tpu.memory_space<vmem>>
      %gather3A_1041 = tpu.vector_load_idx %gather3A_1040[%iota3A, %broadcast_in_dim3A_1035] : memref<16x128xf32, #tpu.memory_space<vmem>>[vector<16xi32>, vector<16xi32>], vector<16xf32>,
      %broadcast_in_dim3A_1042 = vector.broadcast %and3A_1034 : i32 to vector<16xi32>
      %gather3A_1043 = arith.constant 1 : i32
      %gather3A_1044 = arith.constant 0 : i32
      %gather3A_1045 = arith.constant 0 : i32
      %gather3A_1046 = tpu.memref_slice %arg10[%gather3A_1043, %gather3A_1044, %gather3A_1045] : memref<8x16x128xf32, #tpu.memory_space<vmem>> -> memref<1x16x128xf32, #tpu.memory_space<vmem>>
      %gather3A_1047 = tpu.memref_squeeze %gather3A_1046 : memref<1x16x128xf32, #tpu.memory_space<vmem>> -> memref<16x128xf32, #tpu.memory_space<vmem>>
      %gather3A_1048 = tpu.vector_load_idx %gather3A_1047[%iota3A, %broadcast_in_dim3A_1042] : memref<16x128xf32, #tpu.memory_space<vmem>>[vector<16xi32>, vector<16xi32>], vector<16xf32>,
      %mul3A_1049 = arith.mulf %gather3A_1041, %gather3A_1048 : vector<16xf32>
      %add3A_1050 = arith.constant 9 : i32
      %add3A_1051 = arith.addi %mul3A_374, %add3A_1050 : i32
      %add3A_1052 = arith.constant 8 : i32
      %add3A_1053 = arith.addi %add3A_1051, %add3A_1052 : i32
      %lt3A_1054 = arith.constant 512 : i32
      %lt3A_1055 = arith.cmpi slt, %add3A_1053, %lt3A_1054 : i32
      %convert_element_type3A_1056 = arith.extui %lt3A_1055 : i1 to i32
      %cond3A_1057 = arith.constant 0 : i32
      %cond3A_1058 = arith.cmpi ne, %convert_element_type3A_1056, %cond3A_1057 : i32
      scf.if %cond3A_1058 {
        %slice3A_2026 = vector.extract_strided_slice %get3A_383 {offsets = [1], sizes = [1], strides = [1]} : vector<16xi32> to vector<1xi32>
        %squeeze3A_2027 = vector.extract %slice3A_2026[0] : i32 from vector<1xi32>
        %slice3A_2028 = vector.extract_strided_slice %get3A_385 {offsets = [1], sizes = [1], strides = [1]} : vector<16xi32> to vector<1xi32>
        %squeeze3A_2029 = vector.extract %slice3A_2028[0] : i32 from vector<1xi32>
        %shift_right_arithmetic3A_2030 = arith.constant 7 : i32
        %shift_right_arithmetic3A_2031 = arith.shrsi %squeeze3A_2027, %shift_right_arithmetic3A_2030 : i32
        %mul3A_2032 = arith.constant 128 : i32
        %mul3A_2033 = arith.muli %shift_right_arithmetic3A_2031, %mul3A_2032 : i32
        %multiple_of3A_2034 = tpu.assume_multiple %mul3A_2033, 128 : i32
        %shift_right_arithmetic3A_2035 = arith.constant 7 : i32
        %shift_right_arithmetic3A_2036 = arith.shrsi %squeeze3A_2029, %shift_right_arithmetic3A_2035 : i32
        %mul3A_2037 = arith.constant 128 : i32
        %mul3A_2038 = arith.muli %shift_right_arithmetic3A_2036, %mul3A_2037 : i32
        %multiple_of3A_2039 = tpu.assume_multiple %mul3A_2038, 128 : i32
        %dma_start3A_2040 = arith.constant 1 : i32
        %dma_start3A_2041 = arith.constant 1 : i32
        %dma_start3A_2042 = arith.constant 0 : i32
        %dma_start3A_2043 = arith.constant 0 : i32
        %dma_start3A_2044 = tpu.memref_slice %arg9[%dma_start3A_2040, %dma_start3A_2042, %dma_start3A_2043] : memref<8x16x128xf32, #tpu.memory_space<vmem>> -> memref<1x16x128xf32, #tpu.memory_space<vmem>>
        %dma_start3A_2045 = tpu.memref_squeeze %dma_start3A_2044 : memref<1x16x128xf32, #tpu.memory_space<vmem>> -> memref<16x128xf32, #tpu.memory_space<vmem>>
        %dma_start3A_2046 = arith.constant 0 : i32
        %dma_start3A_2047 = tpu.memref_slice %arg4[%dma_start3A_2046, %multiple_of3A_2034] : memref<16x1000000xf32, #tpu.memory_space<hbm>> -> memref<16x128xf32, #tpu.memory_space<hbm>>
        %dma_start3A_2048 = tpu.memref_slice %arg12[%dma_start3A_2041] : memref<8x!tpu.dma_semaphore, #tpu.memory_space<semaphore_mem>> -> memref<1x!tpu.dma_semaphore, #tpu.memory_space<semaphore_mem>>
        %dma_start3A_2049 = tpu.memref_squeeze %dma_start3A_2048 : memref<1x!tpu.dma_semaphore, #tpu.memory_space<semaphore_mem>> -> memref<!tpu.dma_semaphore, #tpu.memory_space<semaphore_mem>>
        %dma_start3A_2050 = arith.constant 0 : i32
        %dma_start3A_2051 = arith.constant 0 : i32
        %dma_start3A_2052 = tpu.memref_slice %arg9[%dma_start3A_2040, %dma_start3A_2050, %dma_start3A_2051] : memref<8x16x128xf32, #tpu.memory_space<vmem>> -> memref<1x16x128xf32, #tpu.memory_space<vmem>>
        %dma_start3A_2053 = tpu.memref_squeeze %dma_start3A_2052 : memref<1x16x128xf32, #tpu.memory_space<vmem>> -> memref<16x128xf32, #tpu.memory_space<vmem>>
        %dma_start3A_2054 = arith.constant 0 : i32
        %dma_start3A_2055 = tpu.memref_slice %arg4[%dma_start3A_2054, %multiple_of3A_2034] : memref<16x1000000xf32, #tpu.memory_space<hbm>> -> memref<16x128xf32, #tpu.memory_space<hbm>>
        tpu.enqueue_dma source(%dma_start3A_2055 : memref<16x128xf32, #tpu.memory_space<hbm>>) target(%dma_start3A_2053 : memref<16x128xf32, #tpu.memory_space<vmem>>) target_semaphore(%dma_start3A_2049 : memref<!tpu.dma_semaphore, #tpu.memory_space<semaphore_mem>>)
        %dma_start3A_2056 = arith.constant 1 : i32
        %dma_start3A_2057 = arith.constant 1 : i32
        %dma_start3A_2058 = arith.constant 0 : i32
        %dma_start3A_2059 = arith.constant 0 : i32
        %dma_start3A_2060 = tpu.memref_slice %arg10[%dma_start3A_2056, %dma_start3A_2058, %dma_start3A_2059] : memref<8x16x128xf32, #tpu.memory_space<vmem>> -> memref<1x16x128xf32, #tpu.memory_space<vmem>>
        %dma_start3A_2061 = tpu.memref_squeeze %dma_start3A_2060 : memref<1x16x128xf32, #tpu.memory_space<vmem>> -> memref<16x128xf32, #tpu.memory_space<vmem>>
        %dma_start3A_2062 = arith.constant 0 : i32
        %dma_start3A_2063 = tpu.memref_slice %arg5[%dma_start3A_2062, %multiple_of3A_2039] : memref<16x1000000xf32, #tpu.memory_space<hbm>> -> memref<16x128xf32, #tpu.memory_space<hbm>>
        %dma_start3A_2064 = tpu.memref_slice %arg12[%dma_start3A_2057] : memref<8x!tpu.dma_semaphore, #tpu.memory_space<semaphore_mem>> -> memref<1x!tpu.dma_semaphore, #tpu.memory_space<semaphore_mem>>
        %dma_start3A_2065 = tpu.memref_squeeze %dma_start3A_2064 : memref<1x!tpu.dma_semaphore, #tpu.memory_space<semaphore_mem>> -> memref<!tpu.dma_semaphore, #tpu.memory_space<semaphore_mem>>
        %dma_start3A_2066 = arith.constant 0 : i32
        %dma_start3A_2067 = arith.constant 0 : i32
        %dma_start3A_2068 = tpu.memref_slice %arg10[%dma_start3A_2056, %dma_start3A_2066, %dma_start3A_2067] : memref<8x16x128xf32, #tpu.memory_space<vmem>> -> memref<1x16x128xf32, #tpu.memory_space<vmem>>
        %dma_start3A_2069 = tpu.memref_squeeze %dma_start3A_2068 : memref<1x16x128xf32, #tpu.memory_space<vmem>> -> memref<16x128xf32, #tpu.memory_space<vmem>>
        %dma_start3A_2070 = arith.constant 0 : i32
        %dma_start3A_2071 = tpu.memref_slice %arg5[%dma_start3A_2070, %multiple_of3A_2039] : memref<16x1000000xf32, #tpu.memory_space<hbm>> -> memref<16x128xf32, #tpu.memory_space<hbm>>
        tpu.enqueue_dma source(%dma_start3A_2071 : memref<16x128xf32, #tpu.memory_space<hbm>>) target(%dma_start3A_2069 : memref<16x128xf32, #tpu.memory_space<vmem>>) target_semaphore(%dma_start3A_2065 : memref<!tpu.dma_semaphore, #tpu.memory_space<semaphore_mem>>)
      } else {
      }
      %dma_wait3A_1059 = arith.constant 2 : i32
      %dma_wait3A_1060 = arith.constant 2 : i32
      %dma_wait3A_1061 = arith.constant 0 : i32
      %dma_wait3A_1062 = arith.constant 0 : i32
      %dma_wait3A_1063 = tpu.memref_slice %arg9[%dma_wait3A_1059, %dma_wait3A_1061, %dma_wait3A_1062] : memref<8x16x128xf32, #tpu.memory_space<vmem>> -> memref<1x16x128xf32, #tpu.memory_space<vmem>>
      %dma_wait3A_1064 = tpu.memref_squeeze %dma_wait3A_1063 : memref<1x16x128xf32, #tpu.memory_space<vmem>> -> memref<16x128xf32, #tpu.memory_space<vmem>>
      %dma_wait3A_1065 = arith.constant 0 : i32
      %dma_wait3A_1066 = arith.constant 0 : i32
      %dma_wait3A_1067 = tpu.memref_slice %arg4[%dma_wait3A_1065, %dma_wait3A_1066] : memref<16x1000000xf32, #tpu.memory_space<hbm>> -> memref<16x128xf32, #tpu.memory_space<hbm>>
      %dma_wait3A_1068 = tpu.memref_slice %arg12[%dma_wait3A_1060] : memref<8x!tpu.dma_semaphore, #tpu.memory_space<semaphore_mem>> -> memref<1x!tpu.dma_semaphore, #tpu.memory_space<semaphore_mem>>
      %dma_wait3A_1069 = tpu.memref_squeeze %dma_wait3A_1068 : memref<1x!tpu.dma_semaphore, #tpu.memory_space<semaphore_mem>> -> memref<!tpu.dma_semaphore, #tpu.memory_space<semaphore_mem>>
      %dma_wait3A_1070 = arith.constant 0 : i32
      %dma_wait3A_1071 = arith.constant 0 : i32
      %dma_wait3A_1072 = tpu.memref_slice %arg9[%dma_wait3A_1059, %dma_wait3A_1070, %dma_wait3A_1071] : memref<8x16x128xf32, #tpu.memory_space<vmem>> -> memref<1x16x128xf32, #tpu.memory_space<vmem>>
      %dma_wait3A_1073 = tpu.memref_squeeze %dma_wait3A_1072 : memref<1x16x128xf32, #tpu.memory_space<vmem>> -> memref<16x128xf32, #tpu.memory_space<vmem>>
      %dma_wait3A_1074 = arith.constant 0 : i32
      %dma_wait3A_1075 = arith.constant 0 : i32
      %dma_wait3A_1076 = tpu.memref_slice %arg4[%dma_wait3A_1074, %dma_wait3A_1075] : memref<16x1000000xf32, #tpu.memory_space<hbm>> -> memref<16x128xf32, #tpu.memory_space<hbm>>
      tpu.wait_dma2 semaphore(%dma_wait3A_1069 : memref<!tpu.dma_semaphore, #tpu.memory_space<semaphore_mem>>) src(%dma_wait3A_1076 : memref<16x128xf32, #tpu.memory_space<hbm>>) dst(%dma_wait3A_1073 : memref<16x128xf32, #tpu.memory_space<vmem>>)
      %dma_wait3A_1077 = arith.constant 2 : i32
      %dma_wait3A_1078 = arith.constant 2 : i32
      %dma_wait3A_1079 = arith.constant 0 : i32
      %dma_wait3A_1080 = arith.constant 0 : i32
      %dma_wait3A_1081 = tpu.memref_slice %arg10[%dma_wait3A_1077, %dma_wait3A_1079, %dma_wait3A_1080] : memref<8x16x128xf32, #tpu.memory_space<vmem>> -> memref<1x16x128xf32, #tpu.memory_space<vmem>>
      %dma_wait3A_1082 = tpu.memref_squeeze %dma_wait3A_1081 : memref<1x16x128xf32, #tpu.memory_space<vmem>> -> memref<16x128xf32, #tpu.memory_space<vmem>>
      %dma_wait3A_1083 = arith.constant 0 : i32
      %dma_wait3A_1084 = arith.constant 0 : i32
      %dma_wait3A_1085 = tpu.memref_slice %arg5[%dma_wait3A_1083, %dma_wait3A_1084] : memref<16x1000000xf32, #tpu.memory_space<hbm>> -> memref<16x128xf32, #tpu.memory_space<hbm>>
      %dma_wait3A_1086 = tpu.memref_slice %arg12[%dma_wait3A_1078] : memref<8x!tpu.dma_semaphore, #tpu.memory_space<semaphore_mem>> -> memref<1x!tpu.dma_semaphore, #tpu.memory_space<semaphore_mem>>
      %dma_wait3A_1087 = tpu.memref_squeeze %dma_wait3A_1086 : memref<1x!tpu.dma_semaphore, #tpu.memory_space<semaphore_mem>> -> memref<!tpu.dma_semaphore, #tpu.memory_space<semaphore_mem>>
      %dma_wait3A_1088 = arith.constant 0 : i32
      %dma_wait3A_1089 = arith.constant 0 : i32
      %dma_wait3A_1090 = tpu.memref_slice %arg10[%dma_wait3A_1077, %dma_wait3A_1088, %dma_wait3A_1089] : memref<8x16x128xf32, #tpu.memory_space<vmem>> -> memref<1x16x128xf32, #tpu.memory_space<vmem>>
      %dma_wait3A_1091 = tpu.memref_squeeze %dma_wait3A_1090 : memref<1x16x128xf32, #tpu.memory_space<vmem>> -> memref<16x128xf32, #tpu.memory_space<vmem>>
      %dma_wait3A_1092 = arith.constant 0 : i32
      %dma_wait3A_1093 = arith.constant 0 : i32
      %dma_wait3A_1094 = tpu.memref_slice %arg5[%dma_wait3A_1092, %dma_wait3A_1093] : memref<16x1000000xf32, #tpu.memory_space<hbm>> -> memref<16x128xf32, #tpu.memory_space<hbm>>
      tpu.wait_dma2 semaphore(%dma_wait3A_1087 : memref<!tpu.dma_semaphore, #tpu.memory_space<semaphore_mem>>) src(%dma_wait3A_1094 : memref<16x128xf32, #tpu.memory_space<hbm>>) dst(%dma_wait3A_1091 : memref<16x128xf32, #tpu.memory_space<vmem>>)
      %slice3A_1095 = vector.extract_strided_slice %get3A_376 {offsets = [10], sizes = [1], strides = [1]} : vector<16xi32> to vector<1xi32>
      %squeeze3A_1096 = vector.extract %slice3A_1095[0] : i32 from vector<1xi32>
      %and3A_1097 = arith.constant 127 : i32
      %and3A_1098 = arith.andi %squeeze3A_1096, %and3A_1097 : i32
      %slice3A_1099 = vector.extract_strided_slice %get3A_378 {offsets = [10], sizes = [1], strides = [1]} : vector<16xi32> to vector<1xi32>
      %squeeze3A_1100 = vector.extract %slice3A_1099[0] : i32 from vector<1xi32>
      %and3A_1101 = arith.constant 127 : i32
      %and3A_1102 = arith.andi %squeeze3A_1100, %and3A_1101 : i32
      %broadcast_in_dim3A_1103 = vector.broadcast %and3A_1098 : i32 to vector<16xi32>
      %gather3A_1104 = arith.constant 2 : i32
      %gather3A_1105 = arith.constant 0 : i32
      %gather3A_1106 = arith.constant 0 : i32
      %gather3A_1107 = tpu.memref_slice %arg9[%gather3A_1104, %gather3A_1105, %gather3A_1106] : memref<8x16x128xf32, #tpu.memory_space<vmem>> -> memref<1x16x128xf32, #tpu.memory_space<vmem>>
      %gather3A_1108 = tpu.memref_squeeze %gather3A_1107 : memref<1x16x128xf32, #tpu.memory_space<vmem>> -> memref<16x128xf32, #tpu.memory_space<vmem>>
      %gather3A_1109 = tpu.vector_load_idx %gather3A_1108[%iota3A, %broadcast_in_dim3A_1103] : memref<16x128xf32, #tpu.memory_space<vmem>>[vector<16xi32>, vector<16xi32>], vector<16xf32>,
      %broadcast_in_dim3A_1110 = vector.broadcast %and3A_1102 : i32 to vector<16xi32>
      %gather3A_1111 = arith.constant 2 : i32
      %gather3A_1112 = arith.constant 0 : i32
      %gather3A_1113 = arith.constant 0 : i32
      %gather3A_1114 = tpu.memref_slice %arg10[%gather3A_1111, %gather3A_1112, %gather3A_1113] : memref<8x16x128xf32, #tpu.memory_space<vmem>> -> memref<1x16x128xf32, #tpu.memory_space<vmem>>
      %gather3A_1115 = tpu.memref_squeeze %gather3A_1114 : memref<1x16x128xf32, #tpu.memory_space<vmem>> -> memref<16x128xf32, #tpu.memory_space<vmem>>
      %gather3A_1116 = tpu.vector_load_idx %gather3A_1115[%iota3A, %broadcast_in_dim3A_1110] : memref<16x128xf32, #tpu.memory_space<vmem>>[vector<16xi32>, vector<16xi32>], vector<16xf32>,
      %mul3A_1117 = arith.mulf %gather3A_1109, %gather3A_1116 : vector<16xf32>
      %add3A_1118 = arith.constant 10 : i32
      %add3A_1119 = arith.addi %mul3A_374, %add3A_1118 : i32
      %add3A_1120 = arith.constant 8 : i32
      %add3A_1121 = arith.addi %add3A_1119, %add3A_1120 : i32
      %lt3A_1122 = arith.constant 512 : i32
      %lt3A_1123 = arith.cmpi slt, %add3A_1121, %lt3A_1122 : i32
      %convert_element_type3A_1124 = arith.extui %lt3A_1123 : i1 to i32
      %cond3A_1125 = arith.constant 0 : i32
      %cond3A_1126 = arith.cmpi ne, %convert_element_type3A_1124, %cond3A_1125 : i32
      scf.if %cond3A_1126 {
        %slice3A_2026 = vector.extract_strided_slice %get3A_383 {offsets = [2], sizes = [1], strides = [1]} : vector<16xi32> to vector<1xi32>
        %squeeze3A_2027 = vector.extract %slice3A_2026[0] : i32 from vector<1xi32>
        %slice3A_2028 = vector.extract_strided_slice %get3A_385 {offsets = [2], sizes = [1], strides = [1]} : vector<16xi32> to vector<1xi32>
        %squeeze3A_2029 = vector.extract %slice3A_2028[0] : i32 from vector<1xi32>
        %shift_right_arithmetic3A_2030 = arith.constant 7 : i32
        %shift_right_arithmetic3A_2031 = arith.shrsi %squeeze3A_2027, %shift_right_arithmetic3A_2030 : i32
        %mul3A_2032 = arith.constant 128 : i32
        %mul3A_2033 = arith.muli %shift_right_arithmetic3A_2031, %mul3A_2032 : i32
        %multiple_of3A_2034 = tpu.assume_multiple %mul3A_2033, 128 : i32
        %shift_right_arithmetic3A_2035 = arith.constant 7 : i32
        %shift_right_arithmetic3A_2036 = arith.shrsi %squeeze3A_2029, %shift_right_arithmetic3A_2035 : i32
        %mul3A_2037 = arith.constant 128 : i32
        %mul3A_2038 = arith.muli %shift_right_arithmetic3A_2036, %mul3A_2037 : i32
        %multiple_of3A_2039 = tpu.assume_multiple %mul3A_2038, 128 : i32
        %dma_start3A_2040 = arith.constant 2 : i32
        %dma_start3A_2041 = arith.constant 2 : i32
        %dma_start3A_2042 = arith.constant 0 : i32
        %dma_start3A_2043 = arith.constant 0 : i32
        %dma_start3A_2044 = tpu.memref_slice %arg9[%dma_start3A_2040, %dma_start3A_2042, %dma_start3A_2043] : memref<8x16x128xf32, #tpu.memory_space<vmem>> -> memref<1x16x128xf32, #tpu.memory_space<vmem>>
        %dma_start3A_2045 = tpu.memref_squeeze %dma_start3A_2044 : memref<1x16x128xf32, #tpu.memory_space<vmem>> -> memref<16x128xf32, #tpu.memory_space<vmem>>
        %dma_start3A_2046 = arith.constant 0 : i32
        %dma_start3A_2047 = tpu.memref_slice %arg4[%dma_start3A_2046, %multiple_of3A_2034] : memref<16x1000000xf32, #tpu.memory_space<hbm>> -> memref<16x128xf32, #tpu.memory_space<hbm>>
        %dma_start3A_2048 = tpu.memref_slice %arg12[%dma_start3A_2041] : memref<8x!tpu.dma_semaphore, #tpu.memory_space<semaphore_mem>> -> memref<1x!tpu.dma_semaphore, #tpu.memory_space<semaphore_mem>>
        %dma_start3A_2049 = tpu.memref_squeeze %dma_start3A_2048 : memref<1x!tpu.dma_semaphore, #tpu.memory_space<semaphore_mem>> -> memref<!tpu.dma_semaphore, #tpu.memory_space<semaphore_mem>>
        %dma_start3A_2050 = arith.constant 0 : i32
        %dma_start3A_2051 = arith.constant 0 : i32
        %dma_start3A_2052 = tpu.memref_slice %arg9[%dma_start3A_2040, %dma_start3A_2050, %dma_start3A_2051] : memref<8x16x128xf32, #tpu.memory_space<vmem>> -> memref<1x16x128xf32, #tpu.memory_space<vmem>>
        %dma_start3A_2053 = tpu.memref_squeeze %dma_start3A_2052 : memref<1x16x128xf32, #tpu.memory_space<vmem>> -> memref<16x128xf32, #tpu.memory_space<vmem>>
        %dma_start3A_2054 = arith.constant 0 : i32
        %dma_start3A_2055 = tpu.memref_slice %arg4[%dma_start3A_2054, %multiple_of3A_2034] : memref<16x1000000xf32, #tpu.memory_space<hbm>> -> memref<16x128xf32, #tpu.memory_space<hbm>>
        tpu.enqueue_dma source(%dma_start3A_2055 : memref<16x128xf32, #tpu.memory_space<hbm>>) target(%dma_start3A_2053 : memref<16x128xf32, #tpu.memory_space<vmem>>) target_semaphore(%dma_start3A_2049 : memref<!tpu.dma_semaphore, #tpu.memory_space<semaphore_mem>>)
        %dma_start3A_2056 = arith.constant 2 : i32
        %dma_start3A_2057 = arith.constant 2 : i32
        %dma_start3A_2058 = arith.constant 0 : i32
        %dma_start3A_2059 = arith.constant 0 : i32
        %dma_start3A_2060 = tpu.memref_slice %arg10[%dma_start3A_2056, %dma_start3A_2058, %dma_start3A_2059] : memref<8x16x128xf32, #tpu.memory_space<vmem>> -> memref<1x16x128xf32, #tpu.memory_space<vmem>>
        %dma_start3A_2061 = tpu.memref_squeeze %dma_start3A_2060 : memref<1x16x128xf32, #tpu.memory_space<vmem>> -> memref<16x128xf32, #tpu.memory_space<vmem>>
        %dma_start3A_2062 = arith.constant 0 : i32
        %dma_start3A_2063 = tpu.memref_slice %arg5[%dma_start3A_2062, %multiple_of3A_2039] : memref<16x1000000xf32, #tpu.memory_space<hbm>> -> memref<16x128xf32, #tpu.memory_space<hbm>>
        %dma_start3A_2064 = tpu.memref_slice %arg12[%dma_start3A_2057] : memref<8x!tpu.dma_semaphore, #tpu.memory_space<semaphore_mem>> -> memref<1x!tpu.dma_semaphore, #tpu.memory_space<semaphore_mem>>
        %dma_start3A_2065 = tpu.memref_squeeze %dma_start3A_2064 : memref<1x!tpu.dma_semaphore, #tpu.memory_space<semaphore_mem>> -> memref<!tpu.dma_semaphore, #tpu.memory_space<semaphore_mem>>
        %dma_start3A_2066 = arith.constant 0 : i32
        %dma_start3A_2067 = arith.constant 0 : i32
        %dma_start3A_2068 = tpu.memref_slice %arg10[%dma_start3A_2056, %dma_start3A_2066, %dma_start3A_2067] : memref<8x16x128xf32, #tpu.memory_space<vmem>> -> memref<1x16x128xf32, #tpu.memory_space<vmem>>
        %dma_start3A_2069 = tpu.memref_squeeze %dma_start3A_2068 : memref<1x16x128xf32, #tpu.memory_space<vmem>> -> memref<16x128xf32, #tpu.memory_space<vmem>>
        %dma_start3A_2070 = arith.constant 0 : i32
        %dma_start3A_2071 = tpu.memref_slice %arg5[%dma_start3A_2070, %multiple_of3A_2039] : memref<16x1000000xf32, #tpu.memory_space<hbm>> -> memref<16x128xf32, #tpu.memory_space<hbm>>
        tpu.enqueue_dma source(%dma_start3A_2071 : memref<16x128xf32, #tpu.memory_space<hbm>>) target(%dma_start3A_2069 : memref<16x128xf32, #tpu.memory_space<vmem>>) target_semaphore(%dma_start3A_2065 : memref<!tpu.dma_semaphore, #tpu.memory_space<semaphore_mem>>)
      } else {
      }
      %dma_wait3A_1127 = arith.constant 3 : i32
      %dma_wait3A_1128 = arith.constant 3 : i32
      %dma_wait3A_1129 = arith.constant 0 : i32
      %dma_wait3A_1130 = arith.constant 0 : i32
      %dma_wait3A_1131 = tpu.memref_slice %arg9[%dma_wait3A_1127, %dma_wait3A_1129, %dma_wait3A_1130] : memref<8x16x128xf32, #tpu.memory_space<vmem>> -> memref<1x16x128xf32, #tpu.memory_space<vmem>>
      %dma_wait3A_1132 = tpu.memref_squeeze %dma_wait3A_1131 : memref<1x16x128xf32, #tpu.memory_space<vmem>> -> memref<16x128xf32, #tpu.memory_space<vmem>>
      %dma_wait3A_1133 = arith.constant 0 : i32
      %dma_wait3A_1134 = arith.constant 0 : i32
      %dma_wait3A_1135 = tpu.memref_slice %arg4[%dma_wait3A_1133, %dma_wait3A_1134] : memref<16x1000000xf32, #tpu.memory_space<hbm>> -> memref<16x128xf32, #tpu.memory_space<hbm>>
      %dma_wait3A_1136 = tpu.memref_slice %arg12[%dma_wait3A_1128] : memref<8x!tpu.dma_semaphore, #tpu.memory_space<semaphore_mem>> -> memref<1x!tpu.dma_semaphore, #tpu.memory_space<semaphore_mem>>
      %dma_wait3A_1137 = tpu.memref_squeeze %dma_wait3A_1136 : memref<1x!tpu.dma_semaphore, #tpu.memory_space<semaphore_mem>> -> memref<!tpu.dma_semaphore, #tpu.memory_space<semaphore_mem>>
      %dma_wait3A_1138 = arith.constant 0 : i32
      %dma_wait3A_1139 = arith.constant 0 : i32
      %dma_wait3A_1140 = tpu.memref_slice %arg9[%dma_wait3A_1127, %dma_wait3A_1138, %dma_wait3A_1139] : memref<8x16x128xf32, #tpu.memory_space<vmem>> -> memref<1x16x128xf32, #tpu.memory_space<vmem>>
      %dma_wait3A_1141 = tpu.memref_squeeze %dma_wait3A_1140 : memref<1x16x128xf32, #tpu.memory_space<vmem>> -> memref<16x128xf32, #tpu.memory_space<vmem>>
      %dma_wait3A_1142 = arith.constant 0 : i32
      %dma_wait3A_1143 = arith.constant 0 : i32
      %dma_wait3A_1144 = tpu.memref_slice %arg4[%dma_wait3A_1142, %dma_wait3A_1143] : memref<16x1000000xf32, #tpu.memory_space<hbm>> -> memref<16x128xf32, #tpu.memory_space<hbm>>
      tpu.wait_dma2 semaphore(%dma_wait3A_1137 : memref<!tpu.dma_semaphore, #tpu.memory_space<semaphore_mem>>) src(%dma_wait3A_1144 : memref<16x128xf32, #tpu.memory_space<hbm>>) dst(%dma_wait3A_1141 : memref<16x128xf32, #tpu.memory_space<vmem>>)
      %dma_wait3A_1145 = arith.constant 3 : i32
      %dma_wait3A_1146 = arith.constant 3 : i32
      %dma_wait3A_1147 = arith.constant 0 : i32
      %dma_wait3A_1148 = arith.constant 0 : i32
      %dma_wait3A_1149 = tpu.memref_slice %arg10[%dma_wait3A_1145, %dma_wait3A_1147, %dma_wait3A_1148] : memref<8x16x128xf32, #tpu.memory_space<vmem>> -> memref<1x16x128xf32, #tpu.memory_space<vmem>>
      %dma_wait3A_1150 = tpu.memref_squeeze %dma_wait3A_1149 : memref<1x16x128xf32, #tpu.memory_space<vmem>> -> memref<16x128xf32, #tpu.memory_space<vmem>>
      %dma_wait3A_1151 = arith.constant 0 : i32
      %dma_wait3A_1152 = arith.constant 0 : i32
      %dma_wait3A_1153 = tpu.memref_slice %arg5[%dma_wait3A_1151, %dma_wait3A_1152] : memref<16x1000000xf32, #tpu.memory_space<hbm>> -> memref<16x128xf32, #tpu.memory_space<hbm>>
      %dma_wait3A_1154 = tpu.memref_slice %arg12[%dma_wait3A_1146] : memref<8x!tpu.dma_semaphore, #tpu.memory_space<semaphore_mem>> -> memref<1x!tpu.dma_semaphore, #tpu.memory_space<semaphore_mem>>
      %dma_wait3A_1155 = tpu.memref_squeeze %dma_wait3A_1154 : memref<1x!tpu.dma_semaphore, #tpu.memory_space<semaphore_mem>> -> memref<!tpu.dma_semaphore, #tpu.memory_space<semaphore_mem>>
      %dma_wait3A_1156 = arith.constant 0 : i32
      %dma_wait3A_1157 = arith.constant 0 : i32
      %dma_wait3A_1158 = tpu.memref_slice %arg10[%dma_wait3A_1145, %dma_wait3A_1156, %dma_wait3A_1157] : memref<8x16x128xf32, #tpu.memory_space<vmem>> -> memref<1x16x128xf32, #tpu.memory_space<vmem>>
      %dma_wait3A_1159 = tpu.memref_squeeze %dma_wait3A_1158 : memref<1x16x128xf32, #tpu.memory_space<vmem>> -> memref<16x128xf32, #tpu.memory_space<vmem>>
      %dma_wait3A_1160 = arith.constant 0 : i32
      %dma_wait3A_1161 = arith.constant 0 : i32
      %dma_wait3A_1162 = tpu.memref_slice %arg5[%dma_wait3A_1160, %dma_wait3A_1161] : memref<16x1000000xf32, #tpu.memory_space<hbm>> -> memref<16x128xf32, #tpu.memory_space<hbm>>
      tpu.wait_dma2 semaphore(%dma_wait3A_1155 : memref<!tpu.dma_semaphore, #tpu.memory_space<semaphore_mem>>) src(%dma_wait3A_1162 : memref<16x128xf32, #tpu.memory_space<hbm>>) dst(%dma_wait3A_1159 : memref<16x128xf32, #tpu.memory_space<vmem>>)
      %slice3A_1163 = vector.extract_strided_slice %get3A_376 {offsets = [11], sizes = [1], strides = [1]} : vector<16xi32> to vector<1xi32>
      %squeeze3A_1164 = vector.extract %slice3A_1163[0] : i32 from vector<1xi32>
      %and3A_1165 = arith.constant 127 : i32
      %and3A_1166 = arith.andi %squeeze3A_1164, %and3A_1165 : i32
      %slice3A_1167 = vector.extract_strided_slice %get3A_378 {offsets = [11], sizes = [1], strides = [1]} : vector<16xi32> to vector<1xi32>
      %squeeze3A_1168 = vector.extract %slice3A_1167[0] : i32 from vector<1xi32>
      %and3A_1169 = arith.constant 127 : i32
      %and3A_1170 = arith.andi %squeeze3A_1168, %and3A_1169 : i32
      %broadcast_in_dim3A_1171 = vector.broadcast %and3A_1166 : i32 to vector<16xi32>
      %gather3A_1172 = arith.constant 3 : i32
      %gather3A_1173 = arith.constant 0 : i32
      %gather3A_1174 = arith.constant 0 : i32
      %gather3A_1175 = tpu.memref_slice %arg9[%gather3A_1172, %gather3A_1173, %gather3A_1174] : memref<8x16x128xf32, #tpu.memory_space<vmem>> -> memref<1x16x128xf32, #tpu.memory_space<vmem>>
      %gather3A_1176 = tpu.memref_squeeze %gather3A_1175 : memref<1x16x128xf32, #tpu.memory_space<vmem>> -> memref<16x128xf32, #tpu.memory_space<vmem>>
      %gather3A_1177 = tpu.vector_load_idx %gather3A_1176[%iota3A, %broadcast_in_dim3A_1171] : memref<16x128xf32, #tpu.memory_space<vmem>>[vector<16xi32>, vector<16xi32>], vector<16xf32>,
      %broadcast_in_dim3A_1178 = vector.broadcast %and3A_1170 : i32 to vector<16xi32>
      %gather3A_1179 = arith.constant 3 : i32
      %gather3A_1180 = arith.constant 0 : i32
      %gather3A_1181 = arith.constant 0 : i32
      %gather3A_1182 = tpu.memref_slice %arg10[%gather3A_1179, %gather3A_1180, %gather3A_1181] : memref<8x16x128xf32, #tpu.memory_space<vmem>> -> memref<1x16x128xf32, #tpu.memory_space<vmem>>
      %gather3A_1183 = tpu.memref_squeeze %gather3A_1182 : memref<1x16x128xf32, #tpu.memory_space<vmem>> -> memref<16x128xf32, #tpu.memory_space<vmem>>
      %gather3A_1184 = tpu.vector_load_idx %gather3A_1183[%iota3A, %broadcast_in_dim3A_1178] : memref<16x128xf32, #tpu.memory_space<vmem>>[vector<16xi32>, vector<16xi32>], vector<16xf32>,
      %mul3A_1185 = arith.mulf %gather3A_1177, %gather3A_1184 : vector<16xf32>
      %add3A_1186 = arith.constant 11 : i32
      %add3A_1187 = arith.addi %mul3A_374, %add3A_1186 : i32
      %add3A_1188 = arith.constant 8 : i32
      %add3A_1189 = arith.addi %add3A_1187, %add3A_1188 : i32
      %lt3A_1190 = arith.constant 512 : i32
      %lt3A_1191 = arith.cmpi slt, %add3A_1189, %lt3A_1190 : i32
      %convert_element_type3A_1192 = arith.extui %lt3A_1191 : i1 to i32
      %cond3A_1193 = arith.constant 0 : i32
      %cond3A_1194 = arith.cmpi ne, %convert_element_type3A_1192, %cond3A_1193 : i32
      scf.if %cond3A_1194 {
        %slice3A_2026 = vector.extract_strided_slice %get3A_383 {offsets = [3], sizes = [1], strides = [1]} : vector<16xi32> to vector<1xi32>
        %squeeze3A_2027 = vector.extract %slice3A_2026[0] : i32 from vector<1xi32>
        %slice3A_2028 = vector.extract_strided_slice %get3A_385 {offsets = [3], sizes = [1], strides = [1]} : vector<16xi32> to vector<1xi32>
        %squeeze3A_2029 = vector.extract %slice3A_2028[0] : i32 from vector<1xi32>
        %shift_right_arithmetic3A_2030 = arith.constant 7 : i32
        %shift_right_arithmetic3A_2031 = arith.shrsi %squeeze3A_2027, %shift_right_arithmetic3A_2030 : i32
        %mul3A_2032 = arith.constant 128 : i32
        %mul3A_2033 = arith.muli %shift_right_arithmetic3A_2031, %mul3A_2032 : i32
        %multiple_of3A_2034 = tpu.assume_multiple %mul3A_2033, 128 : i32
        %shift_right_arithmetic3A_2035 = arith.constant 7 : i32
        %shift_right_arithmetic3A_2036 = arith.shrsi %squeeze3A_2029, %shift_right_arithmetic3A_2035 : i32
        %mul3A_2037 = arith.constant 128 : i32
        %mul3A_2038 = arith.muli %shift_right_arithmetic3A_2036, %mul3A_2037 : i32
        %multiple_of3A_2039 = tpu.assume_multiple %mul3A_2038, 128 : i32
        %dma_start3A_2040 = arith.constant 3 : i32
        %dma_start3A_2041 = arith.constant 3 : i32
        %dma_start3A_2042 = arith.constant 0 : i32
        %dma_start3A_2043 = arith.constant 0 : i32
        %dma_start3A_2044 = tpu.memref_slice %arg9[%dma_start3A_2040, %dma_start3A_2042, %dma_start3A_2043] : memref<8x16x128xf32, #tpu.memory_space<vmem>> -> memref<1x16x128xf32, #tpu.memory_space<vmem>>
        %dma_start3A_2045 = tpu.memref_squeeze %dma_start3A_2044 : memref<1x16x128xf32, #tpu.memory_space<vmem>> -> memref<16x128xf32, #tpu.memory_space<vmem>>
        %dma_start3A_2046 = arith.constant 0 : i32
        %dma_start3A_2047 = tpu.memref_slice %arg4[%dma_start3A_2046, %multiple_of3A_2034] : memref<16x1000000xf32, #tpu.memory_space<hbm>> -> memref<16x128xf32, #tpu.memory_space<hbm>>
        %dma_start3A_2048 = tpu.memref_slice %arg12[%dma_start3A_2041] : memref<8x!tpu.dma_semaphore, #tpu.memory_space<semaphore_mem>> -> memref<1x!tpu.dma_semaphore, #tpu.memory_space<semaphore_mem>>
        %dma_start3A_2049 = tpu.memref_squeeze %dma_start3A_2048 : memref<1x!tpu.dma_semaphore, #tpu.memory_space<semaphore_mem>> -> memref<!tpu.dma_semaphore, #tpu.memory_space<semaphore_mem>>
        %dma_start3A_2050 = arith.constant 0 : i32
        %dma_start3A_2051 = arith.constant 0 : i32
        %dma_start3A_2052 = tpu.memref_slice %arg9[%dma_start3A_2040, %dma_start3A_2050, %dma_start3A_2051] : memref<8x16x128xf32, #tpu.memory_space<vmem>> -> memref<1x16x128xf32, #tpu.memory_space<vmem>>
        %dma_start3A_2053 = tpu.memref_squeeze %dma_start3A_2052 : memref<1x16x128xf32, #tpu.memory_space<vmem>> -> memref<16x128xf32, #tpu.memory_space<vmem>>
        %dma_start3A_2054 = arith.constant 0 : i32
        %dma_start3A_2055 = tpu.memref_slice %arg4[%dma_start3A_2054, %multiple_of3A_2034] : memref<16x1000000xf32, #tpu.memory_space<hbm>> -> memref<16x128xf32, #tpu.memory_space<hbm>>
        tpu.enqueue_dma source(%dma_start3A_2055 : memref<16x128xf32, #tpu.memory_space<hbm>>) target(%dma_start3A_2053 : memref<16x128xf32, #tpu.memory_space<vmem>>) target_semaphore(%dma_start3A_2049 : memref<!tpu.dma_semaphore, #tpu.memory_space<semaphore_mem>>)
        %dma_start3A_2056 = arith.constant 3 : i32
        %dma_start3A_2057 = arith.constant 3 : i32
        %dma_start3A_2058 = arith.constant 0 : i32
        %dma_start3A_2059 = arith.constant 0 : i32
        %dma_start3A_2060 = tpu.memref_slice %arg10[%dma_start3A_2056, %dma_start3A_2058, %dma_start3A_2059] : memref<8x16x128xf32, #tpu.memory_space<vmem>> -> memref<1x16x128xf32, #tpu.memory_space<vmem>>
        %dma_start3A_2061 = tpu.memref_squeeze %dma_start3A_2060 : memref<1x16x128xf32, #tpu.memory_space<vmem>> -> memref<16x128xf32, #tpu.memory_space<vmem>>
        %dma_start3A_2062 = arith.constant 0 : i32
        %dma_start3A_2063 = tpu.memref_slice %arg5[%dma_start3A_2062, %multiple_of3A_2039] : memref<16x1000000xf32, #tpu.memory_space<hbm>> -> memref<16x128xf32, #tpu.memory_space<hbm>>
        %dma_start3A_2064 = tpu.memref_slice %arg12[%dma_start3A_2057] : memref<8x!tpu.dma_semaphore, #tpu.memory_space<semaphore_mem>> -> memref<1x!tpu.dma_semaphore, #tpu.memory_space<semaphore_mem>>
        %dma_start3A_2065 = tpu.memref_squeeze %dma_start3A_2064 : memref<1x!tpu.dma_semaphore, #tpu.memory_space<semaphore_mem>> -> memref<!tpu.dma_semaphore, #tpu.memory_space<semaphore_mem>>
        %dma_start3A_2066 = arith.constant 0 : i32
        %dma_start3A_2067 = arith.constant 0 : i32
        %dma_start3A_2068 = tpu.memref_slice %arg10[%dma_start3A_2056, %dma_start3A_2066, %dma_start3A_2067] : memref<8x16x128xf32, #tpu.memory_space<vmem>> -> memref<1x16x128xf32, #tpu.memory_space<vmem>>
        %dma_start3A_2069 = tpu.memref_squeeze %dma_start3A_2068 : memref<1x16x128xf32, #tpu.memory_space<vmem>> -> memref<16x128xf32, #tpu.memory_space<vmem>>
        %dma_start3A_2070 = arith.constant 0 : i32
        %dma_start3A_2071 = tpu.memref_slice %arg5[%dma_start3A_2070, %multiple_of3A_2039] : memref<16x1000000xf32, #tpu.memory_space<hbm>> -> memref<16x128xf32, #tpu.memory_space<hbm>>
        tpu.enqueue_dma source(%dma_start3A_2071 : memref<16x128xf32, #tpu.memory_space<hbm>>) target(%dma_start3A_2069 : memref<16x128xf32, #tpu.memory_space<vmem>>) target_semaphore(%dma_start3A_2065 : memref<!tpu.dma_semaphore, #tpu.memory_space<semaphore_mem>>)
      } else {
      }
      %dma_wait3A_1195 = arith.constant 4 : i32
      %dma_wait3A_1196 = arith.constant 4 : i32
      %dma_wait3A_1197 = arith.constant 0 : i32
      %dma_wait3A_1198 = arith.constant 0 : i32
      %dma_wait3A_1199 = tpu.memref_slice %arg9[%dma_wait3A_1195, %dma_wait3A_1197, %dma_wait3A_1198] : memref<8x16x128xf32, #tpu.memory_space<vmem>> -> memref<1x16x128xf32, #tpu.memory_space<vmem>>
      %dma_wait3A_1200 = tpu.memref_squeeze %dma_wait3A_1199 : memref<1x16x128xf32, #tpu.memory_space<vmem>> -> memref<16x128xf32, #tpu.memory_space<vmem>>
      %dma_wait3A_1201 = arith.constant 0 : i32
      %dma_wait3A_1202 = arith.constant 0 : i32
      %dma_wait3A_1203 = tpu.memref_slice %arg4[%dma_wait3A_1201, %dma_wait3A_1202] : memref<16x1000000xf32, #tpu.memory_space<hbm>> -> memref<16x128xf32, #tpu.memory_space<hbm>>
      %dma_wait3A_1204 = tpu.memref_slice %arg12[%dma_wait3A_1196] : memref<8x!tpu.dma_semaphore, #tpu.memory_space<semaphore_mem>> -> memref<1x!tpu.dma_semaphore, #tpu.memory_space<semaphore_mem>>
      %dma_wait3A_1205 = tpu.memref_squeeze %dma_wait3A_1204 : memref<1x!tpu.dma_semaphore, #tpu.memory_space<semaphore_mem>> -> memref<!tpu.dma_semaphore, #tpu.memory_space<semaphore_mem>>
      %dma_wait3A_1206 = arith.constant 0 : i32
      %dma_wait3A_1207 = arith.constant 0 : i32
      %dma_wait3A_1208 = tpu.memref_slice %arg9[%dma_wait3A_1195, %dma_wait3A_1206, %dma_wait3A_1207] : memref<8x16x128xf32, #tpu.memory_space<vmem>> -> memref<1x16x128xf32, #tpu.memory_space<vmem>>
      %dma_wait3A_1209 = tpu.memref_squeeze %dma_wait3A_1208 : memref<1x16x128xf32, #tpu.memory_space<vmem>> -> memref<16x128xf32, #tpu.memory_space<vmem>>
      %dma_wait3A_1210 = arith.constant 0 : i32
      %dma_wait3A_1211 = arith.constant 0 : i32
      %dma_wait3A_1212 = tpu.memref_slice %arg4[%dma_wait3A_1210, %dma_wait3A_1211] : memref<16x1000000xf32, #tpu.memory_space<hbm>> -> memref<16x128xf32, #tpu.memory_space<hbm>>
      tpu.wait_dma2 semaphore(%dma_wait3A_1205 : memref<!tpu.dma_semaphore, #tpu.memory_space<semaphore_mem>>) src(%dma_wait3A_1212 : memref<16x128xf32, #tpu.memory_space<hbm>>) dst(%dma_wait3A_1209 : memref<16x128xf32, #tpu.memory_space<vmem>>)
      %dma_wait3A_1213 = arith.constant 4 : i32
      %dma_wait3A_1214 = arith.constant 4 : i32
      %dma_wait3A_1215 = arith.constant 0 : i32
      %dma_wait3A_1216 = arith.constant 0 : i32
      %dma_wait3A_1217 = tpu.memref_slice %arg10[%dma_wait3A_1213, %dma_wait3A_1215, %dma_wait3A_1216] : memref<8x16x128xf32, #tpu.memory_space<vmem>> -> memref<1x16x128xf32, #tpu.memory_space<vmem>>
      %dma_wait3A_1218 = tpu.memref_squeeze %dma_wait3A_1217 : memref<1x16x128xf32, #tpu.memory_space<vmem>> -> memref<16x128xf32, #tpu.memory_space<vmem>>
      %dma_wait3A_1219 = arith.constant 0 : i32
      %dma_wait3A_1220 = arith.constant 0 : i32
      %dma_wait3A_1221 = tpu.memref_slice %arg5[%dma_wait3A_1219, %dma_wait3A_1220] : memref<16x1000000xf32, #tpu.memory_space<hbm>> -> memref<16x128xf32, #tpu.memory_space<hbm>>
      %dma_wait3A_1222 = tpu.memref_slice %arg12[%dma_wait3A_1214] : memref<8x!tpu.dma_semaphore, #tpu.memory_space<semaphore_mem>> -> memref<1x!tpu.dma_semaphore, #tpu.memory_space<semaphore_mem>>
      %dma_wait3A_1223 = tpu.memref_squeeze %dma_wait3A_1222 : memref<1x!tpu.dma_semaphore, #tpu.memory_space<semaphore_mem>> -> memref<!tpu.dma_semaphore, #tpu.memory_space<semaphore_mem>>
      %dma_wait3A_1224 = arith.constant 0 : i32
      %dma_wait3A_1225 = arith.constant 0 : i32
      %dma_wait3A_1226 = tpu.memref_slice %arg10[%dma_wait3A_1213, %dma_wait3A_1224, %dma_wait3A_1225] : memref<8x16x128xf32, #tpu.memory_space<vmem>> -> memref<1x16x128xf32, #tpu.memory_space<vmem>>
      %dma_wait3A_1227 = tpu.memref_squeeze %dma_wait3A_1226 : memref<1x16x128xf32, #tpu.memory_space<vmem>> -> memref<16x128xf32, #tpu.memory_space<vmem>>
      %dma_wait3A_1228 = arith.constant 0 : i32
      %dma_wait3A_1229 = arith.constant 0 : i32
      %dma_wait3A_1230 = tpu.memref_slice %arg5[%dma_wait3A_1228, %dma_wait3A_1229] : memref<16x1000000xf32, #tpu.memory_space<hbm>> -> memref<16x128xf32, #tpu.memory_space<hbm>>
      tpu.wait_dma2 semaphore(%dma_wait3A_1223 : memref<!tpu.dma_semaphore, #tpu.memory_space<semaphore_mem>>) src(%dma_wait3A_1230 : memref<16x128xf32, #tpu.memory_space<hbm>>) dst(%dma_wait3A_1227 : memref<16x128xf32, #tpu.memory_space<vmem>>)
      %slice3A_1231 = vector.extract_strided_slice %get3A_376 {offsets = [12], sizes = [1], strides = [1]} : vector<16xi32> to vector<1xi32>
      %squeeze3A_1232 = vector.extract %slice3A_1231[0] : i32 from vector<1xi32>
      %and3A_1233 = arith.constant 127 : i32
      %and3A_1234 = arith.andi %squeeze3A_1232, %and3A_1233 : i32
      %slice3A_1235 = vector.extract_strided_slice %get3A_378 {offsets = [12], sizes = [1], strides = [1]} : vector<16xi32> to vector<1xi32>
      %squeeze3A_1236 = vector.extract %slice3A_1235[0] : i32 from vector<1xi32>
      %and3A_1237 = arith.constant 127 : i32
      %and3A_1238 = arith.andi %squeeze3A_1236, %and3A_1237 : i32
      %broadcast_in_dim3A_1239 = vector.broadcast %and3A_1234 : i32 to vector<16xi32>
      %gather3A_1240 = arith.constant 4 : i32
      %gather3A_1241 = arith.constant 0 : i32
      %gather3A_1242 = arith.constant 0 : i32
      %gather3A_1243 = tpu.memref_slice %arg9[%gather3A_1240, %gather3A_1241, %gather3A_1242] : memref<8x16x128xf32, #tpu.memory_space<vmem>> -> memref<1x16x128xf32, #tpu.memory_space<vmem>>
      %gather3A_1244 = tpu.memref_squeeze %gather3A_1243 : memref<1x16x128xf32, #tpu.memory_space<vmem>> -> memref<16x128xf32, #tpu.memory_space<vmem>>
      %gather3A_1245 = tpu.vector_load_idx %gather3A_1244[%iota3A, %broadcast_in_dim3A_1239] : memref<16x128xf32, #tpu.memory_space<vmem>>[vector<16xi32>, vector<16xi32>], vector<16xf32>,
      %broadcast_in_dim3A_1246 = vector.broadcast %and3A_1238 : i32 to vector<16xi32>
      %gather3A_1247 = arith.constant 4 : i32
      %gather3A_1248 = arith.constant 0 : i32
      %gather3A_1249 = arith.constant 0 : i32
      %gather3A_1250 = tpu.memref_slice %arg10[%gather3A_1247, %gather3A_1248, %gather3A_1249] : memref<8x16x128xf32, #tpu.memory_space<vmem>> -> memref<1x16x128xf32, #tpu.memory_space<vmem>>
      %gather3A_1251 = tpu.memref_squeeze %gather3A_1250 : memref<1x16x128xf32, #tpu.memory_space<vmem>> -> memref<16x128xf32, #tpu.memory_space<vmem>>
      %gather3A_1252 = tpu.vector_load_idx %gather3A_1251[%iota3A, %broadcast_in_dim3A_1246] : memref<16x128xf32, #tpu.memory_space<vmem>>[vector<16xi32>, vector<16xi32>], vector<16xf32>,
      %mul3A_1253 = arith.mulf %gather3A_1245, %gather3A_1252 : vector<16xf32>
      %add3A_1254 = arith.constant 12 : i32
      %add3A_1255 = arith.addi %mul3A_374, %add3A_1254 : i32
      %add3A_1256 = arith.constant 8 : i32
      %add3A_1257 = arith.addi %add3A_1255, %add3A_1256 : i32
      %lt3A_1258 = arith.constant 512 : i32
      %lt3A_1259 = arith.cmpi slt, %add3A_1257, %lt3A_1258 : i32
      %convert_element_type3A_1260 = arith.extui %lt3A_1259 : i1 to i32
      %cond3A_1261 = arith.constant 0 : i32
      %cond3A_1262 = arith.cmpi ne, %convert_element_type3A_1260, %cond3A_1261 : i32
      scf.if %cond3A_1262 {
        %slice3A_2026 = vector.extract_strided_slice %get3A_383 {offsets = [4], sizes = [1], strides = [1]} : vector<16xi32> to vector<1xi32>
        %squeeze3A_2027 = vector.extract %slice3A_2026[0] : i32 from vector<1xi32>
        %slice3A_2028 = vector.extract_strided_slice %get3A_385 {offsets = [4], sizes = [1], strides = [1]} : vector<16xi32> to vector<1xi32>
        %squeeze3A_2029 = vector.extract %slice3A_2028[0] : i32 from vector<1xi32>
        %shift_right_arithmetic3A_2030 = arith.constant 7 : i32
        %shift_right_arithmetic3A_2031 = arith.shrsi %squeeze3A_2027, %shift_right_arithmetic3A_2030 : i32
        %mul3A_2032 = arith.constant 128 : i32
        %mul3A_2033 = arith.muli %shift_right_arithmetic3A_2031, %mul3A_2032 : i32
        %multiple_of3A_2034 = tpu.assume_multiple %mul3A_2033, 128 : i32
        %shift_right_arithmetic3A_2035 = arith.constant 7 : i32
        %shift_right_arithmetic3A_2036 = arith.shrsi %squeeze3A_2029, %shift_right_arithmetic3A_2035 : i32
        %mul3A_2037 = arith.constant 128 : i32
        %mul3A_2038 = arith.muli %shift_right_arithmetic3A_2036, %mul3A_2037 : i32
        %multiple_of3A_2039 = tpu.assume_multiple %mul3A_2038, 128 : i32
        %dma_start3A_2040 = arith.constant 4 : i32
        %dma_start3A_2041 = arith.constant 4 : i32
        %dma_start3A_2042 = arith.constant 0 : i32
        %dma_start3A_2043 = arith.constant 0 : i32
        %dma_start3A_2044 = tpu.memref_slice %arg9[%dma_start3A_2040, %dma_start3A_2042, %dma_start3A_2043] : memref<8x16x128xf32, #tpu.memory_space<vmem>> -> memref<1x16x128xf32, #tpu.memory_space<vmem>>
        %dma_start3A_2045 = tpu.memref_squeeze %dma_start3A_2044 : memref<1x16x128xf32, #tpu.memory_space<vmem>> -> memref<16x128xf32, #tpu.memory_space<vmem>>
        %dma_start3A_2046 = arith.constant 0 : i32
        %dma_start3A_2047 = tpu.memref_slice %arg4[%dma_start3A_2046, %multiple_of3A_2034] : memref<16x1000000xf32, #tpu.memory_space<hbm>> -> memref<16x128xf32, #tpu.memory_space<hbm>>
        %dma_start3A_2048 = tpu.memref_slice %arg12[%dma_start3A_2041] : memref<8x!tpu.dma_semaphore, #tpu.memory_space<semaphore_mem>> -> memref<1x!tpu.dma_semaphore, #tpu.memory_space<semaphore_mem>>
        %dma_start3A_2049 = tpu.memref_squeeze %dma_start3A_2048 : memref<1x!tpu.dma_semaphore, #tpu.memory_space<semaphore_mem>> -> memref<!tpu.dma_semaphore, #tpu.memory_space<semaphore_mem>>
        %dma_start3A_2050 = arith.constant 0 : i32
        %dma_start3A_2051 = arith.constant 0 : i32
        %dma_start3A_2052 = tpu.memref_slice %arg9[%dma_start3A_2040, %dma_start3A_2050, %dma_start3A_2051] : memref<8x16x128xf32, #tpu.memory_space<vmem>> -> memref<1x16x128xf32, #tpu.memory_space<vmem>>
        %dma_start3A_2053 = tpu.memref_squeeze %dma_start3A_2052 : memref<1x16x128xf32, #tpu.memory_space<vmem>> -> memref<16x128xf32, #tpu.memory_space<vmem>>
        %dma_start3A_2054 = arith.constant 0 : i32
        %dma_start3A_2055 = tpu.memref_slice %arg4[%dma_start3A_2054, %multiple_of3A_2034] : memref<16x1000000xf32, #tpu.memory_space<hbm>> -> memref<16x128xf32, #tpu.memory_space<hbm>>
        tpu.enqueue_dma source(%dma_start3A_2055 : memref<16x128xf32, #tpu.memory_space<hbm>>) target(%dma_start3A_2053 : memref<16x128xf32, #tpu.memory_space<vmem>>) target_semaphore(%dma_start3A_2049 : memref<!tpu.dma_semaphore, #tpu.memory_space<semaphore_mem>>)
        %dma_start3A_2056 = arith.constant 4 : i32
        %dma_start3A_2057 = arith.constant 4 : i32
        %dma_start3A_2058 = arith.constant 0 : i32
        %dma_start3A_2059 = arith.constant 0 : i32
        %dma_start3A_2060 = tpu.memref_slice %arg10[%dma_start3A_2056, %dma_start3A_2058, %dma_start3A_2059] : memref<8x16x128xf32, #tpu.memory_space<vmem>> -> memref<1x16x128xf32, #tpu.memory_space<vmem>>
        %dma_start3A_2061 = tpu.memref_squeeze %dma_start3A_2060 : memref<1x16x128xf32, #tpu.memory_space<vmem>> -> memref<16x128xf32, #tpu.memory_space<vmem>>
        %dma_start3A_2062 = arith.constant 0 : i32
        %dma_start3A_2063 = tpu.memref_slice %arg5[%dma_start3A_2062, %multiple_of3A_2039] : memref<16x1000000xf32, #tpu.memory_space<hbm>> -> memref<16x128xf32, #tpu.memory_space<hbm>>
        %dma_start3A_2064 = tpu.memref_slice %arg12[%dma_start3A_2057] : memref<8x!tpu.dma_semaphore, #tpu.memory_space<semaphore_mem>> -> memref<1x!tpu.dma_semaphore, #tpu.memory_space<semaphore_mem>>
        %dma_start3A_2065 = tpu.memref_squeeze %dma_start3A_2064 : memref<1x!tpu.dma_semaphore, #tpu.memory_space<semaphore_mem>> -> memref<!tpu.dma_semaphore, #tpu.memory_space<semaphore_mem>>
        %dma_start3A_2066 = arith.constant 0 : i32
        %dma_start3A_2067 = arith.constant 0 : i32
        %dma_start3A_2068 = tpu.memref_slice %arg10[%dma_start3A_2056, %dma_start3A_2066, %dma_start3A_2067] : memref<8x16x128xf32, #tpu.memory_space<vmem>> -> memref<1x16x128xf32, #tpu.memory_space<vmem>>
        %dma_start3A_2069 = tpu.memref_squeeze %dma_start3A_2068 : memref<1x16x128xf32, #tpu.memory_space<vmem>> -> memref<16x128xf32, #tpu.memory_space<vmem>>
        %dma_start3A_2070 = arith.constant 0 : i32
        %dma_start3A_2071 = tpu.memref_slice %arg5[%dma_start3A_2070, %multiple_of3A_2039] : memref<16x1000000xf32, #tpu.memory_space<hbm>> -> memref<16x128xf32, #tpu.memory_space<hbm>>
        tpu.enqueue_dma source(%dma_start3A_2071 : memref<16x128xf32, #tpu.memory_space<hbm>>) target(%dma_start3A_2069 : memref<16x128xf32, #tpu.memory_space<vmem>>) target_semaphore(%dma_start3A_2065 : memref<!tpu.dma_semaphore, #tpu.memory_space<semaphore_mem>>)
      } else {
      }
      %dma_wait3A_1263 = arith.constant 5 : i32
      %dma_wait3A_1264 = arith.constant 5 : i32
      %dma_wait3A_1265 = arith.constant 0 : i32
      %dma_wait3A_1266 = arith.constant 0 : i32
      %dma_wait3A_1267 = tpu.memref_slice %arg9[%dma_wait3A_1263, %dma_wait3A_1265, %dma_wait3A_1266] : memref<8x16x128xf32, #tpu.memory_space<vmem>> -> memref<1x16x128xf32, #tpu.memory_space<vmem>>
      %dma_wait3A_1268 = tpu.memref_squeeze %dma_wait3A_1267 : memref<1x16x128xf32, #tpu.memory_space<vmem>> -> memref<16x128xf32, #tpu.memory_space<vmem>>
      %dma_wait3A_1269 = arith.constant 0 : i32
      %dma_wait3A_1270 = arith.constant 0 : i32
      %dma_wait3A_1271 = tpu.memref_slice %arg4[%dma_wait3A_1269, %dma_wait3A_1270] : memref<16x1000000xf32, #tpu.memory_space<hbm>> -> memref<16x128xf32, #tpu.memory_space<hbm>>
      %dma_wait3A_1272 = tpu.memref_slice %arg12[%dma_wait3A_1264] : memref<8x!tpu.dma_semaphore, #tpu.memory_space<semaphore_mem>> -> memref<1x!tpu.dma_semaphore, #tpu.memory_space<semaphore_mem>>
      %dma_wait3A_1273 = tpu.memref_squeeze %dma_wait3A_1272 : memref<1x!tpu.dma_semaphore, #tpu.memory_space<semaphore_mem>> -> memref<!tpu.dma_semaphore, #tpu.memory_space<semaphore_mem>>
      %dma_wait3A_1274 = arith.constant 0 : i32
      %dma_wait3A_1275 = arith.constant 0 : i32
      %dma_wait3A_1276 = tpu.memref_slice %arg9[%dma_wait3A_1263, %dma_wait3A_1274, %dma_wait3A_1275] : memref<8x16x128xf32, #tpu.memory_space<vmem>> -> memref<1x16x128xf32, #tpu.memory_space<vmem>>
      %dma_wait3A_1277 = tpu.memref_squeeze %dma_wait3A_1276 : memref<1x16x128xf32, #tpu.memory_space<vmem>> -> memref<16x128xf32, #tpu.memory_space<vmem>>
      %dma_wait3A_1278 = arith.constant 0 : i32
      %dma_wait3A_1279 = arith.constant 0 : i32
      %dma_wait3A_1280 = tpu.memref_slice %arg4[%dma_wait3A_1278, %dma_wait3A_1279] : memref<16x1000000xf32, #tpu.memory_space<hbm>> -> memref<16x128xf32, #tpu.memory_space<hbm>>
      tpu.wait_dma2 semaphore(%dma_wait3A_1273 : memref<!tpu.dma_semaphore, #tpu.memory_space<semaphore_mem>>) src(%dma_wait3A_1280 : memref<16x128xf32, #tpu.memory_space<hbm>>) dst(%dma_wait3A_1277 : memref<16x128xf32, #tpu.memory_space<vmem>>)
      %dma_wait3A_1281 = arith.constant 5 : i32
      %dma_wait3A_1282 = arith.constant 5 : i32
      %dma_wait3A_1283 = arith.constant 0 : i32
      %dma_wait3A_1284 = arith.constant 0 : i32
      %dma_wait3A_1285 = tpu.memref_slice %arg10[%dma_wait3A_1281, %dma_wait3A_1283, %dma_wait3A_1284] : memref<8x16x128xf32, #tpu.memory_space<vmem>> -> memref<1x16x128xf32, #tpu.memory_space<vmem>>
      %dma_wait3A_1286 = tpu.memref_squeeze %dma_wait3A_1285 : memref<1x16x128xf32, #tpu.memory_space<vmem>> -> memref<16x128xf32, #tpu.memory_space<vmem>>
      %dma_wait3A_1287 = arith.constant 0 : i32
      %dma_wait3A_1288 = arith.constant 0 : i32
      %dma_wait3A_1289 = tpu.memref_slice %arg5[%dma_wait3A_1287, %dma_wait3A_1288] : memref<16x1000000xf32, #tpu.memory_space<hbm>> -> memref<16x128xf32, #tpu.memory_space<hbm>>
      %dma_wait3A_1290 = tpu.memref_slice %arg12[%dma_wait3A_1282] : memref<8x!tpu.dma_semaphore, #tpu.memory_space<semaphore_mem>> -> memref<1x!tpu.dma_semaphore, #tpu.memory_space<semaphore_mem>>
      %dma_wait3A_1291 = tpu.memref_squeeze %dma_wait3A_1290 : memref<1x!tpu.dma_semaphore, #tpu.memory_space<semaphore_mem>> -> memref<!tpu.dma_semaphore, #tpu.memory_space<semaphore_mem>>
      %dma_wait3A_1292 = arith.constant 0 : i32
      %dma_wait3A_1293 = arith.constant 0 : i32
      %dma_wait3A_1294 = tpu.memref_slice %arg10[%dma_wait3A_1281, %dma_wait3A_1292, %dma_wait3A_1293] : memref<8x16x128xf32, #tpu.memory_space<vmem>> -> memref<1x16x128xf32, #tpu.memory_space<vmem>>
      %dma_wait3A_1295 = tpu.memref_squeeze %dma_wait3A_1294 : memref<1x16x128xf32, #tpu.memory_space<vmem>> -> memref<16x128xf32, #tpu.memory_space<vmem>>
      %dma_wait3A_1296 = arith.constant 0 : i32
      %dma_wait3A_1297 = arith.constant 0 : i32
      %dma_wait3A_1298 = tpu.memref_slice %arg5[%dma_wait3A_1296, %dma_wait3A_1297] : memref<16x1000000xf32, #tpu.memory_space<hbm>> -> memref<16x128xf32, #tpu.memory_space<hbm>>
      tpu.wait_dma2 semaphore(%dma_wait3A_1291 : memref<!tpu.dma_semaphore, #tpu.memory_space<semaphore_mem>>) src(%dma_wait3A_1298 : memref<16x128xf32, #tpu.memory_space<hbm>>) dst(%dma_wait3A_1295 : memref<16x128xf32, #tpu.memory_space<vmem>>)
      %slice3A_1299 = vector.extract_strided_slice %get3A_376 {offsets = [13], sizes = [1], strides = [1]} : vector<16xi32> to vector<1xi32>
      %squeeze3A_1300 = vector.extract %slice3A_1299[0] : i32 from vector<1xi32>
      %and3A_1301 = arith.constant 127 : i32
      %and3A_1302 = arith.andi %squeeze3A_1300, %and3A_1301 : i32
      %slice3A_1303 = vector.extract_strided_slice %get3A_378 {offsets = [13], sizes = [1], strides = [1]} : vector<16xi32> to vector<1xi32>
      %squeeze3A_1304 = vector.extract %slice3A_1303[0] : i32 from vector<1xi32>
      %and3A_1305 = arith.constant 127 : i32
      %and3A_1306 = arith.andi %squeeze3A_1304, %and3A_1305 : i32
      %broadcast_in_dim3A_1307 = vector.broadcast %and3A_1302 : i32 to vector<16xi32>
      %gather3A_1308 = arith.constant 5 : i32
      %gather3A_1309 = arith.constant 0 : i32
      %gather3A_1310 = arith.constant 0 : i32
      %gather3A_1311 = tpu.memref_slice %arg9[%gather3A_1308, %gather3A_1309, %gather3A_1310] : memref<8x16x128xf32, #tpu.memory_space<vmem>> -> memref<1x16x128xf32, #tpu.memory_space<vmem>>
      %gather3A_1312 = tpu.memref_squeeze %gather3A_1311 : memref<1x16x128xf32, #tpu.memory_space<vmem>> -> memref<16x128xf32, #tpu.memory_space<vmem>>
      %gather3A_1313 = tpu.vector_load_idx %gather3A_1312[%iota3A, %broadcast_in_dim3A_1307] : memref<16x128xf32, #tpu.memory_space<vmem>>[vector<16xi32>, vector<16xi32>], vector<16xf32>,
      %broadcast_in_dim3A_1314 = vector.broadcast %and3A_1306 : i32 to vector<16xi32>
      %gather3A_1315 = arith.constant 5 : i32
      %gather3A_1316 = arith.constant 0 : i32
      %gather3A_1317 = arith.constant 0 : i32
      %gather3A_1318 = tpu.memref_slice %arg10[%gather3A_1315, %gather3A_1316, %gather3A_1317] : memref<8x16x128xf32, #tpu.memory_space<vmem>> -> memref<1x16x128xf32, #tpu.memory_space<vmem>>
      %gather3A_1319 = tpu.memref_squeeze %gather3A_1318 : memref<1x16x128xf32, #tpu.memory_space<vmem>> -> memref<16x128xf32, #tpu.memory_space<vmem>>
      %gather3A_1320 = tpu.vector_load_idx %gather3A_1319[%iota3A, %broadcast_in_dim3A_1314] : memref<16x128xf32, #tpu.memory_space<vmem>>[vector<16xi32>, vector<16xi32>], vector<16xf32>,
      %mul3A_1321 = arith.mulf %gather3A_1313, %gather3A_1320 : vector<16xf32>
      %add3A_1322 = arith.constant 13 : i32
      %add3A_1323 = arith.addi %mul3A_374, %add3A_1322 : i32
      %add3A_1324 = arith.constant 8 : i32
      %add3A_1325 = arith.addi %add3A_1323, %add3A_1324 : i32
      %lt3A_1326 = arith.constant 512 : i32
      %lt3A_1327 = arith.cmpi slt, %add3A_1325, %lt3A_1326 : i32
      %convert_element_type3A_1328 = arith.extui %lt3A_1327 : i1 to i32
      %cond3A_1329 = arith.constant 0 : i32
      %cond3A_1330 = arith.cmpi ne, %convert_element_type3A_1328, %cond3A_1329 : i32
      scf.if %cond3A_1330 {
        %slice3A_2026 = vector.extract_strided_slice %get3A_383 {offsets = [5], sizes = [1], strides = [1]} : vector<16xi32> to vector<1xi32>
        %squeeze3A_2027 = vector.extract %slice3A_2026[0] : i32 from vector<1xi32>
        %slice3A_2028 = vector.extract_strided_slice %get3A_385 {offsets = [5], sizes = [1], strides = [1]} : vector<16xi32> to vector<1xi32>
        %squeeze3A_2029 = vector.extract %slice3A_2028[0] : i32 from vector<1xi32>
        %shift_right_arithmetic3A_2030 = arith.constant 7 : i32
        %shift_right_arithmetic3A_2031 = arith.shrsi %squeeze3A_2027, %shift_right_arithmetic3A_2030 : i32
        %mul3A_2032 = arith.constant 128 : i32
        %mul3A_2033 = arith.muli %shift_right_arithmetic3A_2031, %mul3A_2032 : i32
        %multiple_of3A_2034 = tpu.assume_multiple %mul3A_2033, 128 : i32
        %shift_right_arithmetic3A_2035 = arith.constant 7 : i32
        %shift_right_arithmetic3A_2036 = arith.shrsi %squeeze3A_2029, %shift_right_arithmetic3A_2035 : i32
        %mul3A_2037 = arith.constant 128 : i32
        %mul3A_2038 = arith.muli %shift_right_arithmetic3A_2036, %mul3A_2037 : i32
        %multiple_of3A_2039 = tpu.assume_multiple %mul3A_2038, 128 : i32
        %dma_start3A_2040 = arith.constant 5 : i32
        %dma_start3A_2041 = arith.constant 5 : i32
        %dma_start3A_2042 = arith.constant 0 : i32
        %dma_start3A_2043 = arith.constant 0 : i32
        %dma_start3A_2044 = tpu.memref_slice %arg9[%dma_start3A_2040, %dma_start3A_2042, %dma_start3A_2043] : memref<8x16x128xf32, #tpu.memory_space<vmem>> -> memref<1x16x128xf32, #tpu.memory_space<vmem>>
        %dma_start3A_2045 = tpu.memref_squeeze %dma_start3A_2044 : memref<1x16x128xf32, #tpu.memory_space<vmem>> -> memref<16x128xf32, #tpu.memory_space<vmem>>
        %dma_start3A_2046 = arith.constant 0 : i32
        %dma_start3A_2047 = tpu.memref_slice %arg4[%dma_start3A_2046, %multiple_of3A_2034] : memref<16x1000000xf32, #tpu.memory_space<hbm>> -> memref<16x128xf32, #tpu.memory_space<hbm>>
        %dma_start3A_2048 = tpu.memref_slice %arg12[%dma_start3A_2041] : memref<8x!tpu.dma_semaphore, #tpu.memory_space<semaphore_mem>> -> memref<1x!tpu.dma_semaphore, #tpu.memory_space<semaphore_mem>>
        %dma_start3A_2049 = tpu.memref_squeeze %dma_start3A_2048 : memref<1x!tpu.dma_semaphore, #tpu.memory_space<semaphore_mem>> -> memref<!tpu.dma_semaphore, #tpu.memory_space<semaphore_mem>>
        %dma_start3A_2050 = arith.constant 0 : i32
        %dma_start3A_2051 = arith.constant 0 : i32
        %dma_start3A_2052 = tpu.memref_slice %arg9[%dma_start3A_2040, %dma_start3A_2050, %dma_start3A_2051] : memref<8x16x128xf32, #tpu.memory_space<vmem>> -> memref<1x16x128xf32, #tpu.memory_space<vmem>>
        %dma_start3A_2053 = tpu.memref_squeeze %dma_start3A_2052 : memref<1x16x128xf32, #tpu.memory_space<vmem>> -> memref<16x128xf32, #tpu.memory_space<vmem>>
        %dma_start3A_2054 = arith.constant 0 : i32
        %dma_start3A_2055 = tpu.memref_slice %arg4[%dma_start3A_2054, %multiple_of3A_2034] : memref<16x1000000xf32, #tpu.memory_space<hbm>> -> memref<16x128xf32, #tpu.memory_space<hbm>>
        tpu.enqueue_dma source(%dma_start3A_2055 : memref<16x128xf32, #tpu.memory_space<hbm>>) target(%dma_start3A_2053 : memref<16x128xf32, #tpu.memory_space<vmem>>) target_semaphore(%dma_start3A_2049 : memref<!tpu.dma_semaphore, #tpu.memory_space<semaphore_mem>>)
        %dma_start3A_2056 = arith.constant 5 : i32
        %dma_start3A_2057 = arith.constant 5 : i32
        %dma_start3A_2058 = arith.constant 0 : i32
        %dma_start3A_2059 = arith.constant 0 : i32
        %dma_start3A_2060 = tpu.memref_slice %arg10[%dma_start3A_2056, %dma_start3A_2058, %dma_start3A_2059] : memref<8x16x128xf32, #tpu.memory_space<vmem>> -> memref<1x16x128xf32, #tpu.memory_space<vmem>>
        %dma_start3A_2061 = tpu.memref_squeeze %dma_start3A_2060 : memref<1x16x128xf32, #tpu.memory_space<vmem>> -> memref<16x128xf32, #tpu.memory_space<vmem>>
        %dma_start3A_2062 = arith.constant 0 : i32
        %dma_start3A_2063 = tpu.memref_slice %arg5[%dma_start3A_2062, %multiple_of3A_2039] : memref<16x1000000xf32, #tpu.memory_space<hbm>> -> memref<16x128xf32, #tpu.memory_space<hbm>>
        %dma_start3A_2064 = tpu.memref_slice %arg12[%dma_start3A_2057] : memref<8x!tpu.dma_semaphore, #tpu.memory_space<semaphore_mem>> -> memref<1x!tpu.dma_semaphore, #tpu.memory_space<semaphore_mem>>
        %dma_start3A_2065 = tpu.memref_squeeze %dma_start3A_2064 : memref<1x!tpu.dma_semaphore, #tpu.memory_space<semaphore_mem>> -> memref<!tpu.dma_semaphore, #tpu.memory_space<semaphore_mem>>
        %dma_start3A_2066 = arith.constant 0 : i32
        %dma_start3A_2067 = arith.constant 0 : i32
        %dma_start3A_2068 = tpu.memref_slice %arg10[%dma_start3A_2056, %dma_start3A_2066, %dma_start3A_2067] : memref<8x16x128xf32, #tpu.memory_space<vmem>> -> memref<1x16x128xf32, #tpu.memory_space<vmem>>
        %dma_start3A_2069 = tpu.memref_squeeze %dma_start3A_2068 : memref<1x16x128xf32, #tpu.memory_space<vmem>> -> memref<16x128xf32, #tpu.memory_space<vmem>>
        %dma_start3A_2070 = arith.constant 0 : i32
        %dma_start3A_2071 = tpu.memref_slice %arg5[%dma_start3A_2070, %multiple_of3A_2039] : memref<16x1000000xf32, #tpu.memory_space<hbm>> -> memref<16x128xf32, #tpu.memory_space<hbm>>
        tpu.enqueue_dma source(%dma_start3A_2071 : memref<16x128xf32, #tpu.memory_space<hbm>>) target(%dma_start3A_2069 : memref<16x128xf32, #tpu.memory_space<vmem>>) target_semaphore(%dma_start3A_2065 : memref<!tpu.dma_semaphore, #tpu.memory_space<semaphore_mem>>)
      } else {
      }
      %dma_wait3A_1331 = arith.constant 6 : i32
      %dma_wait3A_1332 = arith.constant 6 : i32
      %dma_wait3A_1333 = arith.constant 0 : i32
      %dma_wait3A_1334 = arith.constant 0 : i32
      %dma_wait3A_1335 = tpu.memref_slice %arg9[%dma_wait3A_1331, %dma_wait3A_1333, %dma_wait3A_1334] : memref<8x16x128xf32, #tpu.memory_space<vmem>> -> memref<1x16x128xf32, #tpu.memory_space<vmem>>
      %dma_wait3A_1336 = tpu.memref_squeeze %dma_wait3A_1335 : memref<1x16x128xf32, #tpu.memory_space<vmem>> -> memref<16x128xf32, #tpu.memory_space<vmem>>
      %dma_wait3A_1337 = arith.constant 0 : i32
      %dma_wait3A_1338 = arith.constant 0 : i32
      %dma_wait3A_1339 = tpu.memref_slice %arg4[%dma_wait3A_1337, %dma_wait3A_1338] : memref<16x1000000xf32, #tpu.memory_space<hbm>> -> memref<16x128xf32, #tpu.memory_space<hbm>>
      %dma_wait3A_1340 = tpu.memref_slice %arg12[%dma_wait3A_1332] : memref<8x!tpu.dma_semaphore, #tpu.memory_space<semaphore_mem>> -> memref<1x!tpu.dma_semaphore, #tpu.memory_space<semaphore_mem>>
      %dma_wait3A_1341 = tpu.memref_squeeze %dma_wait3A_1340 : memref<1x!tpu.dma_semaphore, #tpu.memory_space<semaphore_mem>> -> memref<!tpu.dma_semaphore, #tpu.memory_space<semaphore_mem>>
      %dma_wait3A_1342 = arith.constant 0 : i32
      %dma_wait3A_1343 = arith.constant 0 : i32
      %dma_wait3A_1344 = tpu.memref_slice %arg9[%dma_wait3A_1331, %dma_wait3A_1342, %dma_wait3A_1343] : memref<8x16x128xf32, #tpu.memory_space<vmem>> -> memref<1x16x128xf32, #tpu.memory_space<vmem>>
      %dma_wait3A_1345 = tpu.memref_squeeze %dma_wait3A_1344 : memref<1x16x128xf32, #tpu.memory_space<vmem>> -> memref<16x128xf32, #tpu.memory_space<vmem>>
      %dma_wait3A_1346 = arith.constant 0 : i32
      %dma_wait3A_1347 = arith.constant 0 : i32
      %dma_wait3A_1348 = tpu.memref_slice %arg4[%dma_wait3A_1346, %dma_wait3A_1347] : memref<16x1000000xf32, #tpu.memory_space<hbm>> -> memref<16x128xf32, #tpu.memory_space<hbm>>
      tpu.wait_dma2 semaphore(%dma_wait3A_1341 : memref<!tpu.dma_semaphore, #tpu.memory_space<semaphore_mem>>) src(%dma_wait3A_1348 : memref<16x128xf32, #tpu.memory_space<hbm>>) dst(%dma_wait3A_1345 : memref<16x128xf32, #tpu.memory_space<vmem>>)
      %dma_wait3A_1349 = arith.constant 6 : i32
      %dma_wait3A_1350 = arith.constant 6 : i32
      %dma_wait3A_1351 = arith.constant 0 : i32
      %dma_wait3A_1352 = arith.constant 0 : i32
      %dma_wait3A_1353 = tpu.memref_slice %arg10[%dma_wait3A_1349, %dma_wait3A_1351, %dma_wait3A_1352] : memref<8x16x128xf32, #tpu.memory_space<vmem>> -> memref<1x16x128xf32, #tpu.memory_space<vmem>>
      %dma_wait3A_1354 = tpu.memref_squeeze %dma_wait3A_1353 : memref<1x16x128xf32, #tpu.memory_space<vmem>> -> memref<16x128xf32, #tpu.memory_space<vmem>>
      %dma_wait3A_1355 = arith.constant 0 : i32
      %dma_wait3A_1356 = arith.constant 0 : i32
      %dma_wait3A_1357 = tpu.memref_slice %arg5[%dma_wait3A_1355, %dma_wait3A_1356] : memref<16x1000000xf32, #tpu.memory_space<hbm>> -> memref<16x128xf32, #tpu.memory_space<hbm>>
      %dma_wait3A_1358 = tpu.memref_slice %arg12[%dma_wait3A_1350] : memref<8x!tpu.dma_semaphore, #tpu.memory_space<semaphore_mem>> -> memref<1x!tpu.dma_semaphore, #tpu.memory_space<semaphore_mem>>
      %dma_wait3A_1359 = tpu.memref_squeeze %dma_wait3A_1358 : memref<1x!tpu.dma_semaphore, #tpu.memory_space<semaphore_mem>> -> memref<!tpu.dma_semaphore, #tpu.memory_space<semaphore_mem>>
      %dma_wait3A_1360 = arith.constant 0 : i32
      %dma_wait3A_1361 = arith.constant 0 : i32
      %dma_wait3A_1362 = tpu.memref_slice %arg10[%dma_wait3A_1349, %dma_wait3A_1360, %dma_wait3A_1361] : memref<8x16x128xf32, #tpu.memory_space<vmem>> -> memref<1x16x128xf32, #tpu.memory_space<vmem>>
      %dma_wait3A_1363 = tpu.memref_squeeze %dma_wait3A_1362 : memref<1x16x128xf32, #tpu.memory_space<vmem>> -> memref<16x128xf32, #tpu.memory_space<vmem>>
      %dma_wait3A_1364 = arith.constant 0 : i32
      %dma_wait3A_1365 = arith.constant 0 : i32
      %dma_wait3A_1366 = tpu.memref_slice %arg5[%dma_wait3A_1364, %dma_wait3A_1365] : memref<16x1000000xf32, #tpu.memory_space<hbm>> -> memref<16x128xf32, #tpu.memory_space<hbm>>
      tpu.wait_dma2 semaphore(%dma_wait3A_1359 : memref<!tpu.dma_semaphore, #tpu.memory_space<semaphore_mem>>) src(%dma_wait3A_1366 : memref<16x128xf32, #tpu.memory_space<hbm>>) dst(%dma_wait3A_1363 : memref<16x128xf32, #tpu.memory_space<vmem>>)
      %slice3A_1367 = vector.extract_strided_slice %get3A_376 {offsets = [14], sizes = [1], strides = [1]} : vector<16xi32> to vector<1xi32>
      %squeeze3A_1368 = vector.extract %slice3A_1367[0] : i32 from vector<1xi32>
      %and3A_1369 = arith.constant 127 : i32
      %and3A_1370 = arith.andi %squeeze3A_1368, %and3A_1369 : i32
      %slice3A_1371 = vector.extract_strided_slice %get3A_378 {offsets = [14], sizes = [1], strides = [1]} : vector<16xi32> to vector<1xi32>
      %squeeze3A_1372 = vector.extract %slice3A_1371[0] : i32 from vector<1xi32>
      %and3A_1373 = arith.constant 127 : i32
      %and3A_1374 = arith.andi %squeeze3A_1372, %and3A_1373 : i32
      %broadcast_in_dim3A_1375 = vector.broadcast %and3A_1370 : i32 to vector<16xi32>
      %gather3A_1376 = arith.constant 6 : i32
      %gather3A_1377 = arith.constant 0 : i32
      %gather3A_1378 = arith.constant 0 : i32
      %gather3A_1379 = tpu.memref_slice %arg9[%gather3A_1376, %gather3A_1377, %gather3A_1378] : memref<8x16x128xf32, #tpu.memory_space<vmem>> -> memref<1x16x128xf32, #tpu.memory_space<vmem>>
      %gather3A_1380 = tpu.memref_squeeze %gather3A_1379 : memref<1x16x128xf32, #tpu.memory_space<vmem>> -> memref<16x128xf32, #tpu.memory_space<vmem>>
      %gather3A_1381 = tpu.vector_load_idx %gather3A_1380[%iota3A, %broadcast_in_dim3A_1375] : memref<16x128xf32, #tpu.memory_space<vmem>>[vector<16xi32>, vector<16xi32>], vector<16xf32>,
      %broadcast_in_dim3A_1382 = vector.broadcast %and3A_1374 : i32 to vector<16xi32>
      %gather3A_1383 = arith.constant 6 : i32
      %gather3A_1384 = arith.constant 0 : i32
      %gather3A_1385 = arith.constant 0 : i32
      %gather3A_1386 = tpu.memref_slice %arg10[%gather3A_1383, %gather3A_1384, %gather3A_1385] : memref<8x16x128xf32, #tpu.memory_space<vmem>> -> memref<1x16x128xf32, #tpu.memory_space<vmem>>
      %gather3A_1387 = tpu.memref_squeeze %gather3A_1386 : memref<1x16x128xf32, #tpu.memory_space<vmem>> -> memref<16x128xf32, #tpu.memory_space<vmem>>
      %gather3A_1388 = tpu.vector_load_idx %gather3A_1387[%iota3A, %broadcast_in_dim3A_1382] : memref<16x128xf32, #tpu.memory_space<vmem>>[vector<16xi32>, vector<16xi32>], vector<16xf32>,
      %mul3A_1389 = arith.mulf %gather3A_1381, %gather3A_1388 : vector<16xf32>
      %add3A_1390 = arith.constant 14 : i32
      %add3A_1391 = arith.addi %mul3A_374, %add3A_1390 : i32
      %add3A_1392 = arith.constant 8 : i32
      %add3A_1393 = arith.addi %add3A_1391, %add3A_1392 : i32
      %lt3A_1394 = arith.constant 512 : i32
      %lt3A_1395 = arith.cmpi slt, %add3A_1393, %lt3A_1394 : i32
      %convert_element_type3A_1396 = arith.extui %lt3A_1395 : i1 to i32
      %cond3A_1397 = arith.constant 0 : i32
      %cond3A_1398 = arith.cmpi ne, %convert_element_type3A_1396, %cond3A_1397 : i32
      scf.if %cond3A_1398 {
        %slice3A_2026 = vector.extract_strided_slice %get3A_383 {offsets = [6], sizes = [1], strides = [1]} : vector<16xi32> to vector<1xi32>
        %squeeze3A_2027 = vector.extract %slice3A_2026[0] : i32 from vector<1xi32>
        %slice3A_2028 = vector.extract_strided_slice %get3A_385 {offsets = [6], sizes = [1], strides = [1]} : vector<16xi32> to vector<1xi32>
        %squeeze3A_2029 = vector.extract %slice3A_2028[0] : i32 from vector<1xi32>
        %shift_right_arithmetic3A_2030 = arith.constant 7 : i32
        %shift_right_arithmetic3A_2031 = arith.shrsi %squeeze3A_2027, %shift_right_arithmetic3A_2030 : i32
        %mul3A_2032 = arith.constant 128 : i32
        %mul3A_2033 = arith.muli %shift_right_arithmetic3A_2031, %mul3A_2032 : i32
        %multiple_of3A_2034 = tpu.assume_multiple %mul3A_2033, 128 : i32
        %shift_right_arithmetic3A_2035 = arith.constant 7 : i32
        %shift_right_arithmetic3A_2036 = arith.shrsi %squeeze3A_2029, %shift_right_arithmetic3A_2035 : i32
        %mul3A_2037 = arith.constant 128 : i32
        %mul3A_2038 = arith.muli %shift_right_arithmetic3A_2036, %mul3A_2037 : i32
        %multiple_of3A_2039 = tpu.assume_multiple %mul3A_2038, 128 : i32
        %dma_start3A_2040 = arith.constant 6 : i32
        %dma_start3A_2041 = arith.constant 6 : i32
        %dma_start3A_2042 = arith.constant 0 : i32
        %dma_start3A_2043 = arith.constant 0 : i32
        %dma_start3A_2044 = tpu.memref_slice %arg9[%dma_start3A_2040, %dma_start3A_2042, %dma_start3A_2043] : memref<8x16x128xf32, #tpu.memory_space<vmem>> -> memref<1x16x128xf32, #tpu.memory_space<vmem>>
        %dma_start3A_2045 = tpu.memref_squeeze %dma_start3A_2044 : memref<1x16x128xf32, #tpu.memory_space<vmem>> -> memref<16x128xf32, #tpu.memory_space<vmem>>
        %dma_start3A_2046 = arith.constant 0 : i32
        %dma_start3A_2047 = tpu.memref_slice %arg4[%dma_start3A_2046, %multiple_of3A_2034] : memref<16x1000000xf32, #tpu.memory_space<hbm>> -> memref<16x128xf32, #tpu.memory_space<hbm>>
        %dma_start3A_2048 = tpu.memref_slice %arg12[%dma_start3A_2041] : memref<8x!tpu.dma_semaphore, #tpu.memory_space<semaphore_mem>> -> memref<1x!tpu.dma_semaphore, #tpu.memory_space<semaphore_mem>>
        %dma_start3A_2049 = tpu.memref_squeeze %dma_start3A_2048 : memref<1x!tpu.dma_semaphore, #tpu.memory_space<semaphore_mem>> -> memref<!tpu.dma_semaphore, #tpu.memory_space<semaphore_mem>>
        %dma_start3A_2050 = arith.constant 0 : i32
        %dma_start3A_2051 = arith.constant 0 : i32
        %dma_start3A_2052 = tpu.memref_slice %arg9[%dma_start3A_2040, %dma_start3A_2050, %dma_start3A_2051] : memref<8x16x128xf32, #tpu.memory_space<vmem>> -> memref<1x16x128xf32, #tpu.memory_space<vmem>>
        %dma_start3A_2053 = tpu.memref_squeeze %dma_start3A_2052 : memref<1x16x128xf32, #tpu.memory_space<vmem>> -> memref<16x128xf32, #tpu.memory_space<vmem>>
        %dma_start3A_2054 = arith.constant 0 : i32
        %dma_start3A_2055 = tpu.memref_slice %arg4[%dma_start3A_2054, %multiple_of3A_2034] : memref<16x1000000xf32, #tpu.memory_space<hbm>> -> memref<16x128xf32, #tpu.memory_space<hbm>>
        tpu.enqueue_dma source(%dma_start3A_2055 : memref<16x128xf32, #tpu.memory_space<hbm>>) target(%dma_start3A_2053 : memref<16x128xf32, #tpu.memory_space<vmem>>) target_semaphore(%dma_start3A_2049 : memref<!tpu.dma_semaphore, #tpu.memory_space<semaphore_mem>>)
        %dma_start3A_2056 = arith.constant 6 : i32
        %dma_start3A_2057 = arith.constant 6 : i32
        %dma_start3A_2058 = arith.constant 0 : i32
        %dma_start3A_2059 = arith.constant 0 : i32
        %dma_start3A_2060 = tpu.memref_slice %arg10[%dma_start3A_2056, %dma_start3A_2058, %dma_start3A_2059] : memref<8x16x128xf32, #tpu.memory_space<vmem>> -> memref<1x16x128xf32, #tpu.memory_space<vmem>>
        %dma_start3A_2061 = tpu.memref_squeeze %dma_start3A_2060 : memref<1x16x128xf32, #tpu.memory_space<vmem>> -> memref<16x128xf32, #tpu.memory_space<vmem>>
        %dma_start3A_2062 = arith.constant 0 : i32
        %dma_start3A_2063 = tpu.memref_slice %arg5[%dma_start3A_2062, %multiple_of3A_2039] : memref<16x1000000xf32, #tpu.memory_space<hbm>> -> memref<16x128xf32, #tpu.memory_space<hbm>>
        %dma_start3A_2064 = tpu.memref_slice %arg12[%dma_start3A_2057] : memref<8x!tpu.dma_semaphore, #tpu.memory_space<semaphore_mem>> -> memref<1x!tpu.dma_semaphore, #tpu.memory_space<semaphore_mem>>
        %dma_start3A_2065 = tpu.memref_squeeze %dma_start3A_2064 : memref<1x!tpu.dma_semaphore, #tpu.memory_space<semaphore_mem>> -> memref<!tpu.dma_semaphore, #tpu.memory_space<semaphore_mem>>
        %dma_start3A_2066 = arith.constant 0 : i32
        %dma_start3A_2067 = arith.constant 0 : i32
        %dma_start3A_2068 = tpu.memref_slice %arg10[%dma_start3A_2056, %dma_start3A_2066, %dma_start3A_2067] : memref<8x16x128xf32, #tpu.memory_space<vmem>> -> memref<1x16x128xf32, #tpu.memory_space<vmem>>
        %dma_start3A_2069 = tpu.memref_squeeze %dma_start3A_2068 : memref<1x16x128xf32, #tpu.memory_space<vmem>> -> memref<16x128xf32, #tpu.memory_space<vmem>>
        %dma_start3A_2070 = arith.constant 0 : i32
        %dma_start3A_2071 = tpu.memref_slice %arg5[%dma_start3A_2070, %multiple_of3A_2039] : memref<16x1000000xf32, #tpu.memory_space<hbm>> -> memref<16x128xf32, #tpu.memory_space<hbm>>
        tpu.enqueue_dma source(%dma_start3A_2071 : memref<16x128xf32, #tpu.memory_space<hbm>>) target(%dma_start3A_2069 : memref<16x128xf32, #tpu.memory_space<vmem>>) target_semaphore(%dma_start3A_2065 : memref<!tpu.dma_semaphore, #tpu.memory_space<semaphore_mem>>)
      } else {
      }
      %dma_wait3A_1399 = arith.constant 7 : i32
      %dma_wait3A_1400 = arith.constant 7 : i32
      %dma_wait3A_1401 = arith.constant 0 : i32
      %dma_wait3A_1402 = arith.constant 0 : i32
      %dma_wait3A_1403 = tpu.memref_slice %arg9[%dma_wait3A_1399, %dma_wait3A_1401, %dma_wait3A_1402] : memref<8x16x128xf32, #tpu.memory_space<vmem>> -> memref<1x16x128xf32, #tpu.memory_space<vmem>>
      %dma_wait3A_1404 = tpu.memref_squeeze %dma_wait3A_1403 : memref<1x16x128xf32, #tpu.memory_space<vmem>> -> memref<16x128xf32, #tpu.memory_space<vmem>>
      %dma_wait3A_1405 = arith.constant 0 : i32
      %dma_wait3A_1406 = arith.constant 0 : i32
      %dma_wait3A_1407 = tpu.memref_slice %arg4[%dma_wait3A_1405, %dma_wait3A_1406] : memref<16x1000000xf32, #tpu.memory_space<hbm>> -> memref<16x128xf32, #tpu.memory_space<hbm>>
      %dma_wait3A_1408 = tpu.memref_slice %arg12[%dma_wait3A_1400] : memref<8x!tpu.dma_semaphore, #tpu.memory_space<semaphore_mem>> -> memref<1x!tpu.dma_semaphore, #tpu.memory_space<semaphore_mem>>
      %dma_wait3A_1409 = tpu.memref_squeeze %dma_wait3A_1408 : memref<1x!tpu.dma_semaphore, #tpu.memory_space<semaphore_mem>> -> memref<!tpu.dma_semaphore, #tpu.memory_space<semaphore_mem>>
      %dma_wait3A_1410 = arith.constant 0 : i32
      %dma_wait3A_1411 = arith.constant 0 : i32
      %dma_wait3A_1412 = tpu.memref_slice %arg9[%dma_wait3A_1399, %dma_wait3A_1410, %dma_wait3A_1411] : memref<8x16x128xf32, #tpu.memory_space<vmem>> -> memref<1x16x128xf32, #tpu.memory_space<vmem>>
      %dma_wait3A_1413 = tpu.memref_squeeze %dma_wait3A_1412 : memref<1x16x128xf32, #tpu.memory_space<vmem>> -> memref<16x128xf32, #tpu.memory_space<vmem>>
      %dma_wait3A_1414 = arith.constant 0 : i32
      %dma_wait3A_1415 = arith.constant 0 : i32
      %dma_wait3A_1416 = tpu.memref_slice %arg4[%dma_wait3A_1414, %dma_wait3A_1415] : memref<16x1000000xf32, #tpu.memory_space<hbm>> -> memref<16x128xf32, #tpu.memory_space<hbm>>
      tpu.wait_dma2 semaphore(%dma_wait3A_1409 : memref<!tpu.dma_semaphore, #tpu.memory_space<semaphore_mem>>) src(%dma_wait3A_1416 : memref<16x128xf32, #tpu.memory_space<hbm>>) dst(%dma_wait3A_1413 : memref<16x128xf32, #tpu.memory_space<vmem>>)
      %dma_wait3A_1417 = arith.constant 7 : i32
      %dma_wait3A_1418 = arith.constant 7 : i32
      %dma_wait3A_1419 = arith.constant 0 : i32
      %dma_wait3A_1420 = arith.constant 0 : i32
      %dma_wait3A_1421 = tpu.memref_slice %arg10[%dma_wait3A_1417, %dma_wait3A_1419, %dma_wait3A_1420] : memref<8x16x128xf32, #tpu.memory_space<vmem>> -> memref<1x16x128xf32, #tpu.memory_space<vmem>>
      %dma_wait3A_1422 = tpu.memref_squeeze %dma_wait3A_1421 : memref<1x16x128xf32, #tpu.memory_space<vmem>> -> memref<16x128xf32, #tpu.memory_space<vmem>>
      %dma_wait3A_1423 = arith.constant 0 : i32
      %dma_wait3A_1424 = arith.constant 0 : i32
      %dma_wait3A_1425 = tpu.memref_slice %arg5[%dma_wait3A_1423, %dma_wait3A_1424] : memref<16x1000000xf32, #tpu.memory_space<hbm>> -> memref<16x128xf32, #tpu.memory_space<hbm>>
      %dma_wait3A_1426 = tpu.memref_slice %arg12[%dma_wait3A_1418] : memref<8x!tpu.dma_semaphore, #tpu.memory_space<semaphore_mem>> -> memref<1x!tpu.dma_semaphore, #tpu.memory_space<semaphore_mem>>
      %dma_wait3A_1427 = tpu.memref_squeeze %dma_wait3A_1426 : memref<1x!tpu.dma_semaphore, #tpu.memory_space<semaphore_mem>> -> memref<!tpu.dma_semaphore, #tpu.memory_space<semaphore_mem>>
      %dma_wait3A_1428 = arith.constant 0 : i32
      %dma_wait3A_1429 = arith.constant 0 : i32
      %dma_wait3A_1430 = tpu.memref_slice %arg10[%dma_wait3A_1417, %dma_wait3A_1428, %dma_wait3A_1429] : memref<8x16x128xf32, #tpu.memory_space<vmem>> -> memref<1x16x128xf32, #tpu.memory_space<vmem>>
      %dma_wait3A_1431 = tpu.memref_squeeze %dma_wait3A_1430 : memref<1x16x128xf32, #tpu.memory_space<vmem>> -> memref<16x128xf32, #tpu.memory_space<vmem>>
      %dma_wait3A_1432 = arith.constant 0 : i32
      %dma_wait3A_1433 = arith.constant 0 : i32
      %dma_wait3A_1434 = tpu.memref_slice %arg5[%dma_wait3A_1432, %dma_wait3A_1433] : memref<16x1000000xf32, #tpu.memory_space<hbm>> -> memref<16x128xf32, #tpu.memory_space<hbm>>
      tpu.wait_dma2 semaphore(%dma_wait3A_1427 : memref<!tpu.dma_semaphore, #tpu.memory_space<semaphore_mem>>) src(%dma_wait3A_1434 : memref<16x128xf32, #tpu.memory_space<hbm>>) dst(%dma_wait3A_1431 : memref<16x128xf32, #tpu.memory_space<vmem>>)
      %slice3A_1435 = vector.extract_strided_slice %get3A_376 {offsets = [15], sizes = [1], strides = [1]} : vector<16xi32> to vector<1xi32>
      %squeeze3A_1436 = vector.extract %slice3A_1435[0] : i32 from vector<1xi32>
      %and3A_1437 = arith.constant 127 : i32
      %and3A_1438 = arith.andi %squeeze3A_1436, %and3A_1437 : i32
      %slice3A_1439 = vector.extract_strided_slice %get3A_378 {offsets = [15], sizes = [1], strides = [1]} : vector<16xi32> to vector<1xi32>
      %squeeze3A_1440 = vector.extract %slice3A_1439[0] : i32 from vector<1xi32>
      %and3A_1441 = arith.constant 127 : i32
      %and3A_1442 = arith.andi %squeeze3A_1440, %and3A_1441 : i32
      %broadcast_in_dim3A_1443 = vector.broadcast %and3A_1438 : i32 to vector<16xi32>
      %gather3A_1444 = arith.constant 7 : i32
      %gather3A_1445 = arith.constant 0 : i32
      %gather3A_1446 = arith.constant 0 : i32
      %gather3A_1447 = tpu.memref_slice %arg9[%gather3A_1444, %gather3A_1445, %gather3A_1446] : memref<8x16x128xf32, #tpu.memory_space<vmem>> -> memref<1x16x128xf32, #tpu.memory_space<vmem>>
      %gather3A_1448 = tpu.memref_squeeze %gather3A_1447 : memref<1x16x128xf32, #tpu.memory_space<vmem>> -> memref<16x128xf32, #tpu.memory_space<vmem>>
      %gather3A_1449 = tpu.vector_load_idx %gather3A_1448[%iota3A, %broadcast_in_dim3A_1443] : memref<16x128xf32, #tpu.memory_space<vmem>>[vector<16xi32>, vector<16xi32>], vector<16xf32>,
      %broadcast_in_dim3A_1450 = vector.broadcast %and3A_1442 : i32 to vector<16xi32>
      %gather3A_1451 = arith.constant 7 : i32
      %gather3A_1452 = arith.constant 0 : i32
      %gather3A_1453 = arith.constant 0 : i32
      %gather3A_1454 = tpu.memref_slice %arg10[%gather3A_1451, %gather3A_1452, %gather3A_1453] : memref<8x16x128xf32, #tpu.memory_space<vmem>> -> memref<1x16x128xf32, #tpu.memory_space<vmem>>
      %gather3A_1455 = tpu.memref_squeeze %gather3A_1454 : memref<1x16x128xf32, #tpu.memory_space<vmem>> -> memref<16x128xf32, #tpu.memory_space<vmem>>
      %gather3A_1456 = tpu.vector_load_idx %gather3A_1455[%iota3A, %broadcast_in_dim3A_1450] : memref<16x128xf32, #tpu.memory_space<vmem>>[vector<16xi32>, vector<16xi32>], vector<16xf32>,
      %mul3A_1457 = arith.mulf %gather3A_1449, %gather3A_1456 : vector<16xf32>
      %add3A_1458 = arith.constant 15 : i32
      %add3A_1459 = arith.addi %mul3A_374, %add3A_1458 : i32
      %add3A_1460 = arith.constant 8 : i32
      %add3A_1461 = arith.addi %add3A_1459, %add3A_1460 : i32
      %lt3A_1462 = arith.constant 512 : i32
      %lt3A_1463 = arith.cmpi slt, %add3A_1461, %lt3A_1462 : i32
      %convert_element_type3A_1464 = arith.extui %lt3A_1463 : i1 to i32
      %cond3A_1465 = arith.constant 0 : i32
      %cond3A_1466 = arith.cmpi ne, %convert_element_type3A_1464, %cond3A_1465 : i32
      scf.if %cond3A_1466 {
        %slice3A_2026 = vector.extract_strided_slice %get3A_383 {offsets = [7], sizes = [1], strides = [1]} : vector<16xi32> to vector<1xi32>
        %squeeze3A_2027 = vector.extract %slice3A_2026[0] : i32 from vector<1xi32>
        %slice3A_2028 = vector.extract_strided_slice %get3A_385 {offsets = [7], sizes = [1], strides = [1]} : vector<16xi32> to vector<1xi32>
        %squeeze3A_2029 = vector.extract %slice3A_2028[0] : i32 from vector<1xi32>
        %shift_right_arithmetic3A_2030 = arith.constant 7 : i32
        %shift_right_arithmetic3A_2031 = arith.shrsi %squeeze3A_2027, %shift_right_arithmetic3A_2030 : i32
        %mul3A_2032 = arith.constant 128 : i32
        %mul3A_2033 = arith.muli %shift_right_arithmetic3A_2031, %mul3A_2032 : i32
        %multiple_of3A_2034 = tpu.assume_multiple %mul3A_2033, 128 : i32
        %shift_right_arithmetic3A_2035 = arith.constant 7 : i32
        %shift_right_arithmetic3A_2036 = arith.shrsi %squeeze3A_2029, %shift_right_arithmetic3A_2035 : i32
        %mul3A_2037 = arith.constant 128 : i32
        %mul3A_2038 = arith.muli %shift_right_arithmetic3A_2036, %mul3A_2037 : i32
        %multiple_of3A_2039 = tpu.assume_multiple %mul3A_2038, 128 : i32
        %dma_start3A_2040 = arith.constant 7 : i32
        %dma_start3A_2041 = arith.constant 7 : i32
        %dma_start3A_2042 = arith.constant 0 : i32
        %dma_start3A_2043 = arith.constant 0 : i32
        %dma_start3A_2044 = tpu.memref_slice %arg9[%dma_start3A_2040, %dma_start3A_2042, %dma_start3A_2043] : memref<8x16x128xf32, #tpu.memory_space<vmem>> -> memref<1x16x128xf32, #tpu.memory_space<vmem>>
        %dma_start3A_2045 = tpu.memref_squeeze %dma_start3A_2044 : memref<1x16x128xf32, #tpu.memory_space<vmem>> -> memref<16x128xf32, #tpu.memory_space<vmem>>
        %dma_start3A_2046 = arith.constant 0 : i32
        %dma_start3A_2047 = tpu.memref_slice %arg4[%dma_start3A_2046, %multiple_of3A_2034] : memref<16x1000000xf32, #tpu.memory_space<hbm>> -> memref<16x128xf32, #tpu.memory_space<hbm>>
        %dma_start3A_2048 = tpu.memref_slice %arg12[%dma_start3A_2041] : memref<8x!tpu.dma_semaphore, #tpu.memory_space<semaphore_mem>> -> memref<1x!tpu.dma_semaphore, #tpu.memory_space<semaphore_mem>>
        %dma_start3A_2049 = tpu.memref_squeeze %dma_start3A_2048 : memref<1x!tpu.dma_semaphore, #tpu.memory_space<semaphore_mem>> -> memref<!tpu.dma_semaphore, #tpu.memory_space<semaphore_mem>>
        %dma_start3A_2050 = arith.constant 0 : i32
        %dma_start3A_2051 = arith.constant 0 : i32
        %dma_start3A_2052 = tpu.memref_slice %arg9[%dma_start3A_2040, %dma_start3A_2050, %dma_start3A_2051] : memref<8x16x128xf32, #tpu.memory_space<vmem>> -> memref<1x16x128xf32, #tpu.memory_space<vmem>>
        %dma_start3A_2053 = tpu.memref_squeeze %dma_start3A_2052 : memref<1x16x128xf32, #tpu.memory_space<vmem>> -> memref<16x128xf32, #tpu.memory_space<vmem>>
        %dma_start3A_2054 = arith.constant 0 : i32
        %dma_start3A_2055 = tpu.memref_slice %arg4[%dma_start3A_2054, %multiple_of3A_2034] : memref<16x1000000xf32, #tpu.memory_space<hbm>> -> memref<16x128xf32, #tpu.memory_space<hbm>>
        tpu.enqueue_dma source(%dma_start3A_2055 : memref<16x128xf32, #tpu.memory_space<hbm>>) target(%dma_start3A_2053 : memref<16x128xf32, #tpu.memory_space<vmem>>) target_semaphore(%dma_start3A_2049 : memref<!tpu.dma_semaphore, #tpu.memory_space<semaphore_mem>>)
        %dma_start3A_2056 = arith.constant 7 : i32
        %dma_start3A_2057 = arith.constant 7 : i32
        %dma_start3A_2058 = arith.constant 0 : i32
        %dma_start3A_2059 = arith.constant 0 : i32
        %dma_start3A_2060 = tpu.memref_slice %arg10[%dma_start3A_2056, %dma_start3A_2058, %dma_start3A_2059] : memref<8x16x128xf32, #tpu.memory_space<vmem>> -> memref<1x16x128xf32, #tpu.memory_space<vmem>>
        %dma_start3A_2061 = tpu.memref_squeeze %dma_start3A_2060 : memref<1x16x128xf32, #tpu.memory_space<vmem>> -> memref<16x128xf32, #tpu.memory_space<vmem>>
        %dma_start3A_2062 = arith.constant 0 : i32
        %dma_start3A_2063 = tpu.memref_slice %arg5[%dma_start3A_2062, %multiple_of3A_2039] : memref<16x1000000xf32, #tpu.memory_space<hbm>> -> memref<16x128xf32, #tpu.memory_space<hbm>>
        %dma_start3A_2064 = tpu.memref_slice %arg12[%dma_start3A_2057] : memref<8x!tpu.dma_semaphore, #tpu.memory_space<semaphore_mem>> -> memref<1x!tpu.dma_semaphore, #tpu.memory_space<semaphore_mem>>
        %dma_start3A_2065 = tpu.memref_squeeze %dma_start3A_2064 : memref<1x!tpu.dma_semaphore, #tpu.memory_space<semaphore_mem>> -> memref<!tpu.dma_semaphore, #tpu.memory_space<semaphore_mem>>
        %dma_start3A_2066 = arith.constant 0 : i32
        %dma_start3A_2067 = arith.constant 0 : i32
        %dma_start3A_2068 = tpu.memref_slice %arg10[%dma_start3A_2056, %dma_start3A_2066, %dma_start3A_2067] : memref<8x16x128xf32, #tpu.memory_space<vmem>> -> memref<1x16x128xf32, #tpu.memory_space<vmem>>
        %dma_start3A_2069 = tpu.memref_squeeze %dma_start3A_2068 : memref<1x16x128xf32, #tpu.memory_space<vmem>> -> memref<16x128xf32, #tpu.memory_space<vmem>>
        %dma_start3A_2070 = arith.constant 0 : i32
        %dma_start3A_2071 = tpu.memref_slice %arg5[%dma_start3A_2070, %multiple_of3A_2039] : memref<16x1000000xf32, #tpu.memory_space<hbm>> -> memref<16x128xf32, #tpu.memory_space<hbm>>
        tpu.enqueue_dma source(%dma_start3A_2071 : memref<16x128xf32, #tpu.memory_space<hbm>>) target(%dma_start3A_2069 : memref<16x128xf32, #tpu.memory_space<vmem>>) target_semaphore(%dma_start3A_2065 : memref<!tpu.dma_semaphore, #tpu.memory_space<semaphore_mem>>)
      } else {
      }
      %shift_right_arithmetic3A_1467 = arith.constant 0 : i32
      %shift_right_arithmetic3A_1468 = vector.broadcast %shift_right_arithmetic3A_1467 : i32 to vector<16xi32>
      %shift_right_arithmetic3A_1469 = arith.shrsi %iota3A, %shift_right_arithmetic3A_1468 : vector<16xi32>
      %and3A_1470 = arith.constant 1 : i32
      %and3A_1471 = vector.broadcast %and3A_1470 : i32 to vector<16xi32>
      %and3A_1472 = arith.andi %shift_right_arithmetic3A_1469, %and3A_1471 : vector<16xi32>
      %eq3A = arith.constant 0 : i32
      %eq3A_1473 = vector.broadcast %eq3A : i32 to vector<16xi32>
      %eq3A_1474 = arith.cmpi eq, %and3A_1472, %eq3A_1473 : vector<16xi32>
      %add3A_1475 = arith.constant -1 : i32
      %add3A_1476 = vector.broadcast %add3A_1475 : i32 to vector<16xi32>
      %add3A_1477 = arith.addi %iota3A, %add3A_1476 : vector<16xi32>
      %and3A_1478 = arith.constant 15 : i32
      %and3A_1479 = vector.broadcast %and3A_1478 : i32 to vector<16xi32>
      %and3A_1480 = arith.andi %add3A_1477, %and3A_1479 : vector<16xi32>
      %lt3A_1481 = arith.constant 0 : i32
      %lt3A_1482 = vector.broadcast %lt3A_1481 : i32 to vector<16xi32>
      %lt3A_1483 = arith.cmpi slt, %and3A_1480, %lt3A_1482 : vector<16xi32>
      %add3A_1484 = arith.constant 16 : i32
      %add3A_1485 = vector.broadcast %add3A_1484 : i32 to vector<16xi32>
      %add3A_1486 = arith.addi %and3A_1480, %add3A_1485 : vector<16xi32>
      %select_n3A = arith.select %lt3A_1483, %add3A_1486, %and3A_1480 : vector<16xi1>, vector<16xi32>
      %reshape3A = vector.shape_cast %select_n3A : vector<16xi32> to vector<16x1xi32>
      %gather3A_1487 = vector.shape_cast %reshape3A : vector<16x1xi32> to vector<16xi32>
      %gather3A_1488 = tpu.dynamic_gather %mul3A_505[%gather3A_1487] in [0] : vector<16xf32>, vector<16xi32> -> vector<16xf32>
      %select_n3A_1489 = arith.select %eq3A_1474, %mul3A_440, %gather3A_1488 : vector<16xi1>, vector<16xf32>
      %add3A_1490 = arith.constant 1 : i32
      %add3A_1491 = vector.broadcast %add3A_1490 : i32 to vector<16xi32>
      %add3A_1492 = arith.addi %iota3A, %add3A_1491 : vector<16xi32>
      %and3A_1493 = arith.constant 15 : i32
      %and3A_1494 = vector.broadcast %and3A_1493 : i32 to vector<16xi32>
      %and3A_1495 = arith.andi %add3A_1492, %and3A_1494 : vector<16xi32>
      %lt3A_1496 = arith.constant 0 : i32
      %lt3A_1497 = vector.broadcast %lt3A_1496 : i32 to vector<16xi32>
      %lt3A_1498 = arith.cmpi slt, %and3A_1495, %lt3A_1497 : vector<16xi32>
      %add3A_1499 = arith.constant 16 : i32
      %add3A_1500 = vector.broadcast %add3A_1499 : i32 to vector<16xi32>
      %add3A_1501 = arith.addi %and3A_1495, %add3A_1500 : vector<16xi32>
      %select_n3A_1502 = arith.select %lt3A_1498, %add3A_1501, %and3A_1495 : vector<16xi1>, vector<16xi32>
      %reshape3A_1503 = vector.shape_cast %select_n3A_1502 : vector<16xi32> to vector<16x1xi32>
      %gather3A_1504 = vector.shape_cast %reshape3A_1503 : vector<16x1xi32> to vector<16xi32>
      %gather3A_1505 = tpu.dynamic_gather %mul3A_440[%gather3A_1504] in [0] : vector<16xf32>, vector<16xi32> -> vector<16xf32>
      %select_n3A_1506 = arith.select %eq3A_1474, %gather3A_1505, %mul3A_505 : vector<16xi1>, vector<16xf32>
      %add3A_1507 = arith.addf %select_n3A_1489, %select_n3A_1506 : vector<16xf32>
      %add3A_1508 = arith.constant -1 : i32
      %add3A_1509 = vector.broadcast %add3A_1508 : i32 to vector<16xi32>
      %add3A_1510 = arith.addi %iota3A, %add3A_1509 : vector<16xi32>
      %and3A_1511 = arith.constant 15 : i32
      %and3A_1512 = vector.broadcast %and3A_1511 : i32 to vector<16xi32>
      %and3A_1513 = arith.andi %add3A_1510, %and3A_1512 : vector<16xi32>
      %lt3A_1514 = arith.constant 0 : i32
      %lt3A_1515 = vector.broadcast %lt3A_1514 : i32 to vector<16xi32>
      %lt3A_1516 = arith.cmpi slt, %and3A_1513, %lt3A_1515 : vector<16xi32>
      %add3A_1517 = arith.constant 16 : i32
      %add3A_1518 = vector.broadcast %add3A_1517 : i32 to vector<16xi32>
      %add3A_1519 = arith.addi %and3A_1513, %add3A_1518 : vector<16xi32>
      %select_n3A_1520 = arith.select %lt3A_1516, %add3A_1519, %and3A_1513 : vector<16xi1>, vector<16xi32>
      %reshape3A_1521 = vector.shape_cast %select_n3A_1520 : vector<16xi32> to vector<16x1xi32>
      %gather3A_1522 = vector.shape_cast %reshape3A_1521 : vector<16x1xi32> to vector<16xi32>
      %gather3A_1523 = tpu.dynamic_gather %mul3A_641[%gather3A_1522] in [0] : vector<16xf32>, vector<16xi32> -> vector<16xf32>
      %select_n3A_1524 = arith.select %eq3A_1474, %mul3A_573, %gather3A_1523 : vector<16xi1>, vector<16xf32>
      %add3A_1525 = arith.constant 1 : i32
      %add3A_1526 = vector.broadcast %add3A_1525 : i32 to vector<16xi32>
      %add3A_1527 = arith.addi %iota3A, %add3A_1526 : vector<16xi32>
      %and3A_1528 = arith.constant 15 : i32
      %and3A_1529 = vector.broadcast %and3A_1528 : i32 to vector<16xi32>
      %and3A_1530 = arith.andi %add3A_1527, %and3A_1529 : vector<16xi32>
      %lt3A_1531 = arith.constant 0 : i32
      %lt3A_1532 = vector.broadcast %lt3A_1531 : i32 to vector<16xi32>
      %lt3A_1533 = arith.cmpi slt, %and3A_1530, %lt3A_1532 : vector<16xi32>
      %add3A_1534 = arith.constant 16 : i32
      %add3A_1535 = vector.broadcast %add3A_1534 : i32 to vector<16xi32>
      %add3A_1536 = arith.addi %and3A_1530, %add3A_1535 : vector<16xi32>
      %select_n3A_1537 = arith.select %lt3A_1533, %add3A_1536, %and3A_1530 : vector<16xi1>, vector<16xi32>
      %reshape3A_1538 = vector.shape_cast %select_n3A_1537 : vector<16xi32> to vector<16x1xi32>
      %gather3A_1539 = vector.shape_cast %reshape3A_1538 : vector<16x1xi32> to vector<16xi32>
      %gather3A_1540 = tpu.dynamic_gather %mul3A_573[%gather3A_1539] in [0] : vector<16xf32>, vector<16xi32> -> vector<16xf32>
      %select_n3A_1541 = arith.select %eq3A_1474, %gather3A_1540, %mul3A_641 : vector<16xi1>, vector<16xf32>
      %add3A_1542 = arith.addf %select_n3A_1524, %select_n3A_1541 : vector<16xf32>
      %add3A_1543 = arith.constant -1 : i32
      %add3A_1544 = vector.broadcast %add3A_1543 : i32 to vector<16xi32>
      %add3A_1545 = arith.addi %iota3A, %add3A_1544 : vector<16xi32>
      %and3A_1546 = arith.constant 15 : i32
      %and3A_1547 = vector.broadcast %and3A_1546 : i32 to vector<16xi32>
      %and3A_1548 = arith.andi %add3A_1545, %and3A_1547 : vector<16xi32>
      %lt3A_1549 = arith.constant 0 : i32
      %lt3A_1550 = vector.broadcast %lt3A_1549 : i32 to vector<16xi32>
      %lt3A_1551 = arith.cmpi slt, %and3A_1548, %lt3A_1550 : vector<16xi32>
      %add3A_1552 = arith.constant 16 : i32
      %add3A_1553 = vector.broadcast %add3A_1552 : i32 to vector<16xi32>
      %add3A_1554 = arith.addi %and3A_1548, %add3A_1553 : vector<16xi32>
      %select_n3A_1555 = arith.select %lt3A_1551, %add3A_1554, %and3A_1548 : vector<16xi1>, vector<16xi32>
      %reshape3A_1556 = vector.shape_cast %select_n3A_1555 : vector<16xi32> to vector<16x1xi32>
      %gather3A_1557 = vector.shape_cast %reshape3A_1556 : vector<16x1xi32> to vector<16xi32>
      %gather3A_1558 = tpu.dynamic_gather %mul3A_777[%gather3A_1557] in [0] : vector<16xf32>, vector<16xi32> -> vector<16xf32>
      %select_n3A_1559 = arith.select %eq3A_1474, %mul3A_709, %gather3A_1558 : vector<16xi1>, vector<16xf32>
      %add3A_1560 = arith.constant 1 : i32
      %add3A_1561 = vector.broadcast %add3A_1560 : i32 to vector<16xi32>
      %add3A_1562 = arith.addi %iota3A, %add3A_1561 : vector<16xi32>
      %and3A_1563 = arith.constant 15 : i32
      %and3A_1564 = vector.broadcast %and3A_1563 : i32 to vector<16xi32>
      %and3A_1565 = arith.andi %add3A_1562, %and3A_1564 : vector<16xi32>
      %lt3A_1566 = arith.constant 0 : i32
      %lt3A_1567 = vector.broadcast %lt3A_1566 : i32 to vector<16xi32>
      %lt3A_1568 = arith.cmpi slt, %and3A_1565, %lt3A_1567 : vector<16xi32>
      %add3A_1569 = arith.constant 16 : i32
      %add3A_1570 = vector.broadcast %add3A_1569 : i32 to vector<16xi32>
      %add3A_1571 = arith.addi %and3A_1565, %add3A_1570 : vector<16xi32>
      %select_n3A_1572 = arith.select %lt3A_1568, %add3A_1571, %and3A_1565 : vector<16xi1>, vector<16xi32>
      %reshape3A_1573 = vector.shape_cast %select_n3A_1572 : vector<16xi32> to vector<16x1xi32>
      %gather3A_1574 = vector.shape_cast %reshape3A_1573 : vector<16x1xi32> to vector<16xi32>
      %gather3A_1575 = tpu.dynamic_gather %mul3A_709[%gather3A_1574] in [0] : vector<16xf32>, vector<16xi32> -> vector<16xf32>
      %select_n3A_1576 = arith.select %eq3A_1474, %gather3A_1575, %mul3A_777 : vector<16xi1>, vector<16xf32>
      %add3A_1577 = arith.addf %select_n3A_1559, %select_n3A_1576 : vector<16xf32>
      %add3A_1578 = arith.constant -1 : i32
      %add3A_1579 = vector.broadcast %add3A_1578 : i32 to vector<16xi32>
      %add3A_1580 = arith.addi %iota3A, %add3A_1579 : vector<16xi32>
      %and3A_1581 = arith.constant 15 : i32
      %and3A_1582 = vector.broadcast %and3A_1581 : i32 to vector<16xi32>
      %and3A_1583 = arith.andi %add3A_1580, %and3A_1582 : vector<16xi32>
      %lt3A_1584 = arith.constant 0 : i32
      %lt3A_1585 = vector.broadcast %lt3A_1584 : i32 to vector<16xi32>
      %lt3A_1586 = arith.cmpi slt, %and3A_1583, %lt3A_1585 : vector<16xi32>
      %add3A_1587 = arith.constant 16 : i32
      %add3A_1588 = vector.broadcast %add3A_1587 : i32 to vector<16xi32>
      %add3A_1589 = arith.addi %and3A_1583, %add3A_1588 : vector<16xi32>
      %select_n3A_1590 = arith.select %lt3A_1586, %add3A_1589, %and3A_1583 : vector<16xi1>, vector<16xi32>
      %reshape3A_1591 = vector.shape_cast %select_n3A_1590 : vector<16xi32> to vector<16x1xi32>
      %gather3A_1592 = vector.shape_cast %reshape3A_1591 : vector<16x1xi32> to vector<16xi32>
      %gather3A_1593 = tpu.dynamic_gather %mul3A_913[%gather3A_1592] in [0] : vector<16xf32>, vector<16xi32> -> vector<16xf32>
      %select_n3A_1594 = arith.select %eq3A_1474, %mul3A_845, %gather3A_1593 : vector<16xi1>, vector<16xf32>
      %add3A_1595 = arith.constant 1 : i32
      %add3A_1596 = vector.broadcast %add3A_1595 : i32 to vector<16xi32>
      %add3A_1597 = arith.addi %iota3A, %add3A_1596 : vector<16xi32>
      %and3A_1598 = arith.constant 15 : i32
      %and3A_1599 = vector.broadcast %and3A_1598 : i32 to vector<16xi32>
      %and3A_1600 = arith.andi %add3A_1597, %and3A_1599 : vector<16xi32>
      %lt3A_1601 = arith.constant 0 : i32
      %lt3A_1602 = vector.broadcast %lt3A_1601 : i32 to vector<16xi32>
      %lt3A_1603 = arith.cmpi slt, %and3A_1600, %lt3A_1602 : vector<16xi32>
      %add3A_1604 = arith.constant 16 : i32
      %add3A_1605 = vector.broadcast %add3A_1604 : i32 to vector<16xi32>
      %add3A_1606 = arith.addi %and3A_1600, %add3A_1605 : vector<16xi32>
      %select_n3A_1607 = arith.select %lt3A_1603, %add3A_1606, %and3A_1600 : vector<16xi1>, vector<16xi32>
      %reshape3A_1608 = vector.shape_cast %select_n3A_1607 : vector<16xi32> to vector<16x1xi32>
      %gather3A_1609 = vector.shape_cast %reshape3A_1608 : vector<16x1xi32> to vector<16xi32>
      %gather3A_1610 = tpu.dynamic_gather %mul3A_845[%gather3A_1609] in [0] : vector<16xf32>, vector<16xi32> -> vector<16xf32>
      %select_n3A_1611 = arith.select %eq3A_1474, %gather3A_1610, %mul3A_913 : vector<16xi1>, vector<16xf32>
      %add3A_1612 = arith.addf %select_n3A_1594, %select_n3A_1611 : vector<16xf32>
      %add3A_1613 = arith.constant -1 : i32
      %add3A_1614 = vector.broadcast %add3A_1613 : i32 to vector<16xi32>
      %add3A_1615 = arith.addi %iota3A, %add3A_1614 : vector<16xi32>
      %and3A_1616 = arith.constant 15 : i32
      %and3A_1617 = vector.broadcast %and3A_1616 : i32 to vector<16xi32>
      %and3A_1618 = arith.andi %add3A_1615, %and3A_1617 : vector<16xi32>
      %lt3A_1619 = arith.constant 0 : i32
      %lt3A_1620 = vector.broadcast %lt3A_1619 : i32 to vector<16xi32>
      %lt3A_1621 = arith.cmpi slt, %and3A_1618, %lt3A_1620 : vector<16xi32>
      %add3A_1622 = arith.constant 16 : i32
      %add3A_1623 = vector.broadcast %add3A_1622 : i32 to vector<16xi32>
      %add3A_1624 = arith.addi %and3A_1618, %add3A_1623 : vector<16xi32>
      %select_n3A_1625 = arith.select %lt3A_1621, %add3A_1624, %and3A_1618 : vector<16xi1>, vector<16xi32>
      %reshape3A_1626 = vector.shape_cast %select_n3A_1625 : vector<16xi32> to vector<16x1xi32>
      %gather3A_1627 = vector.shape_cast %reshape3A_1626 : vector<16x1xi32> to vector<16xi32>
      %gather3A_1628 = tpu.dynamic_gather %mul3A_1049[%gather3A_1627] in [0] : vector<16xf32>, vector<16xi32> -> vector<16xf32>
      %select_n3A_1629 = arith.select %eq3A_1474, %mul3A_981, %gather3A_1628 : vector<16xi1>, vector<16xf32>
      %add3A_1630 = arith.constant 1 : i32
      %add3A_1631 = vector.broadcast %add3A_1630 : i32 to vector<16xi32>
      %add3A_1632 = arith.addi %iota3A, %add3A_1631 : vector<16xi32>
      %and3A_1633 = arith.constant 15 : i32
      %and3A_1634 = vector.broadcast %and3A_1633 : i32 to vector<16xi32>
      %and3A_1635 = arith.andi %add3A_1632, %and3A_1634 : vector<16xi32>
      %lt3A_1636 = arith.constant 0 : i32
      %lt3A_1637 = vector.broadcast %lt3A_1636 : i32 to vector<16xi32>
      %lt3A_1638 = arith.cmpi slt, %and3A_1635, %lt3A_1637 : vector<16xi32>
      %add3A_1639 = arith.constant 16 : i32
      %add3A_1640 = vector.broadcast %add3A_1639 : i32 to vector<16xi32>
      %add3A_1641 = arith.addi %and3A_1635, %add3A_1640 : vector<16xi32>
      %select_n3A_1642 = arith.select %lt3A_1638, %add3A_1641, %and3A_1635 : vector<16xi1>, vector<16xi32>
      %reshape3A_1643 = vector.shape_cast %select_n3A_1642 : vector<16xi32> to vector<16x1xi32>
      %gather3A_1644 = vector.shape_cast %reshape3A_1643 : vector<16x1xi32> to vector<16xi32>
      %gather3A_1645 = tpu.dynamic_gather %mul3A_981[%gather3A_1644] in [0] : vector<16xf32>, vector<16xi32> -> vector<16xf32>
      %select_n3A_1646 = arith.select %eq3A_1474, %gather3A_1645, %mul3A_1049 : vector<16xi1>, vector<16xf32>
      %add3A_1647 = arith.addf %select_n3A_1629, %select_n3A_1646 : vector<16xf32>
      %add3A_1648 = arith.constant -1 : i32
      %add3A_1649 = vector.broadcast %add3A_1648 : i32 to vector<16xi32>
      %add3A_1650 = arith.addi %iota3A, %add3A_1649 : vector<16xi32>
      %and3A_1651 = arith.constant 15 : i32
      %and3A_1652 = vector.broadcast %and3A_1651 : i32 to vector<16xi32>
      %and3A_1653 = arith.andi %add3A_1650, %and3A_1652 : vector<16xi32>
      %lt3A_1654 = arith.constant 0 : i32
      %lt3A_1655 = vector.broadcast %lt3A_1654 : i32 to vector<16xi32>
      %lt3A_1656 = arith.cmpi slt, %and3A_1653, %lt3A_1655 : vector<16xi32>
      %add3A_1657 = arith.constant 16 : i32
      %add3A_1658 = vector.broadcast %add3A_1657 : i32 to vector<16xi32>
      %add3A_1659 = arith.addi %and3A_1653, %add3A_1658 : vector<16xi32>
      %select_n3A_1660 = arith.select %lt3A_1656, %add3A_1659, %and3A_1653 : vector<16xi1>, vector<16xi32>
      %reshape3A_1661 = vector.shape_cast %select_n3A_1660 : vector<16xi32> to vector<16x1xi32>
      %gather3A_1662 = vector.shape_cast %reshape3A_1661 : vector<16x1xi32> to vector<16xi32>
      %gather3A_1663 = tpu.dynamic_gather %mul3A_1185[%gather3A_1662] in [0] : vector<16xf32>, vector<16xi32> -> vector<16xf32>
      %select_n3A_1664 = arith.select %eq3A_1474, %mul3A_1117, %gather3A_1663 : vector<16xi1>, vector<16xf32>
      %add3A_1665 = arith.constant 1 : i32
      %add3A_1666 = vector.broadcast %add3A_1665 : i32 to vector<16xi32>
      %add3A_1667 = arith.addi %iota3A, %add3A_1666 : vector<16xi32>
      %and3A_1668 = arith.constant 15 : i32
      %and3A_1669 = vector.broadcast %and3A_1668 : i32 to vector<16xi32>
      %and3A_1670 = arith.andi %add3A_1667, %and3A_1669 : vector<16xi32>
      %lt3A_1671 = arith.constant 0 : i32
      %lt3A_1672 = vector.broadcast %lt3A_1671 : i32 to vector<16xi32>
      %lt3A_1673 = arith.cmpi slt, %and3A_1670, %lt3A_1672 : vector<16xi32>
      %add3A_1674 = arith.constant 16 : i32
      %add3A_1675 = vector.broadcast %add3A_1674 : i32 to vector<16xi32>
      %add3A_1676 = arith.addi %and3A_1670, %add3A_1675 : vector<16xi32>
      %select_n3A_1677 = arith.select %lt3A_1673, %add3A_1676, %and3A_1670 : vector<16xi1>, vector<16xi32>
      %reshape3A_1678 = vector.shape_cast %select_n3A_1677 : vector<16xi32> to vector<16x1xi32>
      %gather3A_1679 = vector.shape_cast %reshape3A_1678 : vector<16x1xi32> to vector<16xi32>
      %gather3A_1680 = tpu.dynamic_gather %mul3A_1117[%gather3A_1679] in [0] : vector<16xf32>, vector<16xi32> -> vector<16xf32>
      %select_n3A_1681 = arith.select %eq3A_1474, %gather3A_1680, %mul3A_1185 : vector<16xi1>, vector<16xf32>
      %add3A_1682 = arith.addf %select_n3A_1664, %select_n3A_1681 : vector<16xf32>
      %add3A_1683 = arith.constant -1 : i32
      %add3A_1684 = vector.broadcast %add3A_1683 : i32 to vector<16xi32>
      %add3A_1685 = arith.addi %iota3A, %add3A_1684 : vector<16xi32>
      %and3A_1686 = arith.constant 15 : i32
      %and3A_1687 = vector.broadcast %and3A_1686 : i32 to vector<16xi32>
      %and3A_1688 = arith.andi %add3A_1685, %and3A_1687 : vector<16xi32>
      %lt3A_1689 = arith.constant 0 : i32
      %lt3A_1690 = vector.broadcast %lt3A_1689 : i32 to vector<16xi32>
      %lt3A_1691 = arith.cmpi slt, %and3A_1688, %lt3A_1690 : vector<16xi32>
      %add3A_1692 = arith.constant 16 : i32
      %add3A_1693 = vector.broadcast %add3A_1692 : i32 to vector<16xi32>
      %add3A_1694 = arith.addi %and3A_1688, %add3A_1693 : vector<16xi32>
      %select_n3A_1695 = arith.select %lt3A_1691, %add3A_1694, %and3A_1688 : vector<16xi1>, vector<16xi32>
      %reshape3A_1696 = vector.shape_cast %select_n3A_1695 : vector<16xi32> to vector<16x1xi32>
      %gather3A_1697 = vector.shape_cast %reshape3A_1696 : vector<16x1xi32> to vector<16xi32>
      %gather3A_1698 = tpu.dynamic_gather %mul3A_1321[%gather3A_1697] in [0] : vector<16xf32>, vector<16xi32> -> vector<16xf32>
      %select_n3A_1699 = arith.select %eq3A_1474, %mul3A_1253, %gather3A_1698 : vector<16xi1>, vector<16xf32>
      %add3A_1700 = arith.constant 1 : i32
      %add3A_1701 = vector.broadcast %add3A_1700 : i32 to vector<16xi32>
      %add3A_1702 = arith.addi %iota3A, %add3A_1701 : vector<16xi32>
      %and3A_1703 = arith.constant 15 : i32
      %and3A_1704 = vector.broadcast %and3A_1703 : i32 to vector<16xi32>
      %and3A_1705 = arith.andi %add3A_1702, %and3A_1704 : vector<16xi32>
      %lt3A_1706 = arith.constant 0 : i32
      %lt3A_1707 = vector.broadcast %lt3A_1706 : i32 to vector<16xi32>
      %lt3A_1708 = arith.cmpi slt, %and3A_1705, %lt3A_1707 : vector<16xi32>
      %add3A_1709 = arith.constant 16 : i32
      %add3A_1710 = vector.broadcast %add3A_1709 : i32 to vector<16xi32>
      %add3A_1711 = arith.addi %and3A_1705, %add3A_1710 : vector<16xi32>
      %select_n3A_1712 = arith.select %lt3A_1708, %add3A_1711, %and3A_1705 : vector<16xi1>, vector<16xi32>
      %reshape3A_1713 = vector.shape_cast %select_n3A_1712 : vector<16xi32> to vector<16x1xi32>
      %gather3A_1714 = vector.shape_cast %reshape3A_1713 : vector<16x1xi32> to vector<16xi32>
      %gather3A_1715 = tpu.dynamic_gather %mul3A_1253[%gather3A_1714] in [0] : vector<16xf32>, vector<16xi32> -> vector<16xf32>
      %select_n3A_1716 = arith.select %eq3A_1474, %gather3A_1715, %mul3A_1321 : vector<16xi1>, vector<16xf32>
      %add3A_1717 = arith.addf %select_n3A_1699, %select_n3A_1716 : vector<16xf32>
      %add3A_1718 = arith.constant -1 : i32
      %add3A_1719 = vector.broadcast %add3A_1718 : i32 to vector<16xi32>
      %add3A_1720 = arith.addi %iota3A, %add3A_1719 : vector<16xi32>
      %and3A_1721 = arith.constant 15 : i32
      %and3A_1722 = vector.broadcast %and3A_1721 : i32 to vector<16xi32>
      %and3A_1723 = arith.andi %add3A_1720, %and3A_1722 : vector<16xi32>
      %lt3A_1724 = arith.constant 0 : i32
      %lt3A_1725 = vector.broadcast %lt3A_1724 : i32 to vector<16xi32>
      %lt3A_1726 = arith.cmpi slt, %and3A_1723, %lt3A_1725 : vector<16xi32>
      %add3A_1727 = arith.constant 16 : i32
      %add3A_1728 = vector.broadcast %add3A_1727 : i32 to vector<16xi32>
      %add3A_1729 = arith.addi %and3A_1723, %add3A_1728 : vector<16xi32>
      %select_n3A_1730 = arith.select %lt3A_1726, %add3A_1729, %and3A_1723 : vector<16xi1>, vector<16xi32>
      %reshape3A_1731 = vector.shape_cast %select_n3A_1730 : vector<16xi32> to vector<16x1xi32>
      %gather3A_1732 = vector.shape_cast %reshape3A_1731 : vector<16x1xi32> to vector<16xi32>
      %gather3A_1733 = tpu.dynamic_gather %mul3A_1457[%gather3A_1732] in [0] : vector<16xf32>, vector<16xi32> -> vector<16xf32>
      %select_n3A_1734 = arith.select %eq3A_1474, %mul3A_1389, %gather3A_1733 : vector<16xi1>, vector<16xf32>
      %add3A_1735 = arith.constant 1 : i32
      %add3A_1736 = vector.broadcast %add3A_1735 : i32 to vector<16xi32>
      %add3A_1737 = arith.addi %iota3A, %add3A_1736 : vector<16xi32>
      %and3A_1738 = arith.constant 15 : i32
      %and3A_1739 = vector.broadcast %and3A_1738 : i32 to vector<16xi32>
      %and3A_1740 = arith.andi %add3A_1737, %and3A_1739 : vector<16xi32>
      %lt3A_1741 = arith.constant 0 : i32
      %lt3A_1742 = vector.broadcast %lt3A_1741 : i32 to vector<16xi32>
      %lt3A_1743 = arith.cmpi slt, %and3A_1740, %lt3A_1742 : vector<16xi32>
      %add3A_1744 = arith.constant 16 : i32
      %add3A_1745 = vector.broadcast %add3A_1744 : i32 to vector<16xi32>
      %add3A_1746 = arith.addi %and3A_1740, %add3A_1745 : vector<16xi32>
      %select_n3A_1747 = arith.select %lt3A_1743, %add3A_1746, %and3A_1740 : vector<16xi1>, vector<16xi32>
      %reshape3A_1748 = vector.shape_cast %select_n3A_1747 : vector<16xi32> to vector<16x1xi32>
      %gather3A_1749 = vector.shape_cast %reshape3A_1748 : vector<16x1xi32> to vector<16xi32>
      %gather3A_1750 = tpu.dynamic_gather %mul3A_1389[%gather3A_1749] in [0] : vector<16xf32>, vector<16xi32> -> vector<16xf32>
      %select_n3A_1751 = arith.select %eq3A_1474, %gather3A_1750, %mul3A_1457 : vector<16xi1>, vector<16xf32>
      %add3A_1752 = arith.addf %select_n3A_1734, %select_n3A_1751 : vector<16xf32>
      %shift_right_arithmetic3A_1753 = arith.constant 1 : i32
      %shift_right_arithmetic3A_1754 = vector.broadcast %shift_right_arithmetic3A_1753 : i32 to vector<16xi32>
      %shift_right_arithmetic3A_1755 = arith.shrsi %iota3A, %shift_right_arithmetic3A_1754 : vector<16xi32>
      %and3A_1756 = arith.constant 1 : i32
      %and3A_1757 = vector.broadcast %and3A_1756 : i32 to vector<16xi32>
      %and3A_1758 = arith.andi %shift_right_arithmetic3A_1755, %and3A_1757 : vector<16xi32>
      %eq3A_1759 = arith.constant 0 : i32
      %eq3A_1760 = vector.broadcast %eq3A_1759 : i32 to vector<16xi32>
      %eq3A_1761 = arith.cmpi eq, %and3A_1758, %eq3A_1760 : vector<16xi32>
      %add3A_1762 = arith.constant -2 : i32
      %add3A_1763 = vector.broadcast %add3A_1762 : i32 to vector<16xi32>
      %add3A_1764 = arith.addi %iota3A, %add3A_1763 : vector<16xi32>
      %and3A_1765 = arith.constant 15 : i32
      %and3A_1766 = vector.broadcast %and3A_1765 : i32 to vector<16xi32>
      %and3A_1767 = arith.andi %add3A_1764, %and3A_1766 : vector<16xi32>
      %lt3A_1768 = arith.constant 0 : i32
      %lt3A_1769 = vector.broadcast %lt3A_1768 : i32 to vector<16xi32>
      %lt3A_1770 = arith.cmpi slt, %and3A_1767, %lt3A_1769 : vector<16xi32>
      %add3A_1771 = arith.constant 16 : i32
      %add3A_1772 = vector.broadcast %add3A_1771 : i32 to vector<16xi32>
      %add3A_1773 = arith.addi %and3A_1767, %add3A_1772 : vector<16xi32>
      %select_n3A_1774 = arith.select %lt3A_1770, %add3A_1773, %and3A_1767 : vector<16xi1>, vector<16xi32>
      %reshape3A_1775 = vector.shape_cast %select_n3A_1774 : vector<16xi32> to vector<16x1xi32>
      %gather3A_1776 = vector.shape_cast %reshape3A_1775 : vector<16x1xi32> to vector<16xi32>
      %gather3A_1777 = tpu.dynamic_gather %add3A_1542[%gather3A_1776] in [0] : vector<16xf32>, vector<16xi32> -> vector<16xf32>
      %select_n3A_1778 = arith.select %eq3A_1761, %add3A_1507, %gather3A_1777 : vector<16xi1>, vector<16xf32>
      %add3A_1779 = arith.constant 2 : i32
      %add3A_1780 = vector.broadcast %add3A_1779 : i32 to vector<16xi32>
      %add3A_1781 = arith.addi %iota3A, %add3A_1780 : vector<16xi32>
      %and3A_1782 = arith.constant 15 : i32
      %and3A_1783 = vector.broadcast %and3A_1782 : i32 to vector<16xi32>
      %and3A_1784 = arith.andi %add3A_1781, %and3A_1783 : vector<16xi32>
      %lt3A_1785 = arith.constant 0 : i32
      %lt3A_1786 = vector.broadcast %lt3A_1785 : i32 to vector<16xi32>
      %lt3A_1787 = arith.cmpi slt, %and3A_1784, %lt3A_1786 : vector<16xi32>
      %add3A_1788 = arith.constant 16 : i32
      %add3A_1789 = vector.broadcast %add3A_1788 : i32 to vector<16xi32>
      %add3A_1790 = arith.addi %and3A_1784, %add3A_1789 : vector<16xi32>
      %select_n3A_1791 = arith.select %lt3A_1787, %add3A_1790, %and3A_1784 : vector<16xi1>, vector<16xi32>
      %reshape3A_1792 = vector.shape_cast %select_n3A_1791 : vector<16xi32> to vector<16x1xi32>
      %gather3A_1793 = vector.shape_cast %reshape3A_1792 : vector<16x1xi32> to vector<16xi32>
      %gather3A_1794 = tpu.dynamic_gather %add3A_1507[%gather3A_1793] in [0] : vector<16xf32>, vector<16xi32> -> vector<16xf32>
      %select_n3A_1795 = arith.select %eq3A_1761, %gather3A_1794, %add3A_1542 : vector<16xi1>, vector<16xf32>
      %add3A_1796 = arith.addf %select_n3A_1778, %select_n3A_1795 : vector<16xf32>
      %add3A_1797 = arith.constant -2 : i32
      %add3A_1798 = vector.broadcast %add3A_1797 : i32 to vector<16xi32>
      %add3A_1799 = arith.addi %iota3A, %add3A_1798 : vector<16xi32>
      %and3A_1800 = arith.constant 15 : i32
      %and3A_1801 = vector.broadcast %and3A_1800 : i32 to vector<16xi32>
      %and3A_1802 = arith.andi %add3A_1799, %and3A_1801 : vector<16xi32>
      %lt3A_1803 = arith.constant 0 : i32
      %lt3A_1804 = vector.broadcast %lt3A_1803 : i32 to vector<16xi32>
      %lt3A_1805 = arith.cmpi slt, %and3A_1802, %lt3A_1804 : vector<16xi32>
      %add3A_1806 = arith.constant 16 : i32
      %add3A_1807 = vector.broadcast %add3A_1806 : i32 to vector<16xi32>
      %add3A_1808 = arith.addi %and3A_1802, %add3A_1807 : vector<16xi32>
      %select_n3A_1809 = arith.select %lt3A_1805, %add3A_1808, %and3A_1802 : vector<16xi1>, vector<16xi32>
      %reshape3A_1810 = vector.shape_cast %select_n3A_1809 : vector<16xi32> to vector<16x1xi32>
      %gather3A_1811 = vector.shape_cast %reshape3A_1810 : vector<16x1xi32> to vector<16xi32>
      %gather3A_1812 = tpu.dynamic_gather %add3A_1612[%gather3A_1811] in [0] : vector<16xf32>, vector<16xi32> -> vector<16xf32>
      %select_n3A_1813 = arith.select %eq3A_1761, %add3A_1577, %gather3A_1812 : vector<16xi1>, vector<16xf32>
      %add3A_1814 = arith.constant 2 : i32
      %add3A_1815 = vector.broadcast %add3A_1814 : i32 to vector<16xi32>
      %add3A_1816 = arith.addi %iota3A, %add3A_1815 : vector<16xi32>
      %and3A_1817 = arith.constant 15 : i32
      %and3A_1818 = vector.broadcast %and3A_1817 : i32 to vector<16xi32>
      %and3A_1819 = arith.andi %add3A_1816, %and3A_1818 : vector<16xi32>
      %lt3A_1820 = arith.constant 0 : i32
      %lt3A_1821 = vector.broadcast %lt3A_1820 : i32 to vector<16xi32>
      %lt3A_1822 = arith.cmpi slt, %and3A_1819, %lt3A_1821 : vector<16xi32>
      %add3A_1823 = arith.constant 16 : i32
      %add3A_1824 = vector.broadcast %add3A_1823 : i32 to vector<16xi32>
      %add3A_1825 = arith.addi %and3A_1819, %add3A_1824 : vector<16xi32>
      %select_n3A_1826 = arith.select %lt3A_1822, %add3A_1825, %and3A_1819 : vector<16xi1>, vector<16xi32>
      %reshape3A_1827 = vector.shape_cast %select_n3A_1826 : vector<16xi32> to vector<16x1xi32>
      %gather3A_1828 = vector.shape_cast %reshape3A_1827 : vector<16x1xi32> to vector<16xi32>
      %gather3A_1829 = tpu.dynamic_gather %add3A_1577[%gather3A_1828] in [0] : vector<16xf32>, vector<16xi32> -> vector<16xf32>
      %select_n3A_1830 = arith.select %eq3A_1761, %gather3A_1829, %add3A_1612 : vector<16xi1>, vector<16xf32>
      %add3A_1831 = arith.addf %select_n3A_1813, %select_n3A_1830 : vector<16xf32>
      %add3A_1832 = arith.constant -2 : i32
      %add3A_1833 = vector.broadcast %add3A_1832 : i32 to vector<16xi32>
      %add3A_1834 = arith.addi %iota3A, %add3A_1833 : vector<16xi32>
      %and3A_1835 = arith.constant 15 : i32
      %and3A_1836 = vector.broadcast %and3A_1835 : i32 to vector<16xi32>
      %and3A_1837 = arith.andi %add3A_1834, %and3A_1836 : vector<16xi32>
      %lt3A_1838 = arith.constant 0 : i32
      %lt3A_1839 = vector.broadcast %lt3A_1838 : i32 to vector<16xi32>
      %lt3A_1840 = arith.cmpi slt, %and3A_1837, %lt3A_1839 : vector<16xi32>
      %add3A_1841 = arith.constant 16 : i32
      %add3A_1842 = vector.broadcast %add3A_1841 : i32 to vector<16xi32>
      %add3A_1843 = arith.addi %and3A_1837, %add3A_1842 : vector<16xi32>
      %select_n3A_1844 = arith.select %lt3A_1840, %add3A_1843, %and3A_1837 : vector<16xi1>, vector<16xi32>
      %reshape3A_1845 = vector.shape_cast %select_n3A_1844 : vector<16xi32> to vector<16x1xi32>
      %gather3A_1846 = vector.shape_cast %reshape3A_1845 : vector<16x1xi32> to vector<16xi32>
      %gather3A_1847 = tpu.dynamic_gather %add3A_1682[%gather3A_1846] in [0] : vector<16xf32>, vector<16xi32> -> vector<16xf32>
      %select_n3A_1848 = arith.select %eq3A_1761, %add3A_1647, %gather3A_1847 : vector<16xi1>, vector<16xf32>
      %add3A_1849 = arith.constant 2 : i32
      %add3A_1850 = vector.broadcast %add3A_1849 : i32 to vector<16xi32>
      %add3A_1851 = arith.addi %iota3A, %add3A_1850 : vector<16xi32>
      %and3A_1852 = arith.constant 15 : i32
      %and3A_1853 = vector.broadcast %and3A_1852 : i32 to vector<16xi32>
      %and3A_1854 = arith.andi %add3A_1851, %and3A_1853 : vector<16xi32>
      %lt3A_1855 = arith.constant 0 : i32
      %lt3A_1856 = vector.broadcast %lt3A_1855 : i32 to vector<16xi32>
      %lt3A_1857 = arith.cmpi slt, %and3A_1854, %lt3A_1856 : vector<16xi32>
      %add3A_1858 = arith.constant 16 : i32
      %add3A_1859 = vector.broadcast %add3A_1858 : i32 to vector<16xi32>
      %add3A_1860 = arith.addi %and3A_1854, %add3A_1859 : vector<16xi32>
      %select_n3A_1861 = arith.select %lt3A_1857, %add3A_1860, %and3A_1854 : vector<16xi1>, vector<16xi32>
      %reshape3A_1862 = vector.shape_cast %select_n3A_1861 : vector<16xi32> to vector<16x1xi32>
      %gather3A_1863 = vector.shape_cast %reshape3A_1862 : vector<16x1xi32> to vector<16xi32>
      %gather3A_1864 = tpu.dynamic_gather %add3A_1647[%gather3A_1863] in [0] : vector<16xf32>, vector<16xi32> -> vector<16xf32>
      %select_n3A_1865 = arith.select %eq3A_1761, %gather3A_1864, %add3A_1682 : vector<16xi1>, vector<16xf32>
      %add3A_1866 = arith.addf %select_n3A_1848, %select_n3A_1865 : vector<16xf32>
      %add3A_1867 = arith.constant -2 : i32
      %add3A_1868 = vector.broadcast %add3A_1867 : i32 to vector<16xi32>
      %add3A_1869 = arith.addi %iota3A, %add3A_1868 : vector<16xi32>
      %and3A_1870 = arith.constant 15 : i32
      %and3A_1871 = vector.broadcast %and3A_1870 : i32 to vector<16xi32>
      %and3A_1872 = arith.andi %add3A_1869, %and3A_1871 : vector<16xi32>
      %lt3A_1873 = arith.constant 0 : i32
      %lt3A_1874 = vector.broadcast %lt3A_1873 : i32 to vector<16xi32>
      %lt3A_1875 = arith.cmpi slt, %and3A_1872, %lt3A_1874 : vector<16xi32>
      %add3A_1876 = arith.constant 16 : i32
      %add3A_1877 = vector.broadcast %add3A_1876 : i32 to vector<16xi32>
      %add3A_1878 = arith.addi %and3A_1872, %add3A_1877 : vector<16xi32>
      %select_n3A_1879 = arith.select %lt3A_1875, %add3A_1878, %and3A_1872 : vector<16xi1>, vector<16xi32>
      %reshape3A_1880 = vector.shape_cast %select_n3A_1879 : vector<16xi32> to vector<16x1xi32>
      %gather3A_1881 = vector.shape_cast %reshape3A_1880 : vector<16x1xi32> to vector<16xi32>
      %gather3A_1882 = tpu.dynamic_gather %add3A_1752[%gather3A_1881] in [0] : vector<16xf32>, vector<16xi32> -> vector<16xf32>
      %select_n3A_1883 = arith.select %eq3A_1761, %add3A_1717, %gather3A_1882 : vector<16xi1>, vector<16xf32>
      %add3A_1884 = arith.constant 2 : i32
      %add3A_1885 = vector.broadcast %add3A_1884 : i32 to vector<16xi32>
      %add3A_1886 = arith.addi %iota3A, %add3A_1885 : vector<16xi32>
      %and3A_1887 = arith.constant 15 : i32
      %and3A_1888 = vector.broadcast %and3A_1887 : i32 to vector<16xi32>
      %and3A_1889 = arith.andi %add3A_1886, %and3A_1888 : vector<16xi32>
      %lt3A_1890 = arith.constant 0 : i32
      %lt3A_1891 = vector.broadcast %lt3A_1890 : i32 to vector<16xi32>
      %lt3A_1892 = arith.cmpi slt, %and3A_1889, %lt3A_1891 : vector<16xi32>
      %add3A_1893 = arith.constant 16 : i32
      %add3A_1894 = vector.broadcast %add3A_1893 : i32 to vector<16xi32>
      %add3A_1895 = arith.addi %and3A_1889, %add3A_1894 : vector<16xi32>
      %select_n3A_1896 = arith.select %lt3A_1892, %add3A_1895, %and3A_1889 : vector<16xi1>, vector<16xi32>
      %reshape3A_1897 = vector.shape_cast %select_n3A_1896 : vector<16xi32> to vector<16x1xi32>
      %gather3A_1898 = vector.shape_cast %reshape3A_1897 : vector<16x1xi32> to vector<16xi32>
      %gather3A_1899 = tpu.dynamic_gather %add3A_1717[%gather3A_1898] in [0] : vector<16xf32>, vector<16xi32> -> vector<16xf32>
      %select_n3A_1900 = arith.select %eq3A_1761, %gather3A_1899, %add3A_1752 : vector<16xi1>, vector<16xf32>
      %add3A_1901 = arith.addf %select_n3A_1883, %select_n3A_1900 : vector<16xf32>
      %shift_right_arithmetic3A_1902 = arith.constant 2 : i32
      %shift_right_arithmetic3A_1903 = vector.broadcast %shift_right_arithmetic3A_1902 : i32 to vector<16xi32>
      %shift_right_arithmetic3A_1904 = arith.shrsi %iota3A, %shift_right_arithmetic3A_1903 : vector<16xi32>
      %and3A_1905 = arith.constant 1 : i32
      %and3A_1906 = vector.broadcast %and3A_1905 : i32 to vector<16xi32>
      %and3A_1907 = arith.andi %shift_right_arithmetic3A_1904, %and3A_1906 : vector<16xi32>
      %eq3A_1908 = arith.constant 0 : i32
      %eq3A_1909 = vector.broadcast %eq3A_1908 : i32 to vector<16xi32>
      %eq3A_1910 = arith.cmpi eq, %and3A_1907, %eq3A_1909 : vector<16xi32>
      %add3A_1911 = arith.constant -4 : i32
      %add3A_1912 = vector.broadcast %add3A_1911 : i32 to vector<16xi32>
      %add3A_1913 = arith.addi %iota3A, %add3A_1912 : vector<16xi32>
      %and3A_1914 = arith.constant 15 : i32
      %and3A_1915 = vector.broadcast %and3A_1914 : i32 to vector<16xi32>
      %and3A_1916 = arith.andi %add3A_1913, %and3A_1915 : vector<16xi32>
      %lt3A_1917 = arith.constant 0 : i32
      %lt3A_1918 = vector.broadcast %lt3A_1917 : i32 to vector<16xi32>
      %lt3A_1919 = arith.cmpi slt, %and3A_1916, %lt3A_1918 : vector<16xi32>
      %add3A_1920 = arith.constant 16 : i32
      %add3A_1921 = vector.broadcast %add3A_1920 : i32 to vector<16xi32>
      %add3A_1922 = arith.addi %and3A_1916, %add3A_1921 : vector<16xi32>
      %select_n3A_1923 = arith.select %lt3A_1919, %add3A_1922, %and3A_1916 : vector<16xi1>, vector<16xi32>
      %reshape3A_1924 = vector.shape_cast %select_n3A_1923 : vector<16xi32> to vector<16x1xi32>
      %gather3A_1925 = vector.shape_cast %reshape3A_1924 : vector<16x1xi32> to vector<16xi32>
      %gather3A_1926 = tpu.dynamic_gather %add3A_1831[%gather3A_1925] in [0] : vector<16xf32>, vector<16xi32> -> vector<16xf32>
      %select_n3A_1927 = arith.select %eq3A_1910, %add3A_1796, %gather3A_1926 : vector<16xi1>, vector<16xf32>
      %add3A_1928 = arith.constant 4 : i32
      %add3A_1929 = vector.broadcast %add3A_1928 : i32 to vector<16xi32>
      %add3A_1930 = arith.addi %iota3A, %add3A_1929 : vector<16xi32>
      %and3A_1931 = arith.constant 15 : i32
      %and3A_1932 = vector.broadcast %and3A_1931 : i32 to vector<16xi32>
      %and3A_1933 = arith.andi %add3A_1930, %and3A_1932 : vector<16xi32>
      %lt3A_1934 = arith.constant 0 : i32
      %lt3A_1935 = vector.broadcast %lt3A_1934 : i32 to vector<16xi32>
      %lt3A_1936 = arith.cmpi slt, %and3A_1933, %lt3A_1935 : vector<16xi32>
      %add3A_1937 = arith.constant 16 : i32
      %add3A_1938 = vector.broadcast %add3A_1937 : i32 to vector<16xi32>
      %add3A_1939 = arith.addi %and3A_1933, %add3A_1938 : vector<16xi32>
      %select_n3A_1940 = arith.select %lt3A_1936, %add3A_1939, %and3A_1933 : vector<16xi1>, vector<16xi32>
      %reshape3A_1941 = vector.shape_cast %select_n3A_1940 : vector<16xi32> to vector<16x1xi32>
      %gather3A_1942 = vector.shape_cast %reshape3A_1941 : vector<16x1xi32> to vector<16xi32>
      %gather3A_1943 = tpu.dynamic_gather %add3A_1796[%gather3A_1942] in [0] : vector<16xf32>, vector<16xi32> -> vector<16xf32>
      %select_n3A_1944 = arith.select %eq3A_1910, %gather3A_1943, %add3A_1831 : vector<16xi1>, vector<16xf32>
      %add3A_1945 = arith.addf %select_n3A_1927, %select_n3A_1944 : vector<16xf32>
      %add3A_1946 = arith.constant -4 : i32
      %add3A_1947 = vector.broadcast %add3A_1946 : i32 to vector<16xi32>
      %add3A_1948 = arith.addi %iota3A, %add3A_1947 : vector<16xi32>
      %and3A_1949 = arith.constant 15 : i32
      %and3A_1950 = vector.broadcast %and3A_1949 : i32 to vector<16xi32>
      %and3A_1951 = arith.andi %add3A_1948, %and3A_1950 : vector<16xi32>
      %lt3A_1952 = arith.constant 0 : i32
      %lt3A_1953 = vector.broadcast %lt3A_1952 : i32 to vector<16xi32>
      %lt3A_1954 = arith.cmpi slt, %and3A_1951, %lt3A_1953 : vector<16xi32>
      %add3A_1955 = arith.constant 16 : i32
      %add3A_1956 = vector.broadcast %add3A_1955 : i32 to vector<16xi32>
      %add3A_1957 = arith.addi %and3A_1951, %add3A_1956 : vector<16xi32>
      %select_n3A_1958 = arith.select %lt3A_1954, %add3A_1957, %and3A_1951 : vector<16xi1>, vector<16xi32>
      %reshape3A_1959 = vector.shape_cast %select_n3A_1958 : vector<16xi32> to vector<16x1xi32>
      %gather3A_1960 = vector.shape_cast %reshape3A_1959 : vector<16x1xi32> to vector<16xi32>
      %gather3A_1961 = tpu.dynamic_gather %add3A_1901[%gather3A_1960] in [0] : vector<16xf32>, vector<16xi32> -> vector<16xf32>
      %select_n3A_1962 = arith.select %eq3A_1910, %add3A_1866, %gather3A_1961 : vector<16xi1>, vector<16xf32>
      %add3A_1963 = arith.constant 4 : i32
      %add3A_1964 = vector.broadcast %add3A_1963 : i32 to vector<16xi32>
      %add3A_1965 = arith.addi %iota3A, %add3A_1964 : vector<16xi32>
      %and3A_1966 = arith.constant 15 : i32
      %and3A_1967 = vector.broadcast %and3A_1966 : i32 to vector<16xi32>
      %and3A_1968 = arith.andi %add3A_1965, %and3A_1967 : vector<16xi32>
      %lt3A_1969 = arith.constant 0 : i32
      %lt3A_1970 = vector.broadcast %lt3A_1969 : i32 to vector<16xi32>
      %lt3A_1971 = arith.cmpi slt, %and3A_1968, %lt3A_1970 : vector<16xi32>
      %add3A_1972 = arith.constant 16 : i32
      %add3A_1973 = vector.broadcast %add3A_1972 : i32 to vector<16xi32>
      %add3A_1974 = arith.addi %and3A_1968, %add3A_1973 : vector<16xi32>
      %select_n3A_1975 = arith.select %lt3A_1971, %add3A_1974, %and3A_1968 : vector<16xi1>, vector<16xi32>
      %reshape3A_1976 = vector.shape_cast %select_n3A_1975 : vector<16xi32> to vector<16x1xi32>
      %gather3A_1977 = vector.shape_cast %reshape3A_1976 : vector<16x1xi32> to vector<16xi32>
      %gather3A_1978 = tpu.dynamic_gather %add3A_1866[%gather3A_1977] in [0] : vector<16xf32>, vector<16xi32> -> vector<16xf32>
      %select_n3A_1979 = arith.select %eq3A_1910, %gather3A_1978, %add3A_1901 : vector<16xi1>, vector<16xf32>
      %add3A_1980 = arith.addf %select_n3A_1962, %select_n3A_1979 : vector<16xf32>
      %shift_right_arithmetic3A_1981 = arith.constant 3 : i32
      %shift_right_arithmetic3A_1982 = vector.broadcast %shift_right_arithmetic3A_1981 : i32 to vector<16xi32>
      %shift_right_arithmetic3A_1983 = arith.shrsi %iota3A, %shift_right_arithmetic3A_1982 : vector<16xi32>
      %and3A_1984 = arith.constant 1 : i32
      %and3A_1985 = vector.broadcast %and3A_1984 : i32 to vector<16xi32>
      %and3A_1986 = arith.andi %shift_right_arithmetic3A_1983, %and3A_1985 : vector<16xi32>
      %eq3A_1987 = arith.constant 0 : i32
      %eq3A_1988 = vector.broadcast %eq3A_1987 : i32 to vector<16xi32>
      %eq3A_1989 = arith.cmpi eq, %and3A_1986, %eq3A_1988 : vector<16xi32>
      %add3A_1990 = arith.constant -8 : i32
      %add3A_1991 = vector.broadcast %add3A_1990 : i32 to vector<16xi32>
      %add3A_1992 = arith.addi %iota3A, %add3A_1991 : vector<16xi32>
      %and3A_1993 = arith.constant 15 : i32
      %and3A_1994 = vector.broadcast %and3A_1993 : i32 to vector<16xi32>
      %and3A_1995 = arith.andi %add3A_1992, %and3A_1994 : vector<16xi32>
      %lt3A_1996 = arith.constant 0 : i32
      %lt3A_1997 = vector.broadcast %lt3A_1996 : i32 to vector<16xi32>
      %lt3A_1998 = arith.cmpi slt, %and3A_1995, %lt3A_1997 : vector<16xi32>
      %add3A_1999 = arith.constant 16 : i32
      %add3A_2000 = vector.broadcast %add3A_1999 : i32 to vector<16xi32>
      %add3A_2001 = arith.addi %and3A_1995, %add3A_2000 : vector<16xi32>
      %select_n3A_2002 = arith.select %lt3A_1998, %add3A_2001, %and3A_1995 : vector<16xi1>, vector<16xi32>
      %reshape3A_2003 = vector.shape_cast %select_n3A_2002 : vector<16xi32> to vector<16x1xi32>
      %gather3A_2004 = vector.shape_cast %reshape3A_2003 : vector<16x1xi32> to vector<16xi32>
      %gather3A_2005 = tpu.dynamic_gather %add3A_1980[%gather3A_2004] in [0] : vector<16xf32>, vector<16xi32> -> vector<16xf32>
      %select_n3A_2006 = arith.select %eq3A_1989, %add3A_1945, %gather3A_2005 : vector<16xi1>, vector<16xf32>
      %add3A_2007 = arith.constant 8 : i32
      %add3A_2008 = vector.broadcast %add3A_2007 : i32 to vector<16xi32>
      %add3A_2009 = arith.addi %iota3A, %add3A_2008 : vector<16xi32>
      %and3A_2010 = arith.constant 15 : i32
      %and3A_2011 = vector.broadcast %and3A_2010 : i32 to vector<16xi32>
      %and3A_2012 = arith.andi %add3A_2009, %and3A_2011 : vector<16xi32>
      %lt3A_2013 = arith.constant 0 : i32
      %lt3A_2014 = vector.broadcast %lt3A_2013 : i32 to vector<16xi32>
      %lt3A_2015 = arith.cmpi slt, %and3A_2012, %lt3A_2014 : vector<16xi32>
      %add3A_2016 = arith.constant 16 : i32
      %add3A_2017 = vector.broadcast %add3A_2016 : i32 to vector<16xi32>
      %add3A_2018 = arith.addi %and3A_2012, %add3A_2017 : vector<16xi32>
      %select_n3A_2019 = arith.select %lt3A_2015, %add3A_2018, %and3A_2012 : vector<16xi1>, vector<16xi32>
      %reshape3A_2020 = vector.shape_cast %select_n3A_2019 : vector<16xi32> to vector<16x1xi32>
      %gather3A_2021 = vector.shape_cast %reshape3A_2020 : vector<16x1xi32> to vector<16xi32>
      %gather3A_2022 = tpu.dynamic_gather %add3A_1945[%gather3A_2021] in [0] : vector<16xf32>, vector<16xi32> -> vector<16xf32>
      %select_n3A_2023 = arith.select %eq3A_1989, %gather3A_2022, %add3A_1980 : vector<16xi1>, vector<16xf32>
      %add3A_2024 = arith.addf %select_n3A_2006, %select_n3A_2023 : vector<16xf32>
      %swap3A = arith.index_cast %mul3A_374 : i32 to index
      %swap3A_2025 = tpu.vector_load %arg11[%swap3A] {strides = array<i32>} : memref<512xf32, #tpu.memory_space<vmem>>, vector<16xf32>,
      tpu.vector_store %arg11[%swap3A], %add3A_2024 {strides = array<i32>} : memref<512xf32, #tpu.memory_space<vmem>>, vector<16xf32>,
    }
    %scan3A_371 = arith.constant 32 : i32
    "tpu.region"() ({
      %run_scoped3A = tpu.sem_alloc : memref<!tpu.dma_semaphore, #tpu.memory_space<semaphore_mem>>
      %dma_start3A_372 = arith.constant 0 : i32
      %dma_start3A_373 = tpu.memref_slice %arg6[%add3A, %dma_start3A_372] : memref<32x512xf32, #tpu.memory_space<hbm>> -> memref<1x512xf32, #tpu.memory_space<hbm>>
      %dma_start3A_374 = tpu.memref_squeeze %dma_start3A_373 : memref<1x512xf32, #tpu.memory_space<hbm>> -> memref<512xf32, #tpu.memory_space<hbm>>
      %dma_start3A_375 = arith.constant 0 : i32
      %dma_start3A_376 = tpu.memref_slice %arg6[%add3A, %dma_start3A_375] : memref<32x512xf32, #tpu.memory_space<hbm>> -> memref<1x512xf32, #tpu.memory_space<hbm>>
      %dma_start3A_377 = tpu.memref_squeeze %dma_start3A_376 : memref<1x512xf32, #tpu.memory_space<hbm>> -> memref<512xf32, #tpu.memory_space<hbm>>
      tpu.enqueue_dma source(%arg11 : memref<512xf32, #tpu.memory_space<vmem>>) target(%dma_start3A_377 : memref<512xf32, #tpu.memory_space<hbm>>) target_semaphore(%run_scoped3A : memref<!tpu.dma_semaphore, #tpu.memory_space<semaphore_mem>>)
      %dma_wait3A = arith.constant 0 : i32
      %dma_wait3A_378 = tpu.memref_slice %arg6[%add3A, %dma_wait3A] : memref<32x512xf32, #tpu.memory_space<hbm>> -> memref<1x512xf32, #tpu.memory_space<hbm>>
      %dma_wait3A_379 = tpu.memref_squeeze %dma_wait3A_378 : memref<1x512xf32, #tpu.memory_space<hbm>> -> memref<512xf32, #tpu.memory_space<hbm>>
      %dma_wait3A_380 = arith.constant 0 : i32
      %dma_wait3A_381 = tpu.memref_slice %arg6[%add3A, %dma_wait3A_380] : memref<32x512xf32, #tpu.memory_space<hbm>> -> memref<1x512xf32, #tpu.memory_space<hbm>>
      %dma_wait3A_382 = tpu.memref_squeeze %dma_wait3A_381 : memref<1x512xf32, #tpu.memory_space<hbm>> -> memref<512xf32, #tpu.memory_space<hbm>>
      tpu.wait_dma2 semaphore(%run_scoped3A : memref<!tpu.dma_semaphore, #tpu.memory_space<semaphore_mem>>) src(%arg11 : memref<512xf32, #tpu.memory_space<vmem>>) dst(%dma_wait3A_382 : memref<512xf32, #tpu.memory_space<hbm>>)
      tpu.yield
    }) : () -> ()
    return
  }
}

</mosaic_0001>

<sc_bundles>
// kernel: kernel.3.cloned.1.call-start
scs
__scs_entry_jumppad:
0x0: {  	(pc) =	sbr.rel $0x88, $3  }
0x1: {  	(tag) =	ssettag $0x0;
	lr =	simm.s32 $0x1  }
0x2: {  	[smem:$0x3F9D] =	sst lr;
	_ =	strace $0xD0000000  }
0x3: {  	_ = 	snop  }
0x4: {  	_ = 	snop  }
0x5: {  	_ = 	snop  }
0x6: {  	_ = 	snop  }
0x7: {  	_ = 	snop  }
__scs_overlays_trampoline_lowered:
0x8: {  	[smem:$0x3FAC] =	sst s0  }
0x9: {  	[smem:$0x3FAD] =	sst s1  }
0xa: {  	[smem:$0x3FAE] =	sst s2  }
0xb: {  	[smem:$0x3FAF] =	sst s3  }
0xc: {  	[smem:$0x3FB0] =	sst s4  }
0xd: {  	[smem:$0x3FB1] =	sst s5  }
0xe: {  	[smem:$0x3FB2] =	sst s6  }
0xf: {  	[smem:$0x3FB3] =	sst s7  }
0x10: {  	[smem:$0x3FB4] =	sst s8  }
0x11: {  	[smem:$0x3FB5] =	sst s9;
	s0 =	simm.s32 @!p0 $0x0  }
0x12: {  	s1 =	sld [smem:$0x3F9B];
	s0 =	simm.s32 @p0 $0x1  }
0x13: {  	[smem:$0x3FB6] =	sst s0;
	s0 =	simm.s32 @!p1 $0x0  }
0x14: {  	s2 =	sld [smem:$0x3F9A];
	s0 =	simm.s32 @p1 $0x1  }
0x15: {  	[smem:$0x3FB7] =	sst s0;
	s0 =	simm.s32 @!p2 $0x0  }
0x16: {  	s3 =	sld [smem:$0x3FDB];
	s0 =	simm.s32 @p2 $0x1  }
0x17: {  	s4 =	simm.s32 $0x1BF5;
	[smem:$0x3FB9] =	sst s0  }
0x18: {  	s0 =	sld [smem:$0x3F9C];
	_ =	swait.ge [sflag:s4], $0x0  }
0x19: {  	s7 =	sld [smem:$0x3F9D]  }
0x1a: {  	s8 =	sadd.s32 $0xFFFFE003, lr  }
0x1b: {  	s9 =	sadd.s32 $0xFFFFFEF7, lr;
	s5 =	simm.s32 $0xFFFFFFFF;
	p2 =	slt.u32 s8, $0xFFFFF086  }
0x1c: {  	p1 =	slt.u32 s9, $0xF7A;
	s5 =	simm.s32 @!p2 $0x0  }
0x1d: {  	s5 =	simm.s32 @p1 $0x1;
	p0 =	seq.s32 s7, s2  }
0x1e: {  	s7 =	smul.u32 @!p0 $0xF7A, s2;
	p2 =	seq.s32 @!p0 s5, $0x0  }
0x1f: {  	s9 =	smul.u32 $0xF7A, s1;
	s8 =	simm.s32 @!p0 $0x1BF5;
	p2 =	por !p2, p0  }
0x20: {  	[sflag:s8] =	ssyncset.s32 @!p0 $0xFFFFF086;
	s6 =	sadd.s32 @!p0 s3, s7;
	s7 =	simm.s32 @!p0 $0x108  }
0x21: {  	s3 =	sadd.s32 s3, s9;
	s6 =	sadd.s32 @!p0 $0x88, s6;
	s7 =	simm.s32 @p2 $0x1082  }
0x22: {  	[simem:s7], [sflag:s8] =	dma.local @!p0 [hbm:s6], $0xF7A  }
0x23: {  	s9 =	sor.u32 $0xD0000000, s2;
	s6 =	simm.s32 $0x108;
	_ =	swait.ge @!p0 [sflag:s8], $0x0  }
0x24: {  	s3 =	sadd.s32 $0x88, s3;
	s6 =	simm.s32 @!p1 $0x1082;
	[sflag:s4] =	ssyncset.s32 $0xFFFFF086  }
0x25: {  	[simem:s6], [sflag:s4] =	dma.local [hbm:s3], $0xF7A  }
0x26: {  	[smem:$0x3F9D] =	sst s1;
	(tag) =	ssettag s2;
	_ =	strace s9  }
0x27: {  	s1 =	sld [smem:$0x3FAD]  }
0x28: {  	s2 =	sld [smem:$0x3FAE]  }
0x29: {  	s4 =	sld [smem:$0x3FB0]  }
0x2a: {  	p0 =	seq.s32 s5, $0x0;
	s5 =	sld [smem:$0x3FB1]  }
0x2b: {  	s6 =	sld [smem:$0x3FB2]  }
0x2c: {  	s7 =	sld [smem:$0x3FB3]  }
0x2d: {  	s3 =	simm.s32 $0x108;
	s8 =	sld [smem:$0x3FB4]  }
0x2e: {  	s3 =	simm.s32 @!p0 $0x1082;
	s9 =	sld [smem:$0x3FB5]  }
0x2f: {  	lr =	sadd.s32 s0, s3;
	s0 =	sld [smem:$0x3FAC]  }
0x30: {  	s3 =	sld [smem:$0x3FAF]  }
0x31: {  	[smem:$0x3FB8] =	sst s10  }
0x32: {  	s10 =	sld [smem:$0x3FB6];
	_ =	sdelay $0x3  }
0x33: {  	p0 =	seq.s32 s10, $0x1;
	s10 =	sld [smem:$0x3FB8];
	_ =	sdelay $0x3  }
0x34: {  	[smem:$0x3FB8] =	sst s10  }
0x35: {  	s10 =	sld [smem:$0x3FB7];
	_ =	sdelay $0x3  }
0x36: {  	p1 =	seq.s32 s10, $0x1;
	s10 =	sld [smem:$0x3FB8];
	_ =	sdelay $0x3  }
0x37: {  	[smem:$0x3FB8] =	sst s10  }
0x38: {  	s10 =	sld [smem:$0x3FB9]  }
0x39: {  	_ = 	snop;
	(pc) =	sbr.ind lr, $3  }
0x3a: {  	_ = 	snop  }
0x3b: {  	_ = 	snop  }
0x3c: {  	p2 =	seq.s32 s10, $0x1;
	s10 =	sld [smem:$0x3FB8]  }
0x3d: {  	_ =	shalt  }
0x3e: {  	_ =	shalt  }
0x3f: {  	_ =	shalt  }
0x40: {  	_ =	shalt  }
0x41: {  	_ =	shalt  }
0x42: {  	_ =	shalt  }
0x43: {  	_ =	shalt  }
0x44: {  	_ =	shalt  }
0x45: {  	_ =	shalt  }
0x46: {  	_ =	shalt  }
0x47: {  	_ =	shalt  }
0x48: {  	_ =	shalt  }
0x49: {  	_ =	shalt  }
0x4a: {  	_ =	shalt  }
0x4b: {  	_ =	shalt  }
0x4c: {  	_ =	shalt  }
0x4d: {  	_ =	shalt  }
0x4e: {  	_ =	shalt  }
0x4f: {  	_ =	shalt  }
0x50: {  	_ =	shalt  }
0x51: {  	_ =	shalt  }
0x52: {  	_ =	shalt  }
0x53: {  	_ =	shalt  }
0x54: {  	_ =	shalt  }
0x55: {  	_ =	shalt  }
0x56: {  	_ =	shalt  }
0x57: {  	_ =	shalt  }
0x58: {  	_ =	shalt  }
0x59: {  	_ =	shalt  }
0x5a: {  	_ =	shalt  }
0x5b: {  	_ =	shalt  }
0x5c: {  	_ =	shalt  }
0x5d: {  	_ =	shalt  }
0x5e: {  	_ =	shalt  }
0x5f: {  	_ =	shalt  }
0x60: {  	_ =	shalt  }
0x61: {  	_ =	shalt  }
0x62: {  	_ =	shalt  }
0x63: {  	_ =	shalt  }
0x64: {  	_ =	shalt  }
0x65: {  	_ =	shalt  }
0x66: {  	_ =	shalt  }
0x67: {  	_ =	shalt  }
0x68: {  	_ =	shalt  }
0x69: {  	_ =	shalt  }
0x6a: {  	_ =	shalt  }
0x6b: {  	_ =	shalt  }
0x6c: {  	_ =	shalt  }
0x6d: {  	_ =	shalt  }
0x6e: {  	_ =	shalt  }
0x6f: {  	_ =	shalt  }
0x70: {  	_ =	shalt  }
0x71: {  	_ =	shalt  }
0x72: {  	_ =	shalt  }
0x73: {  	_ =	shalt  }
0x74: {  	_ =	shalt  }
0x75: {  	_ =	shalt  }
0x76: {  	_ =	shalt  }
0x77: {  	_ =	shalt  }
0x78: {  	_ =	shalt  }
0x79: {  	_ =	shalt  }
0x7a: {  	_ =	shalt  }
0x7b: {  	_ =	shalt  }
0x7c: {  	_ =	shalt  }
0x7d: {  	_ =	shalt  }
0x7e: {  	_ =	shalt  }
0x7f: {  	_ =	shalt  }
0x80: {  	_ =	shalt  }
0x81: {  	_ =	shalt  }
0x82: {  	_ =	shalt  }
0x83: {  	_ =	shalt  }
0x84: {  	_ =	shalt  }
0x85: {  	_ =	shalt  }
0x86: {  	_ =	shalt  }
0x87: {  	_ =	shalt  }
.Lfunc_end0:
.L_simem_size_0:
called_computation_lowered:
.L_overlay_start_0:
0x88: {  	s2 =	sld [smem:$0x3FD9]  }
0x89: {  	s3 =	sld [smem:$0x3FFE];
	_ =	sdelay $0x1  }
0x8a: {  	s1 =	srdreg.scid  }
0x8b: {  	s0 =	sand.u32 $0x1, s1  }
0x8c: {  	s17 =	sshll.u32 s0, $0xA;
	s2 =	sadd.s32 s3, s2  }
0x8d: {  	s2 =	sadd.s32 s2, s17  }
0x8e: {  	[smem:$0x3FC4] =	sst s2  }
0x8f: {  	_ = 	snop  }
0x90: {  	s2 =	sld [smem:$0x3FC7]  }
0x91: {  	s18 =	sld [smem:$0x3FC6]  }
0x92: {  	s4 =	sld [smem:$0x3FD0];
	(tm) =	ssettm $0x1  }
0x93: {  	s5 =	sld [smem:$0x3FFB];
	_ =	sdelay $0x3  }
0x94: {  	_ =	strace s5  }
0x95: {  	s5 =	sld [smem:$0x3FFC];
	_ =	sdelay $0x3  }
0x96: {  	_ =	strace s5  }
0x97: {  	s5 =	sld [smem:$0x3FFD];
	_ =	sdelay $0x3  }
0x98: {  	_ =	strace s5  }
0x99: {  	_ =	strace $0x8FFFFFFF  }
0x9a: {  	s19 =	sld [smem:$0x3FDB];
	_ =	sdelay $0x1  }
0x9b: {  	s6 =	simm.s32 $_scs_section_size  }
0x9c: {  	s7 =	simm.s32 $_size__tile_overlayer_lowered;
	s8 =	simm.s32 $_tile_overlayer_lowered  }
0x9d: {  	s22 =	simm.s32 $0x1BFF;
	s21 =	sshll.u32 s8, $0x1;
	s5 =	sadd.s32 s6, s19  }
0x9e: {  	s9 =	simm.s32 $0x0;
	s20 =	sshll.u32 s7, $0x1;
	s7 =	sadd.s32 s21, s5  }
0x9f: {  	[timem:s9], [sflag:s22] =	dma.local [hbm:s7], s20  }
0xa0: {  	_ =	swait.ge [sflag:s22], s20  }
0xa1: {  	s6 =	ssub.s32 $0x0, s20;
	[sflag:s22] =	ssyncset.done $0x0  }
0xa2: {  	[sflag:s22] =	ssyncadd.s32 s6;
	_ =	sdelay $0x1  }
0xa3: {  	s23 =	simm.s32 $0x1B8B  }
0xa4: {  	_ =	swait.ge [sflag:s23], $0x1  }
0xa5: {  	[sflag:s23] =	ssyncset.done $0x0  }
0xa6: {  	s25 =	simm.s32 $0x1B8E;
	s24 =	sld [smem:$0x3FFE];
	[sflag:s23] =	ssyncadd.s32 $0xFFFFFFFF  }
0xa7: {  	s26 =	simm.s32 $execute0_lowered;
	[smem:$0x3FD2] =	sst s25  }
0xa8: {  	s7 =	sshll.u32 s26, $0x1;
	_ =	strace $0x80000046;
	[dreg:$0x1] =	wrdreg $0xFFFFFFFF  }
0xa9: {  	s28 =	simm.s32 $_size_execute0_lowered;
	s5 =	sadd.s32 s5, s7;
	[dreg:$0x0] =	wrdreg $0x0  }
0xaa: {  	s7 =	sshll.u32 s28, $0x1;
	[dreg:$0x2] =	wrdreg s5  }
0xab: {  	[dreg:$0x3] =	wrdreg s7  }
0xac: {  	[dreg:$0x4] =	wrdreg $0xC0  }
0xad: {  	_ =	task [dreg:s9], $0x5FFFF  }
0xae: {  	[dreg:$0x1] =	wrdreg $0xFFFFFFFF  }
0xaf: {  	[dreg:$0x0] =	wrdreg $0x60  }
0xb0: {  	[dreg:$0x2] =	wrdreg s4  }
0xb1: {  	[dreg:$0x3] =	wrdreg s24  }
0xb2: {  	[dreg:$0x4] =	wrdreg s2  }
0xb3: {  	[dreg:$0x5] =	wrdreg s18  }
0xb4: {  	[dreg:$0x6] =	wrdreg $0x9  }
0xb5: {  	_ =	task.clear_ibuf [dreg:s9], $0x7FFFF;
	_ =	strace $0x90000046  }
0xb6: {  	s29 =	simm.s32 $0x9;
	_ =	strace $0x80000048  }
0xb7: {  	_ =	swait.ge [sflag:s29], $0x1  }
0xb8: {  	[sflag:s29] =	ssyncadd.s32 $0xFFFFFFFF  }
0xb9: {  	_ =	strace $0x90000048  }
0xba: {  	_ =	sfence  }
0xbb: {  	s30 =	sld [smem:$0x0];
	_ =	sdelay $0x2  }
0xbc: {  	s31 =	sshll.u32 s1, $0xD;
	s1 =	sshrl.u32 s1, $0x2  }
0xbd: {  	s3 =	sand.u32 $0x4000, s31;
	s1 =	sadd.s32 s1, s30  }
0xbe: {  	s0 =	sor.u32 s3, s0;
	s1 =	sshll.u32 s1, $0x11  }
0xbf: {  	s0 =	sor.u32 s1, s0  }
0xc0: {  	s0 =	sadd.s32 $0x8F2B, s0  }
0xc1: {  	[sflag:s0] =	ssyncadd.remote.s32 $0x1  }
0xc2: {  	_ =	sfence.sel $0xFFFF  }
0xc3: {  	[dreg:$0x0] =	wrdreg $0xFFFFFFFF;
	(pc) =	sbr.abs _section_cstart, $3  }
0xc4: {  	[dreg:$0x1] =	wrdreg $0xFFFFFFFF  }
0xc5: {  	_ =	task.clear_ibuf [dreg:s9], $0x2FFFF;
	_ =	strace $0x9FFFFFFF  }
0xc6: {  	(tm) =	ssettm $0x7FFFFFFF  }
0xc7: {  	_ =	shalt  }
tec
execute0_lowered:
.L_overlay_start_1:
0x0: {  	(tag) =	ssettag $0x1  }
0x1: {  	v0 =	vimm.s32 $0xEDCBA987;
	vm0 =	vcmask $0xB08;
	vm1 =	vcmask $0x300  }
0x2: {  	v1 =	vimm.s32 $0x6543210F;
	v2 =	vimm.s32 $0xFEDCBA9;
	v3 =	vimm.s32 $0x87654321  }
0x3: {  	v4 =	vimm.s32 $0xDCBA9876;
	v5 =	vimm.s32 $0x543210FE;
	vm2 =	vcmask $0x700  }
0x4: {  	v6 =	vimm.s32 $0xBA987654;
	v7 =	vimm.s32 $0x3210FEDC;
	vm3 =	vcmask $0xF00  }
0x5: {  	v8 =	vimm.s32 $0x76543210;
	v0 =	vunpack.c.l.s4.s8 v0;
	vm0 =	vmor vm1, vm0  }
0x6: {  	vm1 =	vcmask $0x1310;
	v1 =	vunpack.c.l.s4.s8 v1;
	v2 =	vunpack.c.l.s4.s8 v2  }
0x7: {  	v3 =	vunpack.c.l.s4.s8 v3;
	v4 =	vunpack.c.l.s4.s8 v4;
	v5 =	vunpack.c.l.s4.s8 v5  }
0x8: {  	s0 =	rddreg [dreg:$0x0];
	v6 =	vunpack.c.l.s4.s8 v6;
	vm0 =	vmor vm0, vm1;
	vm1 =	vcmask $0x1B18  }
0x9: {  	s1 =	rddreg [dreg:$0x1];
	v7 =	vunpack.c.l.s4.s8 v7;
	v0 =	vunpack.c.0.s8.s32 v0;
	vm0 =	vmor vm0, vm1  }
0xa: {  	s30 =	rddreg [dreg:$0x2];
	vm1 =	vcmask $0x2320;
	v1 =	vunpack.c.0.s8.s32 v1;
	v2 =	vunpack.c.0.s8.s32 v2  }
0xb: {  	s8 =	rddreg [dreg:$0x3];
	s3 =	simm.s32 $0x0;
	s2 =	srdreg.scid;
	v3 =	vunpack.c.0.s8.s32 v3;
	vm0 =	vmor vm0, vm1;
	vm1 =	vcmask $0x2B28  }
0xc: {  	s4 =	stileid.u32;
	s10 =	simm.s32 $0xC00;
	s9 =	simm.s32 $0x1C00;
	v6 =	vunpack.c.0.s8.s32 v6;
	v7 =	vunpack.c.0.s8.s32 v7;
	vm0 =	vmor vm0, vm1  }
0xd: {  	s11 =	simm.s32 $0x5C00;
	s28 =	simm.s32 $0x2400;
	s13 =	simm.s32 $0x6400;
	vm1 =	vcmask $0x3330;
	v1 =	vcombine.low v1, v0;
	v2 =	vcombine.low v3, v2  }
0xe: {  	s14 =	simm.s32 $0x2C00;
	s15 =	simm.s32 $0x6C00;
	s16 =	simm.s32 $0x3400;
	v0 =	vunpack.c.0.s8.s32 v4;
	v3 =	vunpack.c.0.s8.s32 v5;
	v4 =	vimm.s32 $0x10FEDCBA  }
0xf: {  	s7 =	simm.s32 $0x80;
	s17 =	simm.s32 $0x7400;
	s18 =	simm.s32 $0x3C00;
	v5 =	vimm.s32 $0x98765432;
	vm0 =	vmor vm0, vm1;
	vm1 =	vcmask $0x3B38  }
0x10: {  	s19 =	simm.s32 $0x7C00;
	s20 =	simm.s32 $0x1;
	s23 =	simm.s32 $0x2;
	v4 =	vunpack.c.l.s4.s8 v4;
	v5 =	vunpack.c.l.s4.s8 v5;
	vm0 =	vmor vm0, vm1  }
0x11: {  	s12 =	simm.s32 $0x5;
	[smem:$0x7FF] =	sst s3;
	s2 =	sand.u32 $0x1, s2;
	vm1 =	vcmask $0x1710;
	v3 =	vcombine.low v3, v0;
	v0 =	vimm.s32 $0xFEDCBA98  }
0x12: {  	s24 =	sshll.u32 s4, $0x5;
	s4 =	sshll.u32 s4, $0x7;
	s5 =	sshll.u32 s2, $0x4;
	v1 =	vand.u32 $0xF, v1;
	v2 =	vand.u32 $0xF, v2;
	vm1 =	vmor vm2, vm1  }
0x13: {  	s3 =	sand.u32 $0x60, s24;
	s4 =	sand.u32 $0x600, s4;
	s2 =	ssub.s32 $0x2, s2;
	vm2 =	vcmask $0x2720;
	v4 =	vunpack.c.0.s8.s32 v4;
	v5 =	vunpack.c.0.s8.s32 v5  }
0x14: {  	_ =	strace $0x80000047;
	s24 =	simm.s32 $0x4;
	s3 =	sor.u32 s5, s3;
	v9 =	vunpack.c.l.s4.s8 v0;
	v0 =	vlaneseq.u32;
	vm1 =	vmor vm1, vm2  }
0x15: {  	s25 =	sshrl.u32 s2, $0x1;
	s5 =	simm.s32 $0x4400;
	s3 =	sor.u32 s4, s3;
	vm2 =	vcmask $0x3730;
	v0 =	vmul.u32 $0x80, v0;
	v4 =	vcombine.low v5, v4  }
0x16: {  	s2 =	ssub.s32 s2, s25;
	s4 =	simm.s32 $0x7A1400;
	s0 =	sadd.s32 s0, s3;
	v5 =	vcombine.low v7, v6;
	v6 =	vcombine.low v6, v7;
	v7 =	vunpack.c.l.s4.s8 v8  }
0x17: {  	s1 =	sadd.s32 s3, s1;
	s31 =	smax.u32 s2, $0x1;
	[smem:$0x7FA] =	sst s0;
	vm1 =	vmor vm1, vm2;
	vm2 =	vcmask $0x2F20;
	v8 =	vunpack.c.0.s8.s32 v9  }
0x18: {  	s2 =	simm.s32 $0x9;
	s26 =	sadd.s32 $0x400, s1;
	[smem:$0x7FD] =	sst s31;
	v3 =	vand.u32 $0xF, v3;
	vm2 =	vmor vm3, vm2;
	v7 =	vunpack.c.0.s8.s32 v7  }
0x19: {  	s3 =	simm.s32 $0x5400;
	s29 =	sadd.s32 $0xC00, s1;
	[smem:$0x7FB] =	sst s26;
	vm3 =	vmmov $0xff;
	v4 =	vand.u32 $0xF, v4;
	v8 =	vand.u32 $0xF, v8  }
0x1a: {  	s1 =	simm.s32 $0x0;
	[smem:$0x7FC] =	sst s29;
	s26 =	simm.s32 $0x6;
	v5 =	vand.u32 $0xF, v5;
	v6 =	vand.u32 $0xF, v6;
	v7 =	vcombine.low v8, v7  }
.LBB2_1:
0x1b: {  	s0 =	sld [smem:$0x7FA];
	_ =	sdelay $0x1  }
0x1c: {  	[smem:$0x7E8] =	sst s1;
	s1 =	simm.s32 $0x0;
	s6 =	simm.s32 $0x400  }
0x1d: {  	[tilespmem:s1], [sflag:$0x9] =	stream.strided.gather [hbm4b:s0+s7], $0x200, s6, s7, $0x38;
	[tilespmem:$0x8600] =	vst v63  }
0x1e: {  	_ =	swait.ge [sflag:s2], $0x200  }
0x1f: {  	s31 =	sld [smem:$0x7FB]  }
0x20: {  	[sflag:s2] =	ssyncset.done $0x0  }
0x21: {  	s21 =	simm.s32 $0x200;
	[sflag:s2] =	ssyncadd.s32 $0xFFFFFE00  }
0x22: {  	[tilespmem:s21], [sflag:$0x9] =	stream.strided.gather [hbm4b:s31+s7], $0x200, s6, s7, $0x38;
	[tilespmem:$0x8600] =	vst v63  }
0x23: {  	_ =	swait.ge [sflag:s2], $0x200  }
0x24: {  	[sflag:s2] =	ssyncset.done $0x0  }
0x25: {  	[sflag:s2] =	ssyncadd.s32 $0xFFFFFE00  }
0x26: {  	v8 =	vld [tilespmem:$0x0];
	_ =	sdelay $0x1  }
0x27: {  	v9 =	vld [tilespmem:$0x200];
	_ =	sdelay $0x2  }
0x28: {  	(v2sf) =	vpush v8, $0x0;
	_ =	sdelay $0x1  }
0x29: {  	(v2sf) =	vpush v9, $0x0;
	_ =	sdelay $0x2  }
0x2a: {  	(v2sf) =	vpush v8, $0x1;
	_ =	sdelay $0x2  }
0x2b: {  	(v2sf) =	vpush v9, $0x1;
	_ =	sdelay $0x2  }
0x2c: {  	(v2sf) =	vpush v8, $0x2;
	_ =	sdelay $0x2  }
0x2d: {  	(v2sf) =	vpush v9, $0x2  }
0x2e: {  	s7 =	spop (v2sf)  }
0x2f: {  	s0 =	sand.u32 $0xFFFFF80, s7  }
0x30: {  	(v2sf) =	vpush v8, $0x3;
	s22 =	spop (v2sf);
	s0 =	sadd.s32 s30, s0  }
0x31: {  	[tilespmem:s6], [sflag:$0x1] =	stream.strided.gather [hbm4b:s0+s6], $0x800, s4, s6, $0x38;
	[tilespmem:$0x8600] =	vst v63  }
0x32: {  	s0 =	sand.u32 $0xFFFFF80, s22  }
0x33: {  	(v2sf) =	vpush v9, $0x3;
	s25 =	spop (v2sf);
	s0 =	sadd.s32 s8, s0  }
0x34: {  	[tilespmem:s5], [sflag:$0x1] =	stream.strided.gather [hbm4b:s0+s6], $0x800, s4, s6, $0x38;
	[tilespmem:$0x8600] =	vst v63  }
0x35: {  	s0 =	sand.u32 $0xFFFFF80, s25  }
0x36: {  	(v2sf) =	vpush v8, $0x4;
	s29 =	spop (v2sf);
	s0 =	sadd.s32 s30, s0  }
0x37: {  	[tilespmem:s10], [sflag:$0x2] =	stream.strided.gather [hbm4b:s0+s6], $0x800, s4, s6, $0x38;
	[tilespmem:$0x8600] =	vst v63  }
0x38: {  	s0 =	sand.u32 $0xFFFFF80, s29  }
0x39: {  	(v2sf) =	vpush v9, $0x4;
	s31 =	spop (v2sf);
	s25 =	simm.s32 $0x4C00;
	s0 =	sadd.s32 s8, s0  }
0x3a: {  	[tilespmem:s25], [sflag:$0x2] =	stream.strided.gather [hbm4b:s0+s6], $0x800, s4, s6, $0x38;
	[tilespmem:$0x8600] =	vst v63  }
0x3b: {  	s0 =	sand.u32 $0xFFFFF80, s31  }
0x3c: {  	(v2sf) =	vpush v8, $0x5;
	s2 =	spop (v2sf);
	s29 =	simm.s32 $0x1400;
	s0 =	sadd.s32 s30, s0  }
0x3d: {  	[tilespmem:s29], [sflag:$0x3] =	stream.strided.gather [hbm4b:s0+s6], $0x800, s4, s6, $0x38;
	[tilespmem:$0x8600] =	vst v63  }
0x3e: {  	s0 =	sand.u32 $0xFFFFF80, s2  }
0x3f: {  	(v2sf) =	vpush v9, $0x5;
	s7 =	spop (v2sf);
	s0 =	sadd.s32 s8, s0  }
0x40: {  	[tilespmem:s3], [sflag:$0x3] =	stream.strided.gather [hbm4b:s0+s6], $0x800, s4, s6, $0x38;
	[tilespmem:$0x8600] =	vst v63  }
0x41: {  	s0 =	sand.u32 $0xFFFFF80, s7  }
0x42: {  	(v2sf) =	vpush v8, $0x6;
	s10 =	spop (v2sf);
	s0 =	sadd.s32 s30, s0  }
0x43: {  	[tilespmem:s9], [sflag:$0x4] =	stream.strided.gather [hbm4b:s0+s6], $0x800, s4, s6, $0x38;
	[tilespmem:$0x8600] =	vst v63  }
0x44: {  	s0 =	sand.u32 $0xFFFFF80, s10  }
0x45: {  	(v2sf) =	vpush v9, $0x6;
	s22 =	spop (v2sf);
	s0 =	sadd.s32 s8, s0  }
0x46: {  	[tilespmem:s11], [sflag:$0x4] =	stream.strided.gather [hbm4b:s0+s6], $0x800, s4, s6, $0x38;
	[tilespmem:$0x8600] =	vst v63  }
0x47: {  	s0 =	sand.u32 $0xFFFFF80, s22  }
0x48: {  	(v2sf) =	vpush v8, $0x7;
	s31 =	spop (v2sf);
	s0 =	sadd.s32 s30, s0  }
0x49: {  	[tilespmem:s28], [sflag:$0x5] =	stream.strided.gather [hbm4b:s0+s6], $0x800, s4, s6, $0x38;
	[tilespmem:$0x8600] =	vst v63  }
0x4a: {  	s0 =	sand.u32 $0xFFFFF80, s31  }
0x4b: {  	(v2sf) =	vpush v9, $0x7;
	s2 =	spop (v2sf);
	s0 =	sadd.s32 s8, s0  }
0x4c: {  	[tilespmem:s13], [sflag:$0x5] =	stream.strided.gather [hbm4b:s0+s6], $0x800, s4, s6, $0x38;
	[tilespmem:$0x8600] =	vst v63  }
0x4d: {  	s0 =	sand.u32 $0xFFFFF80, s2  }
0x4e: {  	s3 =	spop (v2sf);
	s0 =	sadd.s32 s30, s0  }
0x4f: {  	[tilespmem:s14], [sflag:$0x6] =	stream.strided.gather [hbm4b:s0+s6], $0x800, s4, s6, $0x38;
	[tilespmem:$0x8600] =	vst v63  }
0x50: {  	s0 =	sand.u32 $0xFFFFF80, s3  }
0x51: {  	s7 =	spop (v2sf);
	s0 =	sadd.s32 s8, s0  }
0x52: {  	[tilespmem:s15], [sflag:$0x6] =	stream.strided.gather [hbm4b:s0+s6], $0x800, s4, s6, $0x38;
	[tilespmem:$0x8600] =	vst v63  }
0x53: {  	s0 =	sand.u32 $0xFFFFF80, s7  }
0x54: {  	s9 =	spop (v2sf);
	s0 =	sadd.s32 s30, s0  }
0x55: {  	[tilespmem:s16], [sflag:$0x7] =	stream.strided.gather [hbm4b:s0+s6], $0x800, s4, s6, $0x38;
	[tilespmem:$0x8600] =	vst v63  }
0x56: {  	s0 =	sand.u32 $0xFFFFF80, s9  }
0x57: {  	s10 =	spop (v2sf);
	s0 =	sadd.s32 s8, s0  }
0x58: {  	[tilespmem:s17], [sflag:$0x7] =	stream.strided.gather [hbm4b:s0+s6], $0x800, s4, s6, $0x38;
	[tilespmem:$0x8600] =	vst v63  }
0x59: {  	s0 =	sand.u32 $0xFFFFF80, s10  }
0x5a: {  	s11 =	spop (v2sf);
	s0 =	sadd.s32 s30, s0  }
0x5b: {  	[tilespmem:s18], [sflag:$0x8] =	stream.strided.gather [hbm4b:s0+s6], $0x800, s4, s6, $0x38;
	[tilespmem:$0x8600] =	vst v63  }
0x5c: {  	s0 =	sand.u32 $0xFFFFF80, s11  }
0x5d: {  	s13 =	smin.u32 s1, $0x1E0;
	s0 =	sadd.s32 s8, s0  }
0x5e: {  	[tilespmem:s19], [sflag:$0x8] =	stream.strided.gather [hbm4b:s0+s6], $0x800, s4, s6, $0x38;
	[tilespmem:$0x8600] =	vst v63  }
0x5f: {  	v19 =	vld [tilespmem:s13+$0x10]  }
0x60: {  	v18 =	vld [tilespmem:s13+$0x210]  }
0x61: {  	s14 =	simm.s32 $0x200;
	v12 =	vld [tilespmem:s1+$0x0]  }
0x62: {  	[dreg:$0x5] =	wrdreg s14;
	v13 =	vld [tilespmem:s21+$0x0]  }
0x63: {  	p0 =	por $0x0, $0x0;
	_ =	swait.ge [sflag:s20], $0x800  }
0x64: {  	(v2sf) =	vpush @!p0 v19, $0x0  }
0x65: {  	(v2sf) =	vpush @!p0 v18, $0x0  }
0x66: {  	(v2sf) =	vpush v12, $0x0  }
0x67: {  	(v2sf) =	vpush v13, $0x0  }
0x68: {  	(v2sf) =	vpush v13, $0x8  }
0x69: {  	(v2sf) =	vpush v13, $0x9;
	_ =	sdelay $0x2  }
0x6a: {  	(v2sf) =	vpush v12, $0x8  }
0x6b: {  	(v2sf) =	vpush v13, $0x1  }
0x6c: {  	(v2sf) =	vpush v12, $0x1  }
0x6d: {  	(v2sf) =	vpush v12, $0x9;
	_ =	sdelay $0x1  }
0x6e: {  	(v2sf) =	vpush v12, $0x2;
	_ =	sdelay $0x1  }
0x6f: {  	s0 =	spop @!p0 (v2sf)  }
0x70: {  	(v2sf) =	vpush v13, $0x2;
	[smem:$0x7EA] =	sst s0;
	s0 =	spop @!p0 (v2sf)  }
0x71: {  	(v2sf) =	vpush v12, $0xA;
	s15 =	spop (v2sf)  }
0x72: {  	(v2sf) =	vpush v13, $0xA;
	s16 =	spop (v2sf)  }
0x73: {  	[sflag:s20] =	ssyncset.done $0x0;
	[smem:$0x7EB] =	sst s0;
	(v2sf) =	vpush v12, $0x3;
	s17 =	spop (v2sf)  }
0x74: {  	s0 =	sand.u32 $0x7F, s15;
	(v2sf) =	vpush v13, $0x3;
	[smem:$0x7E9] =	sst s17;
	s18 =	spop (v2sf)  }
0x75: {  	[sflag:s20] =	ssyncadd.s32 $0xFFFFF800;
	s1 =	sand.u32 $0x7F, s16;
	v8 =	vor.u32 s0, v0;
	(v2sf) =	vpush v12, $0xB;
	[smem:$0x7ED] =	sst s18  }
0x76: {  	v9 =	vor.u32 s1, v0;
	_ =	swait.ge [sflag:s20], $0x800  }
0x77: {  	s21 =	spop (v2sf)  }
0x78: {  	[sflag:s20] =	ssyncset.done $0x0;
	(v2sf) =	vpush v13, $0xB;
	s31 =	spop (v2sf)  }
0x79: {  	[sflag:s20] =	ssyncadd.s32 $0xFFFFF800;
	s2 =	sand.u32 $0xFFFFF80, s21;
	(v2sf) =	vpush v12, $0x4;
	s9 =	spop (v2sf)  }
0x7a: {  	s3 =	sand.u32 $0xFFFFF80, s17;
	v8 =	vld.idx.msk [tilespmem:v8+s6+$0x0], $0xffff;
	s1 =	sadd.s32 s30, s2;
	(v2sf) =	vpush v13, $0x4;
	s10 =	spop (v2sf)  }
0x7b: {  	v9 =	vld.idx.msk [tilespmem:v9+s5+$0x0], $0xffff;
	[tilespmem:s6], [sflag:$0x1] =	stream.strided.gather [hbm4b:s1+s6], $0x800, s4, s6, $0x38;
	(v2sf) =	vpush v12, $0xC  }
0x7c: {  	s11 =	sadd.s32 s8, s3;
	[smem:$0x7EC] =	sst s10;
	s14 =	spop (v2sf);
	(v2sf) =	vpush v13, $0xC  }
0x7d: {  	[tilespmem:s5], [sflag:$0x1] =	stream.strided.gather [hbm4b:s11+s6], $0x800, s4, s6, $0x38;
	(v2sf) =	vpush v12, $0x5;
	[tilespmem:$0x8600] =	vst v63  }
0x7e: {  	_ =	swait.ge [sflag:s23], $0x800  }
0x7f: {  	s19 =	sand.u32 $0x7F, s9;
	(v2sf) =	vpush v13, $0x5;
	s20 =	spop (v2sf)  }
0x80: {  	s0 =	sand.u32 $0x7F, s31;
	v10 =	vor.u32 s19, v0;
	[sflag:s23] =	ssyncset.done $0x0;
	(v2sf) =	vpush v12, $0xD;
	s22 =	spop (v2sf)  }
0x81: {  	v11 =	vor.u32 s0, v0;
	[sflag:s23] =	ssyncadd.s32 $0xFFFFF800;
	[smem:$0x7EE] =	sst s22;
	(v2sf) =	vpush v13, $0xD  }
0x82: {  	s16 =	simm.s32 $0xC00;
	_ =	swait.ge [sflag:s23], $0x800  }
0x83: {  	s9 =	sand.u32 $0xFFFFF80, s10;
	s15 =	spop (v2sf);
	[sflag:s23] =	ssyncset.done $0x0  }
0x84: {  	s10 =	simm.s32 $0xC00;
	s0 =	spop (v2sf);
	[sflag:s23] =	ssyncadd.s32 $0xFFFFF800  }
0x85: {  	s31 =	simm.s32 $0x7A1400;
	s1 =	sadd.s32 s30, s9;
	(v2sf) =	vpush v12, $0x6;
	s4 =	spop (v2sf);
	v10 =	vld.idx.msk [tilespmem:v10+s10+$0x0], $0xffff  }
0x86: {  	(v2sf) =	vpush v13, $0x6;
	v11 =	vld.idx.msk [tilespmem:v11+s25+$0x0], $0xffff;
	[tilespmem:s16], [sflag:$0x2] =	stream.strided.gather [hbm4b:s1+s6], $0x800, s31, s6, $0x38  }
0x87: {  	s11 =	sand.u32 $0xFFFFF80, s18;
	[smem:$0x7EF] =	sst s15;
	(v2sf) =	vpush v12, $0xE;
	s10 =	spop (v2sf)  }
0x88: {  	s17 =	sadd.s32 s8, s11;
	(v2sf) =	vpush v13, $0xE;
	[smem:$0x7F0] =	sst s10;
	s18 =	spop (v2sf)  }
0x89: {  	(v2sf) =	vpush v12, $0x7;
	[tilespmem:s25], [sflag:$0x2] =	stream.strided.gather [hbm4b:s17+s6], $0x800, s31, s6, $0x38;
	[tilespmem:$0x8600] =	vst v63  }
0x8a: {  	s13 =	simm.s32 $0x3;
	[smem:$0x7F1] =	sst s18;
	s5 =	spop (v2sf);
	(v2sf) =	vpush v13, $0x7  }
0x8b: {  	_ =	swait.ge [sflag:s13], $0x800  }
0x8c: {  	s19 =	sand.u32 $0x7F, s14;
	s11 =	spop (v2sf)  }
0x8d: {  	s2 =	sand.u32 $0x7F, s20;
	(v2sf) =	vpush v12, $0xF;
	[sflag:s13] =	ssyncset.done $0x0;
	v12 =	vor.u32 s19, v0;
	s9 =	spop (v2sf)  }
0x8e: {  	(v2sf) =	vpush v13, $0xF;
	[sflag:s13] =	ssyncadd.s32 $0xFFFFF800;
	v13 =	vor.u32 s2, v0;
	[smem:$0x7F2] =	sst s9;
	s7 =	spop (v2sf)  }
0x8f: {  	_ =	swait.ge [sflag:s13], $0x800  }
0x90: {  	s23 =	spop (v2sf);
	[sflag:s13] =	ssyncset.done $0x0  }
0x91: {  	s20 =	sand.u32 $0xFFFFF80, s22;
	s17 =	spop (v2sf);
	[sflag:s13] =	ssyncadd.s32 $0xFFFFF800  }
0x92: {  	s22 =	simm.s32 $0x5400;
	s1 =	sadd.s32 s30, s20;
	s2 =	spop (v2sf);
	v12 =	vld.idx.msk [tilespmem:v12+s29+$0x0], $0xffff  }
0x93: {  	v13 =	vld.idx.msk [tilespmem:v13+s22+$0x0], $0xffff;
	[tilespmem:s29], [sflag:$0x3] =	stream.strided.gather [hbm4b:s1+s6], $0x800, s31, s6, $0x38  }
0x94: {  	s13 =	spop (v2sf);
	(v2sf) =	vpush @!p0 v19, $0x1  }
0x95: {  	s25 =	sand.u32 $0xFFFFF80, s15;
	s19 =	spop (v2sf);
	(v2sf) =	vpush @!p0 v18, $0x1  }
0x96: {  	s3 =	sadd.s32 s8, s25;
	[smem:$0x7F5] =	sst s2;
	s1 =	spop (v2sf);
	(v2sf) =	vpush @!p0 v19, $0x2  }
0x97: {  	[tilespmem:s22], [sflag:$0x3] =	stream.strided.gather [hbm4b:s3+s6], $0x800, s31, s6, $0x38;
	(v2sf) =	vpush @!p0 v18, $0x2;
	[tilespmem:$0x8600] =	vst v63  }
0x98: {  	_ =	swait.ge [sflag:s24], $0x800  }
0x99: {  	s0 =	sand.u32 $0x7F, s0;
	s8 =	simm.s32 $0x4;
	s14 =	spop (v2sf)  }
0x9a: {  	s4 =	sand.u32 $0x7F, s4;
	v14 =	vor.u32 s0, v0;
	[sflag:s8] =	ssyncset.done $0x0;
	s15 =	spop (v2sf)  }
0x9b: {  	v15 =	vor.u32 s4, v0;
	(v2sf) =	vpush @!p0 v19, $0x3;
	[sflag:s8] =	ssyncadd.s32 $0xFFFFF800;
	s20 =	spop (v2sf)  }
0x9c: {  	_ =	swait.ge [sflag:s8], $0x800  }
0x9d: {  	[sflag:s8] =	ssyncset.done $0x0  }
0x9e: {  	s10 =	sand.u32 $0xFFFFF80, s10;
	s22 =	simm.s32 $0x1C00;
	[sflag:s8] =	ssyncadd.s32 $0xFFFFF800  }
0x9f: {  	s0 =	sadd.s32 s30, s10;
	s29 =	simm.s32 $0x5C00;
	v14 =	vld.idx.msk [tilespmem:v14+s22+$0x0], $0xffff  }
0xa0: {  	v15 =	vld.idx.msk [tilespmem:v15+s29+$0x0], $0xffff;
	[tilespmem:s22], [sflag:$0x4] =	stream.strided.gather [hbm4b:s0+s6], $0x800, s31, s6, $0x38  }
0xa1: {  	s24 =	sand.u32 $0xFFFFF80, s18;
	s0 =	rddreg [dreg:$0x3]  }
0xa2: {  	s18 =	spop (v2sf);
	s4 =	sadd.s32 s0, s24  }
0xa3: {  	[tilespmem:s29], [sflag:$0x4] =	stream.strided.gather [hbm4b:s4+s6], $0x800, s31, s6, $0x38;
	[tilespmem:$0x8600] =	vst v63  }
0xa4: {  	(v2sf) =	vpush @!p0 v18, $0x3;
	s4 =	spop (v2sf)  }
0xa5: {  	(v2sf) =	vpush @!p0 v19, $0x4;
	s10 =	spop (v2sf)  }
0xa6: {  	(v2sf) =	vpush @!p0 v18, $0x4;
	s22 =	spop @!p0 (v2sf)  }
0xa7: {  	(v2sf) =	vpush @!p0 v19, $0x5;
	s24 =	spop @!p0 (v2sf)  }
0xa8: {  	s5 =	sand.u32 $0x7F, s5;
	_ =	swait.ge [sflag:s12], $0x800  }
0xa9: {  	v16 =	vor.u32 s5, v0;
	s3 =	sand.u32 $0x7F, s11;
	(v2sf) =	vpush @!p0 v18, $0x5;
	[sflag:s12] =	ssyncset.done $0x0  }
0xaa: {  	v17 =	vor.u32 s3, v0;
	s29 =	spop @!p0 (v2sf);
	[sflag:s12] =	ssyncadd.s32 $0xFFFFF800;
	(v2sf) =	vpush @!p0 v19, $0x6  }
0xab: {  	_ =	swait.ge [sflag:s12], $0x800  }
0xac: {  	[sflag:s12] =	ssyncset.done $0x0  }
0xad: {  	s11 =	sand.u32 $0xFFFFF80, s9;
	[sflag:s12] =	ssyncadd.s32 $0xFFFFF800  }
0xae: {  	s5 =	sadd.s32 s30, s11;
	s12 =	simm.s32 $0x6400;
	v16 =	vld.idx.msk [tilespmem:v16+s28+$0x0], $0xffff  }
0xaf: {  	v17 =	vld.idx.msk [tilespmem:v17+s12+$0x0], $0xffff;
	[tilespmem:s28], [sflag:$0x5] =	stream.strided.gather [hbm4b:s5+s6], $0x800, s31, s6, $0x38  }
0xb0: {  	s28 =	sand.u32 $0xFFFFF80, s7;
	s3 =	rddreg [dreg:$0x3]  }
0xb1: {  	s5 =	sadd.s32 s3, s28  }
0xb2: {  	[tilespmem:s12], [sflag:$0x5] =	stream.strided.gather [hbm4b:s5+s6], $0x800, s31, s6, $0x38;
	[tilespmem:$0x8600] =	vst v63  }
0xb3: {  	(v2sf) =	vpush @!p0 v18, $0x6;
	s5 =	spop @!p0 (v2sf)  }
0xb4: {  	(v2sf) =	vpush @!p0 v19, $0x7;
	s28 =	spop @!p0 (v2sf)  }
0xb5: {  	(v2sf) =	vpush @!p0 v18, $0x7;
	s12 =	spop @!p0 (v2sf)  }
0xb6: {  	s23 =	sand.u32 $0x7F, s23;
	_ =	swait.ge [sflag:s26], $0x800  }
0xb7: {  	s17 =	sand.u32 $0x7F, s17;
	s9 =	simm.s32 $0x6;
	s0 =	spop @!p0 (v2sf)  }
0xb8: {  	v18 =	vor.u32 s23, v0;
	[sflag:s26] =	ssyncset.done $0x0;
	[smem:$0x7F3] =	sst s0;
	s0 =	spop @!p0 (v2sf)  }
0xb9: {  	v19 =	vor.u32 s17, v0;
	[sflag:s9] =	ssyncadd.s32 $0xFFFFF800;
	[smem:$0x7F4] =	sst s0  }
0xba: {  	_ =	swait.ge [sflag:s9], $0x800  }
0xbb: {  	[sflag:s9] =	ssyncset.done $0x0  }
0xbc: {  	s26 =	simm.s32 $0x2C00;
	s0 =	sand.u32 $0xFFFFF80, s2;
	[sflag:s9] =	ssyncadd.s32 $0xFFFFF800  }
0xbd: {  	s2 =	simm.s32 $0x6C00;
	s17 =	sadd.s32 s30, s0;
	v18 =	vld.idx.msk [tilespmem:v18+s26+$0x0], $0xffff  }
0xbe: {  	v19 =	vld.idx.msk [tilespmem:v19+s2+$0x0], $0xffff;
	[tilespmem:s26], [sflag:$0x6] =	stream.strided.gather [hbm4b:s17+s6], $0x800, s31, s6, $0x38  }
0xbf: {  	s9 =	sand.u32 $0xFFFFF80, s13;
	s23 =	rddreg [dreg:$0x3]  }
0xc0: {  	s17 =	sadd.s32 s23, s9;
	s23 =	spop @!p0 (v2sf)  }
0xc1: {  	[tilespmem:s2], [sflag:$0x6] =	stream.strided.gather [hbm4b:s17+s6], $0x800, s31, s6, $0x38;
	[tilespmem:$0x8600] =	vst v63  }
0xc2: {  	s0 =	spop @!p0 (v2sf)  }
0xc3: {  	[smem:$0x7F6] =	sst s0;
	s0 =	spop @!p0 (v2sf)  }
0xc4: {  	[smem:$0x7F7] =	sst s0;
	s0 =	spop @!p0 (v2sf)  }
0xc5: {  	s3 =	simm.s32 $0x7;
	[smem:$0x7F8] =	sst s0  }
0xc6: {  	s26 =	smov.u32 s13;
	s13 =	sand.u32 $0x7F, s19;
	_ =	swait.ge [sflag:s3], $0x800  }
0xc7: {  	v20 =	vor.u32 s13, v0;
	s13 =	spop @!p0 (v2sf)  }
0xc8: {  	s1 =	sand.u32 $0x7F, s1;
	[sflag:s3] =	ssyncset.done $0x0;
	s0 =	spop @!p0 (v2sf)  }
0xc9: {  	v21 =	vor.u32 s1, v0;
	[sflag:s3] =	ssyncadd.s32 $0xFFFFF800;
	[smem:$0x7F9] =	sst s0  }
0xca: {  	_ =	swait.ge [sflag:s3], $0x800  }
0xcb: {  	[sflag:s3] =	ssyncset.done $0x0  }
0xcc: {  	s19 =	sand.u32 $0xFFFFF80, s14;
	s17 =	simm.s32 $0x3400;
	[sflag:s3] =	ssyncadd.s32 $0xFFFFF800  }
0xcd: {  	s1 =	sadd.s32 s30, s19;
	s0 =	simm.s32 $0x7400;
	v22 =	vld.idx.msk [tilespmem:v20+s17+$0x0], $0xffff  }
0xce: {  	v23 =	vld.idx.msk [tilespmem:v21+s0+$0x0], $0xffff;
	[tilespmem:s17], [sflag:$0x7] =	stream.strided.gather [hbm4b:s1+s6], $0x800, s31, s6, $0x38  }
0xcf: {  	s9 =	sand.u32 $0xFFFFF80, s15;
	s19 =	rddreg [dreg:$0x3]  }
0xd0: {  	s1 =	sadd.s32 s19, s9;
	s9 =	simm.s32 $0x8  }
0xd1: {  	[tilespmem:s0], [sflag:$0x7] =	stream.strided.gather [hbm4b:s1+s6], $0x800, s31, s6, $0x38;
	[tilespmem:$0x8600] =	vst v63  }
0xd2: {  	s0 =	sand.u32 $0x7F, s20;
	_ =	swait.ge [sflag:s9], $0x800  }
0xd3: {  	s2 =	sand.u32 $0x7F, s18;
	v20 =	vor.u32 s0, v0;
	[sflag:s9] =	ssyncset.done $0x0  }
0xd4: {  	v60 =	vor.u32 s2, v0;
	[sflag:s9] =	ssyncadd.s32 $0xFFFFF800  }
0xd5: {  	_ =	swait.ge [sflag:s9], $0x800  }
0xd6: {  	s18 =	sand.u32 $0xFFFFF80, s4;
	[sflag:s9] =	ssyncset.done $0x0  }
0xd7: {  	s17 =	smov.u32 s15;
	s15 =	simm.s32 $0x3C00;
	[sflag:s9] =	ssyncadd.s32 $0xFFFFF800  }
0xd8: {  	s2 =	simm.s32 $0x7C00;
	s20 =	smov.u32 s4;
	s0 =	sadd.s32 s30, s18;
	v26 =	vld.idx.msk [tilespmem:v20+s15+$0x0], $0xffff  }
0xd9: {  	v27 =	vld.idx.msk [tilespmem:v60+s2+$0x0], $0xffff;
	[tilespmem:s15], [sflag:$0x8] =	stream.strided.gather [hbm4b:s0+s6], $0x800, s31, s6, $0x38  }
0xda: {  	s4 =	sand.u32 $0xFFFFF80, s10;
	s18 =	smov.u32 s10;
	s10 =	rddreg [dreg:$0x3]  }
0xdb: {  	s25 =	simm.s32 $0x1;
	s0 =	sadd.s32 s10, s4  }
0xdc: {  	[tilespmem:s2], [sflag:$0x8] =	stream.strided.gather [hbm4b:s0+s6], $0x800, s31, s6, $0x38;
	[tilespmem:$0x8600] =	vst v63  }
0xdd: {  	_ =	swait.ge [sflag:s25], $0x800  }
0xde: {  	s1 =	sld [smem:$0x7E9]  }
0xdf: {  	[sflag:s25] =	ssyncset.done $0x0  }
0xe0: {  	s21 =	sand.u32 $0x7F, s21;
	[sflag:s25] =	ssyncadd.s32 $0xFFFFF800  }
0xe1: {  	v20 =	vor.u32 s21, v0;
	_ =	swait.ge [sflag:s25], $0x800;
	s0 =	sand.u32 $0x7F, s1  }
0xe2: {  	v61 =	vor.u32 s0, v0;
	s0 =	sld [smem:$0x7EA];
	_ =	sdelay $0x1  }
0xe3: {  	[sflag:s25] =	ssyncset.done $0x0  }
0xe4: {  	s10 =	simm.s32 @!p0 $0x400;
	[sflag:s25] =	ssyncadd.s32 $0xFFFFF800;
	s0 =	sand.u32 @!p0 $0xFFFFF80, s0  }
0xe5: {  	s2 =	simm.s32 $0x4400;
	v20 =	vld.idx.msk [tilespmem:v20+s6+$0x0], $0xffff;
	s1 =	sadd.s32 @!p0 s30, s0;
	s0 =	simm.s32 @!p0 $0x7A1400  }
0xe6: {  	v21 =	vld.idx.msk [tilespmem:v61+s2+$0x0], $0xffff;
	[tilespmem:s10], [sflag:$0x1] =	stream.strided.gather @!p0 [hbm4b:s1+s10], $0x800, s0, s10, $0x38  }
0xe7: {  	s1 =	sld [smem:$0x7EB];
	_ =	sdelay $0x2  }
0xe8: {  	s2 =	rddreg [dreg:$0x3];
	s1 =	sand.u32 @!p0 $0xFFFFF80, s1  }
0xe9: {  	s16 =	simm.s32 $0x2;
	s1 =	sadd.s32 @!p0 s2, s1;
	s2 =	simm.s32 @!p0 $0x4400  }
0xea: {  	[tilespmem:s2], [sflag:$0x1] =	stream.strided.gather @!p0 [hbm4b:s1+s10], $0x800, s0, s10, $0x38;
	[tilespmem:$0x8600] =	vst v63  }
0xeb: {  	s4 =	sld [smem:$0x7EC];
	_ =	swait.ge [sflag:s16], $0x800  }
0xec: {  	s6 =	sld [smem:$0x7ED];
	_ =	sdelay $0x1  }
0xed: {  	s1 =	sand.u32 $0x7F, s4  }
0xee: {  	v24 =	vor.u32 s1, v0;
	[sflag:s16] =	ssyncset.done $0x0;
	s1 =	sand.u32 $0x7F, s6  }
0xef: {  	[sflag:s16] =	ssyncadd.s32 $0xFFFFF800;
	v25 =	vor.u32 s1, v0  }
0xf0: {  	_ =	swait.ge [sflag:s16], $0x800  }
0xf1: {  	[sflag:s16] =	ssyncset.done $0x0  }
0xf2: {  	[sflag:s16] =	ssyncadd.s32 $0xFFFFF800;
	s1 =	sand.u32 @!p0 $0xFFFFF80, s22;
	s22 =	simm.s32 $0xC00  }
0xf3: {  	s25 =	simm.s32 $0x4C00;
	s2 =	simm.s32 @!p0 $0xC00;
	v24 =	vld.idx.msk [tilespmem:v24+s22+$0x0], $0xffff;
	s1 =	sadd.s32 @!p0 s30, s1  }
0xf4: {  	v25 =	vld.idx.msk [tilespmem:v25+s25+$0x0], $0xffff;
	[tilespmem:s2], [sflag:$0x2] =	stream.strided.gather @!p0 [hbm4b:s1+s10], $0x800, s0, s10, $0x38  }
0xf5: {  	s1 =	sand.u32 @!p0 $0xFFFFF80, s24;
	s2 =	rddreg [dreg:$0x3]  }
0xf6: {  	s21 =	simm.s32 $0x3;
	s1 =	sadd.s32 @!p0 s2, s1;
	s2 =	simm.s32 @!p0 $0x4C00  }
0xf7: {  	[tilespmem:s2], [sflag:$0x2] =	stream.strided.gather @!p0 [hbm4b:s1+s10], $0x800, s0, s10, $0x38;
	[tilespmem:$0x8600] =	vst v63  }
0xf8: {  	s4 =	sld [smem:$0x7EE];
	_ =	swait.ge [sflag:s21], $0x800  }
0xf9: {  	s6 =	sld [smem:$0x7EF];
	_ =	sdelay $0x1  }
0xfa: {  	s1 =	sand.u32 $0x7F, s4  }
0xfb: {  	v28 =	vor.u32 s1, v0;
	[sflag:s21] =	ssyncset.done $0x0;
	s1 =	sand.u32 $0x7F, s6  }
0xfc: {  	[sflag:s21] =	ssyncadd.s32 $0xFFFFF800;
	v29 =	vor.u32 s1, v0  }
0xfd: {  	_ =	swait.ge [sflag:s21], $0x800  }
0xfe: {  	[sflag:s21] =	ssyncset.done $0x0  }
0xff: {  	s16 =	simm.s32 $0x1400;
	[sflag:s21] =	ssyncadd.s32 $0xFFFFF800;
	s1 =	sand.u32 @!p0 $0xFFFFF80, s29  }
0x100: {  	s22 =	simm.s32 $0x5400;
	s2 =	simm.s32 @!p0 $0x1400;
	v28 =	vld.idx.msk [tilespmem:v28+s16+$0x0], $0xffff;
	s1 =	sadd.s32 @!p0 s30, s1  }
0x101: {  	v29 =	vld.idx.msk [tilespmem:v29+s22+$0x0], $0xffff;
	[tilespmem:s2], [sflag:$0x3] =	stream.strided.gather @!p0 [hbm4b:s1+s10], $0x800, s0, s10, $0x38  }
0x102: {  	s1 =	sand.u32 @!p0 $0xFFFFF80, s5;
	s2 =	rddreg [dreg:$0x3]  }
0x103: {  	s1 =	sadd.s32 @!p0 s2, s1;
	s2 =	simm.s32 @!p0 $0x5400  }
0x104: {  	[tilespmem:s2], [sflag:$0x3] =	stream.strided.gather @!p0 [hbm4b:s1+s10], $0x800, s0, s10, $0x38;
	[tilespmem:$0x8600] =	vst v63  }
0x105: {  	s24 =	sld [smem:$0x7F0];
	_ =	swait.ge [sflag:s8], $0x800  }
0x106: {  	s25 =	sld [smem:$0x7F1];
	_ =	sdelay $0x1  }
0x107: {  	s1 =	sand.u32 $0x7F, s24  }
0x108: {  	v30 =	vor.u32 s1, v0;
	[sflag:s8] =	ssyncset.done $0x0;
	s1 =	sand.u32 $0x7F, s25  }
0x109: {  	[sflag:s8] =	ssyncadd.s32 $0xFFFFF800;
	v31 =	vor.u32 s1, v0  }
0x10a: {  	_ =	swait.ge [sflag:s8], $0x800  }
0x10b: {  	[sflag:s8] =	ssyncset.done $0x0  }
0x10c: {  	s29 =	simm.s32 $0x1C00;
	[sflag:s8] =	ssyncadd.s32 $0xFFFFF800;
	s1 =	sand.u32 @!p0 $0xFFFFF80, s28  }
0x10d: {  	s4 =	simm.s32 $0x5C00;
	s2 =	simm.s32 @!p0 $0x1C00;
	v30 =	vld.idx.msk [tilespmem:v30+s29+$0x0], $0xffff;
	s1 =	sadd.s32 @!p0 s30, s1  }
0x10e: {  	v31 =	vld.idx.msk [tilespmem:v31+s4+$0x0], $0xffff;
	[tilespmem:s2], [sflag:$0x4] =	stream.strided.gather @!p0 [hbm4b:s1+s10], $0x800, s0, s10, $0x38  }
0x10f: {  	s11 =	simm.s32 $0x5;
	s1 =	sand.u32 @!p0 $0xFFFFF80, s12;
	s2 =	rddreg [dreg:$0x3]  }
0x110: {  	s6 =	sld [smem:$0x7F2];
	s1 =	sadd.s32 @!p0 s2, s1;
	s2 =	simm.s32 @!p0 $0x5C00  }
0x111: {  	[tilespmem:s2], [sflag:$0x4] =	stream.strided.gather @!p0 [hbm4b:s1+s10], $0x800, s0, s10, $0x38;
	[tilespmem:$0x8600] =	vst v63  }
0x112: {  	_ =	swait.ge [sflag:s11], $0x800  }
0x113: {  	[sflag:s11] =	ssyncset.done $0x0  }
0x114: {  	s1 =	sand.u32 $0x7F, s6;
	[sflag:s11] =	ssyncadd.s32 $0xFFFFF800  }
0x115: {  	s7 =	sand.u32 $0x7F, s7;
	v32 =	vor.u32 s1, v0;
	_ =	swait.ge [sflag:s11], $0x800  }
0x116: {  	v33 =	vor.u32 s7, v0;
	s1 =	sld [smem:$0x7F3];
	_ =	sdelay $0x1  }
0x117: {  	[sflag:s11] =	ssyncset.done $0x0  }
0x118: {  	s28 =	simm.s32 $0x2400;
	[sflag:s11] =	ssyncadd.s32 $0xFFFFF800;
	s1 =	sand.u32 @!p0 $0xFFFFF80, s1  }
0x119: {  	s2 =	simm.s32 @!p0 $0x2400;
	s11 =	simm.s32 $0x6400;
	v32 =	vld.idx.msk [tilespmem:v32+s28+$0x0], $0xffff;
	s1 =	sadd.s32 @!p0 s30, s1  }
0x11a: {  	v33 =	vld.idx.msk [tilespmem:v33+s11+$0x0], $0xffff;
	[tilespmem:s2], [sflag:$0x5] =	stream.strided.gather @!p0 [hbm4b:s1+s10], $0x800, s0, s10, $0x38  }
0x11b: {  	s1 =	sld [smem:$0x7F4];
	_ =	sdelay $0x1  }
0x11c: {  	s12 =	sld [smem:$0x7F5]  }
0x11d: {  	s2 =	rddreg [dreg:$0x3];
	s1 =	sand.u32 @!p0 $0xFFFFF80, s1  }
0x11e: {  	s8 =	simm.s32 $0x6;
	s1 =	sadd.s32 @!p0 s2, s1;
	s2 =	simm.s32 @!p0 $0x6400  }
0x11f: {  	[tilespmem:s2], [sflag:$0x5] =	stream.strided.gather @!p0 [hbm4b:s1+s10], $0x800, s0, s10, $0x38;
	[tilespmem:$0x8600] =	vst v63  }
0x120: {  	s1 =	sand.u32 $0x7F, s12;
	_ =	swait.ge [sflag:s8], $0x800  }
0x121: {  	s16 =	sand.u32 $0x7F, s26;
	v34 =	vor.u32 s1, v0;
	[sflag:s8] =	ssyncset.done $0x0  }
0x122: {  	v35 =	vor.u32 s16, v0;
	[sflag:s8] =	ssyncadd.s32 $0xFFFFF800  }
0x123: {  	_ =	swait.ge [sflag:s8], $0x800  }
0x124: {  	[sflag:s8] =	ssyncset.done $0x0  }
0x125: {  	s22 =	simm.s32 $0x2C00;
	s1 =	sand.u32 @!p0 $0xFFFFF80, s23;
	[sflag:s8] =	ssyncadd.s32 $0xFFFFF800  }
0x126: {  	s2 =	simm.s32 @!p0 $0x2C00;
	s23 =	simm.s32 $0x6C00;
	s1 =	sadd.s32 @!p0 s30, s1;
	v34 =	vld.idx.msk [tilespmem:v34+s22+$0x0], $0xffff  }
0x127: {  	v35 =	vld.idx.msk [tilespmem:v35+s23+$0x0], $0xffff;
	[tilespmem:s2], [sflag:$0x6] =	stream.strided.gather @!p0 [hbm4b:s1+s10], $0x800, s0, s10, $0x38  }
0x128: {  	s1 =	sld [smem:$0x7F6];
	_ =	sdelay $0x2  }
0x129: {  	s2 =	rddreg [dreg:$0x3];
	s1 =	sand.u32 @!p0 $0xFFFFF80, s1  }
0x12a: {  	s1 =	sadd.s32 @!p0 s2, s1;
	s2 =	simm.s32 @!p0 $0x6C00  }
0x12b: {  	[tilespmem:s2], [sflag:$0x6] =	stream.strided.gather @!p0 [hbm4b:s1+s10], $0x800, s0, s10, $0x38;
	[tilespmem:$0x8600] =	vst v63  }
0x12c: {  	s8 =	rddreg [dreg:$0x3];
	_ =	swait.ge [sflag:s3], $0x800  }
0x12d: {  	[sflag:s3] =	ssyncset.done $0x0  }
0x12e: {  	s24 =	sand.u32 $0x7F, s14;
	[sflag:s3] =	ssyncadd.s32 $0xFFFFF800  }
0x12f: {  	v36 =	vor.u32 s24, v0;
	s25 =	sand.u32 $0x7F, s17;
	_ =	swait.ge [sflag:s3], $0x800  }
0x130: {  	v8 =	vmul.f32 v9, v8;
	v9 =	vmul.f32 v11, v10;
	v10 =	vor.u32 s25, v0;
	s1 =	sld [smem:$0x7F7];
	_ =	sdelay $0x1  }
0x131: {  	v11 =	vperm.xlane v8, v2;
	[sflag:s3] =	ssyncset.done $0x0  }
0x132: {  	v14 =	vmul.f32 v15, v14;
	v15 =	vperm.xlane v9, v1;
	s26 =	simm.s32 $0x3400;
	[sflag:s3] =	ssyncadd.s32 $0xFFFFF800;
	s1 =	sand.u32 @!p0 $0xFFFFF80, s1  }
0x133: {  	v9 =	vsel vm0, v11, v9;
	v11 =	vmul.f32 v13, v12;
	s19 =	simm.s32 $0x7400;
	s2 =	simm.s32 @!p0 $0x3400;
	v62 =	vld.idx.msk [tilespmem:v36+s26+$0x0], $0xffff;
	s1 =	sadd.s32 @!p0 s30, s1  }
0x134: {  	v8 =	vsel vm0, v8, v15;
	v63 =	vld.idx.msk [tilespmem:v10+s19+$0x0], $0xffff;
	[tilespmem:s2], [sflag:$0x7] =	stream.strided.gather @!p0 [hbm4b:s1+s10], $0x800, s0, s10, $0x38  }
0x135: {  	v13 =	vperm.xlane v14, v1;
	v8 =	vadd.f32 v9, v8;
	v9 =	vperm.xlane v11, v2;
	s2 =	sld [smem:$0x7F8]  }
0x136: {  	v12 =	vmul.f32 v23, v22;
	v15 =	vmul.f32 v27, v26  }
0x137: {  	v10 =	vsel vm0, v11, v13;
	v11 =	vmul.f32 v17, v16;
	v13 =	vmul.f32 v19, v18  }
0x138: {  	v9 =	vsel vm0, v9, v14;
	v14 =	vperm.xlane v15, v1;
	s28 =	sand.u32 $0x7F, s20;
	v16 =	vperm.xlane v12, v2;
	s2 =	sand.u32 @!p0 $0xFFFFF80, s2  }
0x139: {  	v19 =	vor.u32 s28, v0;
	v17 =	vperm.xlane v11, v2;
	v18 =	vperm.xlane v13, v1;
	s1 =	simm.s32 @!p0 $0x7400;
	s2 =	sadd.s32 @!p0 s8, s2  }
0x13a: {  	v9 =	vadd.f32 v9, v10;
	v10 =	vsel vm0, v12, v14;
	v12 =	vsel vm0, v16, v15;
	[tilespmem:s1], [sflag:$0x7] =	stream.strided.gather @!p0 [hbm4b:s2+s10], $0x800, s0, s10, $0x38;
	[tilespmem:$0x8600] =	vst v63  }
0x13b: {  	v10 =	vadd.f32 v12, v10;
	v13 =	vsel vm0, v17, v13;
	v11 =	vsel vm0, v11, v18;
	_ =	swait.ge [sflag:s9], $0x800  }
0x13c: {  	s29 =	sand.u32 $0x7F, s18;
	v15 =	vmul.f32 v31, v30;
	v12 =	vperm.xlane v8, v4;
	v11 =	vadd.f32 v13, v11;
	[sflag:s9] =	ssyncset.done $0x0  }
0x13d: {  	v16 =	vor.u32 s29, v0;
	v14 =	vperm.xlane v9, v3;
	v13 =	vperm.xlane v10, v3;
	[sflag:s9] =	ssyncadd.s32 $0xFFFFF800  }
0x13e: {  	v9 =	vsel vm1, v12, v9;
	v12 =	vmul.f32 v29, v28;
	v17 =	vperm.xlane v11, v4;
	_ =	swait.ge [sflag:s9], $0x800  }
0x13f: {  	v18 =	vperm.xlane v15, v1;
	v14 =	vsel vm1, v8, v14;
	v11 =	vsel vm1, v11, v13;
	[sflag:s9] =	ssyncset.done $0x0  }
0x140: {  	s15 =	simm.s32 $0x3C00;
	v13 =	vmul.f32 v21, v20;
	v20 =	vperm.xlane v12, v2;
	s1 =	sand.u32 @!p0 $0xFFFFF80, s13;
	v10 =	vsel vm1, v17, v10;
	[sflag:s9] =	ssyncadd.s32 $0xFFFFF800  }
0x141: {  	s31 =	simm.s32 $0x7C00;
	s2 =	simm.s32 @!p0 $0x3C00;
	v17 =	vmul.f32 v25, v24;
	s1 =	sadd.s32 @!p0 s30, s1;
	v8 =	vadd.f32 v10, v11;
	v10 =	vsel vm0, v12, v18;
	v18 =	vld.idx.msk [tilespmem:v19+s15+$0x0], $0xffff  }
0x142: {  	v19 =	vld.idx.msk [tilespmem:v16+s31+$0x0], $0xffff;
	[tilespmem:s2], [sflag:$0x8] =	stream.strided.gather @!p0 [hbm4b:s1+s10], $0x800, s0, s10, $0x38  }
0x143: {  	v12 =	vperm.xlane v13, v2;
	v11 =	vsel vm0, v20, v15;
	v15 =	vperm.xlane v17, v1;
	s1 =	sld [smem:$0x7F9]  }
0x144: {  	v9 =	vadd.f32 v9, v14;
	v11 =	vadd.f32 v11, v10  }
0x145: {  	v12 =	vsel vm0, v12, v17;
	v10 =	vsel vm0, v13, v15;
	v15 =	vmul.f32 v35, v34  }
0x146: {  	s5 =	simm.s32 $0x0;
	v13 =	vadd.f32 v12, v10;
	v12 =	vperm.xlane v11, v3;
	v16 =	vperm.xlane v8, v5;
	s1 =	sand.u32 @!p0 $0xFFFFF80, s1  }
0x147: {  	s4 =	simm.s32 $0x8410;
	v14 =	vmul.f32 v33, v32;
	s2 =	simm.s32 @!p0 $0x7C00;
	v17 =	vperm.xlane v15, v1;
	s1 =	sadd.s32 @!p0 s8, s1  }
0x148: {  	v12 =	vsel vm1, v13, v12;
	v10 =	vsel vm2, v9, v16;
	[tilespmem:s2], [sflag:$0x8] =	stream.strided.gather @!p0 [hbm4b:s1+s10], $0x800, s0, s10, $0x38;
	[tilespmem:$0x8600] =	vst v63  }
0x149: {  	s3 =	simm.s32 $0x8400;
	v16 =	vsel vm0, v14, v17;
	v17 =	vmul.f32 v63, v62;
	s10 =	simm.s32 $0xC00;
	s1 =	simm.s32 $0x10;
	v18 =	vmul.f32 v19, v18  }
.LBB2_2:
0x14a: {  	v14 =	vperm.xlane v14, v2  }
0x14b: {  	v20 =	vperm.xlane v17, v2;
	v19 =	vperm.xlane v18, v1;
	_ =	sdelay $0x1  }
0x14c: {  	v14 =	vsel vm0, v14, v15;
	v15 =	vsel vm0, v17, v19;
	v17 =	vsel vm0, v20, v18  }
0x14d: {  	v14 =	vadd.f32 v14, v16;
	v15 =	vadd.f32 v17, v15  }
0x14e: {  	v13 =	vperm.xlane v13, v4  }
0x14f: {  	v17 =	vperm.xlane v14, v4;
	v16 =	vperm.xlane v15, v3;
	_ =	sdelay $0x1  }
0x150: {  	v11 =	vsel vm1, v13, v11;
	v13 =	vsel vm1, v14, v16;
	v14 =	vsel vm1, v17, v15  }
0x151: {  	v11 =	vadd.f32 v11, v12;
	v12 =	vadd.f32 v14, v13  }
0x152: {  	v9 =	vperm.xlane v9, v6  }
0x153: {  	v14 =	vperm.xlane v11, v6;
	v13 =	vperm.xlane v12, v5;
	_ =	sdelay $0x1  }
0x154: {  	v8 =	vsel vm2, v9, v8;
	v9 =	vsel vm2, v11, v13;
	v11 =	vsel vm2, v14, v12  }
0x155: {  	v8 =	vadd.f32 v8, v10;
	v9 =	vadd.f32 v11, v9;
	_ =	sdelay $0x1  }
0x156: {  	v11 =	vperm.xlane v8, v7;
	v10 =	vperm.xlane v9, v7;
	_ =	sdelay $0x1  }
0x157: {  	v9 =	vsel vm3, v11, v9;
	v8 =	vsel vm3, v8, v10  }
0x158: {  	v8 =	vadd.f32 v9, v8  }
0x159: {  	[dreg:$0x7] =	wrdreg s4;
	s0 =	smov.u32 s1  }
0x15a: {  	s5 =	sadd.s32 $0x10, s5;
	s2 =	rddreg [dreg:$0x5];
	s13 =	smin.u32 s0, $0x1E0;
	[tilespmem:s3+$0x0] =	vst v8  }
0x15b: {  	s12 =	sadd.s32 $0x10, s1;
	[dreg:$0x8] =	wrdreg s5;
	v9 =	vld [tilespmem:s13+$0x10]  }
0x15c: {  	s14 =	smov.u32 s4;
	[dreg:$0x6] =	wrdreg s12  }
0x15d: {  	s2 =	sadd.s32 $0x10, s2;
	[dreg:$0x9] =	wrdreg s14;
	v8 =	vld [tilespmem:s13+$0x210]  }
0x15e: {  	s14 =	simm.s32 $0x1;
	[dreg:$0x5] =	wrdreg s2;
	v11 =	vld [tilespmem:s5+$0x0]  }
0x15f: {  	p1 =	seq.s32 s0, $0x1F0;
	v10 =	vld [tilespmem:s2+$0x0];
	_ =	swait.ge [sflag:s14], $0x800  }
0x160: {  	(v2sf) =	vpush @!p1 v9, $0x0;
	_ =	sdelay $0x1  }
0x161: {  	(v2sf) =	vpush @!p1 v8, $0x0  }
0x162: {  	(v2sf) =	vpush v11, $0x0  }
0x163: {  	(v2sf) =	vpush v10, $0x0  }
0x164: {  	(v2sf) =	vpush v10, $0x8;
	_ =	sdelay $0x1  }
0x165: {  	(v2sf) =	vpush v10, $0x9;
	_ =	sdelay $0x1  }
0x166: {  	(v2sf) =	vpush v11, $0x8  }
0x167: {  	(v2sf) =	vpush v10, $0x1  }
0x168: {  	(v2sf) =	vpush v11, $0x1  }
0x169: {  	(v2sf) =	vpush v11, $0x9;
	_ =	sdelay $0x2  }
0x16a: {  	(v2sf) =	vpush v11, $0x2;
	s0 =	spop @!p1 (v2sf)  }
0x16b: {  	s0 =	sand.u32 @!p1 $0xFFFFF80, s0  }
0x16c: {  	(v2sf) =	vpush v10, $0x2;
	[dreg:$0xb] =	wrdreg s0;
	s0 =	spop @!p1 (v2sf)  }
0x16d: {  	s23 =	simm.s32 $0x400;
	(v2sf) =	vpush v11, $0xA;
	s15 =	spop (v2sf)  }
0x16e: {  	s6 =	simm.s32 $0x4400;
	[sflag:s14] =	ssyncset.done $0x0;
	(v2sf) =	vpush v10, $0xA;
	s16 =	spop (v2sf)  }
0x16f: {  	[sflag:s14] =	ssyncadd.s32 $0xFFFFF800;
	s0 =	sand.u32 @!p1 $0xFFFFF80, s0;
	(v2sf) =	vpush v11, $0x3;
	s17 =	spop (v2sf)  }
0x170: {  	[dreg:$0xa] =	wrdreg s0;
	s0 =	sand.u32 $0x7F, s15;
	(v2sf) =	vpush v10, $0x3;
	s18 =	sand.u32 $0x7F, s17  }
0x171: {  	s1 =	sand.u32 $0x7F, s16;
	v12 =	vor.u32 s0, v0;
	s19 =	spop (v2sf);
	(v2sf) =	vpush v11, $0xB;
	[dreg:$0xe] =	wrdreg s18  }
0x172: {  	s7 =	simm.s32 $0x4400;
	s31 =	simm.s32 $0x7A1400;
	v13 =	vor.u32 s1, v0;
	_ =	swait.ge [sflag:s14], $0x800  }
0x173: {  	s13 =	simm.s32 $0x2;
	s1 =	sand.u32 $0x7F, s19;
	s20 =	spop (v2sf)  }
0x174: {  	[dreg:$0xc] =	wrdreg s1;
	[sflag:s14] =	ssyncset.done $0x0;
	s24 =	spop (v2sf)  }
0x175: {  	(v2sf) =	vpush v10, $0xB;
	s22 =	sand.u32 $0xFFFFF80, s20;
	[sflag:s14] =	ssyncadd.s32 $0xFFFFF800;
	s25 =	spop (v2sf)  }
0x176: {  	s2 =	sand.u32 $0x7F, s20;
	(v2sf) =	vpush v11, $0x4;
	v12 =	vld.idx.msk [tilespmem:v12+s23+$0x0], $0xffff;
	s4 =	sadd.s32 s30, s22;
	s26 =	spop (v2sf)  }
0x177: {  	v13 =	vld.idx.msk [tilespmem:v13+s6+$0x0], $0xffff;
	(v2sf) =	vpush v10, $0x4;
	[tilespmem:s23], [sflag:$0x1] =	stream.strided.gather [hbm4b:s4+s23], $0x800, s31, s23, $0x38  }
0x178: {  	s0 =	sand.u32 $0xFFFFF80, s17;
	[dreg:$0x12] =	wrdreg s2;
	(v2sf) =	vpush v11, $0xC;
	s1 =	sand.u32 $0x7F, s26  }
0x179: {  	s0 =	sadd.s32 s8, s0;
	s15 =	spop (v2sf);
	[dreg:$0xd] =	wrdreg s1;
	(v2sf) =	vpush v10, $0xC  }
0x17a: {  	[tilespmem:s7], [sflag:$0x1] =	stream.strided.gather [hbm4b:s0+s23], $0x800, s31, s23, $0x38;
	(v2sf) =	vpush v11, $0x5;
	[tilespmem:$0x8600] =	vst v63  }
0x17b: {  	_ =	swait.ge [sflag:s13], $0x800  }
0x17c: {  	p0 =	sne.s32 s12, $0x200;
	s3 =	sand.u32 $0xFFFFF80, s19;
	s16 =	spop (v2sf);
	(v2sf) =	vpush v10, $0x5  }
0x17d: {  	s12 =	simm.s32 $0x4C00;
	s3 =	sadd.s32 s8, s3;
	[sflag:s13] =	ssyncset.done $0x0;
	(v2sf) =	vpush v11, $0xD  }
0x17e: {  	s2 =	sand.u32 $0x7F, s25;
	[sflag:s13] =	ssyncadd.s32 $0xFFFFF800;
	s18 =	spop (v2sf);
	(v2sf) =	vpush v10, $0xD  }
0x17f: {  	s17 =	sand.u32 $0x7F, s24;
	s25 =	simm.s32 $0x3;
	v14 =	vor.u32 s2, v0;
	_ =	swait.ge [sflag:s13], $0x800  }
0x180: {  	s29 =	sand.u32 $0xFFFFF80, s26;
	s9 =	sand.u32 $0x7F, s15;
	v12 =	vmul.f32 v13, v12;
	v13 =	vor.u32 s17, v0;
	s7 =	spop (v2sf)  }
0x181: {  	s6 =	sadd.s32 s30, s29;
	s11 =	sand.u32 $0x7F, s16;
	s19 =	spop (v2sf)  }
0x182: {  	s2 =	sand.u32 $0x7F, s18;
	(v2sf) =	vpush v11, $0x6;
	[sflag:s13] =	ssyncset.done $0x0;
	s20 =	spop (v2sf)  }
0x183: {  	[dreg:$0xf] =	wrdreg s2;
	[sflag:s13] =	ssyncadd.s32 $0xFFFFF800;
	(v2sf) =	vpush v10, $0x6;
	s2 =	spop (v2sf)  }
0x184: {  	s5 =	sand.u32 $0xFFFFF80, s18;
	v14 =	vld.idx.msk [tilespmem:v14+s10+$0x0], $0xffff;
	s0 =	sand.u32 $0x7F, s20;
	s20 =	spop (v2sf);
	(v2sf) =	vpush v11, $0xE  }
0x185: {  	v13 =	vld.idx.msk [tilespmem:v13+s12+$0x0], $0xffff;
	[tilespmem:s10], [sflag:$0x2] =	stream.strided.gather [hbm4b:s6+s23], $0x800, s31, s23, $0x38;
	(v2sf) =	vpush v10, $0xE  }
0x186: {  	s5 =	sadd.s32 s30, s5;
	s4 =	sand.u32 $0xFFFFF80, s7;
	s22 =	spop (v2sf);
	(v2sf) =	vpush v11, $0x7  }
0x187: {  	[tilespmem:s12], [sflag:$0x2] =	stream.strided.gather [hbm4b:s3+s23], $0x800, s31, s23, $0x38;
	(v2sf) =	vpush v10, $0x7;
	[tilespmem:$0x8600] =	vst v63  }
0x188: {  	s7 =	sand.u32 $0x7F, s7;
	s1 =	sand.u32 $0x7F, s19;
	_ =	swait.ge [sflag:s21], $0x800  }
0x189: {  	s18 =	sand.u32 $0xFFFFF80, s2;
	s12 =	simm.s32 $0x5400;
	s24 =	spop (v2sf)  }
0x18a: {  	s2 =	sand.u32 $0x7F, s2;
	(v2sf) =	vpush v11, $0xF;
	[sflag:s21] =	ssyncset.done $0x0;
	s21 =	spop (v2sf)  }
0x18b: {  	s19 =	sand.u32 $0xFFFFF80, s20;
	(v2sf) =	vpush v10, $0xF;
	v10 =	vmul.f32 v13, v14;
	[sflag:s25] =	ssyncadd.s32 $0xFFFFF800;
	v13 =	vor.u32 s11, v0;
	s26 =	spop (v2sf)  }
0x18c: {  	s20 =	sand.u32 $0x7F, s20;
	s3 =	sand.u32 $0x7F, s22;
	v11 =	vor.u32 s9, v0;
	_ =	swait.ge [sflag:s25], $0x800  }
0x18d: {  	s17 =	sand.u32 $0x7F, s24;
	s24 =	simm.s32 $0x6;
	s29 =	spop (v2sf)  }
0x18e: {  	s16 =	sand.u32 $0xFFFFF80, s21;
	[sflag:s25] =	ssyncset.done $0x0;
	s10 =	spop (v2sf)  }
0x18f: {  	s22 =	sand.u32 $0x7F, s29;
	[sflag:s25] =	ssyncadd.s32 $0xFFFFF800;
	s25 =	spop (v2sf)  }
0x190: {  	s6 =	sand.u32 $0x7F, s10;
	s10 =	simm.s32 $0x1400;
	v13 =	vld.idx.msk [tilespmem:v13+s12+$0x0], $0xffff;
	s28 =	spop (v2sf)  }
0x191: {  	v11 =	vld.idx.msk [tilespmem:v11+s10+$0x0], $0xffff;
	[tilespmem:s10], [sflag:$0x3] =	stream.strided.gather [hbm4b:s5+s23], $0x800, s31, s23, $0x38  }
0x192: {  	(v2sf) =	vpush @!p1 v9, $0x1;
	s11 =	sand.u32 $0xFFFFF80, s25;
	s10 =	sadd.s32 s8, s4;
	s29 =	spop (v2sf)  }
0x193: {  	(v2sf) =	vpush @!p1 v8, $0x1;
	[smem:$0x7E1] =	sst s11;
	s11 =	simm.s32 $0x5400;
	s12 =	spop (v2sf)  }
0x194: {  	(v2sf) =	vpush @!p1 v9, $0x2;
	[tilespmem:s11], [sflag:$0x3] =	stream.strided.gather [hbm4b:s10+s23], $0x800, s31, s23, $0x38;
	[tilespmem:$0x8600] =	vst v63  }
0x195: {  	s15 =	sand.u32 $0xFFFFF80, s26;
	[dreg:$0x17] =	wrdreg s7;
	s11 =	simm.s32 $0x4;
	(v2sf) =	vpush @!p1 v8, $0x2  }
0x196: {  	s25 =	sand.u32 $0x7F, s25;
	s7 =	sand.u32 $0xFFFFF80, s28;
	_ =	swait.ge [sflag:s11], $0x800  }
0x197: {  	s4 =	sand.u32 $0x7F, s29;
	s10 =	smov.u32 s30;
	s30 =	spop (v2sf)  }
0x198: {  	v15 =	vperm.xlane v12, v2;
	s5 =	sand.u32 $0x7F, s12;
	s18 =	sadd.s32 s10, s18;
	s29 =	sand.u32 $0xFFFFF80, s30  }
0x199: {  	v14 =	vperm.xlane v10, v1;
	[sflag:s11] =	ssyncset.done $0x0;
	[smem:$0x7E2] =	sst s29;
	s29 =	spop (v2sf)  }
0x19a: {  	v10 =	vsel vm0, v15, v10;
	v15 =	vor.u32 s3, v0;
	[sflag:s11] =	ssyncadd.s32 $0xFFFFF800;
	s3 =	sand.u32 $0x7F, s30;
	s8 =	spop (v2sf);
	(v2sf) =	vpush @!p1 v9, $0x3  }
0x19b: {  	v12 =	vsel vm0, v12, v14;
	s30 =	smov.u32 s10;
	_ =	swait.ge [sflag:s11], $0x800;
	[dreg:$0x1c] =	wrdreg s2  }
0x19c: {  	v14 =	vor.u32 s1, v0;
	v11 =	vmul.f32 v13, v11;
	v13 =	vor.u32 s0, v0;
	s1 =	sand.u32 $0xFFFFF80, s29;
	s0 =	sand.u32 $0x7F, s8;
	[dreg:$0x1b] =	wrdreg s20  }
0x19d: {  	s20 =	sand.u32 $0x7F, s21;
	[smem:$0x7E3] =	sst s0;
	s9 =	spop (v2sf)  }
0x19e: {  	[sflag:s11] =	ssyncset.done $0x0;
	s0 =	sand.u32 $0x7F, s9;
	s8 =	spop (v2sf)  }
0x19f: {  	[sflag:s11] =	ssyncadd.s32 $0xFFFFF800;
	[smem:$0x7E4] =	sst s0;
	s12 =	sand.u32 $0xFFFFF80, s8  }
0x1a0: {  	s0 =	simm.s32 $0x1C00;
	[smem:$0x7E5] =	sst s12;
	s12 =	spop (v2sf)  }
0x1a1: {  	s2 =	simm.s32 $0x6400;
	(v2sf) =	vpush @!p1 v8, $0x3;
	[dreg:$0x18] =	wrdreg s20;
	v14 =	vld.idx.msk [tilespmem:v14+s0+$0x0], $0xffff;
	s0 =	sand.u32 $0xFFFFF80, s12  }
0x1a2: {  	s9 =	simm.s32 $0x1C00;
	[smem:$0x7E6] =	sst s0;
	s0 =	simm.s32 $0x5C00  }
0x1a3: {  	s21 =	rddreg [dreg:$0x3];
	s20 =	spop @!p1 (v2sf);
	v13 =	vld.idx.msk [tilespmem:v13+s0+$0x0], $0xffff;
	s0 =	simm.s32 $0x5C00  }
0x1a4: {  	(v2sf) =	vpush @!p1 v9, $0x4;
	[tilespmem:s9], [sflag:$0x4] =	stream.strided.gather [hbm4b:s18+s23], $0x800, s31, s23, $0x38;
	[tilespmem:$0x8600] =	vst v63  }
0x1a5: {  	(v2sf) =	vpush @!p1 v8, $0x4;
	s18 =	sadd.s32 s21, s19;
	s19 =	spop @!p1 (v2sf);
	s9 =	simm.s32 $0x5  }
0x1a6: {  	(v2sf) =	vpush @!p1 v9, $0x5;
	[tilespmem:s0], [sflag:$0x4] =	stream.strided.gather [hbm4b:s18+s23], $0x800, s31, s23, $0x38;
	[tilespmem:$0x8600] =	vst v63  }
0x1a7: {  	s0 =	sand.u32 $0x7F, s28;
	_ =	swait.ge [sflag:s9], $0x800;
	[dreg:$0x16] =	wrdreg s25  }
0x1a8: {  	s21 =	sand.u32 @!p1 $0xFFFFF80, s19;
	[dreg:$0x15] =	wrdreg s0;
	(v2sf) =	vpush @!p1 v8, $0x5;
	[sflag:s9] =	ssyncset.done $0x0  }
0x1a9: {  	[dreg:$0x13] =	wrdreg s3;
	s3 =	spop @!p1 (v2sf);
	[sflag:s9] =	ssyncadd.s32 $0xFFFFF800;
	(v2sf) =	vpush @!p1 v9, $0x6  }
0x1aa: {  	s19 =	sand.u32 $0x7F, s8;
	s28 =	simm.s32 $0x2400;
	v13 =	vmul.f32 v13, v14;
	v14 =	vor.u32 s17, v0;
	_ =	swait.ge [sflag:s9], $0x800  }
0x1ab: {  	s25 =	sand.u32 $0x7F, s12;
	[dreg:$0x11] =	wrdreg s19;
	s17 =	spop @!p1 (v2sf)  }
0x1ac: {  	[sflag:s9] =	ssyncset.done $0x0;
	s18 =	sand.u32 @!p1 $0xFFFFF80, s17;
	s17 =	sand.u32 $0x7F, s29  }
0x1ad: {  	[sflag:s9] =	ssyncadd.s32 $0xFFFFF800;
	s8 =	spop @!p1 (v2sf);
	[dreg:$0x14] =	wrdreg s17  }
0x1ae: {  	s29 =	simm.s32 $0x6400;
	v15 =	vld.idx.msk [tilespmem:v15+s28+$0x0], $0xffff;
	s17 =	sadd.s32 s30, s16;
	s19 =	rddreg [dreg:$0x3]  }
0x1af: {  	v17 =	vperm.xlane v11, v2;
	(v2sf) =	vpush @!p1 v8, $0x6;
	v16 =	vperm.xlane v13, v1;
	v14 =	vld.idx.msk [tilespmem:v14+s29+$0x0], $0xffff;
	[tilespmem:s28], [sflag:$0x5] =	stream.strided.gather [hbm4b:s17+s23], $0x800, s31, s23, $0x38  }
0x1b0: {  	[dreg:$0x10] =	wrdreg s25;
	s16 =	spop @!p1 (v2sf);
	(v2sf) =	vpush @!p1 v9, $0x7;
	s12 =	sadd.s32 s19, s15  }
0x1b1: {  	v13 =	vsel vm0, v17, v13;
	v11 =	vsel vm0, v11, v16;
	(v2sf) =	vpush @!p1 v8, $0x7;
	[tilespmem:s2], [sflag:$0x5] =	stream.strided.gather [hbm4b:s12+s23], $0x800, s31, s23, $0x38;
	[tilespmem:$0x8600] =	vst v63  }
0x1b2: {  	s8 =	sand.u32 @!p1 $0xFFFFF80, s8;
	v11 =	vadd.f32 v13, v11;
	_ =	swait.ge [sflag:s24], $0x800  }
0x1b3: {  	v10 =	vadd.f32 v10, v12;
	s19 =	sadd.s32 @!p1 s30, s8;
	s8 =	spop @!p1 (v2sf);
	[sflag:s24] =	ssyncset.done $0x0  }
0x1b4: {  	v8 =	vperm.xlane v11, v3;
	s8 =	sand.u32 @!p1 $0xFFFFF80, s8;
	s12 =	spop @!p1 (v2sf);
	[sflag:s24] =	ssyncadd.s32 $0xFFFFF800  }
0x1b5: {  	v12 =	vperm.xlane v10, v4;
	s17 =	sadd.s32 @!p1 s30, s8;
	_ =	swait.ge [sflag:s24], $0x800  }
0x1b6: {  	v10 =	vsel vm1, v10, v8;
	v8 =	vor.u32 s22, v0;
	s8 =	sand.u32 @!p1 $0xFFFFF80, s12;
	s12 =	rddreg [dreg:$0x3];
	[sflag:s24] =	ssyncset.done $0x0  }
0x1b7: {  	v9 =	vsel vm1, v12, v11;
	v11 =	vor.u32 s6, v0;
	s22 =	sld [smem:$0x7E1];
	s25 =	sadd.s32 @!p1 s12, s8;
	s8 =	spop @!p1 (v2sf)  }
0x1b8: {  	s29 =	simm.s32 $0x2C00;
	[sflag:s24] =	ssyncadd.s32 $0xFFFFF800;
	s8 =	sand.u32 @!p1 $0xFFFFF80, s8  }
0x1b9: {  	s24 =	simm.s32 $0x6C00;
	s12 =	spop @!p1 (v2sf);
	s0 =	sadd.s32 @!p1 s30, s8  }
0x1ba: {  	s8 =	sand.u32 @!p1 $0xFFFFF80, s12;
	s12 =	rddreg [dreg:$0x3];
	s2 =	sadd.s32 s30, s22  }
0x1bb: {  	v8 =	vld.idx.msk [tilespmem:v8+s29+$0x0], $0xffff;
	[dreg:$0x1f] =	wrdreg s0;
	s0 =	sadd.s32 @!p1 s12, s8;
	s8 =	spop @!p1 (v2sf)  }
0x1bc: {  	v11 =	vld.idx.msk [tilespmem:v11+s24+$0x0], $0xffff;
	[tilespmem:s29], [sflag:$0x6] =	stream.strided.gather [hbm4b:s2+s23], $0x800, s31, s23, $0x38  }
0x1bd: {  	s15 =	rddreg [dreg:$0x3];
	s8 =	sand.u32 @!p1 $0xFFFFF80, s8  }
0x1be: {  	s7 =	sadd.s32 s15, s7;
	[smem:$0x7E7] =	sst s0;
	s0 =	sadd.s32 @!p1 s30, s8  }
0x1bf: {  	[tilespmem:s24], [sflag:$0x6] =	stream.strided.gather [hbm4b:s7+s23], $0x800, s31, s23, $0x38;
	[tilespmem:$0x8600] =	vst v63  }
0x1c0: {  	s6 =	simm.s32 $0x7;
	s12 =	spop @!p1 (v2sf);
	[dreg:$0x1d] =	wrdreg s0  }
0x1c1: {  	_ =	swait.ge [sflag:s6], $0x800  }
0x1c2: {  	s8 =	sand.u32 @!p1 $0xFFFFF80, s12;
	s7 =	rddreg [dreg:$0x3]  }
0x1c3: {  	s0 =	sadd.s32 @!p1 s7, s8;
	s8 =	spop @!p1 (v2sf)  }
0x1c4: {  	v13 =	vor.u32 s4, v0;
	s4 =	sand.u32 @!p1 $0xFFFFF80, s8  }
0x1c5: {  	[sflag:s6] =	ssyncset.done $0x0;
	[dreg:$0x1e] =	wrdreg s0;
	s0 =	sadd.s32 @!p1 s30, s4  }
0x1c6: {  	[sflag:s6] =	ssyncadd.s32 $0xFFFFF800;
	s8 =	spop @!p1 (v2sf);
	[dreg:$0x19] =	wrdreg s0  }
0x1c7: {  	_ =	swait.ge [sflag:s6], $0x800  }
0x1c8: {  	v8 =	vmul.f32 v11, v8;
	v11 =	vor.u32 s5, v0;
	s5 =	rddreg [dreg:$0x3]  }
0x1c9: {  	s4 =	sand.u32 @!p1 $0xFFFFF80, s8;
	s22 =	sld [smem:$0x7E2]  }
0x1ca: {  	[sflag:s6] =	ssyncset.done $0x0;
	s0 =	sadd.s32 @!p1 s5, s4  }
0x1cb: {  	s7 =	simm.s32 $0x3400;
	[sflag:s6] =	ssyncadd.s32 $0xFFFFF800;
	[dreg:$0x1a] =	wrdreg s0  }
0x1cc: {  	s12 =	simm.s32 $0x7400;
	v13 =	vld.idx.msk [tilespmem:v13+s7+$0x0], $0xffff;
	s4 =	rddreg [dreg:$0x3];
	s0 =	sadd.s32 s30, s22  }
0x1cd: {  	v11 =	vld.idx.msk [tilespmem:v11+s12+$0x0], $0xffff;
	[tilespmem:s7], [sflag:$0x7] =	stream.strided.gather [hbm4b:s0+s23], $0x800, s31, s23, $0x38  }
0x1ce: {  	s5 =	sadd.s32 s4, s1;
	s4 =	simm.s32 $0x8  }
0x1cf: {  	[tilespmem:s12], [sflag:$0x7] =	stream.strided.gather [hbm4b:s5+s23], $0x800, s31, s23, $0x38;
	[tilespmem:$0x8600] =	vst v63  }
0x1d0: {  	v12 =	vmul.f32 v14, v15;
	_ =	swait.ge [sflag:s4], $0x800  }
0x1d1: {  	s15 =	sld [smem:$0x7E3]  }
0x1d2: {  	v14 =	vperm.xlane v12, v2;
	s22 =	sld [smem:$0x7E4]  }
0x1d3: {  	[sflag:s4] =	ssyncset.done $0x0  }
0x1d4: {  	v15 =	vperm.xlane v8, v1;
	v8 =	vsel vm0, v14, v8;
	[sflag:s4] =	ssyncadd.s32 $0xFFFFF800;
	v14 =	vor.u32 s15, v0  }
0x1d5: {  	_ =	swait.ge [sflag:s4], $0x800;
	v16 =	vor.u32 s22, v0  }
0x1d6: {  	s1 =	sld [smem:$0x7E5]  }
0x1d7: {  	[sflag:s4] =	ssyncset.done $0x0  }
0x1d8: {  	s15 =	simm.s32 $0x3C00;
	s22 =	sld [smem:$0x7E6];
	[sflag:s4] =	ssyncadd.s32 $0xFFFFF800  }
0x1d9: {  	s5 =	simm.s32 $0x7C00;
	s8 =	rddreg [dreg:$0x3];
	s0 =	sadd.s32 s30, s1;
	v14 =	vld.idx.msk [tilespmem:v14+s15+$0x0], $0xffff  }
0x1da: {  	v16 =	vld.idx.msk [tilespmem:v16+s5+$0x0], $0xffff;
	[tilespmem:s15], [sflag:$0x8] =	stream.strided.gather [hbm4b:s0+s23], $0x800, s31, s23, $0x38  }
0x1db: {  	s0 =	sadd.s32 s8, s22  }
0x1dc: {  	[tilespmem:s5], [sflag:$0x8] =	stream.strided.gather [hbm4b:s0+s23], $0x800, s31, s23, $0x38;
	[tilespmem:$0x8600] =	vst v63  }
0x1dd: {  	_ =	swait.ge [sflag:s14], $0x800  }
0x1de: {  	s8 =	rddreg [dreg:$0xe]  }
0x1df: {  	v11 =	vmul.f32 v11, v13;
	[sflag:s14] =	ssyncset.done $0x0;
	s1 =	rddreg [dreg:$0x12];
	v13 =	vmul.f32 v16, v14;
	v14 =	vor.u32 s8, v0  }
0x1e0: {  	v17 =	vor.u32 s1, v0;
	[sflag:s14] =	ssyncadd.s32 $0xFFFFF800  }
0x1e1: {  	_ =	swait.ge [sflag:s14], $0x800  }
0x1e2: {  	[sflag:s14] =	ssyncset.done $0x0;
	s0 =	rddreg [dreg:$0xb]  }
0x1e3: {  	s22 =	simm.s32 $0x4400;
	s8 =	rddreg [dreg:$0xa];
	[sflag:s14] =	ssyncadd.s32 $0xFFFFF800  }
0x1e4: {  	v18 =	vperm.xlane v11, v2;
	v16 =	vperm.xlane v13, v1;
	s1 =	sadd.s32 @!p1 s30, s0;
	s0 =	simm.s32 @!p1 $0x400;
	v14 =	vld.idx.msk [tilespmem:v14+s22+$0x0], $0xffff;
	s22 =	simm.s32 @!p1 $0x7A1400  }
0x1e5: {  	v17 =	vld.idx.msk [tilespmem:v17+s23+$0x0], $0xffff;
	[tilespmem:s0], [sflag:$0x1] =	stream.strided.gather @!p1 [hbm4b:s1+s0], $0x800, s22, s0, $0x38  }
0x1e6: {  	v12 =	vsel vm0, v12, v15;
	v13 =	vsel vm0, v18, v13;
	v11 =	vsel vm0, v11, v16;
	s1 =	rddreg [dreg:$0x3]  }
0x1e7: {  	v8 =	vadd.f32 v8, v12;
	v11 =	vadd.f32 v13, v11;
	s1 =	sadd.s32 @!p1 s1, s8;
	s8 =	simm.s32 @!p1 $0x4400  }
0x1e8: {  	[tilespmem:s8], [sflag:$0x1] =	stream.strided.gather @!p1 [hbm4b:s1+s0], $0x800, s22, s0, $0x38;
	[tilespmem:$0x8600] =	vst v63  }
0x1e9: {  	v13 =	vperm.xlane v8, v4;
	v12 =	vperm.xlane v11, v3;
	_ =	swait.ge [sflag:s13], $0x800  }
0x1ea: {  	s23 =	rddreg [dreg:$0xd]  }
0x1eb: {  	v11 =	vsel vm1, v13, v11;
	v8 =	vsel vm1, v8, v12;
	[sflag:s13] =	ssyncset.done $0x0;
	s31 =	rddreg [dreg:$0xc];
	v12 =	vor.u32 s23, v0  }
0x1ec: {  	v8 =	vadd.f32 v11, v8;
	[sflag:s13] =	ssyncadd.s32 $0xFFFFF800;
	v11 =	vor.u32 s31, v0  }
0x1ed: {  	_ =	swait.ge [sflag:s13], $0x800  }
0x1ee: {  	[sflag:s13] =	ssyncset.done $0x0  }
0x1ef: {  	s10 =	simm.s32 $0xC00;
	s20 =	sand.u32 @!p1 $0xFFFFF80, s20;
	[sflag:s13] =	ssyncadd.s32 $0xFFFFF800  }
0x1f0: {  	s2 =	simm.s32 $0x4C00;
	s1 =	sadd.s32 @!p1 s30, s20;
	s8 =	simm.s32 @!p1 $0xC00;
	v12 =	vld.idx.msk [tilespmem:v12+s10+$0x0], $0xffff  }
0x1f1: {  	v11 =	vld.idx.msk [tilespmem:v11+s2+$0x0], $0xffff;
	[tilespmem:s8], [sflag:$0x2] =	stream.strided.gather @!p1 [hbm4b:s1+s0], $0x800, s22, s0, $0x38  }
0x1f2: {  	s1 =	rddreg [dreg:$0x3]  }
0x1f3: {  	s8 =	simm.s32 @!p1 $0x4C00;
	s1 =	sadd.s32 @!p1 s1, s21;
	s21 =	simm.s32 $0x3  }
0x1f4: {  	[tilespmem:s8], [sflag:$0x2] =	stream.strided.gather @!p1 [hbm4b:s1+s0], $0x800, s22, s0, $0x38;
	[tilespmem:$0x8600] =	vst v63  }
0x1f5: {  	s8 =	rddreg [dreg:$0x3];
	_ =	swait.ge [sflag:s21], $0x800  }
0x1f6: {  	s2 =	rddreg [dreg:$0xf]  }
0x1f7: {  	v13 =	vmul.f32 v14, v17;
	[sflag:s21] =	ssyncset.done $0x0;
	s13 =	rddreg [dreg:$0x17];
	v14 =	vor.u32 s2, v0  }
0x1f8: {  	v12 =	vmul.f32 v11, v12;
	[sflag:s21] =	ssyncadd.s32 $0xFFFFF800;
	v11 =	vor.u32 s13, v0  }
0x1f9: {  	_ =	swait.ge [sflag:s21], $0x800  }
0x1fa: {  	[sflag:s21] =	ssyncset.done $0x0  }
0x1fb: {  	s3 =	sand.u32 @!p1 $0xFFFFF80, s3;
	s20 =	simm.s32 $0x1400;
	[sflag:s21] =	ssyncadd.s32 $0xFFFFF800  }
0x1fc: {  	s23 =	simm.s32 $0x5400;
	s1 =	sadd.s32 @!p1 s30, s3;
	s3 =	simm.s32 @!p1 $0x1400;
	v14 =	vld.idx.msk [tilespmem:v14+s20+$0x0], $0xffff  }
0x1fd: {  	v11 =	vld.idx.msk [tilespmem:v11+s23+$0x0], $0xffff;
	[tilespmem:s3], [sflag:$0x3] =	stream.strided.gather @!p1 [hbm4b:s1+s0], $0x800, s22, s0, $0x38  }
0x1fe: {  	s1 =	sadd.s32 @!p1 s8, s18;
	s3 =	simm.s32 @!p1 $0x5400  }
0x1ff: {  	[tilespmem:s3], [sflag:$0x3] =	stream.strided.gather @!p1 [hbm4b:s1+s0], $0x800, s22, s0, $0x38;
	[tilespmem:$0x8600] =	vst v63  }
0x200: {  	s3 =	rddreg [dreg:$0x9];
	_ =	swait.ge [sflag:s11], $0x800  }
0x201: {  	s31 =	rddreg [dreg:$0x1c]  }
0x202: {  	[sflag:s11] =	ssyncset.done $0x0;
	s2 =	rddreg [dreg:$0x1b];
	v15 =	vor.u32 s31, v0  }
0x203: {  	v11 =	vmul.f32 v11, v14;
	[sflag:s11] =	ssyncadd.s32 $0xFFFFF800;
	v14 =	vor.u32 s2, v0  }
0x204: {  	_ =	swait.ge [sflag:s11], $0x800  }
0x205: {  	[sflag:s11] =	ssyncset.done $0x0  }
0x206: {  	[sflag:s11] =	ssyncadd.s32 $0xFFFFF800;
	s11 =	simm.s32 $0x1C00  }
0x207: {  	s16 =	sand.u32 @!p1 $0xFFFFF80, s16;
	s13 =	simm.s32 $0x5C00;
	s1 =	simm.s32 @!p1 $0x1C00;
	v15 =	vld.idx.msk [tilespmem:v15+s11+$0x0], $0xffff  }
0x208: {  	v14 =	vld.idx.msk [tilespmem:v14+s13+$0x0], $0xffff;
	[tilespmem:s1], [sflag:$0x4] =	stream.strided.gather @!p1 [hbm4b:s19+s0], $0x800, s22, s0, $0x38  }
0x209: {  	s2 =	simm.s32 @!p1 $0x5C00;
	s1 =	sadd.s32 @!p1 s8, s16  }
0x20a: {  	[tilespmem:s2], [sflag:$0x4] =	stream.strided.gather @!p1 [hbm4b:s1+s0], $0x800, s22, s0, $0x38;
	[tilespmem:$0x8600] =	vst v63  }
0x20b: {  	_ =	swait.ge [sflag:s9], $0x800  }
0x20c: {  	s16 =	rddreg [dreg:$0x18]  }
0x20d: {  	s26 =	sand.u32 $0x7F, s26;
	[sflag:s9] =	ssyncset.done $0x0;
	v16 =	vor.u32 s16, v0  }
0x20e: {  	v14 =	vmul.f32 v14, v15;
	[sflag:s9] =	ssyncadd.s32 $0xFFFFF800;
	v15 =	vor.u32 s26, v0  }
0x20f: {  	_ =	swait.ge [sflag:s9], $0x800  }
0x210: {  	[sflag:s9] =	ssyncset.done $0x0  }
0x211: {  	[sflag:s9] =	ssyncadd.s32 $0xFFFFF800  }
0x212: {  	s18 =	simm.s32 $0x6400;
	s1 =	simm.s32 @!p1 $0x2400;
	v16 =	vld.idx.msk [tilespmem:v16+s28+$0x0], $0xffff  }
0x213: {  	v15 =	vld.idx.msk [tilespmem:v15+s18+$0x0], $0xffff;
	[tilespmem:s1], [sflag:$0x5] =	stream.strided.gather @!p1 [hbm4b:s17+s0], $0x800, s22, s0, $0x38  }
0x214: {  	s26 =	simm.s32 $0x6;
	s1 =	simm.s32 @!p1 $0x6400  }
0x215: {  	[tilespmem:s1], [sflag:$0x5] =	stream.strided.gather @!p1 [hbm4b:s25+s0], $0x800, s22, s0, $0x38;
	[tilespmem:$0x8600] =	vst v63  }
0x216: {  	v18 =	vperm.xlane v11, v2;
	v17 =	vperm.xlane v14, v1;
	_ =	swait.ge [sflag:s26], $0x800  }
0x217: {  	s19 =	rddreg [dreg:$0x16]  }
0x218: {  	v14 =	vsel vm0, v18, v14;
	v11 =	vsel vm0, v11, v17;
	[sflag:s26] =	ssyncset.done $0x0;
	s20 =	rddreg [dreg:$0x15];
	v17 =	vor.u32 s19, v0  }
0x219: {  	v11 =	vadd.f32 v14, v11;
	v14 =	vmul.f32 v15, v16;
	[sflag:s26] =	ssyncadd.s32 $0xFFFFF800;
	v15 =	vor.u32 s20, v0  }
0x21a: {  	_ =	swait.ge [sflag:s26], $0x800  }
0x21b: {  	[sflag:s26] =	ssyncset.done $0x0  }
0x21c: {  	[sflag:s26] =	ssyncadd.s32 $0xFFFFF800  }
0x21d: {  	s1 =	simm.s32 @!p1 $0x2C00;
	s2 =	rddreg [dreg:$0x1f];
	v16 =	vld.idx.msk [tilespmem:v17+s29+$0x0], $0xffff  }
0x21e: {  	v15 =	vld.idx.msk [tilespmem:v15+s24+$0x0], $0xffff;
	[tilespmem:s1], [sflag:$0x6] =	stream.strided.gather @!p1 [hbm4b:s2+s0], $0x800, s22, s0, $0x38  }
0x21f: {  	s2 =	sld [smem:$0x7E7];
	_ =	sdelay $0x1  }
0x220: {  	s1 =	simm.s32 @!p1 $0x6C00  }
0x221: {  	[tilespmem:s1], [sflag:$0x6] =	stream.strided.gather @!p1 [hbm4b:s2+s0], $0x800, s22, s0, $0x38;
	[tilespmem:$0x8600] =	vst v63  }
0x222: {  	_ =	swait.ge [sflag:s6], $0x800  }
0x223: {  	s23 =	rddreg [dreg:$0x13]  }
0x224: {  	[sflag:s6] =	ssyncset.done $0x0;
	s24 =	rddreg [dreg:$0x14];
	v17 =	vor.u32 s23, v0  }
0x225: {  	[sflag:s6] =	ssyncadd.s32 $0xFFFFF800;
	v18 =	vor.u32 s24, v0  }
0x226: {  	_ =	swait.ge [sflag:s6], $0x800  }
0x227: {  	[sflag:s6] =	ssyncset.done $0x0  }
0x228: {  	[sflag:s6] =	ssyncadd.s32 $0xFFFFF800  }
0x229: {  	s1 =	simm.s32 @!p1 $0x3400;
	s2 =	rddreg [dreg:$0x1d];
	v17 =	vld.idx.msk [tilespmem:v17+s7+$0x0], $0xffff  }
0x22a: {  	v18 =	vld.idx.msk [tilespmem:v18+s12+$0x0], $0xffff;
	[tilespmem:s1], [sflag:$0x7] =	stream.strided.gather @!p1 [hbm4b:s2+s0], $0x800, s22, s0, $0x38  }
0x22b: {  	s1 =	simm.s32 @!p1 $0x7400;
	s2 =	rddreg [dreg:$0x1e]  }
0x22c: {  	[tilespmem:s1], [sflag:$0x7] =	stream.strided.gather @!p1 [hbm4b:s2+s0], $0x800, s22, s0, $0x38;
	[tilespmem:$0x8600] =	vst v63  }
0x22d: {  	v19 =	vperm.xlane v13, v2;
	_ =	swait.ge [sflag:s4], $0x800  }
0x22e: {  	s25 =	rddreg [dreg:$0x11]  }
0x22f: {  	v20 =	vperm.xlane v12, v1;
	v12 =	vsel vm0, v19, v12;
	[sflag:s4] =	ssyncset.done $0x0;
	s29 =	rddreg [dreg:$0x10];
	v19 =	vor.u32 s25, v0  }
0x230: {  	v17 =	vmul.f32 v18, v17;
	[sflag:s4] =	ssyncadd.s32 $0xFFFFF800;
	v18 =	vor.u32 s29, v0  }
0x231: {  	_ =	swait.ge [sflag:s4], $0x800  }
0x232: {  	[sflag:s4] =	ssyncset.done $0x0  }
0x233: {  	[sflag:s4] =	ssyncadd.s32 $0xFFFFF800  }
0x234: {  	s31 =	rddreg [dreg:$0x7];
	v19 =	vld.idx.msk [tilespmem:v19+s15+$0x0], $0xffff  }
0x235: {  	s2 =	rddreg [dreg:$0x19];
	v18 =	vld.idx.msk [tilespmem:v18+s5+$0x0], $0xffff  }
.Ltmp0:
0x236: {  	v15 =	vmul.f32 v15, v16;
	s1 =	simm.s32 @!p1 $0x3C00;
	s5 =	rddreg [dreg:$0x8];
	(pc) =	sbr.rel @p0 .LBB2_2-.Ltmp0, $4  }
0x237: {  	v9 =	vadd.f32 v9, v10;
	v10 =	vperm.xlane v8, v5;
	v13 =	vsel vm0, v13, v20;
	[tilespmem:s1], [sflag:$0x8] =	stream.strided.gather @!p1 [hbm4b:s2+s0], $0x800, s22, s0, $0x38;
	[tilespmem:$0x8600] =	vst v63  }
0x238: {  	v13 =	vadd.f32 v12, v13;
	v12 =	vperm.xlane v11, v3;
	v16 =	vperm.xlane v15, v1;
	s1 =	simm.s32 @!p1 $0x7C00;
	s2 =	rddreg [dreg:$0x1a]  }
0x239: {  	v10 =	vsel vm2, v9, v10;
	[tilespmem:s1], [sflag:$0x8] =	stream.strided.gather @!p1 [hbm4b:s2+s0], $0x800, s22, s0, $0x38;
	[tilespmem:$0x8600] =	vst v63  }
0x23a: {  	s14 =	simm.s32 $0x400;
	v12 =	vsel vm1, v13, v12;
	v16 =	vsel vm0, v14, v16;
	s4 =	sadd.s32 $0x10, s31;
	s1 =	rddreg [dreg:$0x6];
	v18 =	vmul.f32 v18, v19  }
0x23b: {  	v14 =	vperm.xlane v14, v2  }
0x23c: {  	v20 =	vperm.xlane v17, v2;
	v19 =	vperm.xlane v18, v1;
	_ =	sdelay $0x1  }
0x23d: {  	v14 =	vsel vm0, v14, v15;
	v53 =	vsel vm0, v20, v18;
	v52 =	vsel vm0, v17, v19  }
0x23e: {  	v14 =	vadd.f32 v14, v16;
	v15 =	vadd.f32 v53, v52  }
0x23f: {  	v13 =	vperm.xlane v13, v4  }
0x240: {  	v55 =	vperm.xlane v14, v4;
	v54 =	vperm.xlane v15, v3;
	_ =	sdelay $0x1  }
0x241: {  	v11 =	vsel vm1, v13, v11;
	v57 =	vsel vm1, v55, v15;
	v56 =	vsel vm1, v14, v54  }
0x242: {  	v11 =	vadd.f32 v11, v12;
	v58 =	vadd.f32 v57, v56  }
0x243: {  	v9 =	vperm.xlane v9, v6  }
0x244: {  	v59 =	vperm.xlane v11, v6;
	v13 =	vperm.xlane v58, v5;
	_ =	sdelay $0x1  }
0x245: {  	v8 =	vsel vm2, v9, v8;
	v61 =	vsel vm2, v59, v58;
	v60 =	vsel vm2, v11, v13  }
0x246: {  	v8 =	vadd.f32 v8, v10;
	v9 =	vadd.f32 v61, v60;
	_ =	sdelay $0x1  }
0x247: {  	v63 =	vperm.xlane v8, v7;
	v62 =	vperm.xlane v9, v7;
	_ =	sdelay $0x1  }
0x248: {  	v9 =	vsel vm3, v63, v9;
	v8 =	vsel vm3, v8, v62  }
0x249: {  	s0 =	sld [smem:$0x7FC];
	v8 =	vadd.f32 v9, v8;
	_ =	sdelay $0x1  }
0x24a: {  	s7 =	simm.s32 $0x80;
	s1 =	simm.s32 $0x8400;
	s2 =	simm.s32 $0x9;
	[tilespmem:s3+$0x0] =	vst v8  }
0x24b: {  	[hbm4b:s0+s7] =	stream.strided.scatter [tilespmem:s1], [sflag:$0x9], $0x200, s14, s7, $0x38;
	[tilespmem:$0x8600] =	vst v63  }
0x24c: {  	_ =	swait.ge [sflag:s2], $0x200  }
0x24d: {  	s29 =	sld [smem:$0x7E8]  }
0x24e: {  	s31 =	sld [smem:$0x7FD];
	_ =	sdelay $0x1  }
0x24f: {  	s4 =	simm.s32 $0x7A1400;
	s5 =	simm.s32 $0x4400;
	s1 =	sadd.s32 $0x1, s29  }
0x250: {  	s9 =	simm.s32 $0x1C00;
	s11 =	simm.s32 $0x5C00;
	p0 =	sne.s32 s1, s31  }
.Ltmp1:
0x251: {  	s13 =	simm.s32 $0x6400;
	s15 =	simm.s32 $0x6C00;
	(pc) =	sbr.rel @p0 .LBB2_1-.Ltmp1, $4  }
0x252: {  	s16 =	simm.s32 $0x3400;
	s17 =	simm.s32 $0x7400;
	s18 =	simm.s32 $0x3C00  }
0x253: {  	s19 =	simm.s32 $0x7C00;
	s20 =	simm.s32 $0x1;
	s23 =	simm.s32 $0x2  }
0x254: {  	s24 =	simm.s32 $0x4;
	s12 =	simm.s32 $0x5;
	[sflag:s2] =	ssyncset.done $0x0  }
0x255: {  	s3 =	simm.s32 $0x5400;
	s14 =	simm.s32 $0x2C00;
	[sflag:s2] =	ssyncadd.s32 $0xFFFFFE00  }
0x256: {  	_ =	sfence.sel $0x180000  }
0x257: {  	[bflag:$0x0] =	sbarrier.arrive $0xFFFF  }
0x258: {  	_ =	strace $0x90000047  }
0x259: {  	s0 =	stileid.u32;
	[bflag:$0x2] =	sbarrier.arrive $0xFFFF  }
0x25a: {  	p0 =	sne.s32 s0, $0x0;
	s0 =	rddreg [dreg:$0x4]  }
0x25b: {  	s0 =	sadd.s32 @!p0 $0x100000, s0  }
0x25c: {  	[sflag:s0] =	ssyncadd.tile.s32 @!p0 $0x1;
	_ =	shalt  }
.Lfunc_end2:
_tile_overlayer_lowered:
.L_overlay_start_2:
0x25d: {  	(tag) =	ssettag $0x2  }
0x25e: {  	s0 =	rddreg [dreg:$0x0];
	s2 =	stileid.u32  }
0x25f: {  	s1 =	rddreg [dreg:$0x1];
	p0 =	sne.s32 s2, $0x0  }
0x260: {  	s3 =	rddreg [dreg:$0x2];
	[bflag:$0x3] =	sbarrier.arrive $0xFFFF;
	s2 =	simm.s32 @!p0 $0x1C09  }
0x261: {  	[timem:s3], [sflag:s2] =	dma.local @!p0 [hbm:s0], s1  }
0x262: {  	s0 =	simm.s32 @!p0 $0x9  }
0x263: {  	_ =	swait.ge @!p0 [sflag:s0], s1  }
0x264: {  	s1 =	ssub.s32 @!p0 $0x0, s1;
	[sflag:s0] =	ssyncset.done @!p0 $0x0  }
0x265: {  	[sflag:s0] =	ssyncadd.s32 @!p0 s1  }
0x266: {  	[bflag:$0x3] =	sbarrier.arrive $0xFFFF  }
0x267: {  	_ =	shalt  }

</sc_bundles>
